<compile_context>
chip_gen: v7x
topology: tpu7x:2x2x1
jax: 0.10.2.dev20260603
libtpu: 0.0.44.dev20260713+nightly
codegen_flags: <defaults>
</compile_context>

<pallas_src>
import functools

import jax
import jax.numpy as jnp
from jax import lax
from jax.experimental import pallas as pl
from jax.experimental.pallas import tpu as pltpu
from jax.experimental.pallas import tpu_sc as plsc

B0 = 4096
B1 = 200
EMB = 64
VOCAB = 1000000
SCALE = 8.0

TR = B1 // 8
TC = B0 // 128
NTILES = TR * TC

NC = 2
NS = 16
NW = NC * NS
TPW = NTILES // NW
NSLOT = 8
GDEPTH = 4

_mesh = plsc.VectorSubcoreMesh(
    core_axis_name="c", subcore_axis_name="s", num_cores=NC, num_subcores=NS
)



_WBLK = 4096


def _w_relayout_body(wt_ref, out_ref):
    blk = wt_ref[...]
    xp = blk.T
    pairs = xp.reshape(_WBLK // 2, 2, EMB)
    out_ref[...] = jnp.concatenate([pairs[:, 0, :], pairs[:, 1, :]], axis=1)


_w_relayout = pl.pallas_call(
    _w_relayout_body,
    grid=((VOCAB + _WBLK - 1) // _WBLK,),
    in_specs=[pl.BlockSpec((EMB, _WBLK), lambda i: (0, i))],
    out_specs=pl.BlockSpec((_WBLK // 2, 2 * EMB), lambda i: (i, 0)),
    out_shape=jax.ShapeDtypeStruct((VOCAB // 2, 2 * EMB), jnp.float32),
)



@functools.partial(
    pl.kernel,
    out_type=jax.ShapeDtypeStruct((B1 // 2, B0, 2 * EMB), jnp.float32),
    mesh=_mesh,
    scratch_types=(
        [pltpu.VMEM((TPW, 8, 128), jnp.int32)]
        + [pltpu.VMEM((NSLOT, 128, EMB), jnp.float32)]
        + [pltpu.SemaphoreType.DMA] * (2 * NSLOT)
    ),
    compiler_params=pltpu.CompilerParams(use_tc_tiling_on_sc=False),
)
def _gather(idx_hbm, table_hbm, out_hbm, idx_all, rows_v, *sems):
    gsems = sems[:NSLOT]
    osems = sems[NSLOT:]
    wid = lax.axis_index("s") * NC + lax.axis_index("c")
    t0 = wid * TPW

    pltpu.sync_copy(idx_hbm.at[pl.ds(t0, TPW)], idx_all)

    def gather_copy(g, r):
        return pltpu.make_async_copy(
            table_hbm.at[idx_all.at[g, r]], rows_v.at[r], gsems[r]
        )

    def out_copy(g, r):
        t_id = t0 + g
        tc = lax.rem(t_id, TC)
        tr = lax.div(t_id, TC)
        return pltpu.make_async_copy(
            rows_v.at[r],
            out_hbm.at[
                tr * 4 + (r // 2), pl.ds(tc * 128, 128), pl.ds((r % 2) * EMB, EMB)
            ],
            osems[r],
        )

    def scale_slot(r):
        rv = rows_v.at[r]

        def sbody(row2, _):
            for u in range(2):
                row = row2 * 2 + u
                for k in range(EMB // 16):
                    sl = pl.ds(k * 16, 16)
                    rv[row, sl] = rv[row, sl] * SCALE
            return 0

        lax.fori_loop(0, 128 // 2, sbody, 0, unroll=2)

    for r in range(GDEPTH):
        gather_copy(0, r).start()

    def outer(g, _):
        for r in range(NSLOT):
            gather_copy(g, r).wait()
            scale_slot(r)
            out_copy(g, r).start()
            if r < GDEPTH:
                @pl.when(g >= 1)
                def _():
                    out_copy(g - 1, r + GDEPTH).wait()

                gather_copy(g, r + GDEPTH).start()
            else:
                @pl.when(g + 1 < TPW)
                def _():
                    out_copy(g, r - GDEPTH).wait()
                    gather_copy(g + 1, r - GDEPTH).start()

        return 0

    lax.fori_loop(0, TPW, outer, 0)

    for r in range(NSLOT):
        out_copy(TPW - 1, r).wait()



def _out_relayout_body(in_ref, out_ref):
    blk = in_ref[...]
    out_ref[...] = blk.T.reshape(2, EMB, B0)


_out_relayout = pl.pallas_call(
    _out_relayout_body,
    grid=(B1 // 2,),
    in_specs=[pl.BlockSpec((B0, 2 * EMB), lambda j: (j, 0))],
    out_specs=pl.BlockSpec((2, EMB, B0), lambda j: (j, 0, 0)),
    out_shape=jax.ShapeDtypeStruct((B1, EMB, B0), jnp.float32),
)


def kernel(x, W):
    xv = (
        x.T.reshape(TR, 8, TC, 128)
        .transpose(0, 2, 1, 3)
        .reshape(NTILES, 8, 128)
        .astype(jnp.int32)
    )
    table = _w_relayout(W.T).reshape(VOCAB, EMB)
    flat = _gather(xv, table).reshape((B1 // 2) * B0, 2 * EMB)
    out_t = _out_relayout(flat)
    return out_t.transpose(2, 0, 1)

# --- scband reference (transcript-rebuilt; emitter-appended) ---
"""Pipeline reference for scband-embeddings-35218731827776 (READ-ONLY COPY).

The authoritative reference and input builder live on the scoring server;
editing this copy changes nothing except your own understanding.
"""

import jax, jax.numpy as jnp
import numpy as np
import math

VOCAB = 1000000
EMB = 64
PAD = 0

def setup_inputs(seed: int = 0) -> dict:
    key = jax.random.key(seed)
    k1, k2 = jax.random.split(key)
    x = jax.random.randint(k1, (4096, 200), 0, VOCAB, dtype=jnp.int64 if jax.config.read('jax_enable_x64') else jnp.int32)
    W = jax.random.normal(k2, (VOCAB, EMB), dtype=jnp.float32)
    W = W.at[PAD].set(0.0)  # padding_idx row is zero
    return {"x": x, "W": W}

def reference(x, W):
    # Embeddings.forward: lut(x) * sqrt(d_model)
    emb = jnp.take(W, x, axis=0)
    return emb * math.sqrt(EMB)

if __name__ == "__main__":
    import jax
    _d = setup_inputs()
    print(jax.jit(kernel)(*tuple(_d.values())))

</pallas_src>

<mosaic_0001>
#map = affine_map<(d0, d1) -> (0, 0, 0)>
#map1 = affine_map<(d0, d1) -> (0, 0)>
module attributes {stable_mosaic.version = 14 : i64} {
  func.func @_gather(%arg0: i32, %arg1: i32, %arg2: memref<800x8x128xi32, #tpu.memory_space<hbm>>, %arg3: memref<1000000x64xf32, #tpu.memory_space<hbm>>, %arg4: memref<100x4096x128xf32, #tpu.memory_space<hbm>>, %arg5: memref<25x8x128xi32, #tpu.memory_space<vmem>>, %arg6: memref<8x128x64xf32, #tpu.memory_space<vmem>>, %arg7: memref<!tpu.dma_semaphore, #tpu.memory_space<semaphore_mem>>, %arg8: memref<!tpu.dma_semaphore, #tpu.memory_space<semaphore_mem>>, %arg9: memref<!tpu.dma_semaphore, #tpu.memory_space<semaphore_mem>>, %arg10: memref<!tpu.dma_semaphore, #tpu.memory_space<semaphore_mem>>, %arg11: memref<!tpu.dma_semaphore, #tpu.memory_space<semaphore_mem>>, %arg12: memref<!tpu.dma_semaphore, #tpu.memory_space<semaphore_mem>>, %arg13: memref<!tpu.dma_semaphore, #tpu.memory_space<semaphore_mem>>, %arg14: memref<!tpu.dma_semaphore, #tpu.memory_space<semaphore_mem>>, %arg15: memref<!tpu.dma_semaphore, #tpu.memory_space<semaphore_mem>>, %arg16: memref<!tpu.dma_semaphore, #tpu.memory_space<semaphore_mem>>, %arg17: memref<!tpu.dma_semaphore, #tpu.memory_space<semaphore_mem>>, %arg18: memref<!tpu.dma_semaphore, #tpu.memory_space<semaphore_mem>>, %arg19: memref<!tpu.dma_semaphore, #tpu.memory_space<semaphore_mem>>, %arg20: memref<!tpu.dma_semaphore, #tpu.memory_space<semaphore_mem>>, %arg21: memref<!tpu.dma_semaphore, #tpu.memory_space<semaphore_mem>>, %arg22: memref<!tpu.dma_semaphore, #tpu.memory_space<semaphore_mem>>) attributes {dimension_semantics = [#tpu.dimension_semantics<core_parallel>, #tpu.dimension_semantics<subcore_parallel>], iteration_bounds = array<i64: 2, 16>, scalar_prefetch = 0 : i64, scratch_operands = 18 : i64, tpu.core_type = #tpu.core_type<sc_vector_subcore>, window_params = [{transform_indices = #map}, {transform_indices = #map1}, {transform_indices = #map}]} {
    %mul3A = arith.constant 2 : i32
    %mul3A_0 = arith.muli %arg1, %mul3A : i32
    %add3A = arith.addi %mul3A_0, %arg0 : i32
    %mul3A_1 = arith.constant 25 : i32
    %mul3A_2 = arith.muli %add3A, %mul3A_1 : i32
    "tpu.region"() ({
      %run_scoped3A = tpu.sem_alloc : memref<!tpu.dma_semaphore, #tpu.memory_space<semaphore_mem>>
      %dma_start3A_273 = arith.constant 0 : i32
      %dma_start3A_274 = arith.constant 0 : i32
      %dma_start3A_275 = tpu.memref_slice %arg2[%mul3A_2, %dma_start3A_273, %dma_start3A_274] : memref<800x8x128xi32, #tpu.memory_space<hbm>> -> memref<25x8x128xi32, #tpu.memory_space<hbm>>
      %dma_start3A_276 = arith.constant 0 : i32
      %dma_start3A_277 = arith.constant 0 : i32
      %dma_start3A_278 = tpu.memref_slice %arg2[%mul3A_2, %dma_start3A_276, %dma_start3A_277] : memref<800x8x128xi32, #tpu.memory_space<hbm>> -> memref<25x8x128xi32, #tpu.memory_space<hbm>>
      tpu.enqueue_dma source(%dma_start3A_278 : memref<25x8x128xi32, #tpu.memory_space<hbm>>) target(%arg5 : memref<25x8x128xi32, #tpu.memory_space<vmem>>) target_semaphore(%run_scoped3A : memref<!tpu.dma_semaphore, #tpu.memory_space<semaphore_mem>>)
      %dma_wait3A_279 = arith.constant 0 : i32
      %dma_wait3A_280 = arith.constant 0 : i32
      %dma_wait3A_281 = tpu.memref_slice %arg2[%mul3A_2, %dma_wait3A_279, %dma_wait3A_280] : memref<800x8x128xi32, #tpu.memory_space<hbm>> -> memref<25x8x128xi32, #tpu.memory_space<hbm>>
      %dma_wait3A_282 = arith.constant 0 : i32
      %dma_wait3A_283 = arith.constant 0 : i32
      %dma_wait3A_284 = tpu.memref_slice %arg2[%mul3A_2, %dma_wait3A_282, %dma_wait3A_283] : memref<800x8x128xi32, #tpu.memory_space<hbm>> -> memref<25x8x128xi32, #tpu.memory_space<hbm>>
      tpu.wait_dma2 semaphore(%run_scoped3A : memref<!tpu.dma_semaphore, #tpu.memory_space<semaphore_mem>>) src(%dma_wait3A_284 : memref<25x8x128xi32, #tpu.memory_space<hbm>>) dst(%arg5 : memref<25x8x128xi32, #tpu.memory_space<vmem>>)
      tpu.yield
    }) : () -> ()
    %dma_start3A = arith.constant 0 : i32
    %dma_start3A_3 = arith.constant 0 : i32
    %dma_start3A_4 = arith.constant 0 : i32
    %dma_start3A_5 = arith.constant 0 : i32
    %dma_start3A_6 = arith.constant 0 : i32
    %dma_start3A_7 = tpu.memref_slice %arg6[%dma_start3A_4, %dma_start3A_5, %dma_start3A_6] : memref<8x128x64xf32, #tpu.memory_space<vmem>> -> memref<1x128x64xf32, #tpu.memory_space<vmem>>
    %dma_start3A_8 = tpu.memref_squeeze %dma_start3A_7 : memref<1x128x64xf32, #tpu.memory_space<vmem>> -> memref<128x64xf32, #tpu.memory_space<vmem>>
    %dma_start3A_9 = arith.constant 0 : i32
    %dma_start3A_10 = tpu.memref_slice %arg5[%dma_start3A, %dma_start3A_3, %dma_start3A_9] : memref<25x8x128xi32, #tpu.memory_space<vmem>> -> memref<1x1x128xi32, #tpu.memory_space<vmem>>
    %dma_start3A_11 = tpu.memref_squeeze %dma_start3A_10 : memref<1x1x128xi32, #tpu.memory_space<vmem>> -> memref<128xi32, #tpu.memory_space<vmem>>
    %dma_start3A_12 = arith.constant 0 : i32
    %dma_start3A_13 = arith.constant 0 : i32
    %dma_start3A_14 = tpu.memref_slice %arg3[%dma_start3A_12, %dma_start3A_13] : memref<1000000x64xf32, #tpu.memory_space<hbm>> -> memref<1000000x64xf32, #tpu.memory_space<hbm>>
    tpu.enqueue_indirect_dma source(%dma_start3A_14 : memref<1000000x64xf32, #tpu.memory_space<hbm>>) target(%dma_start3A_8 : memref<128x64xf32, #tpu.memory_space<vmem>>) offsets(%dma_start3A_11 : memref<128xi32, #tpu.memory_space<vmem>>) semaphore(%arg7 : memref<!tpu.dma_semaphore, #tpu.memory_space<semaphore_mem>>)
    %dma_start3A_15 = arith.constant 0 : i32
    %dma_start3A_16 = arith.constant 1 : i32
    %dma_start3A_17 = arith.constant 1 : i32
    %dma_start3A_18 = arith.constant 0 : i32
    %dma_start3A_19 = arith.constant 0 : i32
    %dma_start3A_20 = tpu.memref_slice %arg6[%dma_start3A_17, %dma_start3A_18, %dma_start3A_19] : memref<8x128x64xf32, #tpu.memory_space<vmem>> -> memref<1x128x64xf32, #tpu.memory_space<vmem>>
    %dma_start3A_21 = tpu.memref_squeeze %dma_start3A_20 : memref<1x128x64xf32, #tpu.memory_space<vmem>> -> memref<128x64xf32, #tpu.memory_space<vmem>>
    %dma_start3A_22 = arith.constant 0 : i32
    %dma_start3A_23 = tpu.memref_slice %arg5[%dma_start3A_15, %dma_start3A_16, %dma_start3A_22] : memref<25x8x128xi32, #tpu.memory_space<vmem>> -> memref<1x1x128xi32, #tpu.memory_space<vmem>>
    %dma_start3A_24 = tpu.memref_squeeze %dma_start3A_23 : memref<1x1x128xi32, #tpu.memory_space<vmem>> -> memref<128xi32, #tpu.memory_space<vmem>>
    %dma_start3A_25 = arith.constant 0 : i32
    %dma_start3A_26 = arith.constant 0 : i32
    %dma_start3A_27 = tpu.memref_slice %arg3[%dma_start3A_25, %dma_start3A_26] : memref<1000000x64xf32, #tpu.memory_space<hbm>> -> memref<1000000x64xf32, #tpu.memory_space<hbm>>
    tpu.enqueue_indirect_dma source(%dma_start3A_27 : memref<1000000x64xf32, #tpu.memory_space<hbm>>) target(%dma_start3A_21 : memref<128x64xf32, #tpu.memory_space<vmem>>) offsets(%dma_start3A_24 : memref<128xi32, #tpu.memory_space<vmem>>) semaphore(%arg8 : memref<!tpu.dma_semaphore, #tpu.memory_space<semaphore_mem>>)
    %dma_start3A_28 = arith.constant 0 : i32
    %dma_start3A_29 = arith.constant 2 : i32
    %dma_start3A_30 = arith.constant 2 : i32
    %dma_start3A_31 = arith.constant 0 : i32
    %dma_start3A_32 = arith.constant 0 : i32
    %dma_start3A_33 = tpu.memref_slice %arg6[%dma_start3A_30, %dma_start3A_31, %dma_start3A_32] : memref<8x128x64xf32, #tpu.memory_space<vmem>> -> memref<1x128x64xf32, #tpu.memory_space<vmem>>
    %dma_start3A_34 = tpu.memref_squeeze %dma_start3A_33 : memref<1x128x64xf32, #tpu.memory_space<vmem>> -> memref<128x64xf32, #tpu.memory_space<vmem>>
    %dma_start3A_35 = arith.constant 0 : i32
    %dma_start3A_36 = tpu.memref_slice %arg5[%dma_start3A_28, %dma_start3A_29, %dma_start3A_35] : memref<25x8x128xi32, #tpu.memory_space<vmem>> -> memref<1x1x128xi32, #tpu.memory_space<vmem>>
    %dma_start3A_37 = tpu.memref_squeeze %dma_start3A_36 : memref<1x1x128xi32, #tpu.memory_space<vmem>> -> memref<128xi32, #tpu.memory_space<vmem>>
    %dma_start3A_38 = arith.constant 0 : i32
    %dma_start3A_39 = arith.constant 0 : i32
    %dma_start3A_40 = tpu.memref_slice %arg3[%dma_start3A_38, %dma_start3A_39] : memref<1000000x64xf32, #tpu.memory_space<hbm>> -> memref<1000000x64xf32, #tpu.memory_space<hbm>>
    tpu.enqueue_indirect_dma source(%dma_start3A_40 : memref<1000000x64xf32, #tpu.memory_space<hbm>>) target(%dma_start3A_34 : memref<128x64xf32, #tpu.memory_space<vmem>>) offsets(%dma_start3A_37 : memref<128xi32, #tpu.memory_space<vmem>>) semaphore(%arg9 : memref<!tpu.dma_semaphore, #tpu.memory_space<semaphore_mem>>)
    %dma_start3A_41 = arith.constant 0 : i32
    %dma_start3A_42 = arith.constant 3 : i32
    %dma_start3A_43 = arith.constant 3 : i32
    %dma_start3A_44 = arith.constant 0 : i32
    %dma_start3A_45 = arith.constant 0 : i32
    %dma_start3A_46 = tpu.memref_slice %arg6[%dma_start3A_43, %dma_start3A_44, %dma_start3A_45] : memref<8x128x64xf32, #tpu.memory_space<vmem>> -> memref<1x128x64xf32, #tpu.memory_space<vmem>>
    %dma_start3A_47 = tpu.memref_squeeze %dma_start3A_46 : memref<1x128x64xf32, #tpu.memory_space<vmem>> -> memref<128x64xf32, #tpu.memory_space<vmem>>
    %dma_start3A_48 = arith.constant 0 : i32
    %dma_start3A_49 = tpu.memref_slice %arg5[%dma_start3A_41, %dma_start3A_42, %dma_start3A_48] : memref<25x8x128xi32, #tpu.memory_space<vmem>> -> memref<1x1x128xi32, #tpu.memory_space<vmem>>
    %dma_start3A_50 = tpu.memref_squeeze %dma_start3A_49 : memref<1x1x128xi32, #tpu.memory_space<vmem>> -> memref<128xi32, #tpu.memory_space<vmem>>
    %dma_start3A_51 = arith.constant 0 : i32
    %dma_start3A_52 = arith.constant 0 : i32
    %dma_start3A_53 = tpu.memref_slice %arg3[%dma_start3A_51, %dma_start3A_52] : memref<1000000x64xf32, #tpu.memory_space<hbm>> -> memref<1000000x64xf32, #tpu.memory_space<hbm>>
    tpu.enqueue_indirect_dma source(%dma_start3A_53 : memref<1000000x64xf32, #tpu.memory_space<hbm>>) target(%dma_start3A_47 : memref<128x64xf32, #tpu.memory_space<vmem>>) offsets(%dma_start3A_50 : memref<128xi32, #tpu.memory_space<vmem>>) semaphore(%arg10 : memref<!tpu.dma_semaphore, #tpu.memory_space<semaphore_mem>>)
    %scan3A = arith.constant 0 : i32
    %scan3A_54 = arith.constant 0 : i32
    %scan3A_55 = arith.constant 25 : i32
    %scan3A_56 = arith.addi %scan3A_54, %scan3A_55 : i32
    %scan3A_57 = arith.constant 1 : i32
    %scan3A_58 = scf.for %scan3A_273 = %scan3A_54 to %scan3A_56 step %scan3A_57 iter_args(%scan3A_274 = %scan3A) -> (i32)  : i32 {
      %dma_wait3A_275 = arith.constant 0 : i32
      %dma_wait3A_276 = arith.constant 0 : i32
      %dma_wait3A_277 = arith.constant 0 : i32
      %dma_wait3A_278 = arith.constant 0 : i32
      %dma_wait3A_279 = tpu.memref_slice %arg6[%dma_wait3A_276, %dma_wait3A_277, %dma_wait3A_278] : memref<8x128x64xf32, #tpu.memory_space<vmem>> -> memref<1x128x64xf32, #tpu.memory_space<vmem>>
      %dma_wait3A_280 = tpu.memref_squeeze %dma_wait3A_279 : memref<1x128x64xf32, #tpu.memory_space<vmem>> -> memref<128x64xf32, #tpu.memory_space<vmem>>
      %dma_wait3A_281 = arith.constant 0 : i32
      %dma_wait3A_282 = tpu.memref_slice %arg5[%scan3A_273, %dma_wait3A_275, %dma_wait3A_281] : memref<25x8x128xi32, #tpu.memory_space<vmem>> -> memref<1x1x128xi32, #tpu.memory_space<vmem>>
      %dma_wait3A_283 = tpu.memref_squeeze %dma_wait3A_282 : memref<1x1x128xi32, #tpu.memory_space<vmem>> -> memref<128xi32, #tpu.memory_space<vmem>>
      %dma_wait3A_284 = arith.constant 0 : i32
      %dma_wait3A_285 = arith.constant 0 : i32
      %dma_wait3A_286 = tpu.memref_slice %arg3[%dma_wait3A_284, %dma_wait3A_285] : memref<1000000x64xf32, #tpu.memory_space<hbm>> -> memref<1000000x64xf32, #tpu.memory_space<hbm>>
      tpu.wait_indirect_dma semaphore(%arg7 : memref<!tpu.dma_semaphore, #tpu.memory_space<semaphore_mem>>) src(%dma_wait3A_286 : memref<1000000x64xf32, #tpu.memory_space<hbm>>) dst(%dma_wait3A_280 : memref<128x64xf32, #tpu.memory_space<vmem>>)
      %scan3A_287 = arith.constant 0 : i32
      %scan3A_288 = arith.constant 0 : i32
      %scan3A_289 = arith.constant 0 : i32
      %scan3A_290 = arith.constant 64 : i32
      %scan3A_291 = arith.addi %scan3A_289, %scan3A_290 : i32
      %scan3A_292 = arith.constant 2 : i32
      %scan3A_293 = scf.for %scan3A_736 = %scan3A_289 to %scan3A_291 step %scan3A_292 iter_args(%scan3A_737 = %scan3A_288) -> (i32)  : i32 {
        %mul3A_738 = arith.constant 2 : i32
        %mul3A_739 = arith.muli %scan3A_736, %mul3A_738 : i32
        %add3A_740 = arith.constant 0 : i32
        %add3A_741 = arith.addi %mul3A_739, %add3A_740 : i32
        %get3A = arith.constant 0 : i32
        %get3A_742 = arith.constant 0 : i32
        %get3A_743 = tpu.memref_slice %arg6[%scan3A_287, %get3A, %get3A_742] : memref<8x128x64xf32, #tpu.memory_space<vmem>> -> memref<1x128x64xf32, #tpu.memory_space<vmem>>
        %get3A_744 = tpu.memref_squeeze %get3A_743 : memref<1x128x64xf32, #tpu.memory_space<vmem>> -> memref<128x64xf32, #tpu.memory_space<vmem>>
        %get3A_745 = arith.index_cast %add3A_741 : i32 to index
        %get3A_746 = arith.constant 0 : index
        %get3A_747 = tpu.vector_load %get3A_744[%get3A_745, %get3A_746] {strides = array<i32>} : memref<128x64xf32, #tpu.memory_space<vmem>>, vector<1x16xf32>,
        %get3A_748 = vector.shape_cast %get3A_747 : vector<1x16xf32> to vector<16xf32>
        %mul3A_749 = arith.constant 8.000000e+00 : f32
        %mul3A_750 = vector.broadcast %mul3A_749 : f32 to vector<16xf32>
        %mul3A_751 = arith.mulf %get3A_748, %mul3A_750 : vector<16xf32>
        %swap3A = arith.constant 0 : i32
        %swap3A_752 = arith.constant 0 : i32
        %swap3A_753 = tpu.memref_slice %arg6[%scan3A_287, %swap3A, %swap3A_752] : memref<8x128x64xf32, #tpu.memory_space<vmem>> -> memref<1x128x64xf32, #tpu.memory_space<vmem>>
        %swap3A_754 = tpu.memref_squeeze %swap3A_753 : memref<1x128x64xf32, #tpu.memory_space<vmem>> -> memref<128x64xf32, #tpu.memory_space<vmem>>
        %swap3A_755 = arith.index_cast %add3A_741 : i32 to index
        %swap3A_756 = arith.constant 0 : index
        %swap3A_757 = tpu.vector_load %swap3A_754[%swap3A_755, %swap3A_756] {strides = array<i32>} : memref<128x64xf32, #tpu.memory_space<vmem>>, vector<1x16xf32>,
        %swap3A_758 = vector.shape_cast %swap3A_757 : vector<1x16xf32> to vector<16xf32>
        %swap3A_759 = vector.shape_cast %mul3A_751 : vector<16xf32> to vector<1x16xf32>
        tpu.vector_store %swap3A_754[%swap3A_755, %swap3A_756], %swap3A_759 {strides = array<i32>} : memref<128x64xf32, #tpu.memory_space<vmem>>, vector<1x16xf32>,
        %get3A_760 = arith.constant 0 : i32
        %get3A_761 = arith.constant 0 : i32
        %get3A_762 = tpu.memref_slice %arg6[%scan3A_287, %get3A_760, %get3A_761] : memref<8x128x64xf32, #tpu.memory_space<vmem>> -> memref<1x128x64xf32, #tpu.memory_space<vmem>>
        %get3A_763 = tpu.memref_squeeze %get3A_762 : memref<1x128x64xf32, #tpu.memory_space<vmem>> -> memref<128x64xf32, #tpu.memory_space<vmem>>
        %get3A_764 = arith.index_cast %add3A_741 : i32 to index
        %get3A_765 = arith.constant 16 : index
        %get3A_766 = tpu.vector_load %get3A_763[%get3A_764, %get3A_765] {strides = array<i32>} : memref<128x64xf32, #tpu.memory_space<vmem>>, vector<1x16xf32>,
        %get3A_767 = vector.shape_cast %get3A_766 : vector<1x16xf32> to vector<16xf32>
        %mul3A_768 = arith.constant 8.000000e+00 : f32
        %mul3A_769 = vector.broadcast %mul3A_768 : f32 to vector<16xf32>
        %mul3A_770 = arith.mulf %get3A_767, %mul3A_769 : vector<16xf32>
        %swap3A_771 = arith.constant 0 : i32
        %swap3A_772 = arith.constant 0 : i32
        %swap3A_773 = tpu.memref_slice %arg6[%scan3A_287, %swap3A_771, %swap3A_772] : memref<8x128x64xf32, #tpu.memory_space<vmem>> -> memref<1x128x64xf32, #tpu.memory_space<vmem>>
        %swap3A_774 = tpu.memref_squeeze %swap3A_773 : memref<1x128x64xf32, #tpu.memory_space<vmem>> -> memref<128x64xf32, #tpu.memory_space<vmem>>
        %swap3A_775 = arith.index_cast %add3A_741 : i32 to index
        %swap3A_776 = arith.constant 16 : index
        %swap3A_777 = tpu.vector_load %swap3A_774[%swap3A_775, %swap3A_776] {strides = array<i32>} : memref<128x64xf32, #tpu.memory_space<vmem>>, vector<1x16xf32>,
        %swap3A_778 = vector.shape_cast %swap3A_777 : vector<1x16xf32> to vector<16xf32>
        %swap3A_779 = vector.shape_cast %mul3A_770 : vector<16xf32> to vector<1x16xf32>
        tpu.vector_store %swap3A_774[%swap3A_775, %swap3A_776], %swap3A_779 {strides = array<i32>} : memref<128x64xf32, #tpu.memory_space<vmem>>, vector<1x16xf32>,
        %get3A_780 = arith.constant 0 : i32
        %get3A_781 = arith.constant 0 : i32
        %get3A_782 = tpu.memref_slice %arg6[%scan3A_287, %get3A_780, %get3A_781] : memref<8x128x64xf32, #tpu.memory_space<vmem>> -> memref<1x128x64xf32, #tpu.memory_space<vmem>>
        %get3A_783 = tpu.memref_squeeze %get3A_782 : memref<1x128x64xf32, #tpu.memory_space<vmem>> -> memref<128x64xf32, #tpu.memory_space<vmem>>
        %get3A_784 = arith.index_cast %add3A_741 : i32 to index
        %get3A_785 = arith.constant 32 : index
        %get3A_786 = tpu.vector_load %get3A_783[%get3A_784, %get3A_785] {strides = array<i32>} : memref<128x64xf32, #tpu.memory_space<vmem>>, vector<1x16xf32>,
        %get3A_787 = vector.shape_cast %get3A_786 : vector<1x16xf32> to vector<16xf32>
        %mul3A_788 = arith.constant 8.000000e+00 : f32
        %mul3A_789 = vector.broadcast %mul3A_788 : f32 to vector<16xf32>
        %mul3A_790 = arith.mulf %get3A_787, %mul3A_789 : vector<16xf32>
        %swap3A_791 = arith.constant 0 : i32
        %swap3A_792 = arith.constant 0 : i32
        %swap3A_793 = tpu.memref_slice %arg6[%scan3A_287, %swap3A_791, %swap3A_792] : memref<8x128x64xf32, #tpu.memory_space<vmem>> -> memref<1x128x64xf32, #tpu.memory_space<vmem>>
        %swap3A_794 = tpu.memref_squeeze %swap3A_793 : memref<1x128x64xf32, #tpu.memory_space<vmem>> -> memref<128x64xf32, #tpu.memory_space<vmem>>
        %swap3A_795 = arith.index_cast %add3A_741 : i32 to index
        %swap3A_796 = arith.constant 32 : index
        %swap3A_797 = tpu.vector_load %swap3A_794[%swap3A_795, %swap3A_796] {strides = array<i32>} : memref<128x64xf32, #tpu.memory_space<vmem>>, vector<1x16xf32>,
        %swap3A_798 = vector.shape_cast %swap3A_797 : vector<1x16xf32> to vector<16xf32>
        %swap3A_799 = vector.shape_cast %mul3A_790 : vector<16xf32> to vector<1x16xf32>
        tpu.vector_store %swap3A_794[%swap3A_795, %swap3A_796], %swap3A_799 {strides = array<i32>} : memref<128x64xf32, #tpu.memory_space<vmem>>, vector<1x16xf32>,
        %get3A_800 = arith.constant 0 : i32
        %get3A_801 = arith.constant 0 : i32
        %get3A_802 = tpu.memref_slice %arg6[%scan3A_287, %get3A_800, %get3A_801] : memref<8x128x64xf32, #tpu.memory_space<vmem>> -> memref<1x128x64xf32, #tpu.memory_space<vmem>>
        %get3A_803 = tpu.memref_squeeze %get3A_802 : memref<1x128x64xf32, #tpu.memory_space<vmem>> -> memref<128x64xf32, #tpu.memory_space<vmem>>
        %get3A_804 = arith.index_cast %add3A_741 : i32 to index
        %get3A_805 = arith.constant 48 : index
        %get3A_806 = tpu.vector_load %get3A_803[%get3A_804, %get3A_805] {strides = array<i32>} : memref<128x64xf32, #tpu.memory_space<vmem>>, vector<1x16xf32>,
        %get3A_807 = vector.shape_cast %get3A_806 : vector<1x16xf32> to vector<16xf32>
        %mul3A_808 = arith.constant 8.000000e+00 : f32
        %mul3A_809 = vector.broadcast %mul3A_808 : f32 to vector<16xf32>
        %mul3A_810 = arith.mulf %get3A_807, %mul3A_809 : vector<16xf32>
        %swap3A_811 = arith.constant 0 : i32
        %swap3A_812 = arith.constant 0 : i32
        %swap3A_813 = tpu.memref_slice %arg6[%scan3A_287, %swap3A_811, %swap3A_812] : memref<8x128x64xf32, #tpu.memory_space<vmem>> -> memref<1x128x64xf32, #tpu.memory_space<vmem>>
        %swap3A_814 = tpu.memref_squeeze %swap3A_813 : memref<1x128x64xf32, #tpu.memory_space<vmem>> -> memref<128x64xf32, #tpu.memory_space<vmem>>
        %swap3A_815 = arith.index_cast %add3A_741 : i32 to index
        %swap3A_816 = arith.constant 48 : index
        %swap3A_817 = tpu.vector_load %swap3A_814[%swap3A_815, %swap3A_816] {strides = array<i32>} : memref<128x64xf32, #tpu.memory_space<vmem>>, vector<1x16xf32>,
        %swap3A_818 = vector.shape_cast %swap3A_817 : vector<1x16xf32> to vector<16xf32>
        %swap3A_819 = vector.shape_cast %mul3A_810 : vector<16xf32> to vector<1x16xf32>
        tpu.vector_store %swap3A_814[%swap3A_815, %swap3A_816], %swap3A_819 {strides = array<i32>} : memref<128x64xf32, #tpu.memory_space<vmem>>, vector<1x16xf32>,
        %mul3A_820 = arith.constant 2 : i32
        %mul3A_821 = arith.muli %scan3A_736, %mul3A_820 : i32
        %add3A_822 = arith.constant 1 : i32
        %add3A_823 = arith.addi %mul3A_821, %add3A_822 : i32
        %get3A_824 = arith.constant 0 : i32
        %get3A_825 = arith.constant 0 : i32
        %get3A_826 = tpu.memref_slice %arg6[%scan3A_287, %get3A_824, %get3A_825] : memref<8x128x64xf32, #tpu.memory_space<vmem>> -> memref<1x128x64xf32, #tpu.memory_space<vmem>>
        %get3A_827 = tpu.memref_squeeze %get3A_826 : memref<1x128x64xf32, #tpu.memory_space<vmem>> -> memref<128x64xf32, #tpu.memory_space<vmem>>
        %get3A_828 = arith.index_cast %add3A_823 : i32 to index
        %get3A_829 = arith.constant 0 : index
        %get3A_830 = tpu.vector_load %get3A_827[%get3A_828, %get3A_829] {strides = array<i32>} : memref<128x64xf32, #tpu.memory_space<vmem>>, vector<1x16xf32>,
        %get3A_831 = vector.shape_cast %get3A_830 : vector<1x16xf32> to vector<16xf32>
        %mul3A_832 = arith.constant 8.000000e+00 : f32
        %mul3A_833 = vector.broadcast %mul3A_832 : f32 to vector<16xf32>
        %mul3A_834 = arith.mulf %get3A_831, %mul3A_833 : vector<16xf32>
        %swap3A_835 = arith.constant 0 : i32
        %swap3A_836 = arith.constant 0 : i32
        %swap3A_837 = tpu.memref_slice %arg6[%scan3A_287, %swap3A_835, %swap3A_836] : memref<8x128x64xf32, #tpu.memory_space<vmem>> -> memref<1x128x64xf32, #tpu.memory_space<vmem>>
        %swap3A_838 = tpu.memref_squeeze %swap3A_837 : memref<1x128x64xf32, #tpu.memory_space<vmem>> -> memref<128x64xf32, #tpu.memory_space<vmem>>
        %swap3A_839 = arith.index_cast %add3A_823 : i32 to index
        %swap3A_840 = arith.constant 0 : index
        %swap3A_841 = tpu.vector_load %swap3A_838[%swap3A_839, %swap3A_840] {strides = array<i32>} : memref<128x64xf32, #tpu.memory_space<vmem>>, vector<1x16xf32>,
        %swap3A_842 = vector.shape_cast %swap3A_841 : vector<1x16xf32> to vector<16xf32>
        %swap3A_843 = vector.shape_cast %mul3A_834 : vector<16xf32> to vector<1x16xf32>
        tpu.vector_store %swap3A_838[%swap3A_839, %swap3A_840], %swap3A_843 {strides = array<i32>} : memref<128x64xf32, #tpu.memory_space<vmem>>, vector<1x16xf32>,
        %get3A_844 = arith.constant 0 : i32
        %get3A_845 = arith.constant 0 : i32
        %get3A_846 = tpu.memref_slice %arg6[%scan3A_287, %get3A_844, %get3A_845] : memref<8x128x64xf32, #tpu.memory_space<vmem>> -> memref<1x128x64xf32, #tpu.memory_space<vmem>>
        %get3A_847 = tpu.memref_squeeze %get3A_846 : memref<1x128x64xf32, #tpu.memory_space<vmem>> -> memref<128x64xf32, #tpu.memory_space<vmem>>
        %get3A_848 = arith.index_cast %add3A_823 : i32 to index
        %get3A_849 = arith.constant 16 : index
        %get3A_850 = tpu.vector_load %get3A_847[%get3A_848, %get3A_849] {strides = array<i32>} : memref<128x64xf32, #tpu.memory_space<vmem>>, vector<1x16xf32>,
        %get3A_851 = vector.shape_cast %get3A_850 : vector<1x16xf32> to vector<16xf32>
        %mul3A_852 = arith.constant 8.000000e+00 : f32
        %mul3A_853 = vector.broadcast %mul3A_852 : f32 to vector<16xf32>
        %mul3A_854 = arith.mulf %get3A_851, %mul3A_853 : vector<16xf32>
        %swap3A_855 = arith.constant 0 : i32
        %swap3A_856 = arith.constant 0 : i32
        %swap3A_857 = tpu.memref_slice %arg6[%scan3A_287, %swap3A_855, %swap3A_856] : memref<8x128x64xf32, #tpu.memory_space<vmem>> -> memref<1x128x64xf32, #tpu.memory_space<vmem>>
        %swap3A_858 = tpu.memref_squeeze %swap3A_857 : memref<1x128x64xf32, #tpu.memory_space<vmem>> -> memref<128x64xf32, #tpu.memory_space<vmem>>
        %swap3A_859 = arith.index_cast %add3A_823 : i32 to index
        %swap3A_860 = arith.constant 16 : index
        %swap3A_861 = tpu.vector_load %swap3A_858[%swap3A_859, %swap3A_860] {strides = array<i32>} : memref<128x64xf32, #tpu.memory_space<vmem>>, vector<1x16xf32>,
        %swap3A_862 = vector.shape_cast %swap3A_861 : vector<1x16xf32> to vector<16xf32>
        %swap3A_863 = vector.shape_cast %mul3A_854 : vector<16xf32> to vector<1x16xf32>
        tpu.vector_store %swap3A_858[%swap3A_859, %swap3A_860], %swap3A_863 {strides = array<i32>} : memref<128x64xf32, #tpu.memory_space<vmem>>, vector<1x16xf32>,
        %get3A_864 = arith.constant 0 : i32
        %get3A_865 = arith.constant 0 : i32
        %get3A_866 = tpu.memref_slice %arg6[%scan3A_287, %get3A_864, %get3A_865] : memref<8x128x64xf32, #tpu.memory_space<vmem>> -> memref<1x128x64xf32, #tpu.memory_space<vmem>>
        %get3A_867 = tpu.memref_squeeze %get3A_866 : memref<1x128x64xf32, #tpu.memory_space<vmem>> -> memref<128x64xf32, #tpu.memory_space<vmem>>
        %get3A_868 = arith.index_cast %add3A_823 : i32 to index
        %get3A_869 = arith.constant 32 : index
        %get3A_870 = tpu.vector_load %get3A_867[%get3A_868, %get3A_869] {strides = array<i32>} : memref<128x64xf32, #tpu.memory_space<vmem>>, vector<1x16xf32>,
        %get3A_871 = vector.shape_cast %get3A_870 : vector<1x16xf32> to vector<16xf32>
        %mul3A_872 = arith.constant 8.000000e+00 : f32
        %mul3A_873 = vector.broadcast %mul3A_872 : f32 to vector<16xf32>
        %mul3A_874 = arith.mulf %get3A_871, %mul3A_873 : vector<16xf32>
        %swap3A_875 = arith.constant 0 : i32
        %swap3A_876 = arith.constant 0 : i32
        %swap3A_877 = tpu.memref_slice %arg6[%scan3A_287, %swap3A_875, %swap3A_876] : memref<8x128x64xf32, #tpu.memory_space<vmem>> -> memref<1x128x64xf32, #tpu.memory_space<vmem>>
        %swap3A_878 = tpu.memref_squeeze %swap3A_877 : memref<1x128x64xf32, #tpu.memory_space<vmem>> -> memref<128x64xf32, #tpu.memory_space<vmem>>
        %swap3A_879 = arith.index_cast %add3A_823 : i32 to index
        %swap3A_880 = arith.constant 32 : index
        %swap3A_881 = tpu.vector_load %swap3A_878[%swap3A_879, %swap3A_880] {strides = array<i32>} : memref<128x64xf32, #tpu.memory_space<vmem>>, vector<1x16xf32>,
        %swap3A_882 = vector.shape_cast %swap3A_881 : vector<1x16xf32> to vector<16xf32>
        %swap3A_883 = vector.shape_cast %mul3A_874 : vector<16xf32> to vector<1x16xf32>
        tpu.vector_store %swap3A_878[%swap3A_879, %swap3A_880], %swap3A_883 {strides = array<i32>} : memref<128x64xf32, #tpu.memory_space<vmem>>, vector<1x16xf32>,
        %get3A_884 = arith.constant 0 : i32
        %get3A_885 = arith.constant 0 : i32
        %get3A_886 = tpu.memref_slice %arg6[%scan3A_287, %get3A_884, %get3A_885] : memref<8x128x64xf32, #tpu.memory_space<vmem>> -> memref<1x128x64xf32, #tpu.memory_space<vmem>>
        %get3A_887 = tpu.memref_squeeze %get3A_886 : memref<1x128x64xf32, #tpu.memory_space<vmem>> -> memref<128x64xf32, #tpu.memory_space<vmem>>
        %get3A_888 = arith.index_cast %add3A_823 : i32 to index
        %get3A_889 = arith.constant 48 : index
        %get3A_890 = tpu.vector_load %get3A_887[%get3A_888, %get3A_889] {strides = array<i32>} : memref<128x64xf32, #tpu.memory_space<vmem>>, vector<1x16xf32>,
        %get3A_891 = vector.shape_cast %get3A_890 : vector<1x16xf32> to vector<16xf32>
        %mul3A_892 = arith.constant 8.000000e+00 : f32
        %mul3A_893 = vector.broadcast %mul3A_892 : f32 to vector<16xf32>
        %mul3A_894 = arith.mulf %get3A_891, %mul3A_893 : vector<16xf32>
        %swap3A_895 = arith.constant 0 : i32
        %swap3A_896 = arith.constant 0 : i32
        %swap3A_897 = tpu.memref_slice %arg6[%scan3A_287, %swap3A_895, %swap3A_896] : memref<8x128x64xf32, #tpu.memory_space<vmem>> -> memref<1x128x64xf32, #tpu.memory_space<vmem>>
        %swap3A_898 = tpu.memref_squeeze %swap3A_897 : memref<1x128x64xf32, #tpu.memory_space<vmem>> -> memref<128x64xf32, #tpu.memory_space<vmem>>
        %swap3A_899 = arith.index_cast %add3A_823 : i32 to index
        %swap3A_900 = arith.constant 48 : index
        %swap3A_901 = tpu.vector_load %swap3A_898[%swap3A_899, %swap3A_900] {strides = array<i32>} : memref<128x64xf32, #tpu.memory_space<vmem>>, vector<1x16xf32>,
        %swap3A_902 = vector.shape_cast %swap3A_901 : vector<1x16xf32> to vector<16xf32>
        %swap3A_903 = vector.shape_cast %mul3A_894 : vector<16xf32> to vector<1x16xf32>
        tpu.vector_store %swap3A_898[%swap3A_899, %swap3A_900], %swap3A_903 {strides = array<i32>} : memref<128x64xf32, #tpu.memory_space<vmem>>, vector<1x16xf32>,
        %scan3A_904 = arith.constant 0 : i32
        %scan3A_905 = arith.constant 1 : i32
        %scan3A_906 = arith.addi %scan3A_736, %scan3A_905 : i32
        %mul3A_907 = arith.constant 2 : i32
        %mul3A_908 = arith.muli %scan3A_906, %mul3A_907 : i32
        %add3A_909 = arith.constant 0 : i32
        %add3A_910 = arith.addi %mul3A_908, %add3A_909 : i32
        %get3A_911 = arith.constant 0 : i32
        %get3A_912 = arith.constant 0 : i32
        %get3A_913 = tpu.memref_slice %arg6[%scan3A_287, %get3A_911, %get3A_912] : memref<8x128x64xf32, #tpu.memory_space<vmem>> -> memref<1x128x64xf32, #tpu.memory_space<vmem>>
        %get3A_914 = tpu.memref_squeeze %get3A_913 : memref<1x128x64xf32, #tpu.memory_space<vmem>> -> memref<128x64xf32, #tpu.memory_space<vmem>>
        %get3A_915 = arith.index_cast %add3A_910 : i32 to index
        %get3A_916 = arith.constant 0 : index
        %get3A_917 = tpu.vector_load %get3A_914[%get3A_915, %get3A_916] {strides = array<i32>} : memref<128x64xf32, #tpu.memory_space<vmem>>, vector<1x16xf32>,
        %get3A_918 = vector.shape_cast %get3A_917 : vector<1x16xf32> to vector<16xf32>
        %mul3A_919 = arith.constant 8.000000e+00 : f32
        %mul3A_920 = vector.broadcast %mul3A_919 : f32 to vector<16xf32>
        %mul3A_921 = arith.mulf %get3A_918, %mul3A_920 : vector<16xf32>
        %swap3A_922 = arith.constant 0 : i32
        %swap3A_923 = arith.constant 0 : i32
        %swap3A_924 = tpu.memref_slice %arg6[%scan3A_287, %swap3A_922, %swap3A_923] : memref<8x128x64xf32, #tpu.memory_space<vmem>> -> memref<1x128x64xf32, #tpu.memory_space<vmem>>
        %swap3A_925 = tpu.memref_squeeze %swap3A_924 : memref<1x128x64xf32, #tpu.memory_space<vmem>> -> memref<128x64xf32, #tpu.memory_space<vmem>>
        %swap3A_926 = arith.index_cast %add3A_910 : i32 to index
        %swap3A_927 = arith.constant 0 : index
        %swap3A_928 = tpu.vector_load %swap3A_925[%swap3A_926, %swap3A_927] {strides = array<i32>} : memref<128x64xf32, #tpu.memory_space<vmem>>, vector<1x16xf32>,
        %swap3A_929 = vector.shape_cast %swap3A_928 : vector<1x16xf32> to vector<16xf32>
        %swap3A_930 = vector.shape_cast %mul3A_921 : vector<16xf32> to vector<1x16xf32>
        tpu.vector_store %swap3A_925[%swap3A_926, %swap3A_927], %swap3A_930 {strides = array<i32>} : memref<128x64xf32, #tpu.memory_space<vmem>>, vector<1x16xf32>,
        %get3A_931 = arith.constant 0 : i32
        %get3A_932 = arith.constant 0 : i32
        %get3A_933 = tpu.memref_slice %arg6[%scan3A_287, %get3A_931, %get3A_932] : memref<8x128x64xf32, #tpu.memory_space<vmem>> -> memref<1x128x64xf32, #tpu.memory_space<vmem>>
        %get3A_934 = tpu.memref_squeeze %get3A_933 : memref<1x128x64xf32, #tpu.memory_space<vmem>> -> memref<128x64xf32, #tpu.memory_space<vmem>>
        %get3A_935 = arith.index_cast %add3A_910 : i32 to index
        %get3A_936 = arith.constant 16 : index
        %get3A_937 = tpu.vector_load %get3A_934[%get3A_935, %get3A_936] {strides = array<i32>} : memref<128x64xf32, #tpu.memory_space<vmem>>, vector<1x16xf32>,
        %get3A_938 = vector.shape_cast %get3A_937 : vector<1x16xf32> to vector<16xf32>
        %mul3A_939 = arith.constant 8.000000e+00 : f32
        %mul3A_940 = vector.broadcast %mul3A_939 : f32 to vector<16xf32>
        %mul3A_941 = arith.mulf %get3A_938, %mul3A_940 : vector<16xf32>
        %swap3A_942 = arith.constant 0 : i32
        %swap3A_943 = arith.constant 0 : i32
        %swap3A_944 = tpu.memref_slice %arg6[%scan3A_287, %swap3A_942, %swap3A_943] : memref<8x128x64xf32, #tpu.memory_space<vmem>> -> memref<1x128x64xf32, #tpu.memory_space<vmem>>
        %swap3A_945 = tpu.memref_squeeze %swap3A_944 : memref<1x128x64xf32, #tpu.memory_space<vmem>> -> memref<128x64xf32, #tpu.memory_space<vmem>>
        %swap3A_946 = arith.index_cast %add3A_910 : i32 to index
        %swap3A_947 = arith.constant 16 : index
        %swap3A_948 = tpu.vector_load %swap3A_945[%swap3A_946, %swap3A_947] {strides = array<i32>} : memref<128x64xf32, #tpu.memory_space<vmem>>, vector<1x16xf32>,
        %swap3A_949 = vector.shape_cast %swap3A_948 : vector<1x16xf32> to vector<16xf32>
        %swap3A_950 = vector.shape_cast %mul3A_941 : vector<16xf32> to vector<1x16xf32>
        tpu.vector_store %swap3A_945[%swap3A_946, %swap3A_947], %swap3A_950 {strides = array<i32>} : memref<128x64xf32, #tpu.memory_space<vmem>>, vector<1x16xf32>,
        %get3A_951 = arith.constant 0 : i32
        %get3A_952 = arith.constant 0 : i32
        %get3A_953 = tpu.memref_slice %arg6[%scan3A_287, %get3A_951, %get3A_952] : memref<8x128x64xf32, #tpu.memory_space<vmem>> -> memref<1x128x64xf32, #tpu.memory_space<vmem>>
        %get3A_954 = tpu.memref_squeeze %get3A_953 : memref<1x128x64xf32, #tpu.memory_space<vmem>> -> memref<128x64xf32, #tpu.memory_space<vmem>>
        %get3A_955 = arith.index_cast %add3A_910 : i32 to index
        %get3A_956 = arith.constant 32 : index
        %get3A_957 = tpu.vector_load %get3A_954[%get3A_955, %get3A_956] {strides = array<i32>} : memref<128x64xf32, #tpu.memory_space<vmem>>, vector<1x16xf32>,
        %get3A_958 = vector.shape_cast %get3A_957 : vector<1x16xf32> to vector<16xf32>
        %mul3A_959 = arith.constant 8.000000e+00 : f32
        %mul3A_960 = vector.broadcast %mul3A_959 : f32 to vector<16xf32>
        %mul3A_961 = arith.mulf %get3A_958, %mul3A_960 : vector<16xf32>
        %swap3A_962 = arith.constant 0 : i32
        %swap3A_963 = arith.constant 0 : i32
        %swap3A_964 = tpu.memref_slice %arg6[%scan3A_287, %swap3A_962, %swap3A_963] : memref<8x128x64xf32, #tpu.memory_space<vmem>> -> memref<1x128x64xf32, #tpu.memory_space<vmem>>
        %swap3A_965 = tpu.memref_squeeze %swap3A_964 : memref<1x128x64xf32, #tpu.memory_space<vmem>> -> memref<128x64xf32, #tpu.memory_space<vmem>>
        %swap3A_966 = arith.index_cast %add3A_910 : i32 to index
        %swap3A_967 = arith.constant 32 : index
        %swap3A_968 = tpu.vector_load %swap3A_965[%swap3A_966, %swap3A_967] {strides = array<i32>} : memref<128x64xf32, #tpu.memory_space<vmem>>, vector<1x16xf32>,
        %swap3A_969 = vector.shape_cast %swap3A_968 : vector<1x16xf32> to vector<16xf32>
        %swap3A_970 = vector.shape_cast %mul3A_961 : vector<16xf32> to vector<1x16xf32>
        tpu.vector_store %swap3A_965[%swap3A_966, %swap3A_967], %swap3A_970 {strides = array<i32>} : memref<128x64xf32, #tpu.memory_space<vmem>>, vector<1x16xf32>,
        %get3A_971 = arith.constant 0 : i32
        %get3A_972 = arith.constant 0 : i32
        %get3A_973 = tpu.memref_slice %arg6[%scan3A_287, %get3A_971, %get3A_972] : memref<8x128x64xf32, #tpu.memory_space<vmem>> -> memref<1x128x64xf32, #tpu.memory_space<vmem>>
        %get3A_974 = tpu.memref_squeeze %get3A_973 : memref<1x128x64xf32, #tpu.memory_space<vmem>> -> memref<128x64xf32, #tpu.memory_space<vmem>>
        %get3A_975 = arith.index_cast %add3A_910 : i32 to index
        %get3A_976 = arith.constant 48 : index
        %get3A_977 = tpu.vector_load %get3A_974[%get3A_975, %get3A_976] {strides = array<i32>} : memref<128x64xf32, #tpu.memory_space<vmem>>, vector<1x16xf32>,
        %get3A_978 = vector.shape_cast %get3A_977 : vector<1x16xf32> to vector<16xf32>
        %mul3A_979 = arith.constant 8.000000e+00 : f32
        %mul3A_980 = vector.broadcast %mul3A_979 : f32 to vector<16xf32>
        %mul3A_981 = arith.mulf %get3A_978, %mul3A_980 : vector<16xf32>
        %swap3A_982 = arith.constant 0 : i32
        %swap3A_983 = arith.constant 0 : i32
        %swap3A_984 = tpu.memref_slice %arg6[%scan3A_287, %swap3A_982, %swap3A_983] : memref<8x128x64xf32, #tpu.memory_space<vmem>> -> memref<1x128x64xf32, #tpu.memory_space<vmem>>
        %swap3A_985 = tpu.memref_squeeze %swap3A_984 : memref<1x128x64xf32, #tpu.memory_space<vmem>> -> memref<128x64xf32, #tpu.memory_space<vmem>>
        %swap3A_986 = arith.index_cast %add3A_910 : i32 to index
        %swap3A_987 = arith.constant 48 : index
        %swap3A_988 = tpu.vector_load %swap3A_985[%swap3A_986, %swap3A_987] {strides = array<i32>} : memref<128x64xf32, #tpu.memory_space<vmem>>, vector<1x16xf32>,
        %swap3A_989 = vector.shape_cast %swap3A_988 : vector<1x16xf32> to vector<16xf32>
        %swap3A_990 = vector.shape_cast %mul3A_981 : vector<16xf32> to vector<1x16xf32>
        tpu.vector_store %swap3A_985[%swap3A_986, %swap3A_987], %swap3A_990 {strides = array<i32>} : memref<128x64xf32, #tpu.memory_space<vmem>>, vector<1x16xf32>,
        %mul3A_991 = arith.constant 2 : i32
        %mul3A_992 = arith.muli %scan3A_906, %mul3A_991 : i32
        %add3A_993 = arith.constant 1 : i32
        %add3A_994 = arith.addi %mul3A_992, %add3A_993 : i32
        %get3A_995 = arith.constant 0 : i32
        %get3A_996 = arith.constant 0 : i32
        %get3A_997 = tpu.memref_slice %arg6[%scan3A_287, %get3A_995, %get3A_996] : memref<8x128x64xf32, #tpu.memory_space<vmem>> -> memref<1x128x64xf32, #tpu.memory_space<vmem>>
        %get3A_998 = tpu.memref_squeeze %get3A_997 : memref<1x128x64xf32, #tpu.memory_space<vmem>> -> memref<128x64xf32, #tpu.memory_space<vmem>>
        %get3A_999 = arith.index_cast %add3A_994 : i32 to index
        %get3A_1000 = arith.constant 0 : index
        %get3A_1001 = tpu.vector_load %get3A_998[%get3A_999, %get3A_1000] {strides = array<i32>} : memref<128x64xf32, #tpu.memory_space<vmem>>, vector<1x16xf32>,
        %get3A_1002 = vector.shape_cast %get3A_1001 : vector<1x16xf32> to vector<16xf32>
        %mul3A_1003 = arith.constant 8.000000e+00 : f32
        %mul3A_1004 = vector.broadcast %mul3A_1003 : f32 to vector<16xf32>
        %mul3A_1005 = arith.mulf %get3A_1002, %mul3A_1004 : vector<16xf32>
        %swap3A_1006 = arith.constant 0 : i32
        %swap3A_1007 = arith.constant 0 : i32
        %swap3A_1008 = tpu.memref_slice %arg6[%scan3A_287, %swap3A_1006, %swap3A_1007] : memref<8x128x64xf32, #tpu.memory_space<vmem>> -> memref<1x128x64xf32, #tpu.memory_space<vmem>>
        %swap3A_1009 = tpu.memref_squeeze %swap3A_1008 : memref<1x128x64xf32, #tpu.memory_space<vmem>> -> memref<128x64xf32, #tpu.memory_space<vmem>>
        %swap3A_1010 = arith.index_cast %add3A_994 : i32 to index
        %swap3A_1011 = arith.constant 0 : index
        %swap3A_1012 = tpu.vector_load %swap3A_1009[%swap3A_1010, %swap3A_1011] {strides = array<i32>} : memref<128x64xf32, #tpu.memory_space<vmem>>, vector<1x16xf32>,
        %swap3A_1013 = vector.shape_cast %swap3A_1012 : vector<1x16xf32> to vector<16xf32>
        %swap3A_1014 = vector.shape_cast %mul3A_1005 : vector<16xf32> to vector<1x16xf32>
        tpu.vector_store %swap3A_1009[%swap3A_1010, %swap3A_1011], %swap3A_1014 {strides = array<i32>} : memref<128x64xf32, #tpu.memory_space<vmem>>, vector<1x16xf32>,
        %get3A_1015 = arith.constant 0 : i32
        %get3A_1016 = arith.constant 0 : i32
        %get3A_1017 = tpu.memref_slice %arg6[%scan3A_287, %get3A_1015, %get3A_1016] : memref<8x128x64xf32, #tpu.memory_space<vmem>> -> memref<1x128x64xf32, #tpu.memory_space<vmem>>
        %get3A_1018 = tpu.memref_squeeze %get3A_1017 : memref<1x128x64xf32, #tpu.memory_space<vmem>> -> memref<128x64xf32, #tpu.memory_space<vmem>>
        %get3A_1019 = arith.index_cast %add3A_994 : i32 to index
        %get3A_1020 = arith.constant 16 : index
        %get3A_1021 = tpu.vector_load %get3A_1018[%get3A_1019, %get3A_1020] {strides = array<i32>} : memref<128x64xf32, #tpu.memory_space<vmem>>, vector<1x16xf32>,
        %get3A_1022 = vector.shape_cast %get3A_1021 : vector<1x16xf32> to vector<16xf32>
        %mul3A_1023 = arith.constant 8.000000e+00 : f32
        %mul3A_1024 = vector.broadcast %mul3A_1023 : f32 to vector<16xf32>
        %mul3A_1025 = arith.mulf %get3A_1022, %mul3A_1024 : vector<16xf32>
        %swap3A_1026 = arith.constant 0 : i32
        %swap3A_1027 = arith.constant 0 : i32
        %swap3A_1028 = tpu.memref_slice %arg6[%scan3A_287, %swap3A_1026, %swap3A_1027] : memref<8x128x64xf32, #tpu.memory_space<vmem>> -> memref<1x128x64xf32, #tpu.memory_space<vmem>>
        %swap3A_1029 = tpu.memref_squeeze %swap3A_1028 : memref<1x128x64xf32, #tpu.memory_space<vmem>> -> memref<128x64xf32, #tpu.memory_space<vmem>>
        %swap3A_1030 = arith.index_cast %add3A_994 : i32 to index
        %swap3A_1031 = arith.constant 16 : index
        %swap3A_1032 = tpu.vector_load %swap3A_1029[%swap3A_1030, %swap3A_1031] {strides = array<i32>} : memref<128x64xf32, #tpu.memory_space<vmem>>, vector<1x16xf32>,
        %swap3A_1033 = vector.shape_cast %swap3A_1032 : vector<1x16xf32> to vector<16xf32>
        %swap3A_1034 = vector.shape_cast %mul3A_1025 : vector<16xf32> to vector<1x16xf32>
        tpu.vector_store %swap3A_1029[%swap3A_1030, %swap3A_1031], %swap3A_1034 {strides = array<i32>} : memref<128x64xf32, #tpu.memory_space<vmem>>, vector<1x16xf32>,
        %get3A_1035 = arith.constant 0 : i32
        %get3A_1036 = arith.constant 0 : i32
        %get3A_1037 = tpu.memref_slice %arg6[%scan3A_287, %get3A_1035, %get3A_1036] : memref<8x128x64xf32, #tpu.memory_space<vmem>> -> memref<1x128x64xf32, #tpu.memory_space<vmem>>
        %get3A_1038 = tpu.memref_squeeze %get3A_1037 : memref<1x128x64xf32, #tpu.memory_space<vmem>> -> memref<128x64xf32, #tpu.memory_space<vmem>>
        %get3A_1039 = arith.index_cast %add3A_994 : i32 to index
        %get3A_1040 = arith.constant 32 : index
        %get3A_1041 = tpu.vector_load %get3A_1038[%get3A_1039, %get3A_1040] {strides = array<i32>} : memref<128x64xf32, #tpu.memory_space<vmem>>, vector<1x16xf32>,
        %get3A_1042 = vector.shape_cast %get3A_1041 : vector<1x16xf32> to vector<16xf32>
        %mul3A_1043 = arith.constant 8.000000e+00 : f32
        %mul3A_1044 = vector.broadcast %mul3A_1043 : f32 to vector<16xf32>
        %mul3A_1045 = arith.mulf %get3A_1042, %mul3A_1044 : vector<16xf32>
        %swap3A_1046 = arith.constant 0 : i32
        %swap3A_1047 = arith.constant 0 : i32
        %swap3A_1048 = tpu.memref_slice %arg6[%scan3A_287, %swap3A_1046, %swap3A_1047] : memref<8x128x64xf32, #tpu.memory_space<vmem>> -> memref<1x128x64xf32, #tpu.memory_space<vmem>>
        %swap3A_1049 = tpu.memref_squeeze %swap3A_1048 : memref<1x128x64xf32, #tpu.memory_space<vmem>> -> memref<128x64xf32, #tpu.memory_space<vmem>>
        %swap3A_1050 = arith.index_cast %add3A_994 : i32 to index
        %swap3A_1051 = arith.constant 32 : index
        %swap3A_1052 = tpu.vector_load %swap3A_1049[%swap3A_1050, %swap3A_1051] {strides = array<i32>} : memref<128x64xf32, #tpu.memory_space<vmem>>, vector<1x16xf32>,
        %swap3A_1053 = vector.shape_cast %swap3A_1052 : vector<1x16xf32> to vector<16xf32>
        %swap3A_1054 = vector.shape_cast %mul3A_1045 : vector<16xf32> to vector<1x16xf32>
        tpu.vector_store %swap3A_1049[%swap3A_1050, %swap3A_1051], %swap3A_1054 {strides = array<i32>} : memref<128x64xf32, #tpu.memory_space<vmem>>, vector<1x16xf32>,
        %get3A_1055 = arith.constant 0 : i32
        %get3A_1056 = arith.constant 0 : i32
        %get3A_1057 = tpu.memref_slice %arg6[%scan3A_287, %get3A_1055, %get3A_1056] : memref<8x128x64xf32, #tpu.memory_space<vmem>> -> memref<1x128x64xf32, #tpu.memory_space<vmem>>
        %get3A_1058 = tpu.memref_squeeze %get3A_1057 : memref<1x128x64xf32, #tpu.memory_space<vmem>> -> memref<128x64xf32, #tpu.memory_space<vmem>>
        %get3A_1059 = arith.index_cast %add3A_994 : i32 to index
        %get3A_1060 = arith.constant 48 : index
        %get3A_1061 = tpu.vector_load %get3A_1058[%get3A_1059, %get3A_1060] {strides = array<i32>} : memref<128x64xf32, #tpu.memory_space<vmem>>, vector<1x16xf32>,
        %get3A_1062 = vector.shape_cast %get3A_1061 : vector<1x16xf32> to vector<16xf32>
        %mul3A_1063 = arith.constant 8.000000e+00 : f32
        %mul3A_1064 = vector.broadcast %mul3A_1063 : f32 to vector<16xf32>
        %mul3A_1065 = arith.mulf %get3A_1062, %mul3A_1064 : vector<16xf32>
        %swap3A_1066 = arith.constant 0 : i32
        %swap3A_1067 = arith.constant 0 : i32
        %swap3A_1068 = tpu.memref_slice %arg6[%scan3A_287, %swap3A_1066, %swap3A_1067] : memref<8x128x64xf32, #tpu.memory_space<vmem>> -> memref<1x128x64xf32, #tpu.memory_space<vmem>>
        %swap3A_1069 = tpu.memref_squeeze %swap3A_1068 : memref<1x128x64xf32, #tpu.memory_space<vmem>> -> memref<128x64xf32, #tpu.memory_space<vmem>>
        %swap3A_1070 = arith.index_cast %add3A_994 : i32 to index
        %swap3A_1071 = arith.constant 48 : index
        %swap3A_1072 = tpu.vector_load %swap3A_1069[%swap3A_1070, %swap3A_1071] {strides = array<i32>} : memref<128x64xf32, #tpu.memory_space<vmem>>, vector<1x16xf32>,
        %swap3A_1073 = vector.shape_cast %swap3A_1072 : vector<1x16xf32> to vector<16xf32>
        %swap3A_1074 = vector.shape_cast %mul3A_1065 : vector<16xf32> to vector<1x16xf32>
        tpu.vector_store %swap3A_1069[%swap3A_1070, %swap3A_1071], %swap3A_1074 {strides = array<i32>} : memref<128x64xf32, #tpu.memory_space<vmem>>, vector<1x16xf32>,
        %scan3A_1075 = arith.constant 0 : i32
        scf.yield %scan3A_1075 : i32
      }
      %scan3A_294 = arith.constant 64 : i32
      %add3A_295 = arith.addi %mul3A_2, %scan3A_273 : i32
      %rem3A_296 = arith.constant 32 : i32
      %rem3A_297 = arith.remsi %add3A_295, %rem3A_296 : i32
      %div3A_298 = arith.constant 32 : i32
      %div3A_299 = arith.divsi %add3A_295, %div3A_298 : i32
      %mul3A_300 = arith.constant 4 : i32
      %mul3A_301 = arith.muli %div3A_299, %mul3A_300 : i32
      %add3A_302 = arith.constant 0 : i32
      %add3A_303 = arith.addi %mul3A_301, %add3A_302 : i32
      %mul3A_304 = arith.constant 128 : i32
      %mul3A_305 = arith.muli %rem3A_297, %mul3A_304 : i32
      %dma_start3A_306 = arith.constant 0 : i32
      %dma_start3A_307 = arith.constant 0 : i32
      %dma_start3A_308 = arith.constant 0 : i32
      %dma_start3A_309 = tpu.memref_slice %arg6[%dma_start3A_306, %dma_start3A_307, %dma_start3A_308] : memref<8x128x64xf32, #tpu.memory_space<vmem>> -> memref<1x128x64xf32, #tpu.memory_space<vmem>>
      %dma_start3A_310 = tpu.memref_squeeze %dma_start3A_309 : memref<1x128x64xf32, #tpu.memory_space<vmem>> -> memref<128x64xf32, #tpu.memory_space<vmem>>
      %dma_start3A_311 = arith.constant 0 : i32
      %dma_start3A_312 = tpu.memref_slice %arg4[%add3A_303, %mul3A_305, %dma_start3A_311] : memref<100x4096x128xf32, #tpu.memory_space<hbm>> -> memref<1x128x64xf32, #tpu.memory_space<hbm>>
      %dma_start3A_313 = tpu.memref_squeeze %dma_start3A_312 : memref<1x128x64xf32, #tpu.memory_space<hbm>> -> memref<128x64xf32, #tpu.memory_space<hbm>>
      %dma_start3A_314 = arith.constant 0 : i32
      %dma_start3A_315 = tpu.memref_slice %arg4[%add3A_303, %mul3A_305, %dma_start3A_314] : memref<100x4096x128xf32, #tpu.memory_space<hbm>> -> memref<1x128x64xf32, #tpu.memory_space<hbm>>
      %dma_start3A_316 = tpu.memref_squeeze %dma_start3A_315 : memref<1x128x64xf32, #tpu.memory_space<hbm>> -> memref<128x64xf32, #tpu.memory_space<hbm>>
      %dma_start3A_317 = arith.constant 0 : i32
      %dma_start3A_318 = arith.constant 0 : i32
      %dma_start3A_319 = tpu.memref_slice %arg6[%dma_start3A_306, %dma_start3A_317, %dma_start3A_318] : memref<8x128x64xf32, #tpu.memory_space<vmem>> -> memref<1x128x64xf32, #tpu.memory_space<vmem>>
      %dma_start3A_320 = tpu.memref_squeeze %dma_start3A_319 : memref<1x128x64xf32, #tpu.memory_space<vmem>> -> memref<128x64xf32, #tpu.memory_space<vmem>>
      tpu.enqueue_dma source(%dma_start3A_320 : memref<128x64xf32, #tpu.memory_space<vmem>>) target(%dma_start3A_316 : memref<128x64xf32, #tpu.memory_space<hbm>>) target_semaphore(%arg15 : memref<!tpu.dma_semaphore, #tpu.memory_space<semaphore_mem>>)
      %ge3A = arith.constant 1 : i32
      %ge3A_321 = arith.cmpi sge, %scan3A_273, %ge3A : i32
      %convert_element_type3A = arith.extui %ge3A_321 : i1 to i32
      %cond3A = arith.constant 0 : i32
      %cond3A_322 = arith.cmpi ne, %convert_element_type3A, %cond3A : i32
      scf.if %cond3A_322 {
        %sub3A = arith.constant 1 : i32
        %sub3A_736 = arith.subi %scan3A_273, %sub3A : i32
        %add3A_737 = arith.addi %mul3A_2, %sub3A_736 : i32
        %rem3A_738 = arith.constant 32 : i32
        %rem3A_739 = arith.remsi %add3A_737, %rem3A_738 : i32
        %div3A_740 = arith.constant 32 : i32
        %div3A_741 = arith.divsi %add3A_737, %div3A_740 : i32
        %mul3A_742 = arith.constant 4 : i32
        %mul3A_743 = arith.muli %div3A_741, %mul3A_742 : i32
        %add3A_744 = arith.constant 2 : i32
        %add3A_745 = arith.addi %mul3A_743, %add3A_744 : i32
        %mul3A_746 = arith.constant 128 : i32
        %mul3A_747 = arith.muli %rem3A_739, %mul3A_746 : i32
        %dma_wait3A_748 = arith.constant 4 : i32
        %dma_wait3A_749 = arith.constant 0 : i32
        %dma_wait3A_750 = arith.constant 0 : i32
        %dma_wait3A_751 = tpu.memref_slice %arg6[%dma_wait3A_748, %dma_wait3A_749, %dma_wait3A_750] : memref<8x128x64xf32, #tpu.memory_space<vmem>> -> memref<1x128x64xf32, #tpu.memory_space<vmem>>
        %dma_wait3A_752 = tpu.memref_squeeze %dma_wait3A_751 : memref<1x128x64xf32, #tpu.memory_space<vmem>> -> memref<128x64xf32, #tpu.memory_space<vmem>>
        %dma_wait3A_753 = arith.constant 0 : i32
        %dma_wait3A_754 = tpu.memref_slice %arg4[%add3A_745, %mul3A_747, %dma_wait3A_753] : memref<100x4096x128xf32, #tpu.memory_space<hbm>> -> memref<1x128x64xf32, #tpu.memory_space<hbm>>
        %dma_wait3A_755 = tpu.memref_squeeze %dma_wait3A_754 : memref<1x128x64xf32, #tpu.memory_space<hbm>> -> memref<128x64xf32, #tpu.memory_space<hbm>>
        %dma_wait3A_756 = arith.constant 0 : i32
        %dma_wait3A_757 = tpu.memref_slice %arg4[%add3A_745, %mul3A_747, %dma_wait3A_756] : memref<100x4096x128xf32, #tpu.memory_space<hbm>> -> memref<1x128x64xf32, #tpu.memory_space<hbm>>
        %dma_wait3A_758 = tpu.memref_squeeze %dma_wait3A_757 : memref<1x128x64xf32, #tpu.memory_space<hbm>> -> memref<128x64xf32, #tpu.memory_space<hbm>>
        %dma_wait3A_759 = arith.constant 0 : i32
        %dma_wait3A_760 = arith.constant 0 : i32
        %dma_wait3A_761 = tpu.memref_slice %arg6[%dma_wait3A_748, %dma_wait3A_759, %dma_wait3A_760] : memref<8x128x64xf32, #tpu.memory_space<vmem>> -> memref<1x128x64xf32, #tpu.memory_space<vmem>>
        %dma_wait3A_762 = tpu.memref_squeeze %dma_wait3A_761 : memref<1x128x64xf32, #tpu.memory_space<vmem>> -> memref<128x64xf32, #tpu.memory_space<vmem>>
        tpu.wait_dma2 semaphore(%arg19 : memref<!tpu.dma_semaphore, #tpu.memory_space<semaphore_mem>>) src(%dma_wait3A_762 : memref<128x64xf32, #tpu.memory_space<vmem>>) dst(%dma_wait3A_758 : memref<128x64xf32, #tpu.memory_space<hbm>>)
      } else {
      }
      %dma_start3A_323 = arith.constant 4 : i32
      %dma_start3A_324 = arith.constant 4 : i32
      %dma_start3A_325 = arith.constant 0 : i32
      %dma_start3A_326 = arith.constant 0 : i32
      %dma_start3A_327 = tpu.memref_slice %arg6[%dma_start3A_324, %dma_start3A_325, %dma_start3A_326] : memref<8x128x64xf32, #tpu.memory_space<vmem>> -> memref<1x128x64xf32, #tpu.memory_space<vmem>>
      %dma_start3A_328 = tpu.memref_squeeze %dma_start3A_327 : memref<1x128x64xf32, #tpu.memory_space<vmem>> -> memref<128x64xf32, #tpu.memory_space<vmem>>
      %dma_start3A_329 = arith.constant 0 : i32
      %dma_start3A_330 = tpu.memref_slice %arg5[%scan3A_273, %dma_start3A_323, %dma_start3A_329] : memref<25x8x128xi32, #tpu.memory_space<vmem>> -> memref<1x1x128xi32, #tpu.memory_space<vmem>>
      %dma_start3A_331 = tpu.memref_squeeze %dma_start3A_330 : memref<1x1x128xi32, #tpu.memory_space<vmem>> -> memref<128xi32, #tpu.memory_space<vmem>>
      %dma_start3A_332 = arith.constant 0 : i32
      %dma_start3A_333 = arith.constant 0 : i32
      %dma_start3A_334 = tpu.memref_slice %arg3[%dma_start3A_332, %dma_start3A_333] : memref<1000000x64xf32, #tpu.memory_space<hbm>> -> memref<1000000x64xf32, #tpu.memory_space<hbm>>
      tpu.enqueue_indirect_dma source(%dma_start3A_334 : memref<1000000x64xf32, #tpu.memory_space<hbm>>) target(%dma_start3A_328 : memref<128x64xf32, #tpu.memory_space<vmem>>) offsets(%dma_start3A_331 : memref<128xi32, #tpu.memory_space<vmem>>) semaphore(%arg11 : memref<!tpu.dma_semaphore, #tpu.memory_space<semaphore_mem>>)
      %dma_wait3A_335 = arith.constant 1 : i32
      %dma_wait3A_336 = arith.constant 1 : i32
      %dma_wait3A_337 = arith.constant 0 : i32
      %dma_wait3A_338 = arith.constant 0 : i32
      %dma_wait3A_339 = tpu.memref_slice %arg6[%dma_wait3A_336, %dma_wait3A_337, %dma_wait3A_338] : memref<8x128x64xf32, #tpu.memory_space<vmem>> -> memref<1x128x64xf32, #tpu.memory_space<vmem>>
      %dma_wait3A_340 = tpu.memref_squeeze %dma_wait3A_339 : memref<1x128x64xf32, #tpu.memory_space<vmem>> -> memref<128x64xf32, #tpu.memory_space<vmem>>
      %dma_wait3A_341 = arith.constant 0 : i32
      %dma_wait3A_342 = tpu.memref_slice %arg5[%scan3A_273, %dma_wait3A_335, %dma_wait3A_341] : memref<25x8x128xi32, #tpu.memory_space<vmem>> -> memref<1x1x128xi32, #tpu.memory_space<vmem>>
      %dma_wait3A_343 = tpu.memref_squeeze %dma_wait3A_342 : memref<1x1x128xi32, #tpu.memory_space<vmem>> -> memref<128xi32, #tpu.memory_space<vmem>>
      %dma_wait3A_344 = arith.constant 0 : i32
      %dma_wait3A_345 = arith.constant 0 : i32
      %dma_wait3A_346 = tpu.memref_slice %arg3[%dma_wait3A_344, %dma_wait3A_345] : memref<1000000x64xf32, #tpu.memory_space<hbm>> -> memref<1000000x64xf32, #tpu.memory_space<hbm>>
      tpu.wait_indirect_dma semaphore(%arg8 : memref<!tpu.dma_semaphore, #tpu.memory_space<semaphore_mem>>) src(%dma_wait3A_346 : memref<1000000x64xf32, #tpu.memory_space<hbm>>) dst(%dma_wait3A_340 : memref<128x64xf32, #tpu.memory_space<vmem>>)
      %scan3A_347 = arith.constant 1 : i32
      %scan3A_348 = arith.constant 0 : i32
      %scan3A_349 = arith.constant 0 : i32
      %scan3A_350 = arith.constant 64 : i32
      %scan3A_351 = arith.addi %scan3A_349, %scan3A_350 : i32
      %scan3A_352 = arith.constant 2 : i32
      %scan3A_353 = scf.for %scan3A_736 = %scan3A_349 to %scan3A_351 step %scan3A_352 iter_args(%scan3A_737 = %scan3A_348) -> (i32)  : i32 {
        %mul3A_738 = arith.constant 2 : i32
        %mul3A_739 = arith.muli %scan3A_736, %mul3A_738 : i32
        %add3A_740 = arith.constant 0 : i32
        %add3A_741 = arith.addi %mul3A_739, %add3A_740 : i32
        %get3A = arith.constant 0 : i32
        %get3A_742 = arith.constant 0 : i32
        %get3A_743 = tpu.memref_slice %arg6[%scan3A_347, %get3A, %get3A_742] : memref<8x128x64xf32, #tpu.memory_space<vmem>> -> memref<1x128x64xf32, #tpu.memory_space<vmem>>
        %get3A_744 = tpu.memref_squeeze %get3A_743 : memref<1x128x64xf32, #tpu.memory_space<vmem>> -> memref<128x64xf32, #tpu.memory_space<vmem>>
        %get3A_745 = arith.index_cast %add3A_741 : i32 to index
        %get3A_746 = arith.constant 0 : index
        %get3A_747 = tpu.vector_load %get3A_744[%get3A_745, %get3A_746] {strides = array<i32>} : memref<128x64xf32, #tpu.memory_space<vmem>>, vector<1x16xf32>,
        %get3A_748 = vector.shape_cast %get3A_747 : vector<1x16xf32> to vector<16xf32>
        %mul3A_749 = arith.constant 8.000000e+00 : f32
        %mul3A_750 = vector.broadcast %mul3A_749 : f32 to vector<16xf32>
        %mul3A_751 = arith.mulf %get3A_748, %mul3A_750 : vector<16xf32>
        %swap3A = arith.constant 0 : i32
        %swap3A_752 = arith.constant 0 : i32
        %swap3A_753 = tpu.memref_slice %arg6[%scan3A_347, %swap3A, %swap3A_752] : memref<8x128x64xf32, #tpu.memory_space<vmem>> -> memref<1x128x64xf32, #tpu.memory_space<vmem>>
        %swap3A_754 = tpu.memref_squeeze %swap3A_753 : memref<1x128x64xf32, #tpu.memory_space<vmem>> -> memref<128x64xf32, #tpu.memory_space<vmem>>
        %swap3A_755 = arith.index_cast %add3A_741 : i32 to index
        %swap3A_756 = arith.constant 0 : index
        %swap3A_757 = tpu.vector_load %swap3A_754[%swap3A_755, %swap3A_756] {strides = array<i32>} : memref<128x64xf32, #tpu.memory_space<vmem>>, vector<1x16xf32>,
        %swap3A_758 = vector.shape_cast %swap3A_757 : vector<1x16xf32> to vector<16xf32>
        %swap3A_759 = vector.shape_cast %mul3A_751 : vector<16xf32> to vector<1x16xf32>
        tpu.vector_store %swap3A_754[%swap3A_755, %swap3A_756], %swap3A_759 {strides = array<i32>} : memref<128x64xf32, #tpu.memory_space<vmem>>, vector<1x16xf32>,
        %get3A_760 = arith.constant 0 : i32
        %get3A_761 = arith.constant 0 : i32
        %get3A_762 = tpu.memref_slice %arg6[%scan3A_347, %get3A_760, %get3A_761] : memref<8x128x64xf32, #tpu.memory_space<vmem>> -> memref<1x128x64xf32, #tpu.memory_space<vmem>>
        %get3A_763 = tpu.memref_squeeze %get3A_762 : memref<1x128x64xf32, #tpu.memory_space<vmem>> -> memref<128x64xf32, #tpu.memory_space<vmem>>
        %get3A_764 = arith.index_cast %add3A_741 : i32 to index
        %get3A_765 = arith.constant 16 : index
        %get3A_766 = tpu.vector_load %get3A_763[%get3A_764, %get3A_765] {strides = array<i32>} : memref<128x64xf32, #tpu.memory_space<vmem>>, vector<1x16xf32>,
        %get3A_767 = vector.shape_cast %get3A_766 : vector<1x16xf32> to vector<16xf32>
        %mul3A_768 = arith.constant 8.000000e+00 : f32
        %mul3A_769 = vector.broadcast %mul3A_768 : f32 to vector<16xf32>
        %mul3A_770 = arith.mulf %get3A_767, %mul3A_769 : vector<16xf32>
        %swap3A_771 = arith.constant 0 : i32
        %swap3A_772 = arith.constant 0 : i32
        %swap3A_773 = tpu.memref_slice %arg6[%scan3A_347, %swap3A_771, %swap3A_772] : memref<8x128x64xf32, #tpu.memory_space<vmem>> -> memref<1x128x64xf32, #tpu.memory_space<vmem>>
        %swap3A_774 = tpu.memref_squeeze %swap3A_773 : memref<1x128x64xf32, #tpu.memory_space<vmem>> -> memref<128x64xf32, #tpu.memory_space<vmem>>
        %swap3A_775 = arith.index_cast %add3A_741 : i32 to index
        %swap3A_776 = arith.constant 16 : index
        %swap3A_777 = tpu.vector_load %swap3A_774[%swap3A_775, %swap3A_776] {strides = array<i32>} : memref<128x64xf32, #tpu.memory_space<vmem>>, vector<1x16xf32>,
        %swap3A_778 = vector.shape_cast %swap3A_777 : vector<1x16xf32> to vector<16xf32>
        %swap3A_779 = vector.shape_cast %mul3A_770 : vector<16xf32> to vector<1x16xf32>
        tpu.vector_store %swap3A_774[%swap3A_775, %swap3A_776], %swap3A_779 {strides = array<i32>} : memref<128x64xf32, #tpu.memory_space<vmem>>, vector<1x16xf32>,
        %get3A_780 = arith.constant 0 : i32
        %get3A_781 = arith.constant 0 : i32
        %get3A_782 = tpu.memref_slice %arg6[%scan3A_347, %get3A_780, %get3A_781] : memref<8x128x64xf32, #tpu.memory_space<vmem>> -> memref<1x128x64xf32, #tpu.memory_space<vmem>>
        %get3A_783 = tpu.memref_squeeze %get3A_782 : memref<1x128x64xf32, #tpu.memory_space<vmem>> -> memref<128x64xf32, #tpu.memory_space<vmem>>
        %get3A_784 = arith.index_cast %add3A_741 : i32 to index
        %get3A_785 = arith.constant 32 : index
        %get3A_786 = tpu.vector_load %get3A_783[%get3A_784, %get3A_785] {strides = array<i32>} : memref<128x64xf32, #tpu.memory_space<vmem>>, vector<1x16xf32>,
        %get3A_787 = vector.shape_cast %get3A_786 : vector<1x16xf32> to vector<16xf32>
        %mul3A_788 = arith.constant 8.000000e+00 : f32
        %mul3A_789 = vector.broadcast %mul3A_788 : f32 to vector<16xf32>
        %mul3A_790 = arith.mulf %get3A_787, %mul3A_789 : vector<16xf32>
        %swap3A_791 = arith.constant 0 : i32
        %swap3A_792 = arith.constant 0 : i32
        %swap3A_793 = tpu.memref_slice %arg6[%scan3A_347, %swap3A_791, %swap3A_792] : memref<8x128x64xf32, #tpu.memory_space<vmem>> -> memref<1x128x64xf32, #tpu.memory_space<vmem>>
        %swap3A_794 = tpu.memref_squeeze %swap3A_793 : memref<1x128x64xf32, #tpu.memory_space<vmem>> -> memref<128x64xf32, #tpu.memory_space<vmem>>
        %swap3A_795 = arith.index_cast %add3A_741 : i32 to index
        %swap3A_796 = arith.constant 32 : index
        %swap3A_797 = tpu.vector_load %swap3A_794[%swap3A_795, %swap3A_796] {strides = array<i32>} : memref<128x64xf32, #tpu.memory_space<vmem>>, vector<1x16xf32>,
        %swap3A_798 = vector.shape_cast %swap3A_797 : vector<1x16xf32> to vector<16xf32>
        %swap3A_799 = vector.shape_cast %mul3A_790 : vector<16xf32> to vector<1x16xf32>
        tpu.vector_store %swap3A_794[%swap3A_795, %swap3A_796], %swap3A_799 {strides = array<i32>} : memref<128x64xf32, #tpu.memory_space<vmem>>, vector<1x16xf32>,
        %get3A_800 = arith.constant 0 : i32
        %get3A_801 = arith.constant 0 : i32
        %get3A_802 = tpu.memref_slice %arg6[%scan3A_347, %get3A_800, %get3A_801] : memref<8x128x64xf32, #tpu.memory_space<vmem>> -> memref<1x128x64xf32, #tpu.memory_space<vmem>>
        %get3A_803 = tpu.memref_squeeze %get3A_802 : memref<1x128x64xf32, #tpu.memory_space<vmem>> -> memref<128x64xf32, #tpu.memory_space<vmem>>
        %get3A_804 = arith.index_cast %add3A_741 : i32 to index
        %get3A_805 = arith.constant 48 : index
        %get3A_806 = tpu.vector_load %get3A_803[%get3A_804, %get3A_805] {strides = array<i32>} : memref<128x64xf32, #tpu.memory_space<vmem>>, vector<1x16xf32>,
        %get3A_807 = vector.shape_cast %get3A_806 : vector<1x16xf32> to vector<16xf32>
        %mul3A_808 = arith.constant 8.000000e+00 : f32
        %mul3A_809 = vector.broadcast %mul3A_808 : f32 to vector<16xf32>
        %mul3A_810 = arith.mulf %get3A_807, %mul3A_809 : vector<16xf32>
        %swap3A_811 = arith.constant 0 : i32
        %swap3A_812 = arith.constant 0 : i32
        %swap3A_813 = tpu.memref_slice %arg6[%scan3A_347, %swap3A_811, %swap3A_812] : memref<8x128x64xf32, #tpu.memory_space<vmem>> -> memref<1x128x64xf32, #tpu.memory_space<vmem>>
        %swap3A_814 = tpu.memref_squeeze %swap3A_813 : memref<1x128x64xf32, #tpu.memory_space<vmem>> -> memref<128x64xf32, #tpu.memory_space<vmem>>
        %swap3A_815 = arith.index_cast %add3A_741 : i32 to index
        %swap3A_816 = arith.constant 48 : index
        %swap3A_817 = tpu.vector_load %swap3A_814[%swap3A_815, %swap3A_816] {strides = array<i32>} : memref<128x64xf32, #tpu.memory_space<vmem>>, vector<1x16xf32>,
        %swap3A_818 = vector.shape_cast %swap3A_817 : vector<1x16xf32> to vector<16xf32>
        %swap3A_819 = vector.shape_cast %mul3A_810 : vector<16xf32> to vector<1x16xf32>
        tpu.vector_store %swap3A_814[%swap3A_815, %swap3A_816], %swap3A_819 {strides = array<i32>} : memref<128x64xf32, #tpu.memory_space<vmem>>, vector<1x16xf32>,
        %mul3A_820 = arith.constant 2 : i32
        %mul3A_821 = arith.muli %scan3A_736, %mul3A_820 : i32
        %add3A_822 = arith.constant 1 : i32
        %add3A_823 = arith.addi %mul3A_821, %add3A_822 : i32
        %get3A_824 = arith.constant 0 : i32
        %get3A_825 = arith.constant 0 : i32
        %get3A_826 = tpu.memref_slice %arg6[%scan3A_347, %get3A_824, %get3A_825] : memref<8x128x64xf32, #tpu.memory_space<vmem>> -> memref<1x128x64xf32, #tpu.memory_space<vmem>>
        %get3A_827 = tpu.memref_squeeze %get3A_826 : memref<1x128x64xf32, #tpu.memory_space<vmem>> -> memref<128x64xf32, #tpu.memory_space<vmem>>
        %get3A_828 = arith.index_cast %add3A_823 : i32 to index
        %get3A_829 = arith.constant 0 : index
        %get3A_830 = tpu.vector_load %get3A_827[%get3A_828, %get3A_829] {strides = array<i32>} : memref<128x64xf32, #tpu.memory_space<vmem>>, vector<1x16xf32>,
        %get3A_831 = vector.shape_cast %get3A_830 : vector<1x16xf32> to vector<16xf32>
        %mul3A_832 = arith.constant 8.000000e+00 : f32
        %mul3A_833 = vector.broadcast %mul3A_832 : f32 to vector<16xf32>
        %mul3A_834 = arith.mulf %get3A_831, %mul3A_833 : vector<16xf32>
        %swap3A_835 = arith.constant 0 : i32
        %swap3A_836 = arith.constant 0 : i32
        %swap3A_837 = tpu.memref_slice %arg6[%scan3A_347, %swap3A_835, %swap3A_836] : memref<8x128x64xf32, #tpu.memory_space<vmem>> -> memref<1x128x64xf32, #tpu.memory_space<vmem>>
        %swap3A_838 = tpu.memref_squeeze %swap3A_837 : memref<1x128x64xf32, #tpu.memory_space<vmem>> -> memref<128x64xf32, #tpu.memory_space<vmem>>
        %swap3A_839 = arith.index_cast %add3A_823 : i32 to index
        %swap3A_840 = arith.constant 0 : index
        %swap3A_841 = tpu.vector_load %swap3A_838[%swap3A_839, %swap3A_840] {strides = array<i32>} : memref<128x64xf32, #tpu.memory_space<vmem>>, vector<1x16xf32>,
        %swap3A_842 = vector.shape_cast %swap3A_841 : vector<1x16xf32> to vector<16xf32>
        %swap3A_843 = vector.shape_cast %mul3A_834 : vector<16xf32> to vector<1x16xf32>
        tpu.vector_store %swap3A_838[%swap3A_839, %swap3A_840], %swap3A_843 {strides = array<i32>} : memref<128x64xf32, #tpu.memory_space<vmem>>, vector<1x16xf32>,
        %get3A_844 = arith.constant 0 : i32
        %get3A_845 = arith.constant 0 : i32
        %get3A_846 = tpu.memref_slice %arg6[%scan3A_347, %get3A_844, %get3A_845] : memref<8x128x64xf32, #tpu.memory_space<vmem>> -> memref<1x128x64xf32, #tpu.memory_space<vmem>>
        %get3A_847 = tpu.memref_squeeze %get3A_846 : memref<1x128x64xf32, #tpu.memory_space<vmem>> -> memref<128x64xf32, #tpu.memory_space<vmem>>
        %get3A_848 = arith.index_cast %add3A_823 : i32 to index
        %get3A_849 = arith.constant 16 : index
        %get3A_850 = tpu.vector_load %get3A_847[%get3A_848, %get3A_849] {strides = array<i32>} : memref<128x64xf32, #tpu.memory_space<vmem>>, vector<1x16xf32>,
        %get3A_851 = vector.shape_cast %get3A_850 : vector<1x16xf32> to vector<16xf32>
        %mul3A_852 = arith.constant 8.000000e+00 : f32
        %mul3A_853 = vector.broadcast %mul3A_852 : f32 to vector<16xf32>
        %mul3A_854 = arith.mulf %get3A_851, %mul3A_853 : vector<16xf32>
        %swap3A_855 = arith.constant 0 : i32
        %swap3A_856 = arith.constant 0 : i32
        %swap3A_857 = tpu.memref_slice %arg6[%scan3A_347, %swap3A_855, %swap3A_856] : memref<8x128x64xf32, #tpu.memory_space<vmem>> -> memref<1x128x64xf32, #tpu.memory_space<vmem>>
        %swap3A_858 = tpu.memref_squeeze %swap3A_857 : memref<1x128x64xf32, #tpu.memory_space<vmem>> -> memref<128x64xf32, #tpu.memory_space<vmem>>
        %swap3A_859 = arith.index_cast %add3A_823 : i32 to index
        %swap3A_860 = arith.constant 16 : index
        %swap3A_861 = tpu.vector_load %swap3A_858[%swap3A_859, %swap3A_860] {strides = array<i32>} : memref<128x64xf32, #tpu.memory_space<vmem>>, vector<1x16xf32>,
        %swap3A_862 = vector.shape_cast %swap3A_861 : vector<1x16xf32> to vector<16xf32>
        %swap3A_863 = vector.shape_cast %mul3A_854 : vector<16xf32> to vector<1x16xf32>
        tpu.vector_store %swap3A_858[%swap3A_859, %swap3A_860], %swap3A_863 {strides = array<i32>} : memref<128x64xf32, #tpu.memory_space<vmem>>, vector<1x16xf32>,
        %get3A_864 = arith.constant 0 : i32
        %get3A_865 = arith.constant 0 : i32
        %get3A_866 = tpu.memref_slice %arg6[%scan3A_347, %get3A_864, %get3A_865] : memref<8x128x64xf32, #tpu.memory_space<vmem>> -> memref<1x128x64xf32, #tpu.memory_space<vmem>>
        %get3A_867 = tpu.memref_squeeze %get3A_866 : memref<1x128x64xf32, #tpu.memory_space<vmem>> -> memref<128x64xf32, #tpu.memory_space<vmem>>
        %get3A_868 = arith.index_cast %add3A_823 : i32 to index
        %get3A_869 = arith.constant 32 : index
        %get3A_870 = tpu.vector_load %get3A_867[%get3A_868, %get3A_869] {strides = array<i32>} : memref<128x64xf32, #tpu.memory_space<vmem>>, vector<1x16xf32>,
        %get3A_871 = vector.shape_cast %get3A_870 : vector<1x16xf32> to vector<16xf32>
        %mul3A_872 = arith.constant 8.000000e+00 : f32
        %mul3A_873 = vector.broadcast %mul3A_872 : f32 to vector<16xf32>
        %mul3A_874 = arith.mulf %get3A_871, %mul3A_873 : vector<16xf32>
        %swap3A_875 = arith.constant 0 : i32
        %swap3A_876 = arith.constant 0 : i32
        %swap3A_877 = tpu.memref_slice %arg6[%scan3A_347, %swap3A_875, %swap3A_876] : memref<8x128x64xf32, #tpu.memory_space<vmem>> -> memref<1x128x64xf32, #tpu.memory_space<vmem>>
        %swap3A_878 = tpu.memref_squeeze %swap3A_877 : memref<1x128x64xf32, #tpu.memory_space<vmem>> -> memref<128x64xf32, #tpu.memory_space<vmem>>
        %swap3A_879 = arith.index_cast %add3A_823 : i32 to index
        %swap3A_880 = arith.constant 32 : index
        %swap3A_881 = tpu.vector_load %swap3A_878[%swap3A_879, %swap3A_880] {strides = array<i32>} : memref<128x64xf32, #tpu.memory_space<vmem>>, vector<1x16xf32>,
        %swap3A_882 = vector.shape_cast %swap3A_881 : vector<1x16xf32> to vector<16xf32>
        %swap3A_883 = vector.shape_cast %mul3A_874 : vector<16xf32> to vector<1x16xf32>
        tpu.vector_store %swap3A_878[%swap3A_879, %swap3A_880], %swap3A_883 {strides = array<i32>} : memref<128x64xf32, #tpu.memory_space<vmem>>, vector<1x16xf32>,
        %get3A_884 = arith.constant 0 : i32
        %get3A_885 = arith.constant 0 : i32
        %get3A_886 = tpu.memref_slice %arg6[%scan3A_347, %get3A_884, %get3A_885] : memref<8x128x64xf32, #tpu.memory_space<vmem>> -> memref<1x128x64xf32, #tpu.memory_space<vmem>>
        %get3A_887 = tpu.memref_squeeze %get3A_886 : memref<1x128x64xf32, #tpu.memory_space<vmem>> -> memref<128x64xf32, #tpu.memory_space<vmem>>
        %get3A_888 = arith.index_cast %add3A_823 : i32 to index
        %get3A_889 = arith.constant 48 : index
        %get3A_890 = tpu.vector_load %get3A_887[%get3A_888, %get3A_889] {strides = array<i32>} : memref<128x64xf32, #tpu.memory_space<vmem>>, vector<1x16xf32>,
        %get3A_891 = vector.shape_cast %get3A_890 : vector<1x16xf32> to vector<16xf32>
        %mul3A_892 = arith.constant 8.000000e+00 : f32
        %mul3A_893 = vector.broadcast %mul3A_892 : f32 to vector<16xf32>
        %mul3A_894 = arith.mulf %get3A_891, %mul3A_893 : vector<16xf32>
        %swap3A_895 = arith.constant 0 : i32
        %swap3A_896 = arith.constant 0 : i32
        %swap3A_897 = tpu.memref_slice %arg6[%scan3A_347, %swap3A_895, %swap3A_896] : memref<8x128x64xf32, #tpu.memory_space<vmem>> -> memref<1x128x64xf32, #tpu.memory_space<vmem>>
        %swap3A_898 = tpu.memref_squeeze %swap3A_897 : memref<1x128x64xf32, #tpu.memory_space<vmem>> -> memref<128x64xf32, #tpu.memory_space<vmem>>
        %swap3A_899 = arith.index_cast %add3A_823 : i32 to index
        %swap3A_900 = arith.constant 48 : index
        %swap3A_901 = tpu.vector_load %swap3A_898[%swap3A_899, %swap3A_900] {strides = array<i32>} : memref<128x64xf32, #tpu.memory_space<vmem>>, vector<1x16xf32>,
        %swap3A_902 = vector.shape_cast %swap3A_901 : vector<1x16xf32> to vector<16xf32>
        %swap3A_903 = vector.shape_cast %mul3A_894 : vector<16xf32> to vector<1x16xf32>
        tpu.vector_store %swap3A_898[%swap3A_899, %swap3A_900], %swap3A_903 {strides = array<i32>} : memref<128x64xf32, #tpu.memory_space<vmem>>, vector<1x16xf32>,
        %scan3A_904 = arith.constant 0 : i32
        %scan3A_905 = arith.constant 1 : i32
        %scan3A_906 = arith.addi %scan3A_736, %scan3A_905 : i32
        %mul3A_907 = arith.constant 2 : i32
        %mul3A_908 = arith.muli %scan3A_906, %mul3A_907 : i32
        %add3A_909 = arith.constant 0 : i32
        %add3A_910 = arith.addi %mul3A_908, %add3A_909 : i32
        %get3A_911 = arith.constant 0 : i32
        %get3A_912 = arith.constant 0 : i32
        %get3A_913 = tpu.memref_slice %arg6[%scan3A_347, %get3A_911, %get3A_912] : memref<8x128x64xf32, #tpu.memory_space<vmem>> -> memref<1x128x64xf32, #tpu.memory_space<vmem>>
        %get3A_914 = tpu.memref_squeeze %get3A_913 : memref<1x128x64xf32, #tpu.memory_space<vmem>> -> memref<128x64xf32, #tpu.memory_space<vmem>>
        %get3A_915 = arith.index_cast %add3A_910 : i32 to index
        %get3A_916 = arith.constant 0 : index
        %get3A_917 = tpu.vector_load %get3A_914[%get3A_915, %get3A_916] {strides = array<i32>} : memref<128x64xf32, #tpu.memory_space<vmem>>, vector<1x16xf32>,
        %get3A_918 = vector.shape_cast %get3A_917 : vector<1x16xf32> to vector<16xf32>
        %mul3A_919 = arith.constant 8.000000e+00 : f32
        %mul3A_920 = vector.broadcast %mul3A_919 : f32 to vector<16xf32>
        %mul3A_921 = arith.mulf %get3A_918, %mul3A_920 : vector<16xf32>
        %swap3A_922 = arith.constant 0 : i32
        %swap3A_923 = arith.constant 0 : i32
        %swap3A_924 = tpu.memref_slice %arg6[%scan3A_347, %swap3A_922, %swap3A_923] : memref<8x128x64xf32, #tpu.memory_space<vmem>> -> memref<1x128x64xf32, #tpu.memory_space<vmem>>
        %swap3A_925 = tpu.memref_squeeze %swap3A_924 : memref<1x128x64xf32, #tpu.memory_space<vmem>> -> memref<128x64xf32, #tpu.memory_space<vmem>>
        %swap3A_926 = arith.index_cast %add3A_910 : i32 to index
        %swap3A_927 = arith.constant 0 : index
        %swap3A_928 = tpu.vector_load %swap3A_925[%swap3A_926, %swap3A_927] {strides = array<i32>} : memref<128x64xf32, #tpu.memory_space<vmem>>, vector<1x16xf32>,
        %swap3A_929 = vector.shape_cast %swap3A_928 : vector<1x16xf32> to vector<16xf32>
        %swap3A_930 = vector.shape_cast %mul3A_921 : vector<16xf32> to vector<1x16xf32>
        tpu.vector_store %swap3A_925[%swap3A_926, %swap3A_927], %swap3A_930 {strides = array<i32>} : memref<128x64xf32, #tpu.memory_space<vmem>>, vector<1x16xf32>,
        %get3A_931 = arith.constant 0 : i32
        %get3A_932 = arith.constant 0 : i32
        %get3A_933 = tpu.memref_slice %arg6[%scan3A_347, %get3A_931, %get3A_932] : memref<8x128x64xf32, #tpu.memory_space<vmem>> -> memref<1x128x64xf32, #tpu.memory_space<vmem>>
        %get3A_934 = tpu.memref_squeeze %get3A_933 : memref<1x128x64xf32, #tpu.memory_space<vmem>> -> memref<128x64xf32, #tpu.memory_space<vmem>>
        %get3A_935 = arith.index_cast %add3A_910 : i32 to index
        %get3A_936 = arith.constant 16 : index
        %get3A_937 = tpu.vector_load %get3A_934[%get3A_935, %get3A_936] {strides = array<i32>} : memref<128x64xf32, #tpu.memory_space<vmem>>, vector<1x16xf32>,
        %get3A_938 = vector.shape_cast %get3A_937 : vector<1x16xf32> to vector<16xf32>
        %mul3A_939 = arith.constant 8.000000e+00 : f32
        %mul3A_940 = vector.broadcast %mul3A_939 : f32 to vector<16xf32>
        %mul3A_941 = arith.mulf %get3A_938, %mul3A_940 : vector<16xf32>
        %swap3A_942 = arith.constant 0 : i32
        %swap3A_943 = arith.constant 0 : i32
        %swap3A_944 = tpu.memref_slice %arg6[%scan3A_347, %swap3A_942, %swap3A_943] : memref<8x128x64xf32, #tpu.memory_space<vmem>> -> memref<1x128x64xf32, #tpu.memory_space<vmem>>
        %swap3A_945 = tpu.memref_squeeze %swap3A_944 : memref<1x128x64xf32, #tpu.memory_space<vmem>> -> memref<128x64xf32, #tpu.memory_space<vmem>>
        %swap3A_946 = arith.index_cast %add3A_910 : i32 to index
        %swap3A_947 = arith.constant 16 : index
        %swap3A_948 = tpu.vector_load %swap3A_945[%swap3A_946, %swap3A_947] {strides = array<i32>} : memref<128x64xf32, #tpu.memory_space<vmem>>, vector<1x16xf32>,
        %swap3A_949 = vector.shape_cast %swap3A_948 : vector<1x16xf32> to vector<16xf32>
        %swap3A_950 = vector.shape_cast %mul3A_941 : vector<16xf32> to vector<1x16xf32>
        tpu.vector_store %swap3A_945[%swap3A_946, %swap3A_947], %swap3A_950 {strides = array<i32>} : memref<128x64xf32, #tpu.memory_space<vmem>>, vector<1x16xf32>,
        %get3A_951 = arith.constant 0 : i32
        %get3A_952 = arith.constant 0 : i32
        %get3A_953 = tpu.memref_slice %arg6[%scan3A_347, %get3A_951, %get3A_952] : memref<8x128x64xf32, #tpu.memory_space<vmem>> -> memref<1x128x64xf32, #tpu.memory_space<vmem>>
        %get3A_954 = tpu.memref_squeeze %get3A_953 : memref<1x128x64xf32, #tpu.memory_space<vmem>> -> memref<128x64xf32, #tpu.memory_space<vmem>>
        %get3A_955 = arith.index_cast %add3A_910 : i32 to index
        %get3A_956 = arith.constant 32 : index
        %get3A_957 = tpu.vector_load %get3A_954[%get3A_955, %get3A_956] {strides = array<i32>} : memref<128x64xf32, #tpu.memory_space<vmem>>, vector<1x16xf32>,
        %get3A_958 = vector.shape_cast %get3A_957 : vector<1x16xf32> to vector<16xf32>
        %mul3A_959 = arith.constant 8.000000e+00 : f32
        %mul3A_960 = vector.broadcast %mul3A_959 : f32 to vector<16xf32>
        %mul3A_961 = arith.mulf %get3A_958, %mul3A_960 : vector<16xf32>
        %swap3A_962 = arith.constant 0 : i32
        %swap3A_963 = arith.constant 0 : i32
        %swap3A_964 = tpu.memref_slice %arg6[%scan3A_347, %swap3A_962, %swap3A_963] : memref<8x128x64xf32, #tpu.memory_space<vmem>> -> memref<1x128x64xf32, #tpu.memory_space<vmem>>
        %swap3A_965 = tpu.memref_squeeze %swap3A_964 : memref<1x128x64xf32, #tpu.memory_space<vmem>> -> memref<128x64xf32, #tpu.memory_space<vmem>>
        %swap3A_966 = arith.index_cast %add3A_910 : i32 to index
        %swap3A_967 = arith.constant 32 : index
        %swap3A_968 = tpu.vector_load %swap3A_965[%swap3A_966, %swap3A_967] {strides = array<i32>} : memref<128x64xf32, #tpu.memory_space<vmem>>, vector<1x16xf32>,
        %swap3A_969 = vector.shape_cast %swap3A_968 : vector<1x16xf32> to vector<16xf32>
        %swap3A_970 = vector.shape_cast %mul3A_961 : vector<16xf32> to vector<1x16xf32>
        tpu.vector_store %swap3A_965[%swap3A_966, %swap3A_967], %swap3A_970 {strides = array<i32>} : memref<128x64xf32, #tpu.memory_space<vmem>>, vector<1x16xf32>,
        %get3A_971 = arith.constant 0 : i32
        %get3A_972 = arith.constant 0 : i32
        %get3A_973 = tpu.memref_slice %arg6[%scan3A_347, %get3A_971, %get3A_972] : memref<8x128x64xf32, #tpu.memory_space<vmem>> -> memref<1x128x64xf32, #tpu.memory_space<vmem>>
        %get3A_974 = tpu.memref_squeeze %get3A_973 : memref<1x128x64xf32, #tpu.memory_space<vmem>> -> memref<128x64xf32, #tpu.memory_space<vmem>>
        %get3A_975 = arith.index_cast %add3A_910 : i32 to index
        %get3A_976 = arith.constant 48 : index
        %get3A_977 = tpu.vector_load %get3A_974[%get3A_975, %get3A_976] {strides = array<i32>} : memref<128x64xf32, #tpu.memory_space<vmem>>, vector<1x16xf32>,
        %get3A_978 = vector.shape_cast %get3A_977 : vector<1x16xf32> to vector<16xf32>
        %mul3A_979 = arith.constant 8.000000e+00 : f32
        %mul3A_980 = vector.broadcast %mul3A_979 : f32 to vector<16xf32>
        %mul3A_981 = arith.mulf %get3A_978, %mul3A_980 : vector<16xf32>
        %swap3A_982 = arith.constant 0 : i32
        %swap3A_983 = arith.constant 0 : i32
        %swap3A_984 = tpu.memref_slice %arg6[%scan3A_347, %swap3A_982, %swap3A_983] : memref<8x128x64xf32, #tpu.memory_space<vmem>> -> memref<1x128x64xf32, #tpu.memory_space<vmem>>
        %swap3A_985 = tpu.memref_squeeze %swap3A_984 : memref<1x128x64xf32, #tpu.memory_space<vmem>> -> memref<128x64xf32, #tpu.memory_space<vmem>>
        %swap3A_986 = arith.index_cast %add3A_910 : i32 to index
        %swap3A_987 = arith.constant 48 : index
        %swap3A_988 = tpu.vector_load %swap3A_985[%swap3A_986, %swap3A_987] {strides = array<i32>} : memref<128x64xf32, #tpu.memory_space<vmem>>, vector<1x16xf32>,
        %swap3A_989 = vector.shape_cast %swap3A_988 : vector<1x16xf32> to vector<16xf32>
        %swap3A_990 = vector.shape_cast %mul3A_981 : vector<16xf32> to vector<1x16xf32>
        tpu.vector_store %swap3A_985[%swap3A_986, %swap3A_987], %swap3A_990 {strides = array<i32>} : memref<128x64xf32, #tpu.memory_space<vmem>>, vector<1x16xf32>,
        %mul3A_991 = arith.constant 2 : i32
        %mul3A_992 = arith.muli %scan3A_906, %mul3A_991 : i32
        %add3A_993 = arith.constant 1 : i32
        %add3A_994 = arith.addi %mul3A_992, %add3A_993 : i32
        %get3A_995 = arith.constant 0 : i32
        %get3A_996 = arith.constant 0 : i32
        %get3A_997 = tpu.memref_slice %arg6[%scan3A_347, %get3A_995, %get3A_996] : memref<8x128x64xf32, #tpu.memory_space<vmem>> -> memref<1x128x64xf32, #tpu.memory_space<vmem>>
        %get3A_998 = tpu.memref_squeeze %get3A_997 : memref<1x128x64xf32, #tpu.memory_space<vmem>> -> memref<128x64xf32, #tpu.memory_space<vmem>>
        %get3A_999 = arith.index_cast %add3A_994 : i32 to index
        %get3A_1000 = arith.constant 0 : index
        %get3A_1001 = tpu.vector_load %get3A_998[%get3A_999, %get3A_1000] {strides = array<i32>} : memref<128x64xf32, #tpu.memory_space<vmem>>, vector<1x16xf32>,
        %get3A_1002 = vector.shape_cast %get3A_1001 : vector<1x16xf32> to vector<16xf32>
        %mul3A_1003 = arith.constant 8.000000e+00 : f32
        %mul3A_1004 = vector.broadcast %mul3A_1003 : f32 to vector<16xf32>
        %mul3A_1005 = arith.mulf %get3A_1002, %mul3A_1004 : vector<16xf32>
        %swap3A_1006 = arith.constant 0 : i32
        %swap3A_1007 = arith.constant 0 : i32
        %swap3A_1008 = tpu.memref_slice %arg6[%scan3A_347, %swap3A_1006, %swap3A_1007] : memref<8x128x64xf32, #tpu.memory_space<vmem>> -> memref<1x128x64xf32, #tpu.memory_space<vmem>>
        %swap3A_1009 = tpu.memref_squeeze %swap3A_1008 : memref<1x128x64xf32, #tpu.memory_space<vmem>> -> memref<128x64xf32, #tpu.memory_space<vmem>>
        %swap3A_1010 = arith.index_cast %add3A_994 : i32 to index
        %swap3A_1011 = arith.constant 0 : index
        %swap3A_1012 = tpu.vector_load %swap3A_1009[%swap3A_1010, %swap3A_1011] {strides = array<i32>} : memref<128x64xf32, #tpu.memory_space<vmem>>, vector<1x16xf32>,
        %swap3A_1013 = vector.shape_cast %swap3A_1012 : vector<1x16xf32> to vector<16xf32>
        %swap3A_1014 = vector.shape_cast %mul3A_1005 : vector<16xf32> to vector<1x16xf32>
        tpu.vector_store %swap3A_1009[%swap3A_1010, %swap3A_1011], %swap3A_1014 {strides = array<i32>} : memref<128x64xf32, #tpu.memory_space<vmem>>, vector<1x16xf32>,
        %get3A_1015 = arith.constant 0 : i32
        %get3A_1016 = arith.constant 0 : i32
        %get3A_1017 = tpu.memref_slice %arg6[%scan3A_347, %get3A_1015, %get3A_1016] : memref<8x128x64xf32, #tpu.memory_space<vmem>> -> memref<1x128x64xf32, #tpu.memory_space<vmem>>
        %get3A_1018 = tpu.memref_squeeze %get3A_1017 : memref<1x128x64xf32, #tpu.memory_space<vmem>> -> memref<128x64xf32, #tpu.memory_space<vmem>>
        %get3A_1019 = arith.index_cast %add3A_994 : i32 to index
        %get3A_1020 = arith.constant 16 : index
        %get3A_1021 = tpu.vector_load %get3A_1018[%get3A_1019, %get3A_1020] {strides = array<i32>} : memref<128x64xf32, #tpu.memory_space<vmem>>, vector<1x16xf32>,
        %get3A_1022 = vector.shape_cast %get3A_1021 : vector<1x16xf32> to vector<16xf32>
        %mul3A_1023 = arith.constant 8.000000e+00 : f32
        %mul3A_1024 = vector.broadcast %mul3A_1023 : f32 to vector<16xf32>
        %mul3A_1025 = arith.mulf %get3A_1022, %mul3A_1024 : vector<16xf32>
        %swap3A_1026 = arith.constant 0 : i32
        %swap3A_1027 = arith.constant 0 : i32
        %swap3A_1028 = tpu.memref_slice %arg6[%scan3A_347, %swap3A_1026, %swap3A_1027] : memref<8x128x64xf32, #tpu.memory_space<vmem>> -> memref<1x128x64xf32, #tpu.memory_space<vmem>>
        %swap3A_1029 = tpu.memref_squeeze %swap3A_1028 : memref<1x128x64xf32, #tpu.memory_space<vmem>> -> memref<128x64xf32, #tpu.memory_space<vmem>>
        %swap3A_1030 = arith.index_cast %add3A_994 : i32 to index
        %swap3A_1031 = arith.constant 16 : index
        %swap3A_1032 = tpu.vector_load %swap3A_1029[%swap3A_1030, %swap3A_1031] {strides = array<i32>} : memref<128x64xf32, #tpu.memory_space<vmem>>, vector<1x16xf32>,
        %swap3A_1033 = vector.shape_cast %swap3A_1032 : vector<1x16xf32> to vector<16xf32>
        %swap3A_1034 = vector.shape_cast %mul3A_1025 : vector<16xf32> to vector<1x16xf32>
        tpu.vector_store %swap3A_1029[%swap3A_1030, %swap3A_1031], %swap3A_1034 {strides = array<i32>} : memref<128x64xf32, #tpu.memory_space<vmem>>, vector<1x16xf32>,
        %get3A_1035 = arith.constant 0 : i32
        %get3A_1036 = arith.constant 0 : i32
        %get3A_1037 = tpu.memref_slice %arg6[%scan3A_347, %get3A_1035, %get3A_1036] : memref<8x128x64xf32, #tpu.memory_space<vmem>> -> memref<1x128x64xf32, #tpu.memory_space<vmem>>
        %get3A_1038 = tpu.memref_squeeze %get3A_1037 : memref<1x128x64xf32, #tpu.memory_space<vmem>> -> memref<128x64xf32, #tpu.memory_space<vmem>>
        %get3A_1039 = arith.index_cast %add3A_994 : i32 to index
        %get3A_1040 = arith.constant 32 : index
        %get3A_1041 = tpu.vector_load %get3A_1038[%get3A_1039, %get3A_1040] {strides = array<i32>} : memref<128x64xf32, #tpu.memory_space<vmem>>, vector<1x16xf32>,
        %get3A_1042 = vector.shape_cast %get3A_1041 : vector<1x16xf32> to vector<16xf32>
        %mul3A_1043 = arith.constant 8.000000e+00 : f32
        %mul3A_1044 = vector.broadcast %mul3A_1043 : f32 to vector<16xf32>
        %mul3A_1045 = arith.mulf %get3A_1042, %mul3A_1044 : vector<16xf32>
        %swap3A_1046 = arith.constant 0 : i32
        %swap3A_1047 = arith.constant 0 : i32
        %swap3A_1048 = tpu.memref_slice %arg6[%scan3A_347, %swap3A_1046, %swap3A_1047] : memref<8x128x64xf32, #tpu.memory_space<vmem>> -> memref<1x128x64xf32, #tpu.memory_space<vmem>>
        %swap3A_1049 = tpu.memref_squeeze %swap3A_1048 : memref<1x128x64xf32, #tpu.memory_space<vmem>> -> memref<128x64xf32, #tpu.memory_space<vmem>>
        %swap3A_1050 = arith.index_cast %add3A_994 : i32 to index
        %swap3A_1051 = arith.constant 32 : index
        %swap3A_1052 = tpu.vector_load %swap3A_1049[%swap3A_1050, %swap3A_1051] {strides = array<i32>} : memref<128x64xf32, #tpu.memory_space<vmem>>, vector<1x16xf32>,
        %swap3A_1053 = vector.shape_cast %swap3A_1052 : vector<1x16xf32> to vector<16xf32>
        %swap3A_1054 = vector.shape_cast %mul3A_1045 : vector<16xf32> to vector<1x16xf32>
        tpu.vector_store %swap3A_1049[%swap3A_1050, %swap3A_1051], %swap3A_1054 {strides = array<i32>} : memref<128x64xf32, #tpu.memory_space<vmem>>, vector<1x16xf32>,
        %get3A_1055 = arith.constant 0 : i32
        %get3A_1056 = arith.constant 0 : i32
        %get3A_1057 = tpu.memref_slice %arg6[%scan3A_347, %get3A_1055, %get3A_1056] : memref<8x128x64xf32, #tpu.memory_space<vmem>> -> memref<1x128x64xf32, #tpu.memory_space<vmem>>
        %get3A_1058 = tpu.memref_squeeze %get3A_1057 : memref<1x128x64xf32, #tpu.memory_space<vmem>> -> memref<128x64xf32, #tpu.memory_space<vmem>>
        %get3A_1059 = arith.index_cast %add3A_994 : i32 to index
        %get3A_1060 = arith.constant 48 : index
        %get3A_1061 = tpu.vector_load %get3A_1058[%get3A_1059, %get3A_1060] {strides = array<i32>} : memref<128x64xf32, #tpu.memory_space<vmem>>, vector<1x16xf32>,
        %get3A_1062 = vector.shape_cast %get3A_1061 : vector<1x16xf32> to vector<16xf32>
        %mul3A_1063 = arith.constant 8.000000e+00 : f32
        %mul3A_1064 = vector.broadcast %mul3A_1063 : f32 to vector<16xf32>
        %mul3A_1065 = arith.mulf %get3A_1062, %mul3A_1064 : vector<16xf32>
        %swap3A_1066 = arith.constant 0 : i32
        %swap3A_1067 = arith.constant 0 : i32
        %swap3A_1068 = tpu.memref_slice %arg6[%scan3A_347, %swap3A_1066, %swap3A_1067] : memref<8x128x64xf32, #tpu.memory_space<vmem>> -> memref<1x128x64xf32, #tpu.memory_space<vmem>>
        %swap3A_1069 = tpu.memref_squeeze %swap3A_1068 : memref<1x128x64xf32, #tpu.memory_space<vmem>> -> memref<128x64xf32, #tpu.memory_space<vmem>>
        %swap3A_1070 = arith.index_cast %add3A_994 : i32 to index
        %swap3A_1071 = arith.constant 48 : index
        %swap3A_1072 = tpu.vector_load %swap3A_1069[%swap3A_1070, %swap3A_1071] {strides = array<i32>} : memref<128x64xf32, #tpu.memory_space<vmem>>, vector<1x16xf32>,
        %swap3A_1073 = vector.shape_cast %swap3A_1072 : vector<1x16xf32> to vector<16xf32>
        %swap3A_1074 = vector.shape_cast %mul3A_1065 : vector<16xf32> to vector<1x16xf32>
        tpu.vector_store %swap3A_1069[%swap3A_1070, %swap3A_1071], %swap3A_1074 {strides = array<i32>} : memref<128x64xf32, #tpu.memory_space<vmem>>, vector<1x16xf32>,
        %scan3A_1075 = arith.constant 0 : i32
        scf.yield %scan3A_1075 : i32
      }
      %scan3A_354 = arith.constant 64 : i32
      %add3A_355 = arith.addi %mul3A_2, %scan3A_273 : i32
      %rem3A_356 = arith.constant 32 : i32
      %rem3A_357 = arith.remsi %add3A_355, %rem3A_356 : i32
      %div3A_358 = arith.constant 32 : i32
      %div3A_359 = arith.divsi %add3A_355, %div3A_358 : i32
      %mul3A_360 = arith.constant 4 : i32
      %mul3A_361 = arith.muli %div3A_359, %mul3A_360 : i32
      %add3A_362 = arith.constant 0 : i32
      %add3A_363 = arith.addi %mul3A_361, %add3A_362 : i32
      %mul3A_364 = arith.constant 128 : i32
      %mul3A_365 = arith.muli %rem3A_357, %mul3A_364 : i32
      %dma_start3A_366 = arith.constant 1 : i32
      %dma_start3A_367 = arith.constant 0 : i32
      %dma_start3A_368 = arith.constant 0 : i32
      %dma_start3A_369 = tpu.memref_slice %arg6[%dma_start3A_366, %dma_start3A_367, %dma_start3A_368] : memref<8x128x64xf32, #tpu.memory_space<vmem>> -> memref<1x128x64xf32, #tpu.memory_space<vmem>>
      %dma_start3A_370 = tpu.memref_squeeze %dma_start3A_369 : memref<1x128x64xf32, #tpu.memory_space<vmem>> -> memref<128x64xf32, #tpu.memory_space<vmem>>
      %dma_start3A_371 = arith.constant 64 : i32
      %dma_start3A_372 = tpu.memref_slice %arg4[%add3A_363, %mul3A_365, %dma_start3A_371] : memref<100x4096x128xf32, #tpu.memory_space<hbm>> -> memref<1x128x64xf32, #tpu.memory_space<hbm>>
      %dma_start3A_373 = tpu.memref_squeeze %dma_start3A_372 : memref<1x128x64xf32, #tpu.memory_space<hbm>> -> memref<128x64xf32, #tpu.memory_space<hbm>>
      %dma_start3A_374 = arith.constant 64 : i32
      %dma_start3A_375 = tpu.memref_slice %arg4[%add3A_363, %mul3A_365, %dma_start3A_374] : memref<100x4096x128xf32, #tpu.memory_space<hbm>> -> memref<1x128x64xf32, #tpu.memory_space<hbm>>
      %dma_start3A_376 = tpu.memref_squeeze %dma_start3A_375 : memref<1x128x64xf32, #tpu.memory_space<hbm>> -> memref<128x64xf32, #tpu.memory_space<hbm>>
      %dma_start3A_377 = arith.constant 0 : i32
      %dma_start3A_378 = arith.constant 0 : i32
      %dma_start3A_379 = tpu.memref_slice %arg6[%dma_start3A_366, %dma_start3A_377, %dma_start3A_378] : memref<8x128x64xf32, #tpu.memory_space<vmem>> -> memref<1x128x64xf32, #tpu.memory_space<vmem>>
      %dma_start3A_380 = tpu.memref_squeeze %dma_start3A_379 : memref<1x128x64xf32, #tpu.memory_space<vmem>> -> memref<128x64xf32, #tpu.memory_space<vmem>>
      tpu.enqueue_dma source(%dma_start3A_380 : memref<128x64xf32, #tpu.memory_space<vmem>>) target(%dma_start3A_376 : memref<128x64xf32, #tpu.memory_space<hbm>>) target_semaphore(%arg16 : memref<!tpu.dma_semaphore, #tpu.memory_space<semaphore_mem>>)
      %ge3A_381 = arith.constant 1 : i32
      %ge3A_382 = arith.cmpi sge, %scan3A_273, %ge3A_381 : i32
      %convert_element_type3A_383 = arith.extui %ge3A_382 : i1 to i32
      %cond3A_384 = arith.constant 0 : i32
      %cond3A_385 = arith.cmpi ne, %convert_element_type3A_383, %cond3A_384 : i32
      scf.if %cond3A_385 {
        %sub3A = arith.constant 1 : i32
        %sub3A_736 = arith.subi %scan3A_273, %sub3A : i32
        %add3A_737 = arith.addi %mul3A_2, %sub3A_736 : i32
        %rem3A_738 = arith.constant 32 : i32
        %rem3A_739 = arith.remsi %add3A_737, %rem3A_738 : i32
        %div3A_740 = arith.constant 32 : i32
        %div3A_741 = arith.divsi %add3A_737, %div3A_740 : i32
        %mul3A_742 = arith.constant 4 : i32
        %mul3A_743 = arith.muli %div3A_741, %mul3A_742 : i32
        %add3A_744 = arith.constant 2 : i32
        %add3A_745 = arith.addi %mul3A_743, %add3A_744 : i32
        %mul3A_746 = arith.constant 128 : i32
        %mul3A_747 = arith.muli %rem3A_739, %mul3A_746 : i32
        %dma_wait3A_748 = arith.constant 5 : i32
        %dma_wait3A_749 = arith.constant 0 : i32
        %dma_wait3A_750 = arith.constant 0 : i32
        %dma_wait3A_751 = tpu.memref_slice %arg6[%dma_wait3A_748, %dma_wait3A_749, %dma_wait3A_750] : memref<8x128x64xf32, #tpu.memory_space<vmem>> -> memref<1x128x64xf32, #tpu.memory_space<vmem>>
        %dma_wait3A_752 = tpu.memref_squeeze %dma_wait3A_751 : memref<1x128x64xf32, #tpu.memory_space<vmem>> -> memref<128x64xf32, #tpu.memory_space<vmem>>
        %dma_wait3A_753 = arith.constant 64 : i32
        %dma_wait3A_754 = tpu.memref_slice %arg4[%add3A_745, %mul3A_747, %dma_wait3A_753] : memref<100x4096x128xf32, #tpu.memory_space<hbm>> -> memref<1x128x64xf32, #tpu.memory_space<hbm>>
        %dma_wait3A_755 = tpu.memref_squeeze %dma_wait3A_754 : memref<1x128x64xf32, #tpu.memory_space<hbm>> -> memref<128x64xf32, #tpu.memory_space<hbm>>
        %dma_wait3A_756 = arith.constant 64 : i32
        %dma_wait3A_757 = tpu.memref_slice %arg4[%add3A_745, %mul3A_747, %dma_wait3A_756] : memref<100x4096x128xf32, #tpu.memory_space<hbm>> -> memref<1x128x64xf32, #tpu.memory_space<hbm>>
        %dma_wait3A_758 = tpu.memref_squeeze %dma_wait3A_757 : memref<1x128x64xf32, #tpu.memory_space<hbm>> -> memref<128x64xf32, #tpu.memory_space<hbm>>
        %dma_wait3A_759 = arith.constant 0 : i32
        %dma_wait3A_760 = arith.constant 0 : i32
        %dma_wait3A_761 = tpu.memref_slice %arg6[%dma_wait3A_748, %dma_wait3A_759, %dma_wait3A_760] : memref<8x128x64xf32, #tpu.memory_space<vmem>> -> memref<1x128x64xf32, #tpu.memory_space<vmem>>
        %dma_wait3A_762 = tpu.memref_squeeze %dma_wait3A_761 : memref<1x128x64xf32, #tpu.memory_space<vmem>> -> memref<128x64xf32, #tpu.memory_space<vmem>>
        tpu.wait_dma2 semaphore(%arg20 : memref<!tpu.dma_semaphore, #tpu.memory_space<semaphore_mem>>) src(%dma_wait3A_762 : memref<128x64xf32, #tpu.memory_space<vmem>>) dst(%dma_wait3A_758 : memref<128x64xf32, #tpu.memory_space<hbm>>)
      } else {
      }
      %dma_start3A_386 = arith.constant 5 : i32
      %dma_start3A_387 = arith.constant 5 : i32
      %dma_start3A_388 = arith.constant 0 : i32
      %dma_start3A_389 = arith.constant 0 : i32
      %dma_start3A_390 = tpu.memref_slice %arg6[%dma_start3A_387, %dma_start3A_388, %dma_start3A_389] : memref<8x128x64xf32, #tpu.memory_space<vmem>> -> memref<1x128x64xf32, #tpu.memory_space<vmem>>
      %dma_start3A_391 = tpu.memref_squeeze %dma_start3A_390 : memref<1x128x64xf32, #tpu.memory_space<vmem>> -> memref<128x64xf32, #tpu.memory_space<vmem>>
      %dma_start3A_392 = arith.constant 0 : i32
      %dma_start3A_393 = tpu.memref_slice %arg5[%scan3A_273, %dma_start3A_386, %dma_start3A_392] : memref<25x8x128xi32, #tpu.memory_space<vmem>> -> memref<1x1x128xi32, #tpu.memory_space<vmem>>
      %dma_start3A_394 = tpu.memref_squeeze %dma_start3A_393 : memref<1x1x128xi32, #tpu.memory_space<vmem>> -> memref<128xi32, #tpu.memory_space<vmem>>
      %dma_start3A_395 = arith.constant 0 : i32
      %dma_start3A_396 = arith.constant 0 : i32
      %dma_start3A_397 = tpu.memref_slice %arg3[%dma_start3A_395, %dma_start3A_396] : memref<1000000x64xf32, #tpu.memory_space<hbm>> -> memref<1000000x64xf32, #tpu.memory_space<hbm>>
      tpu.enqueue_indirect_dma source(%dma_start3A_397 : memref<1000000x64xf32, #tpu.memory_space<hbm>>) target(%dma_start3A_391 : memref<128x64xf32, #tpu.memory_space<vmem>>) offsets(%dma_start3A_394 : memref<128xi32, #tpu.memory_space<vmem>>) semaphore(%arg12 : memref<!tpu.dma_semaphore, #tpu.memory_space<semaphore_mem>>)
      %dma_wait3A_398 = arith.constant 2 : i32
      %dma_wait3A_399 = arith.constant 2 : i32
      %dma_wait3A_400 = arith.constant 0 : i32
      %dma_wait3A_401 = arith.constant 0 : i32
      %dma_wait3A_402 = tpu.memref_slice %arg6[%dma_wait3A_399, %dma_wait3A_400, %dma_wait3A_401] : memref<8x128x64xf32, #tpu.memory_space<vmem>> -> memref<1x128x64xf32, #tpu.memory_space<vmem>>
      %dma_wait3A_403 = tpu.memref_squeeze %dma_wait3A_402 : memref<1x128x64xf32, #tpu.memory_space<vmem>> -> memref<128x64xf32, #tpu.memory_space<vmem>>
      %dma_wait3A_404 = arith.constant 0 : i32
      %dma_wait3A_405 = tpu.memref_slice %arg5[%scan3A_273, %dma_wait3A_398, %dma_wait3A_404] : memref<25x8x128xi32, #tpu.memory_space<vmem>> -> memref<1x1x128xi32, #tpu.memory_space<vmem>>
      %dma_wait3A_406 = tpu.memref_squeeze %dma_wait3A_405 : memref<1x1x128xi32, #tpu.memory_space<vmem>> -> memref<128xi32, #tpu.memory_space<vmem>>
      %dma_wait3A_407 = arith.constant 0 : i32
      %dma_wait3A_408 = arith.constant 0 : i32
      %dma_wait3A_409 = tpu.memref_slice %arg3[%dma_wait3A_407, %dma_wait3A_408] : memref<1000000x64xf32, #tpu.memory_space<hbm>> -> memref<1000000x64xf32, #tpu.memory_space<hbm>>
      tpu.wait_indirect_dma semaphore(%arg9 : memref<!tpu.dma_semaphore, #tpu.memory_space<semaphore_mem>>) src(%dma_wait3A_409 : memref<1000000x64xf32, #tpu.memory_space<hbm>>) dst(%dma_wait3A_403 : memref<128x64xf32, #tpu.memory_space<vmem>>)
      %scan3A_410 = arith.constant 2 : i32
      %scan3A_411 = arith.constant 0 : i32
      %scan3A_412 = arith.constant 0 : i32
      %scan3A_413 = arith.constant 64 : i32
      %scan3A_414 = arith.addi %scan3A_412, %scan3A_413 : i32
      %scan3A_415 = arith.constant 2 : i32
      %scan3A_416 = scf.for %scan3A_736 = %scan3A_412 to %scan3A_414 step %scan3A_415 iter_args(%scan3A_737 = %scan3A_411) -> (i32)  : i32 {
        %mul3A_738 = arith.constant 2 : i32
        %mul3A_739 = arith.muli %scan3A_736, %mul3A_738 : i32
        %add3A_740 = arith.constant 0 : i32
        %add3A_741 = arith.addi %mul3A_739, %add3A_740 : i32
        %get3A = arith.constant 0 : i32
        %get3A_742 = arith.constant 0 : i32
        %get3A_743 = tpu.memref_slice %arg6[%scan3A_410, %get3A, %get3A_742] : memref<8x128x64xf32, #tpu.memory_space<vmem>> -> memref<1x128x64xf32, #tpu.memory_space<vmem>>
        %get3A_744 = tpu.memref_squeeze %get3A_743 : memref<1x128x64xf32, #tpu.memory_space<vmem>> -> memref<128x64xf32, #tpu.memory_space<vmem>>
        %get3A_745 = arith.index_cast %add3A_741 : i32 to index
        %get3A_746 = arith.constant 0 : index
        %get3A_747 = tpu.vector_load %get3A_744[%get3A_745, %get3A_746] {strides = array<i32>} : memref<128x64xf32, #tpu.memory_space<vmem>>, vector<1x16xf32>,
        %get3A_748 = vector.shape_cast %get3A_747 : vector<1x16xf32> to vector<16xf32>
        %mul3A_749 = arith.constant 8.000000e+00 : f32
        %mul3A_750 = vector.broadcast %mul3A_749 : f32 to vector<16xf32>
        %mul3A_751 = arith.mulf %get3A_748, %mul3A_750 : vector<16xf32>
        %swap3A = arith.constant 0 : i32
        %swap3A_752 = arith.constant 0 : i32
        %swap3A_753 = tpu.memref_slice %arg6[%scan3A_410, %swap3A, %swap3A_752] : memref<8x128x64xf32, #tpu.memory_space<vmem>> -> memref<1x128x64xf32, #tpu.memory_space<vmem>>
        %swap3A_754 = tpu.memref_squeeze %swap3A_753 : memref<1x128x64xf32, #tpu.memory_space<vmem>> -> memref<128x64xf32, #tpu.memory_space<vmem>>
        %swap3A_755 = arith.index_cast %add3A_741 : i32 to index
        %swap3A_756 = arith.constant 0 : index
        %swap3A_757 = tpu.vector_load %swap3A_754[%swap3A_755, %swap3A_756] {strides = array<i32>} : memref<128x64xf32, #tpu.memory_space<vmem>>, vector<1x16xf32>,
        %swap3A_758 = vector.shape_cast %swap3A_757 : vector<1x16xf32> to vector<16xf32>
        %swap3A_759 = vector.shape_cast %mul3A_751 : vector<16xf32> to vector<1x16xf32>
        tpu.vector_store %swap3A_754[%swap3A_755, %swap3A_756], %swap3A_759 {strides = array<i32>} : memref<128x64xf32, #tpu.memory_space<vmem>>, vector<1x16xf32>,
        %get3A_760 = arith.constant 0 : i32
        %get3A_761 = arith.constant 0 : i32
        %get3A_762 = tpu.memref_slice %arg6[%scan3A_410, %get3A_760, %get3A_761] : memref<8x128x64xf32, #tpu.memory_space<vmem>> -> memref<1x128x64xf32, #tpu.memory_space<vmem>>
        %get3A_763 = tpu.memref_squeeze %get3A_762 : memref<1x128x64xf32, #tpu.memory_space<vmem>> -> memref<128x64xf32, #tpu.memory_space<vmem>>
        %get3A_764 = arith.index_cast %add3A_741 : i32 to index
        %get3A_765 = arith.constant 16 : index
        %get3A_766 = tpu.vector_load %get3A_763[%get3A_764, %get3A_765] {strides = array<i32>} : memref<128x64xf32, #tpu.memory_space<vmem>>, vector<1x16xf32>,
        %get3A_767 = vector.shape_cast %get3A_766 : vector<1x16xf32> to vector<16xf32>
        %mul3A_768 = arith.constant 8.000000e+00 : f32
        %mul3A_769 = vector.broadcast %mul3A_768 : f32 to vector<16xf32>
        %mul3A_770 = arith.mulf %get3A_767, %mul3A_769 : vector<16xf32>
        %swap3A_771 = arith.constant 0 : i32
        %swap3A_772 = arith.constant 0 : i32
        %swap3A_773 = tpu.memref_slice %arg6[%scan3A_410, %swap3A_771, %swap3A_772] : memref<8x128x64xf32, #tpu.memory_space<vmem>> -> memref<1x128x64xf32, #tpu.memory_space<vmem>>
        %swap3A_774 = tpu.memref_squeeze %swap3A_773 : memref<1x128x64xf32, #tpu.memory_space<vmem>> -> memref<128x64xf32, #tpu.memory_space<vmem>>
        %swap3A_775 = arith.index_cast %add3A_741 : i32 to index
        %swap3A_776 = arith.constant 16 : index
        %swap3A_777 = tpu.vector_load %swap3A_774[%swap3A_775, %swap3A_776] {strides = array<i32>} : memref<128x64xf32, #tpu.memory_space<vmem>>, vector<1x16xf32>,
        %swap3A_778 = vector.shape_cast %swap3A_777 : vector<1x16xf32> to vector<16xf32>
        %swap3A_779 = vector.shape_cast %mul3A_770 : vector<16xf32> to vector<1x16xf32>
        tpu.vector_store %swap3A_774[%swap3A_775, %swap3A_776], %swap3A_779 {strides = array<i32>} : memref<128x64xf32, #tpu.memory_space<vmem>>, vector<1x16xf32>,
        %get3A_780 = arith.constant 0 : i32
        %get3A_781 = arith.constant 0 : i32
        %get3A_782 = tpu.memref_slice %arg6[%scan3A_410, %get3A_780, %get3A_781] : memref<8x128x64xf32, #tpu.memory_space<vmem>> -> memref<1x128x64xf32, #tpu.memory_space<vmem>>
        %get3A_783 = tpu.memref_squeeze %get3A_782 : memref<1x128x64xf32, #tpu.memory_space<vmem>> -> memref<128x64xf32, #tpu.memory_space<vmem>>
        %get3A_784 = arith.index_cast %add3A_741 : i32 to index
        %get3A_785 = arith.constant 32 : index
        %get3A_786 = tpu.vector_load %get3A_783[%get3A_784, %get3A_785] {strides = array<i32>} : memref<128x64xf32, #tpu.memory_space<vmem>>, vector<1x16xf32>,
        %get3A_787 = vector.shape_cast %get3A_786 : vector<1x16xf32> to vector<16xf32>
        %mul3A_788 = arith.constant 8.000000e+00 : f32
        %mul3A_789 = vector.broadcast %mul3A_788 : f32 to vector<16xf32>
        %mul3A_790 = arith.mulf %get3A_787, %mul3A_789 : vector<16xf32>
        %swap3A_791 = arith.constant 0 : i32
        %swap3A_792 = arith.constant 0 : i32
        %swap3A_793 = tpu.memref_slice %arg6[%scan3A_410, %swap3A_791, %swap3A_792] : memref<8x128x64xf32, #tpu.memory_space<vmem>> -> memref<1x128x64xf32, #tpu.memory_space<vmem>>
        %swap3A_794 = tpu.memref_squeeze %swap3A_793 : memref<1x128x64xf32, #tpu.memory_space<vmem>> -> memref<128x64xf32, #tpu.memory_space<vmem>>
        %swap3A_795 = arith.index_cast %add3A_741 : i32 to index
        %swap3A_796 = arith.constant 32 : index
        %swap3A_797 = tpu.vector_load %swap3A_794[%swap3A_795, %swap3A_796] {strides = array<i32>} : memref<128x64xf32, #tpu.memory_space<vmem>>, vector<1x16xf32>,
        %swap3A_798 = vector.shape_cast %swap3A_797 : vector<1x16xf32> to vector<16xf32>
        %swap3A_799 = vector.shape_cast %mul3A_790 : vector<16xf32> to vector<1x16xf32>
        tpu.vector_store %swap3A_794[%swap3A_795, %swap3A_796], %swap3A_799 {strides = array<i32>} : memref<128x64xf32, #tpu.memory_space<vmem>>, vector<1x16xf32>,
        %get3A_800 = arith.constant 0 : i32
        %get3A_801 = arith.constant 0 : i32
        %get3A_802 = tpu.memref_slice %arg6[%scan3A_410, %get3A_800, %get3A_801] : memref<8x128x64xf32, #tpu.memory_space<vmem>> -> memref<1x128x64xf32, #tpu.memory_space<vmem>>
        %get3A_803 = tpu.memref_squeeze %get3A_802 : memref<1x128x64xf32, #tpu.memory_space<vmem>> -> memref<128x64xf32, #tpu.memory_space<vmem>>
        %get3A_804 = arith.index_cast %add3A_741 : i32 to index
        %get3A_805 = arith.constant 48 : index
        %get3A_806 = tpu.vector_load %get3A_803[%get3A_804, %get3A_805] {strides = array<i32>} : memref<128x64xf32, #tpu.memory_space<vmem>>, vector<1x16xf32>,
        %get3A_807 = vector.shape_cast %get3A_806 : vector<1x16xf32> to vector<16xf32>
        %mul3A_808 = arith.constant 8.000000e+00 : f32
        %mul3A_809 = vector.broadcast %mul3A_808 : f32 to vector<16xf32>
        %mul3A_810 = arith.mulf %get3A_807, %mul3A_809 : vector<16xf32>
        %swap3A_811 = arith.constant 0 : i32
        %swap3A_812 = arith.constant 0 : i32
        %swap3A_813 = tpu.memref_slice %arg6[%scan3A_410, %swap3A_811, %swap3A_812] : memref<8x128x64xf32, #tpu.memory_space<vmem>> -> memref<1x128x64xf32, #tpu.memory_space<vmem>>
        %swap3A_814 = tpu.memref_squeeze %swap3A_813 : memref<1x128x64xf32, #tpu.memory_space<vmem>> -> memref<128x64xf32, #tpu.memory_space<vmem>>
        %swap3A_815 = arith.index_cast %add3A_741 : i32 to index
        %swap3A_816 = arith.constant 48 : index
        %swap3A_817 = tpu.vector_load %swap3A_814[%swap3A_815, %swap3A_816] {strides = array<i32>} : memref<128x64xf32, #tpu.memory_space<vmem>>, vector<1x16xf32>,
        %swap3A_818 = vector.shape_cast %swap3A_817 : vector<1x16xf32> to vector<16xf32>
        %swap3A_819 = vector.shape_cast %mul3A_810 : vector<16xf32> to vector<1x16xf32>
        tpu.vector_store %swap3A_814[%swap3A_815, %swap3A_816], %swap3A_819 {strides = array<i32>} : memref<128x64xf32, #tpu.memory_space<vmem>>, vector<1x16xf32>,
        %mul3A_820 = arith.constant 2 : i32
        %mul3A_821 = arith.muli %scan3A_736, %mul3A_820 : i32
        %add3A_822 = arith.constant 1 : i32
        %add3A_823 = arith.addi %mul3A_821, %add3A_822 : i32
        %get3A_824 = arith.constant 0 : i32
        %get3A_825 = arith.constant 0 : i32
        %get3A_826 = tpu.memref_slice %arg6[%scan3A_410, %get3A_824, %get3A_825] : memref<8x128x64xf32, #tpu.memory_space<vmem>> -> memref<1x128x64xf32, #tpu.memory_space<vmem>>
        %get3A_827 = tpu.memref_squeeze %get3A_826 : memref<1x128x64xf32, #tpu.memory_space<vmem>> -> memref<128x64xf32, #tpu.memory_space<vmem>>
        %get3A_828 = arith.index_cast %add3A_823 : i32 to index
        %get3A_829 = arith.constant 0 : index
        %get3A_830 = tpu.vector_load %get3A_827[%get3A_828, %get3A_829] {strides = array<i32>} : memref<128x64xf32, #tpu.memory_space<vmem>>, vector<1x16xf32>,
        %get3A_831 = vector.shape_cast %get3A_830 : vector<1x16xf32> to vector<16xf32>
        %mul3A_832 = arith.constant 8.000000e+00 : f32
        %mul3A_833 = vector.broadcast %mul3A_832 : f32 to vector<16xf32>
        %mul3A_834 = arith.mulf %get3A_831, %mul3A_833 : vector<16xf32>
        %swap3A_835 = arith.constant 0 : i32
        %swap3A_836 = arith.constant 0 : i32
        %swap3A_837 = tpu.memref_slice %arg6[%scan3A_410, %swap3A_835, %swap3A_836] : memref<8x128x64xf32, #tpu.memory_space<vmem>> -> memref<1x128x64xf32, #tpu.memory_space<vmem>>
        %swap3A_838 = tpu.memref_squeeze %swap3A_837 : memref<1x128x64xf32, #tpu.memory_space<vmem>> -> memref<128x64xf32, #tpu.memory_space<vmem>>
        %swap3A_839 = arith.index_cast %add3A_823 : i32 to index
        %swap3A_840 = arith.constant 0 : index
        %swap3A_841 = tpu.vector_load %swap3A_838[%swap3A_839, %swap3A_840] {strides = array<i32>} : memref<128x64xf32, #tpu.memory_space<vmem>>, vector<1x16xf32>,
        %swap3A_842 = vector.shape_cast %swap3A_841 : vector<1x16xf32> to vector<16xf32>
        %swap3A_843 = vector.shape_cast %mul3A_834 : vector<16xf32> to vector<1x16xf32>
        tpu.vector_store %swap3A_838[%swap3A_839, %swap3A_840], %swap3A_843 {strides = array<i32>} : memref<128x64xf32, #tpu.memory_space<vmem>>, vector<1x16xf32>,
        %get3A_844 = arith.constant 0 : i32
        %get3A_845 = arith.constant 0 : i32
        %get3A_846 = tpu.memref_slice %arg6[%scan3A_410, %get3A_844, %get3A_845] : memref<8x128x64xf32, #tpu.memory_space<vmem>> -> memref<1x128x64xf32, #tpu.memory_space<vmem>>
        %get3A_847 = tpu.memref_squeeze %get3A_846 : memref<1x128x64xf32, #tpu.memory_space<vmem>> -> memref<128x64xf32, #tpu.memory_space<vmem>>
        %get3A_848 = arith.index_cast %add3A_823 : i32 to index
        %get3A_849 = arith.constant 16 : index
        %get3A_850 = tpu.vector_load %get3A_847[%get3A_848, %get3A_849] {strides = array<i32>} : memref<128x64xf32, #tpu.memory_space<vmem>>, vector<1x16xf32>,
        %get3A_851 = vector.shape_cast %get3A_850 : vector<1x16xf32> to vector<16xf32>
        %mul3A_852 = arith.constant 8.000000e+00 : f32
        %mul3A_853 = vector.broadcast %mul3A_852 : f32 to vector<16xf32>
        %mul3A_854 = arith.mulf %get3A_851, %mul3A_853 : vector<16xf32>
        %swap3A_855 = arith.constant 0 : i32
        %swap3A_856 = arith.constant 0 : i32
        %swap3A_857 = tpu.memref_slice %arg6[%scan3A_410, %swap3A_855, %swap3A_856] : memref<8x128x64xf32, #tpu.memory_space<vmem>> -> memref<1x128x64xf32, #tpu.memory_space<vmem>>
        %swap3A_858 = tpu.memref_squeeze %swap3A_857 : memref<1x128x64xf32, #tpu.memory_space<vmem>> -> memref<128x64xf32, #tpu.memory_space<vmem>>
        %swap3A_859 = arith.index_cast %add3A_823 : i32 to index
        %swap3A_860 = arith.constant 16 : index
        %swap3A_861 = tpu.vector_load %swap3A_858[%swap3A_859, %swap3A_860] {strides = array<i32>} : memref<128x64xf32, #tpu.memory_space<vmem>>, vector<1x16xf32>,
        %swap3A_862 = vector.shape_cast %swap3A_861 : vector<1x16xf32> to vector<16xf32>
        %swap3A_863 = vector.shape_cast %mul3A_854 : vector<16xf32> to vector<1x16xf32>
        tpu.vector_store %swap3A_858[%swap3A_859, %swap3A_860], %swap3A_863 {strides = array<i32>} : memref<128x64xf32, #tpu.memory_space<vmem>>, vector<1x16xf32>,
        %get3A_864 = arith.constant 0 : i32
        %get3A_865 = arith.constant 0 : i32
        %get3A_866 = tpu.memref_slice %arg6[%scan3A_410, %get3A_864, %get3A_865] : memref<8x128x64xf32, #tpu.memory_space<vmem>> -> memref<1x128x64xf32, #tpu.memory_space<vmem>>
        %get3A_867 = tpu.memref_squeeze %get3A_866 : memref<1x128x64xf32, #tpu.memory_space<vmem>> -> memref<128x64xf32, #tpu.memory_space<vmem>>
        %get3A_868 = arith.index_cast %add3A_823 : i32 to index
        %get3A_869 = arith.constant 32 : index
        %get3A_870 = tpu.vector_load %get3A_867[%get3A_868, %get3A_869] {strides = array<i32>} : memref<128x64xf32, #tpu.memory_space<vmem>>, vector<1x16xf32>,
        %get3A_871 = vector.shape_cast %get3A_870 : vector<1x16xf32> to vector<16xf32>
        %mul3A_872 = arith.constant 8.000000e+00 : f32
        %mul3A_873 = vector.broadcast %mul3A_872 : f32 to vector<16xf32>
        %mul3A_874 = arith.mulf %get3A_871, %mul3A_873 : vector<16xf32>
        %swap3A_875 = arith.constant 0 : i32
        %swap3A_876 = arith.constant 0 : i32
        %swap3A_877 = tpu.memref_slice %arg6[%scan3A_410, %swap3A_875, %swap3A_876] : memref<8x128x64xf32, #tpu.memory_space<vmem>> -> memref<1x128x64xf32, #tpu.memory_space<vmem>>
        %swap3A_878 = tpu.memref_squeeze %swap3A_877 : memref<1x128x64xf32, #tpu.memory_space<vmem>> -> memref<128x64xf32, #tpu.memory_space<vmem>>
        %swap3A_879 = arith.index_cast %add3A_823 : i32 to index
        %swap3A_880 = arith.constant 32 : index
        %swap3A_881 = tpu.vector_load %swap3A_878[%swap3A_879, %swap3A_880] {strides = array<i32>} : memref<128x64xf32, #tpu.memory_space<vmem>>, vector<1x16xf32>,
        %swap3A_882 = vector.shape_cast %swap3A_881 : vector<1x16xf32> to vector<16xf32>
        %swap3A_883 = vector.shape_cast %mul3A_874 : vector<16xf32> to vector<1x16xf32>
        tpu.vector_store %swap3A_878[%swap3A_879, %swap3A_880], %swap3A_883 {strides = array<i32>} : memref<128x64xf32, #tpu.memory_space<vmem>>, vector<1x16xf32>,
        %get3A_884 = arith.constant 0 : i32
        %get3A_885 = arith.constant 0 : i32
        %get3A_886 = tpu.memref_slice %arg6[%scan3A_410, %get3A_884, %get3A_885] : memref<8x128x64xf32, #tpu.memory_space<vmem>> -> memref<1x128x64xf32, #tpu.memory_space<vmem>>
        %get3A_887 = tpu.memref_squeeze %get3A_886 : memref<1x128x64xf32, #tpu.memory_space<vmem>> -> memref<128x64xf32, #tpu.memory_space<vmem>>
        %get3A_888 = arith.index_cast %add3A_823 : i32 to index
        %get3A_889 = arith.constant 48 : index
        %get3A_890 = tpu.vector_load %get3A_887[%get3A_888, %get3A_889] {strides = array<i32>} : memref<128x64xf32, #tpu.memory_space<vmem>>, vector<1x16xf32>,
        %get3A_891 = vector.shape_cast %get3A_890 : vector<1x16xf32> to vector<16xf32>
        %mul3A_892 = arith.constant 8.000000e+00 : f32
        %mul3A_893 = vector.broadcast %mul3A_892 : f32 to vector<16xf32>
        %mul3A_894 = arith.mulf %get3A_891, %mul3A_893 : vector<16xf32>
        %swap3A_895 = arith.constant 0 : i32
        %swap3A_896 = arith.constant 0 : i32
        %swap3A_897 = tpu.memref_slice %arg6[%scan3A_410, %swap3A_895, %swap3A_896] : memref<8x128x64xf32, #tpu.memory_space<vmem>> -> memref<1x128x64xf32, #tpu.memory_space<vmem>>
        %swap3A_898 = tpu.memref_squeeze %swap3A_897 : memref<1x128x64xf32, #tpu.memory_space<vmem>> -> memref<128x64xf32, #tpu.memory_space<vmem>>
        %swap3A_899 = arith.index_cast %add3A_823 : i32 to index
        %swap3A_900 = arith.constant 48 : index
        %swap3A_901 = tpu.vector_load %swap3A_898[%swap3A_899, %swap3A_900] {strides = array<i32>} : memref<128x64xf32, #tpu.memory_space<vmem>>, vector<1x16xf32>,
        %swap3A_902 = vector.shape_cast %swap3A_901 : vector<1x16xf32> to vector<16xf32>
        %swap3A_903 = vector.shape_cast %mul3A_894 : vector<16xf32> to vector<1x16xf32>
        tpu.vector_store %swap3A_898[%swap3A_899, %swap3A_900], %swap3A_903 {strides = array<i32>} : memref<128x64xf32, #tpu.memory_space<vmem>>, vector<1x16xf32>,
        %scan3A_904 = arith.constant 0 : i32
        %scan3A_905 = arith.constant 1 : i32
        %scan3A_906 = arith.addi %scan3A_736, %scan3A_905 : i32
        %mul3A_907 = arith.constant 2 : i32
        %mul3A_908 = arith.muli %scan3A_906, %mul3A_907 : i32
        %add3A_909 = arith.constant 0 : i32
        %add3A_910 = arith.addi %mul3A_908, %add3A_909 : i32
        %get3A_911 = arith.constant 0 : i32
        %get3A_912 = arith.constant 0 : i32
        %get3A_913 = tpu.memref_slice %arg6[%scan3A_410, %get3A_911, %get3A_912] : memref<8x128x64xf32, #tpu.memory_space<vmem>> -> memref<1x128x64xf32, #tpu.memory_space<vmem>>
        %get3A_914 = tpu.memref_squeeze %get3A_913 : memref<1x128x64xf32, #tpu.memory_space<vmem>> -> memref<128x64xf32, #tpu.memory_space<vmem>>
        %get3A_915 = arith.index_cast %add3A_910 : i32 to index
        %get3A_916 = arith.constant 0 : index
        %get3A_917 = tpu.vector_load %get3A_914[%get3A_915, %get3A_916] {strides = array<i32>} : memref<128x64xf32, #tpu.memory_space<vmem>>, vector<1x16xf32>,
        %get3A_918 = vector.shape_cast %get3A_917 : vector<1x16xf32> to vector<16xf32>
        %mul3A_919 = arith.constant 8.000000e+00 : f32
        %mul3A_920 = vector.broadcast %mul3A_919 : f32 to vector<16xf32>
        %mul3A_921 = arith.mulf %get3A_918, %mul3A_920 : vector<16xf32>
        %swap3A_922 = arith.constant 0 : i32
        %swap3A_923 = arith.constant 0 : i32
        %swap3A_924 = tpu.memref_slice %arg6[%scan3A_410, %swap3A_922, %swap3A_923] : memref<8x128x64xf32, #tpu.memory_space<vmem>> -> memref<1x128x64xf32, #tpu.memory_space<vmem>>
        %swap3A_925 = tpu.memref_squeeze %swap3A_924 : memref<1x128x64xf32, #tpu.memory_space<vmem>> -> memref<128x64xf32, #tpu.memory_space<vmem>>
        %swap3A_926 = arith.index_cast %add3A_910 : i32 to index
        %swap3A_927 = arith.constant 0 : index
        %swap3A_928 = tpu.vector_load %swap3A_925[%swap3A_926, %swap3A_927] {strides = array<i32>} : memref<128x64xf32, #tpu.memory_space<vmem>>, vector<1x16xf32>,
        %swap3A_929 = vector.shape_cast %swap3A_928 : vector<1x16xf32> to vector<16xf32>
        %swap3A_930 = vector.shape_cast %mul3A_921 : vector<16xf32> to vector<1x16xf32>
        tpu.vector_store %swap3A_925[%swap3A_926, %swap3A_927], %swap3A_930 {strides = array<i32>} : memref<128x64xf32, #tpu.memory_space<vmem>>, vector<1x16xf32>,
        %get3A_931 = arith.constant 0 : i32
        %get3A_932 = arith.constant 0 : i32
        %get3A_933 = tpu.memref_slice %arg6[%scan3A_410, %get3A_931, %get3A_932] : memref<8x128x64xf32, #tpu.memory_space<vmem>> -> memref<1x128x64xf32, #tpu.memory_space<vmem>>
        %get3A_934 = tpu.memref_squeeze %get3A_933 : memref<1x128x64xf32, #tpu.memory_space<vmem>> -> memref<128x64xf32, #tpu.memory_space<vmem>>
        %get3A_935 = arith.index_cast %add3A_910 : i32 to index
        %get3A_936 = arith.constant 16 : index
        %get3A_937 = tpu.vector_load %get3A_934[%get3A_935, %get3A_936] {strides = array<i32>} : memref<128x64xf32, #tpu.memory_space<vmem>>, vector<1x16xf32>,
        %get3A_938 = vector.shape_cast %get3A_937 : vector<1x16xf32> to vector<16xf32>
        %mul3A_939 = arith.constant 8.000000e+00 : f32
        %mul3A_940 = vector.broadcast %mul3A_939 : f32 to vector<16xf32>
        %mul3A_941 = arith.mulf %get3A_938, %mul3A_940 : vector<16xf32>
        %swap3A_942 = arith.constant 0 : i32
        %swap3A_943 = arith.constant 0 : i32
        %swap3A_944 = tpu.memref_slice %arg6[%scan3A_410, %swap3A_942, %swap3A_943] : memref<8x128x64xf32, #tpu.memory_space<vmem>> -> memref<1x128x64xf32, #tpu.memory_space<vmem>>
        %swap3A_945 = tpu.memref_squeeze %swap3A_944 : memref<1x128x64xf32, #tpu.memory_space<vmem>> -> memref<128x64xf32, #tpu.memory_space<vmem>>
        %swap3A_946 = arith.index_cast %add3A_910 : i32 to index
        %swap3A_947 = arith.constant 16 : index
        %swap3A_948 = tpu.vector_load %swap3A_945[%swap3A_946, %swap3A_947] {strides = array<i32>} : memref<128x64xf32, #tpu.memory_space<vmem>>, vector<1x16xf32>,
        %swap3A_949 = vector.shape_cast %swap3A_948 : vector<1x16xf32> to vector<16xf32>
        %swap3A_950 = vector.shape_cast %mul3A_941 : vector<16xf32> to vector<1x16xf32>
        tpu.vector_store %swap3A_945[%swap3A_946, %swap3A_947], %swap3A_950 {strides = array<i32>} : memref<128x64xf32, #tpu.memory_space<vmem>>, vector<1x16xf32>,
        %get3A_951 = arith.constant 0 : i32
        %get3A_952 = arith.constant 0 : i32
        %get3A_953 = tpu.memref_slice %arg6[%scan3A_410, %get3A_951, %get3A_952] : memref<8x128x64xf32, #tpu.memory_space<vmem>> -> memref<1x128x64xf32, #tpu.memory_space<vmem>>
        %get3A_954 = tpu.memref_squeeze %get3A_953 : memref<1x128x64xf32, #tpu.memory_space<vmem>> -> memref<128x64xf32, #tpu.memory_space<vmem>>
        %get3A_955 = arith.index_cast %add3A_910 : i32 to index
        %get3A_956 = arith.constant 32 : index
        %get3A_957 = tpu.vector_load %get3A_954[%get3A_955, %get3A_956] {strides = array<i32>} : memref<128x64xf32, #tpu.memory_space<vmem>>, vector<1x16xf32>,
        %get3A_958 = vector.shape_cast %get3A_957 : vector<1x16xf32> to vector<16xf32>
        %mul3A_959 = arith.constant 8.000000e+00 : f32
        %mul3A_960 = vector.broadcast %mul3A_959 : f32 to vector<16xf32>
        %mul3A_961 = arith.mulf %get3A_958, %mul3A_960 : vector<16xf32>
        %swap3A_962 = arith.constant 0 : i32
        %swap3A_963 = arith.constant 0 : i32
        %swap3A_964 = tpu.memref_slice %arg6[%scan3A_410, %swap3A_962, %swap3A_963] : memref<8x128x64xf32, #tpu.memory_space<vmem>> -> memref<1x128x64xf32, #tpu.memory_space<vmem>>
        %swap3A_965 = tpu.memref_squeeze %swap3A_964 : memref<1x128x64xf32, #tpu.memory_space<vmem>> -> memref<128x64xf32, #tpu.memory_space<vmem>>
        %swap3A_966 = arith.index_cast %add3A_910 : i32 to index
        %swap3A_967 = arith.constant 32 : index
        %swap3A_968 = tpu.vector_load %swap3A_965[%swap3A_966, %swap3A_967] {strides = array<i32>} : memref<128x64xf32, #tpu.memory_space<vmem>>, vector<1x16xf32>,
        %swap3A_969 = vector.shape_cast %swap3A_968 : vector<1x16xf32> to vector<16xf32>
        %swap3A_970 = vector.shape_cast %mul3A_961 : vector<16xf32> to vector<1x16xf32>
        tpu.vector_store %swap3A_965[%swap3A_966, %swap3A_967], %swap3A_970 {strides = array<i32>} : memref<128x64xf32, #tpu.memory_space<vmem>>, vector<1x16xf32>,
        %get3A_971 = arith.constant 0 : i32
        %get3A_972 = arith.constant 0 : i32
        %get3A_973 = tpu.memref_slice %arg6[%scan3A_410, %get3A_971, %get3A_972] : memref<8x128x64xf32, #tpu.memory_space<vmem>> -> memref<1x128x64xf32, #tpu.memory_space<vmem>>
        %get3A_974 = tpu.memref_squeeze %get3A_973 : memref<1x128x64xf32, #tpu.memory_space<vmem>> -> memref<128x64xf32, #tpu.memory_space<vmem>>
        %get3A_975 = arith.index_cast %add3A_910 : i32 to index
        %get3A_976 = arith.constant 48 : index
        %get3A_977 = tpu.vector_load %get3A_974[%get3A_975, %get3A_976] {strides = array<i32>} : memref<128x64xf32, #tpu.memory_space<vmem>>, vector<1x16xf32>,
        %get3A_978 = vector.shape_cast %get3A_977 : vector<1x16xf32> to vector<16xf32>
        %mul3A_979 = arith.constant 8.000000e+00 : f32
        %mul3A_980 = vector.broadcast %mul3A_979 : f32 to vector<16xf32>
        %mul3A_981 = arith.mulf %get3A_978, %mul3A_980 : vector<16xf32>
        %swap3A_982 = arith.constant 0 : i32
        %swap3A_983 = arith.constant 0 : i32
        %swap3A_984 = tpu.memref_slice %arg6[%scan3A_410, %swap3A_982, %swap3A_983] : memref<8x128x64xf32, #tpu.memory_space<vmem>> -> memref<1x128x64xf32, #tpu.memory_space<vmem>>
        %swap3A_985 = tpu.memref_squeeze %swap3A_984 : memref<1x128x64xf32, #tpu.memory_space<vmem>> -> memref<128x64xf32, #tpu.memory_space<vmem>>
        %swap3A_986 = arith.index_cast %add3A_910 : i32 to index
        %swap3A_987 = arith.constant 48 : index
        %swap3A_988 = tpu.vector_load %swap3A_985[%swap3A_986, %swap3A_987] {strides = array<i32>} : memref<128x64xf32, #tpu.memory_space<vmem>>, vector<1x16xf32>,
        %swap3A_989 = vector.shape_cast %swap3A_988 : vector<1x16xf32> to vector<16xf32>
        %swap3A_990 = vector.shape_cast %mul3A_981 : vector<16xf32> to vector<1x16xf32>
        tpu.vector_store %swap3A_985[%swap3A_986, %swap3A_987], %swap3A_990 {strides = array<i32>} : memref<128x64xf32, #tpu.memory_space<vmem>>, vector<1x16xf32>,
        %mul3A_991 = arith.constant 2 : i32
        %mul3A_992 = arith.muli %scan3A_906, %mul3A_991 : i32
        %add3A_993 = arith.constant 1 : i32
        %add3A_994 = arith.addi %mul3A_992, %add3A_993 : i32
        %get3A_995 = arith.constant 0 : i32
        %get3A_996 = arith.constant 0 : i32
        %get3A_997 = tpu.memref_slice %arg6[%scan3A_410, %get3A_995, %get3A_996] : memref<8x128x64xf32, #tpu.memory_space<vmem>> -> memref<1x128x64xf32, #tpu.memory_space<vmem>>
        %get3A_998 = tpu.memref_squeeze %get3A_997 : memref<1x128x64xf32, #tpu.memory_space<vmem>> -> memref<128x64xf32, #tpu.memory_space<vmem>>
        %get3A_999 = arith.index_cast %add3A_994 : i32 to index
        %get3A_1000 = arith.constant 0 : index
        %get3A_1001 = tpu.vector_load %get3A_998[%get3A_999, %get3A_1000] {strides = array<i32>} : memref<128x64xf32, #tpu.memory_space<vmem>>, vector<1x16xf32>,
        %get3A_1002 = vector.shape_cast %get3A_1001 : vector<1x16xf32> to vector<16xf32>
        %mul3A_1003 = arith.constant 8.000000e+00 : f32
        %mul3A_1004 = vector.broadcast %mul3A_1003 : f32 to vector<16xf32>
        %mul3A_1005 = arith.mulf %get3A_1002, %mul3A_1004 : vector<16xf32>
        %swap3A_1006 = arith.constant 0 : i32
        %swap3A_1007 = arith.constant 0 : i32
        %swap3A_1008 = tpu.memref_slice %arg6[%scan3A_410, %swap3A_1006, %swap3A_1007] : memref<8x128x64xf32, #tpu.memory_space<vmem>> -> memref<1x128x64xf32, #tpu.memory_space<vmem>>
        %swap3A_1009 = tpu.memref_squeeze %swap3A_1008 : memref<1x128x64xf32, #tpu.memory_space<vmem>> -> memref<128x64xf32, #tpu.memory_space<vmem>>
        %swap3A_1010 = arith.index_cast %add3A_994 : i32 to index
        %swap3A_1011 = arith.constant 0 : index
        %swap3A_1012 = tpu.vector_load %swap3A_1009[%swap3A_1010, %swap3A_1011] {strides = array<i32>} : memref<128x64xf32, #tpu.memory_space<vmem>>, vector<1x16xf32>,
        %swap3A_1013 = vector.shape_cast %swap3A_1012 : vector<1x16xf32> to vector<16xf32>
        %swap3A_1014 = vector.shape_cast %mul3A_1005 : vector<16xf32> to vector<1x16xf32>
        tpu.vector_store %swap3A_1009[%swap3A_1010, %swap3A_1011], %swap3A_1014 {strides = array<i32>} : memref<128x64xf32, #tpu.memory_space<vmem>>, vector<1x16xf32>,
        %get3A_1015 = arith.constant 0 : i32
        %get3A_1016 = arith.constant 0 : i32
        %get3A_1017 = tpu.memref_slice %arg6[%scan3A_410, %get3A_1015, %get3A_1016] : memref<8x128x64xf32, #tpu.memory_space<vmem>> -> memref<1x128x64xf32, #tpu.memory_space<vmem>>
        %get3A_1018 = tpu.memref_squeeze %get3A_1017 : memref<1x128x64xf32, #tpu.memory_space<vmem>> -> memref<128x64xf32, #tpu.memory_space<vmem>>
        %get3A_1019 = arith.index_cast %add3A_994 : i32 to index
        %get3A_1020 = arith.constant 16 : index
        %get3A_1021 = tpu.vector_load %get3A_1018[%get3A_1019, %get3A_1020] {strides = array<i32>} : memref<128x64xf32, #tpu.memory_space<vmem>>, vector<1x16xf32>,
        %get3A_1022 = vector.shape_cast %get3A_1021 : vector<1x16xf32> to vector<16xf32>
        %mul3A_1023 = arith.constant 8.000000e+00 : f32
        %mul3A_1024 = vector.broadcast %mul3A_1023 : f32 to vector<16xf32>
        %mul3A_1025 = arith.mulf %get3A_1022, %mul3A_1024 : vector<16xf32>
        %swap3A_1026 = arith.constant 0 : i32
        %swap3A_1027 = arith.constant 0 : i32
        %swap3A_1028 = tpu.memref_slice %arg6[%scan3A_410, %swap3A_1026, %swap3A_1027] : memref<8x128x64xf32, #tpu.memory_space<vmem>> -> memref<1x128x64xf32, #tpu.memory_space<vmem>>
        %swap3A_1029 = tpu.memref_squeeze %swap3A_1028 : memref<1x128x64xf32, #tpu.memory_space<vmem>> -> memref<128x64xf32, #tpu.memory_space<vmem>>
        %swap3A_1030 = arith.index_cast %add3A_994 : i32 to index
        %swap3A_1031 = arith.constant 16 : index
        %swap3A_1032 = tpu.vector_load %swap3A_1029[%swap3A_1030, %swap3A_1031] {strides = array<i32>} : memref<128x64xf32, #tpu.memory_space<vmem>>, vector<1x16xf32>,
        %swap3A_1033 = vector.shape_cast %swap3A_1032 : vector<1x16xf32> to vector<16xf32>
        %swap3A_1034 = vector.shape_cast %mul3A_1025 : vector<16xf32> to vector<1x16xf32>
        tpu.vector_store %swap3A_1029[%swap3A_1030, %swap3A_1031], %swap3A_1034 {strides = array<i32>} : memref<128x64xf32, #tpu.memory_space<vmem>>, vector<1x16xf32>,
        %get3A_1035 = arith.constant 0 : i32
        %get3A_1036 = arith.constant 0 : i32
        %get3A_1037 = tpu.memref_slice %arg6[%scan3A_410, %get3A_1035, %get3A_1036] : memref<8x128x64xf32, #tpu.memory_space<vmem>> -> memref<1x128x64xf32, #tpu.memory_space<vmem>>
        %get3A_1038 = tpu.memref_squeeze %get3A_1037 : memref<1x128x64xf32, #tpu.memory_space<vmem>> -> memref<128x64xf32, #tpu.memory_space<vmem>>
        %get3A_1039 = arith.index_cast %add3A_994 : i32 to index
        %get3A_1040 = arith.constant 32 : index
        %get3A_1041 = tpu.vector_load %get3A_1038[%get3A_1039, %get3A_1040] {strides = array<i32>} : memref<128x64xf32, #tpu.memory_space<vmem>>, vector<1x16xf32>,
        %get3A_1042 = vector.shape_cast %get3A_1041 : vector<1x16xf32> to vector<16xf32>
        %mul3A_1043 = arith.constant 8.000000e+00 : f32
        %mul3A_1044 = vector.broadcast %mul3A_1043 : f32 to vector<16xf32>
        %mul3A_1045 = arith.mulf %get3A_1042, %mul3A_1044 : vector<16xf32>
        %swap3A_1046 = arith.constant 0 : i32
        %swap3A_1047 = arith.constant 0 : i32
        %swap3A_1048 = tpu.memref_slice %arg6[%scan3A_410, %swap3A_1046, %swap3A_1047] : memref<8x128x64xf32, #tpu.memory_space<vmem>> -> memref<1x128x64xf32, #tpu.memory_space<vmem>>
        %swap3A_1049 = tpu.memref_squeeze %swap3A_1048 : memref<1x128x64xf32, #tpu.memory_space<vmem>> -> memref<128x64xf32, #tpu.memory_space<vmem>>
        %swap3A_1050 = arith.index_cast %add3A_994 : i32 to index
        %swap3A_1051 = arith.constant 32 : index
        %swap3A_1052 = tpu.vector_load %swap3A_1049[%swap3A_1050, %swap3A_1051] {strides = array<i32>} : memref<128x64xf32, #tpu.memory_space<vmem>>, vector<1x16xf32>,
        %swap3A_1053 = vector.shape_cast %swap3A_1052 : vector<1x16xf32> to vector<16xf32>
        %swap3A_1054 = vector.shape_cast %mul3A_1045 : vector<16xf32> to vector<1x16xf32>
        tpu.vector_store %swap3A_1049[%swap3A_1050, %swap3A_1051], %swap3A_1054 {strides = array<i32>} : memref<128x64xf32, #tpu.memory_space<vmem>>, vector<1x16xf32>,
        %get3A_1055 = arith.constant 0 : i32
        %get3A_1056 = arith.constant 0 : i32
        %get3A_1057 = tpu.memref_slice %arg6[%scan3A_410, %get3A_1055, %get3A_1056] : memref<8x128x64xf32, #tpu.memory_space<vmem>> -> memref<1x128x64xf32, #tpu.memory_space<vmem>>
        %get3A_1058 = tpu.memref_squeeze %get3A_1057 : memref<1x128x64xf32, #tpu.memory_space<vmem>> -> memref<128x64xf32, #tpu.memory_space<vmem>>
        %get3A_1059 = arith.index_cast %add3A_994 : i32 to index
        %get3A_1060 = arith.constant 48 : index
        %get3A_1061 = tpu.vector_load %get3A_1058[%get3A_1059, %get3A_1060] {strides = array<i32>} : memref<128x64xf32, #tpu.memory_space<vmem>>, vector<1x16xf32>,
        %get3A_1062 = vector.shape_cast %get3A_1061 : vector<1x16xf32> to vector<16xf32>
        %mul3A_1063 = arith.constant 8.000000e+00 : f32
        %mul3A_1064 = vector.broadcast %mul3A_1063 : f32 to vector<16xf32>
        %mul3A_1065 = arith.mulf %get3A_1062, %mul3A_1064 : vector<16xf32>
        %swap3A_1066 = arith.constant 0 : i32
        %swap3A_1067 = arith.constant 0 : i32
        %swap3A_1068 = tpu.memref_slice %arg6[%scan3A_410, %swap3A_1066, %swap3A_1067] : memref<8x128x64xf32, #tpu.memory_space<vmem>> -> memref<1x128x64xf32, #tpu.memory_space<vmem>>
        %swap3A_1069 = tpu.memref_squeeze %swap3A_1068 : memref<1x128x64xf32, #tpu.memory_space<vmem>> -> memref<128x64xf32, #tpu.memory_space<vmem>>
        %swap3A_1070 = arith.index_cast %add3A_994 : i32 to index
        %swap3A_1071 = arith.constant 48 : index
        %swap3A_1072 = tpu.vector_load %swap3A_1069[%swap3A_1070, %swap3A_1071] {strides = array<i32>} : memref<128x64xf32, #tpu.memory_space<vmem>>, vector<1x16xf32>,
        %swap3A_1073 = vector.shape_cast %swap3A_1072 : vector<1x16xf32> to vector<16xf32>
        %swap3A_1074 = vector.shape_cast %mul3A_1065 : vector<16xf32> to vector<1x16xf32>
        tpu.vector_store %swap3A_1069[%swap3A_1070, %swap3A_1071], %swap3A_1074 {strides = array<i32>} : memref<128x64xf32, #tpu.memory_space<vmem>>, vector<1x16xf32>,
        %scan3A_1075 = arith.constant 0 : i32
        scf.yield %scan3A_1075 : i32
      }
      %scan3A_417 = arith.constant 64 : i32
      %add3A_418 = arith.addi %mul3A_2, %scan3A_273 : i32
      %rem3A_419 = arith.constant 32 : i32
      %rem3A_420 = arith.remsi %add3A_418, %rem3A_419 : i32
      %div3A_421 = arith.constant 32 : i32
      %div3A_422 = arith.divsi %add3A_418, %div3A_421 : i32
      %mul3A_423 = arith.constant 4 : i32
      %mul3A_424 = arith.muli %div3A_422, %mul3A_423 : i32
      %add3A_425 = arith.constant 1 : i32
      %add3A_426 = arith.addi %mul3A_424, %add3A_425 : i32
      %mul3A_427 = arith.constant 128 : i32
      %mul3A_428 = arith.muli %rem3A_420, %mul3A_427 : i32
      %dma_start3A_429 = arith.constant 2 : i32
      %dma_start3A_430 = arith.constant 0 : i32
      %dma_start3A_431 = arith.constant 0 : i32
      %dma_start3A_432 = tpu.memref_slice %arg6[%dma_start3A_429, %dma_start3A_430, %dma_start3A_431] : memref<8x128x64xf32, #tpu.memory_space<vmem>> -> memref<1x128x64xf32, #tpu.memory_space<vmem>>
      %dma_start3A_433 = tpu.memref_squeeze %dma_start3A_432 : memref<1x128x64xf32, #tpu.memory_space<vmem>> -> memref<128x64xf32, #tpu.memory_space<vmem>>
      %dma_start3A_434 = arith.constant 0 : i32
      %dma_start3A_435 = tpu.memref_slice %arg4[%add3A_426, %mul3A_428, %dma_start3A_434] : memref<100x4096x128xf32, #tpu.memory_space<hbm>> -> memref<1x128x64xf32, #tpu.memory_space<hbm>>
      %dma_start3A_436 = tpu.memref_squeeze %dma_start3A_435 : memref<1x128x64xf32, #tpu.memory_space<hbm>> -> memref<128x64xf32, #tpu.memory_space<hbm>>
      %dma_start3A_437 = arith.constant 0 : i32
      %dma_start3A_438 = tpu.memref_slice %arg4[%add3A_426, %mul3A_428, %dma_start3A_437] : memref<100x4096x128xf32, #tpu.memory_space<hbm>> -> memref<1x128x64xf32, #tpu.memory_space<hbm>>
      %dma_start3A_439 = tpu.memref_squeeze %dma_start3A_438 : memref<1x128x64xf32, #tpu.memory_space<hbm>> -> memref<128x64xf32, #tpu.memory_space<hbm>>
      %dma_start3A_440 = arith.constant 0 : i32
      %dma_start3A_441 = arith.constant 0 : i32
      %dma_start3A_442 = tpu.memref_slice %arg6[%dma_start3A_429, %dma_start3A_440, %dma_start3A_441] : memref<8x128x64xf32, #tpu.memory_space<vmem>> -> memref<1x128x64xf32, #tpu.memory_space<vmem>>
      %dma_start3A_443 = tpu.memref_squeeze %dma_start3A_442 : memref<1x128x64xf32, #tpu.memory_space<vmem>> -> memref<128x64xf32, #tpu.memory_space<vmem>>
      tpu.enqueue_dma source(%dma_start3A_443 : memref<128x64xf32, #tpu.memory_space<vmem>>) target(%dma_start3A_439 : memref<128x64xf32, #tpu.memory_space<hbm>>) target_semaphore(%arg17 : memref<!tpu.dma_semaphore, #tpu.memory_space<semaphore_mem>>)
      %ge3A_444 = arith.constant 1 : i32
      %ge3A_445 = arith.cmpi sge, %scan3A_273, %ge3A_444 : i32
      %convert_element_type3A_446 = arith.extui %ge3A_445 : i1 to i32
      %cond3A_447 = arith.constant 0 : i32
      %cond3A_448 = arith.cmpi ne, %convert_element_type3A_446, %cond3A_447 : i32
      scf.if %cond3A_448 {
        %sub3A = arith.constant 1 : i32
        %sub3A_736 = arith.subi %scan3A_273, %sub3A : i32
        %add3A_737 = arith.addi %mul3A_2, %sub3A_736 : i32
        %rem3A_738 = arith.constant 32 : i32
        %rem3A_739 = arith.remsi %add3A_737, %rem3A_738 : i32
        %div3A_740 = arith.constant 32 : i32
        %div3A_741 = arith.divsi %add3A_737, %div3A_740 : i32
        %mul3A_742 = arith.constant 4 : i32
        %mul3A_743 = arith.muli %div3A_741, %mul3A_742 : i32
        %add3A_744 = arith.constant 3 : i32
        %add3A_745 = arith.addi %mul3A_743, %add3A_744 : i32
        %mul3A_746 = arith.constant 128 : i32
        %mul3A_747 = arith.muli %rem3A_739, %mul3A_746 : i32
        %dma_wait3A_748 = arith.constant 6 : i32
        %dma_wait3A_749 = arith.constant 0 : i32
        %dma_wait3A_750 = arith.constant 0 : i32
        %dma_wait3A_751 = tpu.memref_slice %arg6[%dma_wait3A_748, %dma_wait3A_749, %dma_wait3A_750] : memref<8x128x64xf32, #tpu.memory_space<vmem>> -> memref<1x128x64xf32, #tpu.memory_space<vmem>>
        %dma_wait3A_752 = tpu.memref_squeeze %dma_wait3A_751 : memref<1x128x64xf32, #tpu.memory_space<vmem>> -> memref<128x64xf32, #tpu.memory_space<vmem>>
        %dma_wait3A_753 = arith.constant 0 : i32
        %dma_wait3A_754 = tpu.memref_slice %arg4[%add3A_745, %mul3A_747, %dma_wait3A_753] : memref<100x4096x128xf32, #tpu.memory_space<hbm>> -> memref<1x128x64xf32, #tpu.memory_space<hbm>>
        %dma_wait3A_755 = tpu.memref_squeeze %dma_wait3A_754 : memref<1x128x64xf32, #tpu.memory_space<hbm>> -> memref<128x64xf32, #tpu.memory_space<hbm>>
        %dma_wait3A_756 = arith.constant 0 : i32
        %dma_wait3A_757 = tpu.memref_slice %arg4[%add3A_745, %mul3A_747, %dma_wait3A_756] : memref<100x4096x128xf32, #tpu.memory_space<hbm>> -> memref<1x128x64xf32, #tpu.memory_space<hbm>>
        %dma_wait3A_758 = tpu.memref_squeeze %dma_wait3A_757 : memref<1x128x64xf32, #tpu.memory_space<hbm>> -> memref<128x64xf32, #tpu.memory_space<hbm>>
        %dma_wait3A_759 = arith.constant 0 : i32
        %dma_wait3A_760 = arith.constant 0 : i32
        %dma_wait3A_761 = tpu.memref_slice %arg6[%dma_wait3A_748, %dma_wait3A_759, %dma_wait3A_760] : memref<8x128x64xf32, #tpu.memory_space<vmem>> -> memref<1x128x64xf32, #tpu.memory_space<vmem>>
        %dma_wait3A_762 = tpu.memref_squeeze %dma_wait3A_761 : memref<1x128x64xf32, #tpu.memory_space<vmem>> -> memref<128x64xf32, #tpu.memory_space<vmem>>
        tpu.wait_dma2 semaphore(%arg21 : memref<!tpu.dma_semaphore, #tpu.memory_space<semaphore_mem>>) src(%dma_wait3A_762 : memref<128x64xf32, #tpu.memory_space<vmem>>) dst(%dma_wait3A_758 : memref<128x64xf32, #tpu.memory_space<hbm>>)
      } else {
      }
      %dma_start3A_449 = arith.constant 6 : i32
      %dma_start3A_450 = arith.constant 6 : i32
      %dma_start3A_451 = arith.constant 0 : i32
      %dma_start3A_452 = arith.constant 0 : i32
      %dma_start3A_453 = tpu.memref_slice %arg6[%dma_start3A_450, %dma_start3A_451, %dma_start3A_452] : memref<8x128x64xf32, #tpu.memory_space<vmem>> -> memref<1x128x64xf32, #tpu.memory_space<vmem>>
      %dma_start3A_454 = tpu.memref_squeeze %dma_start3A_453 : memref<1x128x64xf32, #tpu.memory_space<vmem>> -> memref<128x64xf32, #tpu.memory_space<vmem>>
      %dma_start3A_455 = arith.constant 0 : i32
      %dma_start3A_456 = tpu.memref_slice %arg5[%scan3A_273, %dma_start3A_449, %dma_start3A_455] : memref<25x8x128xi32, #tpu.memory_space<vmem>> -> memref<1x1x128xi32, #tpu.memory_space<vmem>>
      %dma_start3A_457 = tpu.memref_squeeze %dma_start3A_456 : memref<1x1x128xi32, #tpu.memory_space<vmem>> -> memref<128xi32, #tpu.memory_space<vmem>>
      %dma_start3A_458 = arith.constant 0 : i32
      %dma_start3A_459 = arith.constant 0 : i32
      %dma_start3A_460 = tpu.memref_slice %arg3[%dma_start3A_458, %dma_start3A_459] : memref<1000000x64xf32, #tpu.memory_space<hbm>> -> memref<1000000x64xf32, #tpu.memory_space<hbm>>
      tpu.enqueue_indirect_dma source(%dma_start3A_460 : memref<1000000x64xf32, #tpu.memory_space<hbm>>) target(%dma_start3A_454 : memref<128x64xf32, #tpu.memory_space<vmem>>) offsets(%dma_start3A_457 : memref<128xi32, #tpu.memory_space<vmem>>) semaphore(%arg13 : memref<!tpu.dma_semaphore, #tpu.memory_space<semaphore_mem>>)
      %dma_wait3A_461 = arith.constant 3 : i32
      %dma_wait3A_462 = arith.constant 3 : i32
      %dma_wait3A_463 = arith.constant 0 : i32
      %dma_wait3A_464 = arith.constant 0 : i32
      %dma_wait3A_465 = tpu.memref_slice %arg6[%dma_wait3A_462, %dma_wait3A_463, %dma_wait3A_464] : memref<8x128x64xf32, #tpu.memory_space<vmem>> -> memref<1x128x64xf32, #tpu.memory_space<vmem>>
      %dma_wait3A_466 = tpu.memref_squeeze %dma_wait3A_465 : memref<1x128x64xf32, #tpu.memory_space<vmem>> -> memref<128x64xf32, #tpu.memory_space<vmem>>
      %dma_wait3A_467 = arith.constant 0 : i32
      %dma_wait3A_468 = tpu.memref_slice %arg5[%scan3A_273, %dma_wait3A_461, %dma_wait3A_467] : memref<25x8x128xi32, #tpu.memory_space<vmem>> -> memref<1x1x128xi32, #tpu.memory_space<vmem>>
      %dma_wait3A_469 = tpu.memref_squeeze %dma_wait3A_468 : memref<1x1x128xi32, #tpu.memory_space<vmem>> -> memref<128xi32, #tpu.memory_space<vmem>>
      %dma_wait3A_470 = arith.constant 0 : i32
      %dma_wait3A_471 = arith.constant 0 : i32
      %dma_wait3A_472 = tpu.memref_slice %arg3[%dma_wait3A_470, %dma_wait3A_471] : memref<1000000x64xf32, #tpu.memory_space<hbm>> -> memref<1000000x64xf32, #tpu.memory_space<hbm>>
      tpu.wait_indirect_dma semaphore(%arg10 : memref<!tpu.dma_semaphore, #tpu.memory_space<semaphore_mem>>) src(%dma_wait3A_472 : memref<1000000x64xf32, #tpu.memory_space<hbm>>) dst(%dma_wait3A_466 : memref<128x64xf32, #tpu.memory_space<vmem>>)
      %scan3A_473 = arith.constant 3 : i32
      %scan3A_474 = arith.constant 0 : i32
      %scan3A_475 = arith.constant 0 : i32
      %scan3A_476 = arith.constant 64 : i32
      %scan3A_477 = arith.addi %scan3A_475, %scan3A_476 : i32
      %scan3A_478 = arith.constant 2 : i32
      %scan3A_479 = scf.for %scan3A_736 = %scan3A_475 to %scan3A_477 step %scan3A_478 iter_args(%scan3A_737 = %scan3A_474) -> (i32)  : i32 {
        %mul3A_738 = arith.constant 2 : i32
        %mul3A_739 = arith.muli %scan3A_736, %mul3A_738 : i32
        %add3A_740 = arith.constant 0 : i32
        %add3A_741 = arith.addi %mul3A_739, %add3A_740 : i32
        %get3A = arith.constant 0 : i32
        %get3A_742 = arith.constant 0 : i32
        %get3A_743 = tpu.memref_slice %arg6[%scan3A_473, %get3A, %get3A_742] : memref<8x128x64xf32, #tpu.memory_space<vmem>> -> memref<1x128x64xf32, #tpu.memory_space<vmem>>
        %get3A_744 = tpu.memref_squeeze %get3A_743 : memref<1x128x64xf32, #tpu.memory_space<vmem>> -> memref<128x64xf32, #tpu.memory_space<vmem>>
        %get3A_745 = arith.index_cast %add3A_741 : i32 to index
        %get3A_746 = arith.constant 0 : index
        %get3A_747 = tpu.vector_load %get3A_744[%get3A_745, %get3A_746] {strides = array<i32>} : memref<128x64xf32, #tpu.memory_space<vmem>>, vector<1x16xf32>,
        %get3A_748 = vector.shape_cast %get3A_747 : vector<1x16xf32> to vector<16xf32>
        %mul3A_749 = arith.constant 8.000000e+00 : f32
        %mul3A_750 = vector.broadcast %mul3A_749 : f32 to vector<16xf32>
        %mul3A_751 = arith.mulf %get3A_748, %mul3A_750 : vector<16xf32>
        %swap3A = arith.constant 0 : i32
        %swap3A_752 = arith.constant 0 : i32
        %swap3A_753 = tpu.memref_slice %arg6[%scan3A_473, %swap3A, %swap3A_752] : memref<8x128x64xf32, #tpu.memory_space<vmem>> -> memref<1x128x64xf32, #tpu.memory_space<vmem>>
        %swap3A_754 = tpu.memref_squeeze %swap3A_753 : memref<1x128x64xf32, #tpu.memory_space<vmem>> -> memref<128x64xf32, #tpu.memory_space<vmem>>
        %swap3A_755 = arith.index_cast %add3A_741 : i32 to index
        %swap3A_756 = arith.constant 0 : index
        %swap3A_757 = tpu.vector_load %swap3A_754[%swap3A_755, %swap3A_756] {strides = array<i32>} : memref<128x64xf32, #tpu.memory_space<vmem>>, vector<1x16xf32>,
        %swap3A_758 = vector.shape_cast %swap3A_757 : vector<1x16xf32> to vector<16xf32>
        %swap3A_759 = vector.shape_cast %mul3A_751 : vector<16xf32> to vector<1x16xf32>
        tpu.vector_store %swap3A_754[%swap3A_755, %swap3A_756], %swap3A_759 {strides = array<i32>} : memref<128x64xf32, #tpu.memory_space<vmem>>, vector<1x16xf32>,
        %get3A_760 = arith.constant 0 : i32
        %get3A_761 = arith.constant 0 : i32
        %get3A_762 = tpu.memref_slice %arg6[%scan3A_473, %get3A_760, %get3A_761] : memref<8x128x64xf32, #tpu.memory_space<vmem>> -> memref<1x128x64xf32, #tpu.memory_space<vmem>>
        %get3A_763 = tpu.memref_squeeze %get3A_762 : memref<1x128x64xf32, #tpu.memory_space<vmem>> -> memref<128x64xf32, #tpu.memory_space<vmem>>
        %get3A_764 = arith.index_cast %add3A_741 : i32 to index
        %get3A_765 = arith.constant 16 : index
        %get3A_766 = tpu.vector_load %get3A_763[%get3A_764, %get3A_765] {strides = array<i32>} : memref<128x64xf32, #tpu.memory_space<vmem>>, vector<1x16xf32>,
        %get3A_767 = vector.shape_cast %get3A_766 : vector<1x16xf32> to vector<16xf32>
        %mul3A_768 = arith.constant 8.000000e+00 : f32
        %mul3A_769 = vector.broadcast %mul3A_768 : f32 to vector<16xf32>
        %mul3A_770 = arith.mulf %get3A_767, %mul3A_769 : vector<16xf32>
        %swap3A_771 = arith.constant 0 : i32
        %swap3A_772 = arith.constant 0 : i32
        %swap3A_773 = tpu.memref_slice %arg6[%scan3A_473, %swap3A_771, %swap3A_772] : memref<8x128x64xf32, #tpu.memory_space<vmem>> -> memref<1x128x64xf32, #tpu.memory_space<vmem>>
        %swap3A_774 = tpu.memref_squeeze %swap3A_773 : memref<1x128x64xf32, #tpu.memory_space<vmem>> -> memref<128x64xf32, #tpu.memory_space<vmem>>
        %swap3A_775 = arith.index_cast %add3A_741 : i32 to index
        %swap3A_776 = arith.constant 16 : index
        %swap3A_777 = tpu.vector_load %swap3A_774[%swap3A_775, %swap3A_776] {strides = array<i32>} : memref<128x64xf32, #tpu.memory_space<vmem>>, vector<1x16xf32>,
        %swap3A_778 = vector.shape_cast %swap3A_777 : vector<1x16xf32> to vector<16xf32>
        %swap3A_779 = vector.shape_cast %mul3A_770 : vector<16xf32> to vector<1x16xf32>
        tpu.vector_store %swap3A_774[%swap3A_775, %swap3A_776], %swap3A_779 {strides = array<i32>} : memref<128x64xf32, #tpu.memory_space<vmem>>, vector<1x16xf32>,
        %get3A_780 = arith.constant 0 : i32
        %get3A_781 = arith.constant 0 : i32
        %get3A_782 = tpu.memref_slice %arg6[%scan3A_473, %get3A_780, %get3A_781] : memref<8x128x64xf32, #tpu.memory_space<vmem>> -> memref<1x128x64xf32, #tpu.memory_space<vmem>>
        %get3A_783 = tpu.memref_squeeze %get3A_782 : memref<1x128x64xf32, #tpu.memory_space<vmem>> -> memref<128x64xf32, #tpu.memory_space<vmem>>
        %get3A_784 = arith.index_cast %add3A_741 : i32 to index
        %get3A_785 = arith.constant 32 : index
        %get3A_786 = tpu.vector_load %get3A_783[%get3A_784, %get3A_785] {strides = array<i32>} : memref<128x64xf32, #tpu.memory_space<vmem>>, vector<1x16xf32>,
        %get3A_787 = vector.shape_cast %get3A_786 : vector<1x16xf32> to vector<16xf32>
        %mul3A_788 = arith.constant 8.000000e+00 : f32
        %mul3A_789 = vector.broadcast %mul3A_788 : f32 to vector<16xf32>
        %mul3A_790 = arith.mulf %get3A_787, %mul3A_789 : vector<16xf32>
        %swap3A_791 = arith.constant 0 : i32
        %swap3A_792 = arith.constant 0 : i32
        %swap3A_793 = tpu.memref_slice %arg6[%scan3A_473, %swap3A_791, %swap3A_792] : memref<8x128x64xf32, #tpu.memory_space<vmem>> -> memref<1x128x64xf32, #tpu.memory_space<vmem>>
        %swap3A_794 = tpu.memref_squeeze %swap3A_793 : memref<1x128x64xf32, #tpu.memory_space<vmem>> -> memref<128x64xf32, #tpu.memory_space<vmem>>
        %swap3A_795 = arith.index_cast %add3A_741 : i32 to index
        %swap3A_796 = arith.constant 32 : index
        %swap3A_797 = tpu.vector_load %swap3A_794[%swap3A_795, %swap3A_796] {strides = array<i32>} : memref<128x64xf32, #tpu.memory_space<vmem>>, vector<1x16xf32>,
        %swap3A_798 = vector.shape_cast %swap3A_797 : vector<1x16xf32> to vector<16xf32>
        %swap3A_799 = vector.shape_cast %mul3A_790 : vector<16xf32> to vector<1x16xf32>
        tpu.vector_store %swap3A_794[%swap3A_795, %swap3A_796], %swap3A_799 {strides = array<i32>} : memref<128x64xf32, #tpu.memory_space<vmem>>, vector<1x16xf32>,
        %get3A_800 = arith.constant 0 : i32
        %get3A_801 = arith.constant 0 : i32
        %get3A_802 = tpu.memref_slice %arg6[%scan3A_473, %get3A_800, %get3A_801] : memref<8x128x64xf32, #tpu.memory_space<vmem>> -> memref<1x128x64xf32, #tpu.memory_space<vmem>>
        %get3A_803 = tpu.memref_squeeze %get3A_802 : memref<1x128x64xf32, #tpu.memory_space<vmem>> -> memref<128x64xf32, #tpu.memory_space<vmem>>
        %get3A_804 = arith.index_cast %add3A_741 : i32 to index
        %get3A_805 = arith.constant 48 : index
        %get3A_806 = tpu.vector_load %get3A_803[%get3A_804, %get3A_805] {strides = array<i32>} : memref<128x64xf32, #tpu.memory_space<vmem>>, vector<1x16xf32>,
        %get3A_807 = vector.shape_cast %get3A_806 : vector<1x16xf32> to vector<16xf32>
        %mul3A_808 = arith.constant 8.000000e+00 : f32
        %mul3A_809 = vector.broadcast %mul3A_808 : f32 to vector<16xf32>
        %mul3A_810 = arith.mulf %get3A_807, %mul3A_809 : vector<16xf32>
        %swap3A_811 = arith.constant 0 : i32
        %swap3A_812 = arith.constant 0 : i32
        %swap3A_813 = tpu.memref_slice %arg6[%scan3A_473, %swap3A_811, %swap3A_812] : memref<8x128x64xf32, #tpu.memory_space<vmem>> -> memref<1x128x64xf32, #tpu.memory_space<vmem>>
        %swap3A_814 = tpu.memref_squeeze %swap3A_813 : memref<1x128x64xf32, #tpu.memory_space<vmem>> -> memref<128x64xf32, #tpu.memory_space<vmem>>
        %swap3A_815 = arith.index_cast %add3A_741 : i32 to index
        %swap3A_816 = arith.constant 48 : index
        %swap3A_817 = tpu.vector_load %swap3A_814[%swap3A_815, %swap3A_816] {strides = array<i32>} : memref<128x64xf32, #tpu.memory_space<vmem>>, vector<1x16xf32>,
        %swap3A_818 = vector.shape_cast %swap3A_817 : vector<1x16xf32> to vector<16xf32>
        %swap3A_819 = vector.shape_cast %mul3A_810 : vector<16xf32> to vector<1x16xf32>
        tpu.vector_store %swap3A_814[%swap3A_815, %swap3A_816], %swap3A_819 {strides = array<i32>} : memref<128x64xf32, #tpu.memory_space<vmem>>, vector<1x16xf32>,
        %mul3A_820 = arith.constant 2 : i32
        %mul3A_821 = arith.muli %scan3A_736, %mul3A_820 : i32
        %add3A_822 = arith.constant 1 : i32
        %add3A_823 = arith.addi %mul3A_821, %add3A_822 : i32
        %get3A_824 = arith.constant 0 : i32
        %get3A_825 = arith.constant 0 : i32
        %get3A_826 = tpu.memref_slice %arg6[%scan3A_473, %get3A_824, %get3A_825] : memref<8x128x64xf32, #tpu.memory_space<vmem>> -> memref<1x128x64xf32, #tpu.memory_space<vmem>>
        %get3A_827 = tpu.memref_squeeze %get3A_826 : memref<1x128x64xf32, #tpu.memory_space<vmem>> -> memref<128x64xf32, #tpu.memory_space<vmem>>
        %get3A_828 = arith.index_cast %add3A_823 : i32 to index
        %get3A_829 = arith.constant 0 : index
        %get3A_830 = tpu.vector_load %get3A_827[%get3A_828, %get3A_829] {strides = array<i32>} : memref<128x64xf32, #tpu.memory_space<vmem>>, vector<1x16xf32>,
        %get3A_831 = vector.shape_cast %get3A_830 : vector<1x16xf32> to vector<16xf32>
        %mul3A_832 = arith.constant 8.000000e+00 : f32
        %mul3A_833 = vector.broadcast %mul3A_832 : f32 to vector<16xf32>
        %mul3A_834 = arith.mulf %get3A_831, %mul3A_833 : vector<16xf32>
        %swap3A_835 = arith.constant 0 : i32
        %swap3A_836 = arith.constant 0 : i32
        %swap3A_837 = tpu.memref_slice %arg6[%scan3A_473, %swap3A_835, %swap3A_836] : memref<8x128x64xf32, #tpu.memory_space<vmem>> -> memref<1x128x64xf32, #tpu.memory_space<vmem>>
        %swap3A_838 = tpu.memref_squeeze %swap3A_837 : memref<1x128x64xf32, #tpu.memory_space<vmem>> -> memref<128x64xf32, #tpu.memory_space<vmem>>
        %swap3A_839 = arith.index_cast %add3A_823 : i32 to index
        %swap3A_840 = arith.constant 0 : index
        %swap3A_841 = tpu.vector_load %swap3A_838[%swap3A_839, %swap3A_840] {strides = array<i32>} : memref<128x64xf32, #tpu.memory_space<vmem>>, vector<1x16xf32>,
        %swap3A_842 = vector.shape_cast %swap3A_841 : vector<1x16xf32> to vector<16xf32>
        %swap3A_843 = vector.shape_cast %mul3A_834 : vector<16xf32> to vector<1x16xf32>
        tpu.vector_store %swap3A_838[%swap3A_839, %swap3A_840], %swap3A_843 {strides = array<i32>} : memref<128x64xf32, #tpu.memory_space<vmem>>, vector<1x16xf32>,
        %get3A_844 = arith.constant 0 : i32
        %get3A_845 = arith.constant 0 : i32
        %get3A_846 = tpu.memref_slice %arg6[%scan3A_473, %get3A_844, %get3A_845] : memref<8x128x64xf32, #tpu.memory_space<vmem>> -> memref<1x128x64xf32, #tpu.memory_space<vmem>>
        %get3A_847 = tpu.memref_squeeze %get3A_846 : memref<1x128x64xf32, #tpu.memory_space<vmem>> -> memref<128x64xf32, #tpu.memory_space<vmem>>
        %get3A_848 = arith.index_cast %add3A_823 : i32 to index
        %get3A_849 = arith.constant 16 : index
        %get3A_850 = tpu.vector_load %get3A_847[%get3A_848, %get3A_849] {strides = array<i32>} : memref<128x64xf32, #tpu.memory_space<vmem>>, vector<1x16xf32>,
        %get3A_851 = vector.shape_cast %get3A_850 : vector<1x16xf32> to vector<16xf32>
        %mul3A_852 = arith.constant 8.000000e+00 : f32
        %mul3A_853 = vector.broadcast %mul3A_852 : f32 to vector<16xf32>
        %mul3A_854 = arith.mulf %get3A_851, %mul3A_853 : vector<16xf32>
        %swap3A_855 = arith.constant 0 : i32
        %swap3A_856 = arith.constant 0 : i32
        %swap3A_857 = tpu.memref_slice %arg6[%scan3A_473, %swap3A_855, %swap3A_856] : memref<8x128x64xf32, #tpu.memory_space<vmem>> -> memref<1x128x64xf32, #tpu.memory_space<vmem>>
        %swap3A_858 = tpu.memref_squeeze %swap3A_857 : memref<1x128x64xf32, #tpu.memory_space<vmem>> -> memref<128x64xf32, #tpu.memory_space<vmem>>
        %swap3A_859 = arith.index_cast %add3A_823 : i32 to index
        %swap3A_860 = arith.constant 16 : index
        %swap3A_861 = tpu.vector_load %swap3A_858[%swap3A_859, %swap3A_860] {strides = array<i32>} : memref<128x64xf32, #tpu.memory_space<vmem>>, vector<1x16xf32>,
        %swap3A_862 = vector.shape_cast %swap3A_861 : vector<1x16xf32> to vector<16xf32>
        %swap3A_863 = vector.shape_cast %mul3A_854 : vector<16xf32> to vector<1x16xf32>
        tpu.vector_store %swap3A_858[%swap3A_859, %swap3A_860], %swap3A_863 {strides = array<i32>} : memref<128x64xf32, #tpu.memory_space<vmem>>, vector<1x16xf32>,
        %get3A_864 = arith.constant 0 : i32
        %get3A_865 = arith.constant 0 : i32
        %get3A_866 = tpu.memref_slice %arg6[%scan3A_473, %get3A_864, %get3A_865] : memref<8x128x64xf32, #tpu.memory_space<vmem>> -> memref<1x128x64xf32, #tpu.memory_space<vmem>>
        %get3A_867 = tpu.memref_squeeze %get3A_866 : memref<1x128x64xf32, #tpu.memory_space<vmem>> -> memref<128x64xf32, #tpu.memory_space<vmem>>
        %get3A_868 = arith.index_cast %add3A_823 : i32 to index
        %get3A_869 = arith.constant 32 : index
        %get3A_870 = tpu.vector_load %get3A_867[%get3A_868, %get3A_869] {strides = array<i32>} : memref<128x64xf32, #tpu.memory_space<vmem>>, vector<1x16xf32>,
        %get3A_871 = vector.shape_cast %get3A_870 : vector<1x16xf32> to vector<16xf32>
        %mul3A_872 = arith.constant 8.000000e+00 : f32
        %mul3A_873 = vector.broadcast %mul3A_872 : f32 to vector<16xf32>
        %mul3A_874 = arith.mulf %get3A_871, %mul3A_873 : vector<16xf32>
        %swap3A_875 = arith.constant 0 : i32
        %swap3A_876 = arith.constant 0 : i32
        %swap3A_877 = tpu.memref_slice %arg6[%scan3A_473, %swap3A_875, %swap3A_876] : memref<8x128x64xf32, #tpu.memory_space<vmem>> -> memref<1x128x64xf32, #tpu.memory_space<vmem>>
        %swap3A_878 = tpu.memref_squeeze %swap3A_877 : memref<1x128x64xf32, #tpu.memory_space<vmem>> -> memref<128x64xf32, #tpu.memory_space<vmem>>
        %swap3A_879 = arith.index_cast %add3A_823 : i32 to index
        %swap3A_880 = arith.constant 32 : index
        %swap3A_881 = tpu.vector_load %swap3A_878[%swap3A_879, %swap3A_880] {strides = array<i32>} : memref<128x64xf32, #tpu.memory_space<vmem>>, vector<1x16xf32>,
        %swap3A_882 = vector.shape_cast %swap3A_881 : vector<1x16xf32> to vector<16xf32>
        %swap3A_883 = vector.shape_cast %mul3A_874 : vector<16xf32> to vector<1x16xf32>
        tpu.vector_store %swap3A_878[%swap3A_879, %swap3A_880], %swap3A_883 {strides = array<i32>} : memref<128x64xf32, #tpu.memory_space<vmem>>, vector<1x16xf32>,
        %get3A_884 = arith.constant 0 : i32
        %get3A_885 = arith.constant 0 : i32
        %get3A_886 = tpu.memref_slice %arg6[%scan3A_473, %get3A_884, %get3A_885] : memref<8x128x64xf32, #tpu.memory_space<vmem>> -> memref<1x128x64xf32, #tpu.memory_space<vmem>>
        %get3A_887 = tpu.memref_squeeze %get3A_886 : memref<1x128x64xf32, #tpu.memory_space<vmem>> -> memref<128x64xf32, #tpu.memory_space<vmem>>
        %get3A_888 = arith.index_cast %add3A_823 : i32 to index
        %get3A_889 = arith.constant 48 : index
        %get3A_890 = tpu.vector_load %get3A_887[%get3A_888, %get3A_889] {strides = array<i32>} : memref<128x64xf32, #tpu.memory_space<vmem>>, vector<1x16xf32>,
        %get3A_891 = vector.shape_cast %get3A_890 : vector<1x16xf32> to vector<16xf32>
        %mul3A_892 = arith.constant 8.000000e+00 : f32
        %mul3A_893 = vector.broadcast %mul3A_892 : f32 to vector<16xf32>
        %mul3A_894 = arith.mulf %get3A_891, %mul3A_893 : vector<16xf32>
        %swap3A_895 = arith.constant 0 : i32
        %swap3A_896 = arith.constant 0 : i32
        %swap3A_897 = tpu.memref_slice %arg6[%scan3A_473, %swap3A_895, %swap3A_896] : memref<8x128x64xf32, #tpu.memory_space<vmem>> -> memref<1x128x64xf32, #tpu.memory_space<vmem>>
        %swap3A_898 = tpu.memref_squeeze %swap3A_897 : memref<1x128x64xf32, #tpu.memory_space<vmem>> -> memref<128x64xf32, #tpu.memory_space<vmem>>
        %swap3A_899 = arith.index_cast %add3A_823 : i32 to index
        %swap3A_900 = arith.constant 48 : index
        %swap3A_901 = tpu.vector_load %swap3A_898[%swap3A_899, %swap3A_900] {strides = array<i32>} : memref<128x64xf32, #tpu.memory_space<vmem>>, vector<1x16xf32>,
        %swap3A_902 = vector.shape_cast %swap3A_901 : vector<1x16xf32> to vector<16xf32>
        %swap3A_903 = vector.shape_cast %mul3A_894 : vector<16xf32> to vector<1x16xf32>
        tpu.vector_store %swap3A_898[%swap3A_899, %swap3A_900], %swap3A_903 {strides = array<i32>} : memref<128x64xf32, #tpu.memory_space<vmem>>, vector<1x16xf32>,
        %scan3A_904 = arith.constant 0 : i32
        %scan3A_905 = arith.constant 1 : i32
        %scan3A_906 = arith.addi %scan3A_736, %scan3A_905 : i32
        %mul3A_907 = arith.constant 2 : i32
        %mul3A_908 = arith.muli %scan3A_906, %mul3A_907 : i32
        %add3A_909 = arith.constant 0 : i32
        %add3A_910 = arith.addi %mul3A_908, %add3A_909 : i32
        %get3A_911 = arith.constant 0 : i32
        %get3A_912 = arith.constant 0 : i32
        %get3A_913 = tpu.memref_slice %arg6[%scan3A_473, %get3A_911, %get3A_912] : memref<8x128x64xf32, #tpu.memory_space<vmem>> -> memref<1x128x64xf32, #tpu.memory_space<vmem>>
        %get3A_914 = tpu.memref_squeeze %get3A_913 : memref<1x128x64xf32, #tpu.memory_space<vmem>> -> memref<128x64xf32, #tpu.memory_space<vmem>>
        %get3A_915 = arith.index_cast %add3A_910 : i32 to index
        %get3A_916 = arith.constant 0 : index
        %get3A_917 = tpu.vector_load %get3A_914[%get3A_915, %get3A_916] {strides = array<i32>} : memref<128x64xf32, #tpu.memory_space<vmem>>, vector<1x16xf32>,
        %get3A_918 = vector.shape_cast %get3A_917 : vector<1x16xf32> to vector<16xf32>
        %mul3A_919 = arith.constant 8.000000e+00 : f32
        %mul3A_920 = vector.broadcast %mul3A_919 : f32 to vector<16xf32>
        %mul3A_921 = arith.mulf %get3A_918, %mul3A_920 : vector<16xf32>
        %swap3A_922 = arith.constant 0 : i32
        %swap3A_923 = arith.constant 0 : i32
        %swap3A_924 = tpu.memref_slice %arg6[%scan3A_473, %swap3A_922, %swap3A_923] : memref<8x128x64xf32, #tpu.memory_space<vmem>> -> memref<1x128x64xf32, #tpu.memory_space<vmem>>
        %swap3A_925 = tpu.memref_squeeze %swap3A_924 : memref<1x128x64xf32, #tpu.memory_space<vmem>> -> memref<128x64xf32, #tpu.memory_space<vmem>>
        %swap3A_926 = arith.index_cast %add3A_910 : i32 to index
        %swap3A_927 = arith.constant 0 : index
        %swap3A_928 = tpu.vector_load %swap3A_925[%swap3A_926, %swap3A_927] {strides = array<i32>} : memref<128x64xf32, #tpu.memory_space<vmem>>, vector<1x16xf32>,
        %swap3A_929 = vector.shape_cast %swap3A_928 : vector<1x16xf32> to vector<16xf32>
        %swap3A_930 = vector.shape_cast %mul3A_921 : vector<16xf32> to vector<1x16xf32>
        tpu.vector_store %swap3A_925[%swap3A_926, %swap3A_927], %swap3A_930 {strides = array<i32>} : memref<128x64xf32, #tpu.memory_space<vmem>>, vector<1x16xf32>,
        %get3A_931 = arith.constant 0 : i32
        %get3A_932 = arith.constant 0 : i32
        %get3A_933 = tpu.memref_slice %arg6[%scan3A_473, %get3A_931, %get3A_932] : memref<8x128x64xf32, #tpu.memory_space<vmem>> -> memref<1x128x64xf32, #tpu.memory_space<vmem>>
        %get3A_934 = tpu.memref_squeeze %get3A_933 : memref<1x128x64xf32, #tpu.memory_space<vmem>> -> memref<128x64xf32, #tpu.memory_space<vmem>>
        %get3A_935 = arith.index_cast %add3A_910 : i32 to index
        %get3A_936 = arith.constant 16 : index
        %get3A_937 = tpu.vector_load %get3A_934[%get3A_935, %get3A_936] {strides = array<i32>} : memref<128x64xf32, #tpu.memory_space<vmem>>, vector<1x16xf32>,
        %get3A_938 = vector.shape_cast %get3A_937 : vector<1x16xf32> to vector<16xf32>
        %mul3A_939 = arith.constant 8.000000e+00 : f32
        %mul3A_940 = vector.broadcast %mul3A_939 : f32 to vector<16xf32>
        %mul3A_941 = arith.mulf %get3A_938, %mul3A_940 : vector<16xf32>
        %swap3A_942 = arith.constant 0 : i32
        %swap3A_943 = arith.constant 0 : i32
        %swap3A_944 = tpu.memref_slice %arg6[%scan3A_473, %swap3A_942, %swap3A_943] : memref<8x128x64xf32, #tpu.memory_space<vmem>> -> memref<1x128x64xf32, #tpu.memory_space<vmem>>
        %swap3A_945 = tpu.memref_squeeze %swap3A_944 : memref<1x128x64xf32, #tpu.memory_space<vmem>> -> memref<128x64xf32, #tpu.memory_space<vmem>>
        %swap3A_946 = arith.index_cast %add3A_910 : i32 to index
        %swap3A_947 = arith.constant 16 : index
        %swap3A_948 = tpu.vector_load %swap3A_945[%swap3A_946, %swap3A_947] {strides = array<i32>} : memref<128x64xf32, #tpu.memory_space<vmem>>, vector<1x16xf32>,
        %swap3A_949 = vector.shape_cast %swap3A_948 : vector<1x16xf32> to vector<16xf32>
        %swap3A_950 = vector.shape_cast %mul3A_941 : vector<16xf32> to vector<1x16xf32>
        tpu.vector_store %swap3A_945[%swap3A_946, %swap3A_947], %swap3A_950 {strides = array<i32>} : memref<128x64xf32, #tpu.memory_space<vmem>>, vector<1x16xf32>,
        %get3A_951 = arith.constant 0 : i32
        %get3A_952 = arith.constant 0 : i32
        %get3A_953 = tpu.memref_slice %arg6[%scan3A_473, %get3A_951, %get3A_952] : memref<8x128x64xf32, #tpu.memory_space<vmem>> -> memref<1x128x64xf32, #tpu.memory_space<vmem>>
        %get3A_954 = tpu.memref_squeeze %get3A_953 : memref<1x128x64xf32, #tpu.memory_space<vmem>> -> memref<128x64xf32, #tpu.memory_space<vmem>>
        %get3A_955 = arith.index_cast %add3A_910 : i32 to index
        %get3A_956 = arith.constant 32 : index
        %get3A_957 = tpu.vector_load %get3A_954[%get3A_955, %get3A_956] {strides = array<i32>} : memref<128x64xf32, #tpu.memory_space<vmem>>, vector<1x16xf32>,
        %get3A_958 = vector.shape_cast %get3A_957 : vector<1x16xf32> to vector<16xf32>
        %mul3A_959 = arith.constant 8.000000e+00 : f32
        %mul3A_960 = vector.broadcast %mul3A_959 : f32 to vector<16xf32>
        %mul3A_961 = arith.mulf %get3A_958, %mul3A_960 : vector<16xf32>
        %swap3A_962 = arith.constant 0 : i32
        %swap3A_963 = arith.constant 0 : i32
        %swap3A_964 = tpu.memref_slice %arg6[%scan3A_473, %swap3A_962, %swap3A_963] : memref<8x128x64xf32, #tpu.memory_space<vmem>> -> memref<1x128x64xf32, #tpu.memory_space<vmem>>
        %swap3A_965 = tpu.memref_squeeze %swap3A_964 : memref<1x128x64xf32, #tpu.memory_space<vmem>> -> memref<128x64xf32, #tpu.memory_space<vmem>>
        %swap3A_966 = arith.index_cast %add3A_910 : i32 to index
        %swap3A_967 = arith.constant 32 : index
        %swap3A_968 = tpu.vector_load %swap3A_965[%swap3A_966, %swap3A_967] {strides = array<i32>} : memref<128x64xf32, #tpu.memory_space<vmem>>, vector<1x16xf32>,
        %swap3A_969 = vector.shape_cast %swap3A_968 : vector<1x16xf32> to vector<16xf32>
        %swap3A_970 = vector.shape_cast %mul3A_961 : vector<16xf32> to vector<1x16xf32>
        tpu.vector_store %swap3A_965[%swap3A_966, %swap3A_967], %swap3A_970 {strides = array<i32>} : memref<128x64xf32, #tpu.memory_space<vmem>>, vector<1x16xf32>,
        %get3A_971 = arith.constant 0 : i32
        %get3A_972 = arith.constant 0 : i32
        %get3A_973 = tpu.memref_slice %arg6[%scan3A_473, %get3A_971, %get3A_972] : memref<8x128x64xf32, #tpu.memory_space<vmem>> -> memref<1x128x64xf32, #tpu.memory_space<vmem>>
        %get3A_974 = tpu.memref_squeeze %get3A_973 : memref<1x128x64xf32, #tpu.memory_space<vmem>> -> memref<128x64xf32, #tpu.memory_space<vmem>>
        %get3A_975 = arith.index_cast %add3A_910 : i32 to index
        %get3A_976 = arith.constant 48 : index
        %get3A_977 = tpu.vector_load %get3A_974[%get3A_975, %get3A_976] {strides = array<i32>} : memref<128x64xf32, #tpu.memory_space<vmem>>, vector<1x16xf32>,
        %get3A_978 = vector.shape_cast %get3A_977 : vector<1x16xf32> to vector<16xf32>
        %mul3A_979 = arith.constant 8.000000e+00 : f32
        %mul3A_980 = vector.broadcast %mul3A_979 : f32 to vector<16xf32>
        %mul3A_981 = arith.mulf %get3A_978, %mul3A_980 : vector<16xf32>
        %swap3A_982 = arith.constant 0 : i32
        %swap3A_983 = arith.constant 0 : i32
        %swap3A_984 = tpu.memref_slice %arg6[%scan3A_473, %swap3A_982, %swap3A_983] : memref<8x128x64xf32, #tpu.memory_space<vmem>> -> memref<1x128x64xf32, #tpu.memory_space<vmem>>
        %swap3A_985 = tpu.memref_squeeze %swap3A_984 : memref<1x128x64xf32, #tpu.memory_space<vmem>> -> memref<128x64xf32, #tpu.memory_space<vmem>>
        %swap3A_986 = arith.index_cast %add3A_910 : i32 to index
        %swap3A_987 = arith.constant 48 : index
        %swap3A_988 = tpu.vector_load %swap3A_985[%swap3A_986, %swap3A_987] {strides = array<i32>} : memref<128x64xf32, #tpu.memory_space<vmem>>, vector<1x16xf32>,
        %swap3A_989 = vector.shape_cast %swap3A_988 : vector<1x16xf32> to vector<16xf32>
        %swap3A_990 = vector.shape_cast %mul3A_981 : vector<16xf32> to vector<1x16xf32>
        tpu.vector_store %swap3A_985[%swap3A_986, %swap3A_987], %swap3A_990 {strides = array<i32>} : memref<128x64xf32, #tpu.memory_space<vmem>>, vector<1x16xf32>,
        %mul3A_991 = arith.constant 2 : i32
        %mul3A_992 = arith.muli %scan3A_906, %mul3A_991 : i32
        %add3A_993 = arith.constant 1 : i32
        %add3A_994 = arith.addi %mul3A_992, %add3A_993 : i32
        %get3A_995 = arith.constant 0 : i32
        %get3A_996 = arith.constant 0 : i32
        %get3A_997 = tpu.memref_slice %arg6[%scan3A_473, %get3A_995, %get3A_996] : memref<8x128x64xf32, #tpu.memory_space<vmem>> -> memref<1x128x64xf32, #tpu.memory_space<vmem>>
        %get3A_998 = tpu.memref_squeeze %get3A_997 : memref<1x128x64xf32, #tpu.memory_space<vmem>> -> memref<128x64xf32, #tpu.memory_space<vmem>>
        %get3A_999 = arith.index_cast %add3A_994 : i32 to index
        %get3A_1000 = arith.constant 0 : index
        %get3A_1001 = tpu.vector_load %get3A_998[%get3A_999, %get3A_1000] {strides = array<i32>} : memref<128x64xf32, #tpu.memory_space<vmem>>, vector<1x16xf32>,
        %get3A_1002 = vector.shape_cast %get3A_1001 : vector<1x16xf32> to vector<16xf32>
        %mul3A_1003 = arith.constant 8.000000e+00 : f32
        %mul3A_1004 = vector.broadcast %mul3A_1003 : f32 to vector<16xf32>
        %mul3A_1005 = arith.mulf %get3A_1002, %mul3A_1004 : vector<16xf32>
        %swap3A_1006 = arith.constant 0 : i32
        %swap3A_1007 = arith.constant 0 : i32
        %swap3A_1008 = tpu.memref_slice %arg6[%scan3A_473, %swap3A_1006, %swap3A_1007] : memref<8x128x64xf32, #tpu.memory_space<vmem>> -> memref<1x128x64xf32, #tpu.memory_space<vmem>>
        %swap3A_1009 = tpu.memref_squeeze %swap3A_1008 : memref<1x128x64xf32, #tpu.memory_space<vmem>> -> memref<128x64xf32, #tpu.memory_space<vmem>>
        %swap3A_1010 = arith.index_cast %add3A_994 : i32 to index
        %swap3A_1011 = arith.constant 0 : index
        %swap3A_1012 = tpu.vector_load %swap3A_1009[%swap3A_1010, %swap3A_1011] {strides = array<i32>} : memref<128x64xf32, #tpu.memory_space<vmem>>, vector<1x16xf32>,
        %swap3A_1013 = vector.shape_cast %swap3A_1012 : vector<1x16xf32> to vector<16xf32>
        %swap3A_1014 = vector.shape_cast %mul3A_1005 : vector<16xf32> to vector<1x16xf32>
        tpu.vector_store %swap3A_1009[%swap3A_1010, %swap3A_1011], %swap3A_1014 {strides = array<i32>} : memref<128x64xf32, #tpu.memory_space<vmem>>, vector<1x16xf32>,
        %get3A_1015 = arith.constant 0 : i32
        %get3A_1016 = arith.constant 0 : i32
        %get3A_1017 = tpu.memref_slice %arg6[%scan3A_473, %get3A_1015, %get3A_1016] : memref<8x128x64xf32, #tpu.memory_space<vmem>> -> memref<1x128x64xf32, #tpu.memory_space<vmem>>
        %get3A_1018 = tpu.memref_squeeze %get3A_1017 : memref<1x128x64xf32, #tpu.memory_space<vmem>> -> memref<128x64xf32, #tpu.memory_space<vmem>>
        %get3A_1019 = arith.index_cast %add3A_994 : i32 to index
        %get3A_1020 = arith.constant 16 : index
        %get3A_1021 = tpu.vector_load %get3A_1018[%get3A_1019, %get3A_1020] {strides = array<i32>} : memref<128x64xf32, #tpu.memory_space<vmem>>, vector<1x16xf32>,
        %get3A_1022 = vector.shape_cast %get3A_1021 : vector<1x16xf32> to vector<16xf32>
        %mul3A_1023 = arith.constant 8.000000e+00 : f32
        %mul3A_1024 = vector.broadcast %mul3A_1023 : f32 to vector<16xf32>
        %mul3A_1025 = arith.mulf %get3A_1022, %mul3A_1024 : vector<16xf32>
        %swap3A_1026 = arith.constant 0 : i32
        %swap3A_1027 = arith.constant 0 : i32
        %swap3A_1028 = tpu.memref_slice %arg6[%scan3A_473, %swap3A_1026, %swap3A_1027] : memref<8x128x64xf32, #tpu.memory_space<vmem>> -> memref<1x128x64xf32, #tpu.memory_space<vmem>>
        %swap3A_1029 = tpu.memref_squeeze %swap3A_1028 : memref<1x128x64xf32, #tpu.memory_space<vmem>> -> memref<128x64xf32, #tpu.memory_space<vmem>>
        %swap3A_1030 = arith.index_cast %add3A_994 : i32 to index
        %swap3A_1031 = arith.constant 16 : index
        %swap3A_1032 = tpu.vector_load %swap3A_1029[%swap3A_1030, %swap3A_1031] {strides = array<i32>} : memref<128x64xf32, #tpu.memory_space<vmem>>, vector<1x16xf32>,
        %swap3A_1033 = vector.shape_cast %swap3A_1032 : vector<1x16xf32> to vector<16xf32>
        %swap3A_1034 = vector.shape_cast %mul3A_1025 : vector<16xf32> to vector<1x16xf32>
        tpu.vector_store %swap3A_1029[%swap3A_1030, %swap3A_1031], %swap3A_1034 {strides = array<i32>} : memref<128x64xf32, #tpu.memory_space<vmem>>, vector<1x16xf32>,
        %get3A_1035 = arith.constant 0 : i32
        %get3A_1036 = arith.constant 0 : i32
        %get3A_1037 = tpu.memref_slice %arg6[%scan3A_473, %get3A_1035, %get3A_1036] : memref<8x128x64xf32, #tpu.memory_space<vmem>> -> memref<1x128x64xf32, #tpu.memory_space<vmem>>
        %get3A_1038 = tpu.memref_squeeze %get3A_1037 : memref<1x128x64xf32, #tpu.memory_space<vmem>> -> memref<128x64xf32, #tpu.memory_space<vmem>>
        %get3A_1039 = arith.index_cast %add3A_994 : i32 to index
        %get3A_1040 = arith.constant 32 : index
        %get3A_1041 = tpu.vector_load %get3A_1038[%get3A_1039, %get3A_1040] {strides = array<i32>} : memref<128x64xf32, #tpu.memory_space<vmem>>, vector<1x16xf32>,
        %get3A_1042 = vector.shape_cast %get3A_1041 : vector<1x16xf32> to vector<16xf32>
        %mul3A_1043 = arith.constant 8.000000e+00 : f32
        %mul3A_1044 = vector.broadcast %mul3A_1043 : f32 to vector<16xf32>
        %mul3A_1045 = arith.mulf %get3A_1042, %mul3A_1044 : vector<16xf32>
        %swap3A_1046 = arith.constant 0 : i32
        %swap3A_1047 = arith.constant 0 : i32
        %swap3A_1048 = tpu.memref_slice %arg6[%scan3A_473, %swap3A_1046, %swap3A_1047] : memref<8x128x64xf32, #tpu.memory_space<vmem>> -> memref<1x128x64xf32, #tpu.memory_space<vmem>>
        %swap3A_1049 = tpu.memref_squeeze %swap3A_1048 : memref<1x128x64xf32, #tpu.memory_space<vmem>> -> memref<128x64xf32, #tpu.memory_space<vmem>>
        %swap3A_1050 = arith.index_cast %add3A_994 : i32 to index
        %swap3A_1051 = arith.constant 32 : index
        %swap3A_1052 = tpu.vector_load %swap3A_1049[%swap3A_1050, %swap3A_1051] {strides = array<i32>} : memref<128x64xf32, #tpu.memory_space<vmem>>, vector<1x16xf32>,
        %swap3A_1053 = vector.shape_cast %swap3A_1052 : vector<1x16xf32> to vector<16xf32>
        %swap3A_1054 = vector.shape_cast %mul3A_1045 : vector<16xf32> to vector<1x16xf32>
        tpu.vector_store %swap3A_1049[%swap3A_1050, %swap3A_1051], %swap3A_1054 {strides = array<i32>} : memref<128x64xf32, #tpu.memory_space<vmem>>, vector<1x16xf32>,
        %get3A_1055 = arith.constant 0 : i32
        %get3A_1056 = arith.constant 0 : i32
        %get3A_1057 = tpu.memref_slice %arg6[%scan3A_473, %get3A_1055, %get3A_1056] : memref<8x128x64xf32, #tpu.memory_space<vmem>> -> memref<1x128x64xf32, #tpu.memory_space<vmem>>
        %get3A_1058 = tpu.memref_squeeze %get3A_1057 : memref<1x128x64xf32, #tpu.memory_space<vmem>> -> memref<128x64xf32, #tpu.memory_space<vmem>>
        %get3A_1059 = arith.index_cast %add3A_994 : i32 to index
        %get3A_1060 = arith.constant 48 : index
        %get3A_1061 = tpu.vector_load %get3A_1058[%get3A_1059, %get3A_1060] {strides = array<i32>} : memref<128x64xf32, #tpu.memory_space<vmem>>, vector<1x16xf32>,
        %get3A_1062 = vector.shape_cast %get3A_1061 : vector<1x16xf32> to vector<16xf32>
        %mul3A_1063 = arith.constant 8.000000e+00 : f32
        %mul3A_1064 = vector.broadcast %mul3A_1063 : f32 to vector<16xf32>
        %mul3A_1065 = arith.mulf %get3A_1062, %mul3A_1064 : vector<16xf32>
        %swap3A_1066 = arith.constant 0 : i32
        %swap3A_1067 = arith.constant 0 : i32
        %swap3A_1068 = tpu.memref_slice %arg6[%scan3A_473, %swap3A_1066, %swap3A_1067] : memref<8x128x64xf32, #tpu.memory_space<vmem>> -> memref<1x128x64xf32, #tpu.memory_space<vmem>>
        %swap3A_1069 = tpu.memref_squeeze %swap3A_1068 : memref<1x128x64xf32, #tpu.memory_space<vmem>> -> memref<128x64xf32, #tpu.memory_space<vmem>>
        %swap3A_1070 = arith.index_cast %add3A_994 : i32 to index
        %swap3A_1071 = arith.constant 48 : index
        %swap3A_1072 = tpu.vector_load %swap3A_1069[%swap3A_1070, %swap3A_1071] {strides = array<i32>} : memref<128x64xf32, #tpu.memory_space<vmem>>, vector<1x16xf32>,
        %swap3A_1073 = vector.shape_cast %swap3A_1072 : vector<1x16xf32> to vector<16xf32>
        %swap3A_1074 = vector.shape_cast %mul3A_1065 : vector<16xf32> to vector<1x16xf32>
        tpu.vector_store %swap3A_1069[%swap3A_1070, %swap3A_1071], %swap3A_1074 {strides = array<i32>} : memref<128x64xf32, #tpu.memory_space<vmem>>, vector<1x16xf32>,
        %scan3A_1075 = arith.constant 0 : i32
        scf.yield %scan3A_1075 : i32
      }
      %scan3A_480 = arith.constant 64 : i32
      %add3A_481 = arith.addi %mul3A_2, %scan3A_273 : i32
      %rem3A_482 = arith.constant 32 : i32
      %rem3A_483 = arith.remsi %add3A_481, %rem3A_482 : i32
      %div3A_484 = arith.constant 32 : i32
      %div3A_485 = arith.divsi %add3A_481, %div3A_484 : i32
      %mul3A_486 = arith.constant 4 : i32
      %mul3A_487 = arith.muli %div3A_485, %mul3A_486 : i32
      %add3A_488 = arith.constant 1 : i32
      %add3A_489 = arith.addi %mul3A_487, %add3A_488 : i32
      %mul3A_490 = arith.constant 128 : i32
      %mul3A_491 = arith.muli %rem3A_483, %mul3A_490 : i32
      %dma_start3A_492 = arith.constant 3 : i32
      %dma_start3A_493 = arith.constant 0 : i32
      %dma_start3A_494 = arith.constant 0 : i32
      %dma_start3A_495 = tpu.memref_slice %arg6[%dma_start3A_492, %dma_start3A_493, %dma_start3A_494] : memref<8x128x64xf32, #tpu.memory_space<vmem>> -> memref<1x128x64xf32, #tpu.memory_space<vmem>>
      %dma_start3A_496 = tpu.memref_squeeze %dma_start3A_495 : memref<1x128x64xf32, #tpu.memory_space<vmem>> -> memref<128x64xf32, #tpu.memory_space<vmem>>
      %dma_start3A_497 = arith.constant 64 : i32
      %dma_start3A_498 = tpu.memref_slice %arg4[%add3A_489, %mul3A_491, %dma_start3A_497] : memref<100x4096x128xf32, #tpu.memory_space<hbm>> -> memref<1x128x64xf32, #tpu.memory_space<hbm>>
      %dma_start3A_499 = tpu.memref_squeeze %dma_start3A_498 : memref<1x128x64xf32, #tpu.memory_space<hbm>> -> memref<128x64xf32, #tpu.memory_space<hbm>>
      %dma_start3A_500 = arith.constant 64 : i32
      %dma_start3A_501 = tpu.memref_slice %arg4[%add3A_489, %mul3A_491, %dma_start3A_500] : memref<100x4096x128xf32, #tpu.memory_space<hbm>> -> memref<1x128x64xf32, #tpu.memory_space<hbm>>
      %dma_start3A_502 = tpu.memref_squeeze %dma_start3A_501 : memref<1x128x64xf32, #tpu.memory_space<hbm>> -> memref<128x64xf32, #tpu.memory_space<hbm>>
      %dma_start3A_503 = arith.constant 0 : i32
      %dma_start3A_504 = arith.constant 0 : i32
      %dma_start3A_505 = tpu.memref_slice %arg6[%dma_start3A_492, %dma_start3A_503, %dma_start3A_504] : memref<8x128x64xf32, #tpu.memory_space<vmem>> -> memref<1x128x64xf32, #tpu.memory_space<vmem>>
      %dma_start3A_506 = tpu.memref_squeeze %dma_start3A_505 : memref<1x128x64xf32, #tpu.memory_space<vmem>> -> memref<128x64xf32, #tpu.memory_space<vmem>>
      tpu.enqueue_dma source(%dma_start3A_506 : memref<128x64xf32, #tpu.memory_space<vmem>>) target(%dma_start3A_502 : memref<128x64xf32, #tpu.memory_space<hbm>>) target_semaphore(%arg18 : memref<!tpu.dma_semaphore, #tpu.memory_space<semaphore_mem>>)
      %ge3A_507 = arith.constant 1 : i32
      %ge3A_508 = arith.cmpi sge, %scan3A_273, %ge3A_507 : i32
      %convert_element_type3A_509 = arith.extui %ge3A_508 : i1 to i32
      %cond3A_510 = arith.constant 0 : i32
      %cond3A_511 = arith.cmpi ne, %convert_element_type3A_509, %cond3A_510 : i32
      scf.if %cond3A_511 {
        %sub3A = arith.constant 1 : i32
        %sub3A_736 = arith.subi %scan3A_273, %sub3A : i32
        %add3A_737 = arith.addi %mul3A_2, %sub3A_736 : i32
        %rem3A_738 = arith.constant 32 : i32
        %rem3A_739 = arith.remsi %add3A_737, %rem3A_738 : i32
        %div3A_740 = arith.constant 32 : i32
        %div3A_741 = arith.divsi %add3A_737, %div3A_740 : i32
        %mul3A_742 = arith.constant 4 : i32
        %mul3A_743 = arith.muli %div3A_741, %mul3A_742 : i32
        %add3A_744 = arith.constant 3 : i32
        %add3A_745 = arith.addi %mul3A_743, %add3A_744 : i32
        %mul3A_746 = arith.constant 128 : i32
        %mul3A_747 = arith.muli %rem3A_739, %mul3A_746 : i32
        %dma_wait3A_748 = arith.constant 7 : i32
        %dma_wait3A_749 = arith.constant 0 : i32
        %dma_wait3A_750 = arith.constant 0 : i32
        %dma_wait3A_751 = tpu.memref_slice %arg6[%dma_wait3A_748, %dma_wait3A_749, %dma_wait3A_750] : memref<8x128x64xf32, #tpu.memory_space<vmem>> -> memref<1x128x64xf32, #tpu.memory_space<vmem>>
        %dma_wait3A_752 = tpu.memref_squeeze %dma_wait3A_751 : memref<1x128x64xf32, #tpu.memory_space<vmem>> -> memref<128x64xf32, #tpu.memory_space<vmem>>
        %dma_wait3A_753 = arith.constant 64 : i32
        %dma_wait3A_754 = tpu.memref_slice %arg4[%add3A_745, %mul3A_747, %dma_wait3A_753] : memref<100x4096x128xf32, #tpu.memory_space<hbm>> -> memref<1x128x64xf32, #tpu.memory_space<hbm>>
        %dma_wait3A_755 = tpu.memref_squeeze %dma_wait3A_754 : memref<1x128x64xf32, #tpu.memory_space<hbm>> -> memref<128x64xf32, #tpu.memory_space<hbm>>
        %dma_wait3A_756 = arith.constant 64 : i32
        %dma_wait3A_757 = tpu.memref_slice %arg4[%add3A_745, %mul3A_747, %dma_wait3A_756] : memref<100x4096x128xf32, #tpu.memory_space<hbm>> -> memref<1x128x64xf32, #tpu.memory_space<hbm>>
        %dma_wait3A_758 = tpu.memref_squeeze %dma_wait3A_757 : memref<1x128x64xf32, #tpu.memory_space<hbm>> -> memref<128x64xf32, #tpu.memory_space<hbm>>
        %dma_wait3A_759 = arith.constant 0 : i32
        %dma_wait3A_760 = arith.constant 0 : i32
        %dma_wait3A_761 = tpu.memref_slice %arg6[%dma_wait3A_748, %dma_wait3A_759, %dma_wait3A_760] : memref<8x128x64xf32, #tpu.memory_space<vmem>> -> memref<1x128x64xf32, #tpu.memory_space<vmem>>
        %dma_wait3A_762 = tpu.memref_squeeze %dma_wait3A_761 : memref<1x128x64xf32, #tpu.memory_space<vmem>> -> memref<128x64xf32, #tpu.memory_space<vmem>>
        tpu.wait_dma2 semaphore(%arg22 : memref<!tpu.dma_semaphore, #tpu.memory_space<semaphore_mem>>) src(%dma_wait3A_762 : memref<128x64xf32, #tpu.memory_space<vmem>>) dst(%dma_wait3A_758 : memref<128x64xf32, #tpu.memory_space<hbm>>)
      } else {
      }
      %dma_start3A_512 = arith.constant 7 : i32
      %dma_start3A_513 = arith.constant 7 : i32
      %dma_start3A_514 = arith.constant 0 : i32
      %dma_start3A_515 = arith.constant 0 : i32
      %dma_start3A_516 = tpu.memref_slice %arg6[%dma_start3A_513, %dma_start3A_514, %dma_start3A_515] : memref<8x128x64xf32, #tpu.memory_space<vmem>> -> memref<1x128x64xf32, #tpu.memory_space<vmem>>
      %dma_start3A_517 = tpu.memref_squeeze %dma_start3A_516 : memref<1x128x64xf32, #tpu.memory_space<vmem>> -> memref<128x64xf32, #tpu.memory_space<vmem>>
      %dma_start3A_518 = arith.constant 0 : i32
      %dma_start3A_519 = tpu.memref_slice %arg5[%scan3A_273, %dma_start3A_512, %dma_start3A_518] : memref<25x8x128xi32, #tpu.memory_space<vmem>> -> memref<1x1x128xi32, #tpu.memory_space<vmem>>
      %dma_start3A_520 = tpu.memref_squeeze %dma_start3A_519 : memref<1x1x128xi32, #tpu.memory_space<vmem>> -> memref<128xi32, #tpu.memory_space<vmem>>
      %dma_start3A_521 = arith.constant 0 : i32
      %dma_start3A_522 = arith.constant 0 : i32
      %dma_start3A_523 = tpu.memref_slice %arg3[%dma_start3A_521, %dma_start3A_522] : memref<1000000x64xf32, #tpu.memory_space<hbm>> -> memref<1000000x64xf32, #tpu.memory_space<hbm>>
      tpu.enqueue_indirect_dma source(%dma_start3A_523 : memref<1000000x64xf32, #tpu.memory_space<hbm>>) target(%dma_start3A_517 : memref<128x64xf32, #tpu.memory_space<vmem>>) offsets(%dma_start3A_520 : memref<128xi32, #tpu.memory_space<vmem>>) semaphore(%arg14 : memref<!tpu.dma_semaphore, #tpu.memory_space<semaphore_mem>>)
      %dma_wait3A_524 = arith.constant 4 : i32
      %dma_wait3A_525 = arith.constant 4 : i32
      %dma_wait3A_526 = arith.constant 0 : i32
      %dma_wait3A_527 = arith.constant 0 : i32
      %dma_wait3A_528 = tpu.memref_slice %arg6[%dma_wait3A_525, %dma_wait3A_526, %dma_wait3A_527] : memref<8x128x64xf32, #tpu.memory_space<vmem>> -> memref<1x128x64xf32, #tpu.memory_space<vmem>>
      %dma_wait3A_529 = tpu.memref_squeeze %dma_wait3A_528 : memref<1x128x64xf32, #tpu.memory_space<vmem>> -> memref<128x64xf32, #tpu.memory_space<vmem>>
      %dma_wait3A_530 = arith.constant 0 : i32
      %dma_wait3A_531 = tpu.memref_slice %arg5[%scan3A_273, %dma_wait3A_524, %dma_wait3A_530] : memref<25x8x128xi32, #tpu.memory_space<vmem>> -> memref<1x1x128xi32, #tpu.memory_space<vmem>>
      %dma_wait3A_532 = tpu.memref_squeeze %dma_wait3A_531 : memref<1x1x128xi32, #tpu.memory_space<vmem>> -> memref<128xi32, #tpu.memory_space<vmem>>
      %dma_wait3A_533 = arith.constant 0 : i32
      %dma_wait3A_534 = arith.constant 0 : i32
      %dma_wait3A_535 = tpu.memref_slice %arg3[%dma_wait3A_533, %dma_wait3A_534] : memref<1000000x64xf32, #tpu.memory_space<hbm>> -> memref<1000000x64xf32, #tpu.memory_space<hbm>>
      tpu.wait_indirect_dma semaphore(%arg11 : memref<!tpu.dma_semaphore, #tpu.memory_space<semaphore_mem>>) src(%dma_wait3A_535 : memref<1000000x64xf32, #tpu.memory_space<hbm>>) dst(%dma_wait3A_529 : memref<128x64xf32, #tpu.memory_space<vmem>>)
      %scan3A_536 = arith.constant 4 : i32
      %scan3A_537 = arith.constant 0 : i32
      %scan3A_538 = arith.constant 0 : i32
      %scan3A_539 = arith.constant 64 : i32
      %scan3A_540 = arith.addi %scan3A_538, %scan3A_539 : i32
      %scan3A_541 = arith.constant 2 : i32
      %scan3A_542 = scf.for %scan3A_736 = %scan3A_538 to %scan3A_540 step %scan3A_541 iter_args(%scan3A_737 = %scan3A_537) -> (i32)  : i32 {
        %mul3A_738 = arith.constant 2 : i32
        %mul3A_739 = arith.muli %scan3A_736, %mul3A_738 : i32
        %add3A_740 = arith.constant 0 : i32
        %add3A_741 = arith.addi %mul3A_739, %add3A_740 : i32
        %get3A = arith.constant 0 : i32
        %get3A_742 = arith.constant 0 : i32
        %get3A_743 = tpu.memref_slice %arg6[%scan3A_536, %get3A, %get3A_742] : memref<8x128x64xf32, #tpu.memory_space<vmem>> -> memref<1x128x64xf32, #tpu.memory_space<vmem>>
        %get3A_744 = tpu.memref_squeeze %get3A_743 : memref<1x128x64xf32, #tpu.memory_space<vmem>> -> memref<128x64xf32, #tpu.memory_space<vmem>>
        %get3A_745 = arith.index_cast %add3A_741 : i32 to index
        %get3A_746 = arith.constant 0 : index
        %get3A_747 = tpu.vector_load %get3A_744[%get3A_745, %get3A_746] {strides = array<i32>} : memref<128x64xf32, #tpu.memory_space<vmem>>, vector<1x16xf32>,
        %get3A_748 = vector.shape_cast %get3A_747 : vector<1x16xf32> to vector<16xf32>
        %mul3A_749 = arith.constant 8.000000e+00 : f32
        %mul3A_750 = vector.broadcast %mul3A_749 : f32 to vector<16xf32>
        %mul3A_751 = arith.mulf %get3A_748, %mul3A_750 : vector<16xf32>
        %swap3A = arith.constant 0 : i32
        %swap3A_752 = arith.constant 0 : i32
        %swap3A_753 = tpu.memref_slice %arg6[%scan3A_536, %swap3A, %swap3A_752] : memref<8x128x64xf32, #tpu.memory_space<vmem>> -> memref<1x128x64xf32, #tpu.memory_space<vmem>>
        %swap3A_754 = tpu.memref_squeeze %swap3A_753 : memref<1x128x64xf32, #tpu.memory_space<vmem>> -> memref<128x64xf32, #tpu.memory_space<vmem>>
        %swap3A_755 = arith.index_cast %add3A_741 : i32 to index
        %swap3A_756 = arith.constant 0 : index
        %swap3A_757 = tpu.vector_load %swap3A_754[%swap3A_755, %swap3A_756] {strides = array<i32>} : memref<128x64xf32, #tpu.memory_space<vmem>>, vector<1x16xf32>,
        %swap3A_758 = vector.shape_cast %swap3A_757 : vector<1x16xf32> to vector<16xf32>
        %swap3A_759 = vector.shape_cast %mul3A_751 : vector<16xf32> to vector<1x16xf32>
        tpu.vector_store %swap3A_754[%swap3A_755, %swap3A_756], %swap3A_759 {strides = array<i32>} : memref<128x64xf32, #tpu.memory_space<vmem>>, vector<1x16xf32>,
        %get3A_760 = arith.constant 0 : i32
        %get3A_761 = arith.constant 0 : i32
        %get3A_762 = tpu.memref_slice %arg6[%scan3A_536, %get3A_760, %get3A_761] : memref<8x128x64xf32, #tpu.memory_space<vmem>> -> memref<1x128x64xf32, #tpu.memory_space<vmem>>
        %get3A_763 = tpu.memref_squeeze %get3A_762 : memref<1x128x64xf32, #tpu.memory_space<vmem>> -> memref<128x64xf32, #tpu.memory_space<vmem>>
        %get3A_764 = arith.index_cast %add3A_741 : i32 to index
        %get3A_765 = arith.constant 16 : index
        %get3A_766 = tpu.vector_load %get3A_763[%get3A_764, %get3A_765] {strides = array<i32>} : memref<128x64xf32, #tpu.memory_space<vmem>>, vector<1x16xf32>,
        %get3A_767 = vector.shape_cast %get3A_766 : vector<1x16xf32> to vector<16xf32>
        %mul3A_768 = arith.constant 8.000000e+00 : f32
        %mul3A_769 = vector.broadcast %mul3A_768 : f32 to vector<16xf32>
        %mul3A_770 = arith.mulf %get3A_767, %mul3A_769 : vector<16xf32>
        %swap3A_771 = arith.constant 0 : i32
        %swap3A_772 = arith.constant 0 : i32
        %swap3A_773 = tpu.memref_slice %arg6[%scan3A_536, %swap3A_771, %swap3A_772] : memref<8x128x64xf32, #tpu.memory_space<vmem>> -> memref<1x128x64xf32, #tpu.memory_space<vmem>>
        %swap3A_774 = tpu.memref_squeeze %swap3A_773 : memref<1x128x64xf32, #tpu.memory_space<vmem>> -> memref<128x64xf32, #tpu.memory_space<vmem>>
        %swap3A_775 = arith.index_cast %add3A_741 : i32 to index
        %swap3A_776 = arith.constant 16 : index
        %swap3A_777 = tpu.vector_load %swap3A_774[%swap3A_775, %swap3A_776] {strides = array<i32>} : memref<128x64xf32, #tpu.memory_space<vmem>>, vector<1x16xf32>,
        %swap3A_778 = vector.shape_cast %swap3A_777 : vector<1x16xf32> to vector<16xf32>
        %swap3A_779 = vector.shape_cast %mul3A_770 : vector<16xf32> to vector<1x16xf32>
        tpu.vector_store %swap3A_774[%swap3A_775, %swap3A_776], %swap3A_779 {strides = array<i32>} : memref<128x64xf32, #tpu.memory_space<vmem>>, vector<1x16xf32>,
        %get3A_780 = arith.constant 0 : i32
        %get3A_781 = arith.constant 0 : i32
        %get3A_782 = tpu.memref_slice %arg6[%scan3A_536, %get3A_780, %get3A_781] : memref<8x128x64xf32, #tpu.memory_space<vmem>> -> memref<1x128x64xf32, #tpu.memory_space<vmem>>
        %get3A_783 = tpu.memref_squeeze %get3A_782 : memref<1x128x64xf32, #tpu.memory_space<vmem>> -> memref<128x64xf32, #tpu.memory_space<vmem>>
        %get3A_784 = arith.index_cast %add3A_741 : i32 to index
        %get3A_785 = arith.constant 32 : index
        %get3A_786 = tpu.vector_load %get3A_783[%get3A_784, %get3A_785] {strides = array<i32>} : memref<128x64xf32, #tpu.memory_space<vmem>>, vector<1x16xf32>,
        %get3A_787 = vector.shape_cast %get3A_786 : vector<1x16xf32> to vector<16xf32>
        %mul3A_788 = arith.constant 8.000000e+00 : f32
        %mul3A_789 = vector.broadcast %mul3A_788 : f32 to vector<16xf32>
        %mul3A_790 = arith.mulf %get3A_787, %mul3A_789 : vector<16xf32>
        %swap3A_791 = arith.constant 0 : i32
        %swap3A_792 = arith.constant 0 : i32
        %swap3A_793 = tpu.memref_slice %arg6[%scan3A_536, %swap3A_791, %swap3A_792] : memref<8x128x64xf32, #tpu.memory_space<vmem>> -> memref<1x128x64xf32, #tpu.memory_space<vmem>>
        %swap3A_794 = tpu.memref_squeeze %swap3A_793 : memref<1x128x64xf32, #tpu.memory_space<vmem>> -> memref<128x64xf32, #tpu.memory_space<vmem>>
        %swap3A_795 = arith.index_cast %add3A_741 : i32 to index
        %swap3A_796 = arith.constant 32 : index
        %swap3A_797 = tpu.vector_load %swap3A_794[%swap3A_795, %swap3A_796] {strides = array<i32>} : memref<128x64xf32, #tpu.memory_space<vmem>>, vector<1x16xf32>,
        %swap3A_798 = vector.shape_cast %swap3A_797 : vector<1x16xf32> to vector<16xf32>
        %swap3A_799 = vector.shape_cast %mul3A_790 : vector<16xf32> to vector<1x16xf32>
        tpu.vector_store %swap3A_794[%swap3A_795, %swap3A_796], %swap3A_799 {strides = array<i32>} : memref<128x64xf32, #tpu.memory_space<vmem>>, vector<1x16xf32>,
        %get3A_800 = arith.constant 0 : i32
        %get3A_801 = arith.constant 0 : i32
        %get3A_802 = tpu.memref_slice %arg6[%scan3A_536, %get3A_800, %get3A_801] : memref<8x128x64xf32, #tpu.memory_space<vmem>> -> memref<1x128x64xf32, #tpu.memory_space<vmem>>
        %get3A_803 = tpu.memref_squeeze %get3A_802 : memref<1x128x64xf32, #tpu.memory_space<vmem>> -> memref<128x64xf32, #tpu.memory_space<vmem>>
        %get3A_804 = arith.index_cast %add3A_741 : i32 to index
        %get3A_805 = arith.constant 48 : index
        %get3A_806 = tpu.vector_load %get3A_803[%get3A_804, %get3A_805] {strides = array<i32>} : memref<128x64xf32, #tpu.memory_space<vmem>>, vector<1x16xf32>,
        %get3A_807 = vector.shape_cast %get3A_806 : vector<1x16xf32> to vector<16xf32>
        %mul3A_808 = arith.constant 8.000000e+00 : f32
        %mul3A_809 = vector.broadcast %mul3A_808 : f32 to vector<16xf32>
        %mul3A_810 = arith.mulf %get3A_807, %mul3A_809 : vector<16xf32>
        %swap3A_811 = arith.constant 0 : i32
        %swap3A_812 = arith.constant 0 : i32
        %swap3A_813 = tpu.memref_slice %arg6[%scan3A_536, %swap3A_811, %swap3A_812] : memref<8x128x64xf32, #tpu.memory_space<vmem>> -> memref<1x128x64xf32, #tpu.memory_space<vmem>>
        %swap3A_814 = tpu.memref_squeeze %swap3A_813 : memref<1x128x64xf32, #tpu.memory_space<vmem>> -> memref<128x64xf32, #tpu.memory_space<vmem>>
        %swap3A_815 = arith.index_cast %add3A_741 : i32 to index
        %swap3A_816 = arith.constant 48 : index
        %swap3A_817 = tpu.vector_load %swap3A_814[%swap3A_815, %swap3A_816] {strides = array<i32>} : memref<128x64xf32, #tpu.memory_space<vmem>>, vector<1x16xf32>,
        %swap3A_818 = vector.shape_cast %swap3A_817 : vector<1x16xf32> to vector<16xf32>
        %swap3A_819 = vector.shape_cast %mul3A_810 : vector<16xf32> to vector<1x16xf32>
        tpu.vector_store %swap3A_814[%swap3A_815, %swap3A_816], %swap3A_819 {strides = array<i32>} : memref<128x64xf32, #tpu.memory_space<vmem>>, vector<1x16xf32>,
        %mul3A_820 = arith.constant 2 : i32
        %mul3A_821 = arith.muli %scan3A_736, %mul3A_820 : i32
        %add3A_822 = arith.constant 1 : i32
        %add3A_823 = arith.addi %mul3A_821, %add3A_822 : i32
        %get3A_824 = arith.constant 0 : i32
        %get3A_825 = arith.constant 0 : i32
        %get3A_826 = tpu.memref_slice %arg6[%scan3A_536, %get3A_824, %get3A_825] : memref<8x128x64xf32, #tpu.memory_space<vmem>> -> memref<1x128x64xf32, #tpu.memory_space<vmem>>
        %get3A_827 = tpu.memref_squeeze %get3A_826 : memref<1x128x64xf32, #tpu.memory_space<vmem>> -> memref<128x64xf32, #tpu.memory_space<vmem>>
        %get3A_828 = arith.index_cast %add3A_823 : i32 to index
        %get3A_829 = arith.constant 0 : index
        %get3A_830 = tpu.vector_load %get3A_827[%get3A_828, %get3A_829] {strides = array<i32>} : memref<128x64xf32, #tpu.memory_space<vmem>>, vector<1x16xf32>,
        %get3A_831 = vector.shape_cast %get3A_830 : vector<1x16xf32> to vector<16xf32>
        %mul3A_832 = arith.constant 8.000000e+00 : f32
        %mul3A_833 = vector.broadcast %mul3A_832 : f32 to vector<16xf32>
        %mul3A_834 = arith.mulf %get3A_831, %mul3A_833 : vector<16xf32>
        %swap3A_835 = arith.constant 0 : i32
        %swap3A_836 = arith.constant 0 : i32
        %swap3A_837 = tpu.memref_slice %arg6[%scan3A_536, %swap3A_835, %swap3A_836] : memref<8x128x64xf32, #tpu.memory_space<vmem>> -> memref<1x128x64xf32, #tpu.memory_space<vmem>>
        %swap3A_838 = tpu.memref_squeeze %swap3A_837 : memref<1x128x64xf32, #tpu.memory_space<vmem>> -> memref<128x64xf32, #tpu.memory_space<vmem>>
        %swap3A_839 = arith.index_cast %add3A_823 : i32 to index
        %swap3A_840 = arith.constant 0 : index
        %swap3A_841 = tpu.vector_load %swap3A_838[%swap3A_839, %swap3A_840] {strides = array<i32>} : memref<128x64xf32, #tpu.memory_space<vmem>>, vector<1x16xf32>,
        %swap3A_842 = vector.shape_cast %swap3A_841 : vector<1x16xf32> to vector<16xf32>
        %swap3A_843 = vector.shape_cast %mul3A_834 : vector<16xf32> to vector<1x16xf32>
        tpu.vector_store %swap3A_838[%swap3A_839, %swap3A_840], %swap3A_843 {strides = array<i32>} : memref<128x64xf32, #tpu.memory_space<vmem>>, vector<1x16xf32>,
        %get3A_844 = arith.constant 0 : i32
        %get3A_845 = arith.constant 0 : i32
        %get3A_846 = tpu.memref_slice %arg6[%scan3A_536, %get3A_844, %get3A_845] : memref<8x128x64xf32, #tpu.memory_space<vmem>> -> memref<1x128x64xf32, #tpu.memory_space<vmem>>
        %get3A_847 = tpu.memref_squeeze %get3A_846 : memref<1x128x64xf32, #tpu.memory_space<vmem>> -> memref<128x64xf32, #tpu.memory_space<vmem>>
        %get3A_848 = arith.index_cast %add3A_823 : i32 to index
        %get3A_849 = arith.constant 16 : index
        %get3A_850 = tpu.vector_load %get3A_847[%get3A_848, %get3A_849] {strides = array<i32>} : memref<128x64xf32, #tpu.memory_space<vmem>>, vector<1x16xf32>,
        %get3A_851 = vector.shape_cast %get3A_850 : vector<1x16xf32> to vector<16xf32>
        %mul3A_852 = arith.constant 8.000000e+00 : f32
        %mul3A_853 = vector.broadcast %mul3A_852 : f32 to vector<16xf32>
        %mul3A_854 = arith.mulf %get3A_851, %mul3A_853 : vector<16xf32>
        %swap3A_855 = arith.constant 0 : i32
        %swap3A_856 = arith.constant 0 : i32
        %swap3A_857 = tpu.memref_slice %arg6[%scan3A_536, %swap3A_855, %swap3A_856] : memref<8x128x64xf32, #tpu.memory_space<vmem>> -> memref<1x128x64xf32, #tpu.memory_space<vmem>>
        %swap3A_858 = tpu.memref_squeeze %swap3A_857 : memref<1x128x64xf32, #tpu.memory_space<vmem>> -> memref<128x64xf32, #tpu.memory_space<vmem>>
        %swap3A_859 = arith.index_cast %add3A_823 : i32 to index
        %swap3A_860 = arith.constant 16 : index
        %swap3A_861 = tpu.vector_load %swap3A_858[%swap3A_859, %swap3A_860] {strides = array<i32>} : memref<128x64xf32, #tpu.memory_space<vmem>>, vector<1x16xf32>,
        %swap3A_862 = vector.shape_cast %swap3A_861 : vector<1x16xf32> to vector<16xf32>
        %swap3A_863 = vector.shape_cast %mul3A_854 : vector<16xf32> to vector<1x16xf32>
        tpu.vector_store %swap3A_858[%swap3A_859, %swap3A_860], %swap3A_863 {strides = array<i32>} : memref<128x64xf32, #tpu.memory_space<vmem>>, vector<1x16xf32>,
        %get3A_864 = arith.constant 0 : i32
        %get3A_865 = arith.constant 0 : i32
        %get3A_866 = tpu.memref_slice %arg6[%scan3A_536, %get3A_864, %get3A_865] : memref<8x128x64xf32, #tpu.memory_space<vmem>> -> memref<1x128x64xf32, #tpu.memory_space<vmem>>
        %get3A_867 = tpu.memref_squeeze %get3A_866 : memref<1x128x64xf32, #tpu.memory_space<vmem>> -> memref<128x64xf32, #tpu.memory_space<vmem>>
        %get3A_868 = arith.index_cast %add3A_823 : i32 to index
        %get3A_869 = arith.constant 32 : index
        %get3A_870 = tpu.vector_load %get3A_867[%get3A_868, %get3A_869] {strides = array<i32>} : memref<128x64xf32, #tpu.memory_space<vmem>>, vector<1x16xf32>,
        %get3A_871 = vector.shape_cast %get3A_870 : vector<1x16xf32> to vector<16xf32>
        %mul3A_872 = arith.constant 8.000000e+00 : f32
        %mul3A_873 = vector.broadcast %mul3A_872 : f32 to vector<16xf32>
        %mul3A_874 = arith.mulf %get3A_871, %mul3A_873 : vector<16xf32>
        %swap3A_875 = arith.constant 0 : i32
        %swap3A_876 = arith.constant 0 : i32
        %swap3A_877 = tpu.memref_slice %arg6[%scan3A_536, %swap3A_875, %swap3A_876] : memref<8x128x64xf32, #tpu.memory_space<vmem>> -> memref<1x128x64xf32, #tpu.memory_space<vmem>>
        %swap3A_878 = tpu.memref_squeeze %swap3A_877 : memref<1x128x64xf32, #tpu.memory_space<vmem>> -> memref<128x64xf32, #tpu.memory_space<vmem>>
        %swap3A_879 = arith.index_cast %add3A_823 : i32 to index
        %swap3A_880 = arith.constant 32 : index
        %swap3A_881 = tpu.vector_load %swap3A_878[%swap3A_879, %swap3A_880] {strides = array<i32>} : memref<128x64xf32, #tpu.memory_space<vmem>>, vector<1x16xf32>,
        %swap3A_882 = vector.shape_cast %swap3A_881 : vector<1x16xf32> to vector<16xf32>
        %swap3A_883 = vector.shape_cast %mul3A_874 : vector<16xf32> to vector<1x16xf32>
        tpu.vector_store %swap3A_878[%swap3A_879, %swap3A_880], %swap3A_883 {strides = array<i32>} : memref<128x64xf32, #tpu.memory_space<vmem>>, vector<1x16xf32>,
        %get3A_884 = arith.constant 0 : i32
        %get3A_885 = arith.constant 0 : i32
        %get3A_886 = tpu.memref_slice %arg6[%scan3A_536, %get3A_884, %get3A_885] : memref<8x128x64xf32, #tpu.memory_space<vmem>> -> memref<1x128x64xf32, #tpu.memory_space<vmem>>
        %get3A_887 = tpu.memref_squeeze %get3A_886 : memref<1x128x64xf32, #tpu.memory_space<vmem>> -> memref<128x64xf32, #tpu.memory_space<vmem>>
        %get3A_888 = arith.index_cast %add3A_823 : i32 to index
        %get3A_889 = arith.constant 48 : index
        %get3A_890 = tpu.vector_load %get3A_887[%get3A_888, %get3A_889] {strides = array<i32>} : memref<128x64xf32, #tpu.memory_space<vmem>>, vector<1x16xf32>,
        %get3A_891 = vector.shape_cast %get3A_890 : vector<1x16xf32> to vector<16xf32>
        %mul3A_892 = arith.constant 8.000000e+00 : f32
        %mul3A_893 = vector.broadcast %mul3A_892 : f32 to vector<16xf32>
        %mul3A_894 = arith.mulf %get3A_891, %mul3A_893 : vector<16xf32>
        %swap3A_895 = arith.constant 0 : i32
        %swap3A_896 = arith.constant 0 : i32
        %swap3A_897 = tpu.memref_slice %arg6[%scan3A_536, %swap3A_895, %swap3A_896] : memref<8x128x64xf32, #tpu.memory_space<vmem>> -> memref<1x128x64xf32, #tpu.memory_space<vmem>>
        %swap3A_898 = tpu.memref_squeeze %swap3A_897 : memref<1x128x64xf32, #tpu.memory_space<vmem>> -> memref<128x64xf32, #tpu.memory_space<vmem>>
        %swap3A_899 = arith.index_cast %add3A_823 : i32 to index
        %swap3A_900 = arith.constant 48 : index
        %swap3A_901 = tpu.vector_load %swap3A_898[%swap3A_899, %swap3A_900] {strides = array<i32>} : memref<128x64xf32, #tpu.memory_space<vmem>>, vector<1x16xf32>,
        %swap3A_902 = vector.shape_cast %swap3A_901 : vector<1x16xf32> to vector<16xf32>
        %swap3A_903 = vector.shape_cast %mul3A_894 : vector<16xf32> to vector<1x16xf32>
        tpu.vector_store %swap3A_898[%swap3A_899, %swap3A_900], %swap3A_903 {strides = array<i32>} : memref<128x64xf32, #tpu.memory_space<vmem>>, vector<1x16xf32>,
        %scan3A_904 = arith.constant 0 : i32
        %scan3A_905 = arith.constant 1 : i32
        %scan3A_906 = arith.addi %scan3A_736, %scan3A_905 : i32
        %mul3A_907 = arith.constant 2 : i32
        %mul3A_908 = arith.muli %scan3A_906, %mul3A_907 : i32
        %add3A_909 = arith.constant 0 : i32
        %add3A_910 = arith.addi %mul3A_908, %add3A_909 : i32
        %get3A_911 = arith.constant 0 : i32
        %get3A_912 = arith.constant 0 : i32
        %get3A_913 = tpu.memref_slice %arg6[%scan3A_536, %get3A_911, %get3A_912] : memref<8x128x64xf32, #tpu.memory_space<vmem>> -> memref<1x128x64xf32, #tpu.memory_space<vmem>>
        %get3A_914 = tpu.memref_squeeze %get3A_913 : memref<1x128x64xf32, #tpu.memory_space<vmem>> -> memref<128x64xf32, #tpu.memory_space<vmem>>
        %get3A_915 = arith.index_cast %add3A_910 : i32 to index
        %get3A_916 = arith.constant 0 : index
        %get3A_917 = tpu.vector_load %get3A_914[%get3A_915, %get3A_916] {strides = array<i32>} : memref<128x64xf32, #tpu.memory_space<vmem>>, vector<1x16xf32>,
        %get3A_918 = vector.shape_cast %get3A_917 : vector<1x16xf32> to vector<16xf32>
        %mul3A_919 = arith.constant 8.000000e+00 : f32
        %mul3A_920 = vector.broadcast %mul3A_919 : f32 to vector<16xf32>
        %mul3A_921 = arith.mulf %get3A_918, %mul3A_920 : vector<16xf32>
        %swap3A_922 = arith.constant 0 : i32
        %swap3A_923 = arith.constant 0 : i32
        %swap3A_924 = tpu.memref_slice %arg6[%scan3A_536, %swap3A_922, %swap3A_923] : memref<8x128x64xf32, #tpu.memory_space<vmem>> -> memref<1x128x64xf32, #tpu.memory_space<vmem>>
        %swap3A_925 = tpu.memref_squeeze %swap3A_924 : memref<1x128x64xf32, #tpu.memory_space<vmem>> -> memref<128x64xf32, #tpu.memory_space<vmem>>
        %swap3A_926 = arith.index_cast %add3A_910 : i32 to index
        %swap3A_927 = arith.constant 0 : index
        %swap3A_928 = tpu.vector_load %swap3A_925[%swap3A_926, %swap3A_927] {strides = array<i32>} : memref<128x64xf32, #tpu.memory_space<vmem>>, vector<1x16xf32>,
        %swap3A_929 = vector.shape_cast %swap3A_928 : vector<1x16xf32> to vector<16xf32>
        %swap3A_930 = vector.shape_cast %mul3A_921 : vector<16xf32> to vector<1x16xf32>
        tpu.vector_store %swap3A_925[%swap3A_926, %swap3A_927], %swap3A_930 {strides = array<i32>} : memref<128x64xf32, #tpu.memory_space<vmem>>, vector<1x16xf32>,
        %get3A_931 = arith.constant 0 : i32
        %get3A_932 = arith.constant 0 : i32
        %get3A_933 = tpu.memref_slice %arg6[%scan3A_536, %get3A_931, %get3A_932] : memref<8x128x64xf32, #tpu.memory_space<vmem>> -> memref<1x128x64xf32, #tpu.memory_space<vmem>>
        %get3A_934 = tpu.memref_squeeze %get3A_933 : memref<1x128x64xf32, #tpu.memory_space<vmem>> -> memref<128x64xf32, #tpu.memory_space<vmem>>
        %get3A_935 = arith.index_cast %add3A_910 : i32 to index
        %get3A_936 = arith.constant 16 : index
        %get3A_937 = tpu.vector_load %get3A_934[%get3A_935, %get3A_936] {strides = array<i32>} : memref<128x64xf32, #tpu.memory_space<vmem>>, vector<1x16xf32>,
        %get3A_938 = vector.shape_cast %get3A_937 : vector<1x16xf32> to vector<16xf32>
        %mul3A_939 = arith.constant 8.000000e+00 : f32
        %mul3A_940 = vector.broadcast %mul3A_939 : f32 to vector<16xf32>
        %mul3A_941 = arith.mulf %get3A_938, %mul3A_940 : vector<16xf32>
        %swap3A_942 = arith.constant 0 : i32
        %swap3A_943 = arith.constant 0 : i32
        %swap3A_944 = tpu.memref_slice %arg6[%scan3A_536, %swap3A_942, %swap3A_943] : memref<8x128x64xf32, #tpu.memory_space<vmem>> -> memref<1x128x64xf32, #tpu.memory_space<vmem>>
        %swap3A_945 = tpu.memref_squeeze %swap3A_944 : memref<1x128x64xf32, #tpu.memory_space<vmem>> -> memref<128x64xf32, #tpu.memory_space<vmem>>
        %swap3A_946 = arith.index_cast %add3A_910 : i32 to index
        %swap3A_947 = arith.constant 16 : index
        %swap3A_948 = tpu.vector_load %swap3A_945[%swap3A_946, %swap3A_947] {strides = array<i32>} : memref<128x64xf32, #tpu.memory_space<vmem>>, vector<1x16xf32>,
        %swap3A_949 = vector.shape_cast %swap3A_948 : vector<1x16xf32> to vector<16xf32>
        %swap3A_950 = vector.shape_cast %mul3A_941 : vector<16xf32> to vector<1x16xf32>
        tpu.vector_store %swap3A_945[%swap3A_946, %swap3A_947], %swap3A_950 {strides = array<i32>} : memref<128x64xf32, #tpu.memory_space<vmem>>, vector<1x16xf32>,
        %get3A_951 = arith.constant 0 : i32
        %get3A_952 = arith.constant 0 : i32
        %get3A_953 = tpu.memref_slice %arg6[%scan3A_536, %get3A_951, %get3A_952] : memref<8x128x64xf32, #tpu.memory_space<vmem>> -> memref<1x128x64xf32, #tpu.memory_space<vmem>>
        %get3A_954 = tpu.memref_squeeze %get3A_953 : memref<1x128x64xf32, #tpu.memory_space<vmem>> -> memref<128x64xf32, #tpu.memory_space<vmem>>
        %get3A_955 = arith.index_cast %add3A_910 : i32 to index
        %get3A_956 = arith.constant 32 : index
        %get3A_957 = tpu.vector_load %get3A_954[%get3A_955, %get3A_956] {strides = array<i32>} : memref<128x64xf32, #tpu.memory_space<vmem>>, vector<1x16xf32>,
        %get3A_958 = vector.shape_cast %get3A_957 : vector<1x16xf32> to vector<16xf32>
        %mul3A_959 = arith.constant 8.000000e+00 : f32
        %mul3A_960 = vector.broadcast %mul3A_959 : f32 to vector<16xf32>
        %mul3A_961 = arith.mulf %get3A_958, %mul3A_960 : vector<16xf32>
        %swap3A_962 = arith.constant 0 : i32
        %swap3A_963 = arith.constant 0 : i32
        %swap3A_964 = tpu.memref_slice %arg6[%scan3A_536, %swap3A_962, %swap3A_963] : memref<8x128x64xf32, #tpu.memory_space<vmem>> -> memref<1x128x64xf32, #tpu.memory_space<vmem>>
        %swap3A_965 = tpu.memref_squeeze %swap3A_964 : memref<1x128x64xf32, #tpu.memory_space<vmem>> -> memref<128x64xf32, #tpu.memory_space<vmem>>
        %swap3A_966 = arith.index_cast %add3A_910 : i32 to index
        %swap3A_967 = arith.constant 32 : index
        %swap3A_968 = tpu.vector_load %swap3A_965[%swap3A_966, %swap3A_967] {strides = array<i32>} : memref<128x64xf32, #tpu.memory_space<vmem>>, vector<1x16xf32>,
        %swap3A_969 = vector.shape_cast %swap3A_968 : vector<1x16xf32> to vector<16xf32>
        %swap3A_970 = vector.shape_cast %mul3A_961 : vector<16xf32> to vector<1x16xf32>
        tpu.vector_store %swap3A_965[%swap3A_966, %swap3A_967], %swap3A_970 {strides = array<i32>} : memref<128x64xf32, #tpu.memory_space<vmem>>, vector<1x16xf32>,
        %get3A_971 = arith.constant 0 : i32
        %get3A_972 = arith.constant 0 : i32
        %get3A_973 = tpu.memref_slice %arg6[%scan3A_536, %get3A_971, %get3A_972] : memref<8x128x64xf32, #tpu.memory_space<vmem>> -> memref<1x128x64xf32, #tpu.memory_space<vmem>>
        %get3A_974 = tpu.memref_squeeze %get3A_973 : memref<1x128x64xf32, #tpu.memory_space<vmem>> -> memref<128x64xf32, #tpu.memory_space<vmem>>
        %get3A_975 = arith.index_cast %add3A_910 : i32 to index
        %get3A_976 = arith.constant 48 : index
        %get3A_977 = tpu.vector_load %get3A_974[%get3A_975, %get3A_976] {strides = array<i32>} : memref<128x64xf32, #tpu.memory_space<vmem>>, vector<1x16xf32>,
        %get3A_978 = vector.shape_cast %get3A_977 : vector<1x16xf32> to vector<16xf32>
        %mul3A_979 = arith.constant 8.000000e+00 : f32
        %mul3A_980 = vector.broadcast %mul3A_979 : f32 to vector<16xf32>
        %mul3A_981 = arith.mulf %get3A_978, %mul3A_980 : vector<16xf32>
        %swap3A_982 = arith.constant 0 : i32
        %swap3A_983 = arith.constant 0 : i32
        %swap3A_984 = tpu.memref_slice %arg6[%scan3A_536, %swap3A_982, %swap3A_983] : memref<8x128x64xf32, #tpu.memory_space<vmem>> -> memref<1x128x64xf32, #tpu.memory_space<vmem>>
        %swap3A_985 = tpu.memref_squeeze %swap3A_984 : memref<1x128x64xf32, #tpu.memory_space<vmem>> -> memref<128x64xf32, #tpu.memory_space<vmem>>
        %swap3A_986 = arith.index_cast %add3A_910 : i32 to index
        %swap3A_987 = arith.constant 48 : index
        %swap3A_988 = tpu.vector_load %swap3A_985[%swap3A_986, %swap3A_987] {strides = array<i32>} : memref<128x64xf32, #tpu.memory_space<vmem>>, vector<1x16xf32>,
        %swap3A_989 = vector.shape_cast %swap3A_988 : vector<1x16xf32> to vector<16xf32>
        %swap3A_990 = vector.shape_cast %mul3A_981 : vector<16xf32> to vector<1x16xf32>
        tpu.vector_store %swap3A_985[%swap3A_986, %swap3A_987], %swap3A_990 {strides = array<i32>} : memref<128x64xf32, #tpu.memory_space<vmem>>, vector<1x16xf32>,
        %mul3A_991 = arith.constant 2 : i32
        %mul3A_992 = arith.muli %scan3A_906, %mul3A_991 : i32
        %add3A_993 = arith.constant 1 : i32
        %add3A_994 = arith.addi %mul3A_992, %add3A_993 : i32
        %get3A_995 = arith.constant 0 : i32
        %get3A_996 = arith.constant 0 : i32
        %get3A_997 = tpu.memref_slice %arg6[%scan3A_536, %get3A_995, %get3A_996] : memref<8x128x64xf32, #tpu.memory_space<vmem>> -> memref<1x128x64xf32, #tpu.memory_space<vmem>>
        %get3A_998 = tpu.memref_squeeze %get3A_997 : memref<1x128x64xf32, #tpu.memory_space<vmem>> -> memref<128x64xf32, #tpu.memory_space<vmem>>
        %get3A_999 = arith.index_cast %add3A_994 : i32 to index
        %get3A_1000 = arith.constant 0 : index
        %get3A_1001 = tpu.vector_load %get3A_998[%get3A_999, %get3A_1000] {strides = array<i32>} : memref<128x64xf32, #tpu.memory_space<vmem>>, vector<1x16xf32>,
        %get3A_1002 = vector.shape_cast %get3A_1001 : vector<1x16xf32> to vector<16xf32>
        %mul3A_1003 = arith.constant 8.000000e+00 : f32
        %mul3A_1004 = vector.broadcast %mul3A_1003 : f32 to vector<16xf32>
        %mul3A_1005 = arith.mulf %get3A_1002, %mul3A_1004 : vector<16xf32>
        %swap3A_1006 = arith.constant 0 : i32
        %swap3A_1007 = arith.constant 0 : i32
        %swap3A_1008 = tpu.memref_slice %arg6[%scan3A_536, %swap3A_1006, %swap3A_1007] : memref<8x128x64xf32, #tpu.memory_space<vmem>> -> memref<1x128x64xf32, #tpu.memory_space<vmem>>
        %swap3A_1009 = tpu.memref_squeeze %swap3A_1008 : memref<1x128x64xf32, #tpu.memory_space<vmem>> -> memref<128x64xf32, #tpu.memory_space<vmem>>
        %swap3A_1010 = arith.index_cast %add3A_994 : i32 to index
        %swap3A_1011 = arith.constant 0 : index
        %swap3A_1012 = tpu.vector_load %swap3A_1009[%swap3A_1010, %swap3A_1011] {strides = array<i32>} : memref<128x64xf32, #tpu.memory_space<vmem>>, vector<1x16xf32>,
        %swap3A_1013 = vector.shape_cast %swap3A_1012 : vector<1x16xf32> to vector<16xf32>
        %swap3A_1014 = vector.shape_cast %mul3A_1005 : vector<16xf32> to vector<1x16xf32>
        tpu.vector_store %swap3A_1009[%swap3A_1010, %swap3A_1011], %swap3A_1014 {strides = array<i32>} : memref<128x64xf32, #tpu.memory_space<vmem>>, vector<1x16xf32>,
        %get3A_1015 = arith.constant 0 : i32
        %get3A_1016 = arith.constant 0 : i32
        %get3A_1017 = tpu.memref_slice %arg6[%scan3A_536, %get3A_1015, %get3A_1016] : memref<8x128x64xf32, #tpu.memory_space<vmem>> -> memref<1x128x64xf32, #tpu.memory_space<vmem>>
        %get3A_1018 = tpu.memref_squeeze %get3A_1017 : memref<1x128x64xf32, #tpu.memory_space<vmem>> -> memref<128x64xf32, #tpu.memory_space<vmem>>
        %get3A_1019 = arith.index_cast %add3A_994 : i32 to index
        %get3A_1020 = arith.constant 16 : index
        %get3A_1021 = tpu.vector_load %get3A_1018[%get3A_1019, %get3A_1020] {strides = array<i32>} : memref<128x64xf32, #tpu.memory_space<vmem>>, vector<1x16xf32>,
        %get3A_1022 = vector.shape_cast %get3A_1021 : vector<1x16xf32> to vector<16xf32>
        %mul3A_1023 = arith.constant 8.000000e+00 : f32
        %mul3A_1024 = vector.broadcast %mul3A_1023 : f32 to vector<16xf32>
        %mul3A_1025 = arith.mulf %get3A_1022, %mul3A_1024 : vector<16xf32>
        %swap3A_1026 = arith.constant 0 : i32
        %swap3A_1027 = arith.constant 0 : i32
        %swap3A_1028 = tpu.memref_slice %arg6[%scan3A_536, %swap3A_1026, %swap3A_1027] : memref<8x128x64xf32, #tpu.memory_space<vmem>> -> memref<1x128x64xf32, #tpu.memory_space<vmem>>
        %swap3A_1029 = tpu.memref_squeeze %swap3A_1028 : memref<1x128x64xf32, #tpu.memory_space<vmem>> -> memref<128x64xf32, #tpu.memory_space<vmem>>
        %swap3A_1030 = arith.index_cast %add3A_994 : i32 to index
        %swap3A_1031 = arith.constant 16 : index
        %swap3A_1032 = tpu.vector_load %swap3A_1029[%swap3A_1030, %swap3A_1031] {strides = array<i32>} : memref<128x64xf32, #tpu.memory_space<vmem>>, vector<1x16xf32>,
        %swap3A_1033 = vector.shape_cast %swap3A_1032 : vector<1x16xf32> to vector<16xf32>
        %swap3A_1034 = vector.shape_cast %mul3A_1025 : vector<16xf32> to vector<1x16xf32>
        tpu.vector_store %swap3A_1029[%swap3A_1030, %swap3A_1031], %swap3A_1034 {strides = array<i32>} : memref<128x64xf32, #tpu.memory_space<vmem>>, vector<1x16xf32>,
        %get3A_1035 = arith.constant 0 : i32
        %get3A_1036 = arith.constant 0 : i32
        %get3A_1037 = tpu.memref_slice %arg6[%scan3A_536, %get3A_1035, %get3A_1036] : memref<8x128x64xf32, #tpu.memory_space<vmem>> -> memref<1x128x64xf32, #tpu.memory_space<vmem>>
        %get3A_1038 = tpu.memref_squeeze %get3A_1037 : memref<1x128x64xf32, #tpu.memory_space<vmem>> -> memref<128x64xf32, #tpu.memory_space<vmem>>
        %get3A_1039 = arith.index_cast %add3A_994 : i32 to index
        %get3A_1040 = arith.constant 32 : index
        %get3A_1041 = tpu.vector_load %get3A_1038[%get3A_1039, %get3A_1040] {strides = array<i32>} : memref<128x64xf32, #tpu.memory_space<vmem>>, vector<1x16xf32>,
        %get3A_1042 = vector.shape_cast %get3A_1041 : vector<1x16xf32> to vector<16xf32>
        %mul3A_1043 = arith.constant 8.000000e+00 : f32
        %mul3A_1044 = vector.broadcast %mul3A_1043 : f32 to vector<16xf32>
        %mul3A_1045 = arith.mulf %get3A_1042, %mul3A_1044 : vector<16xf32>
        %swap3A_1046 = arith.constant 0 : i32
        %swap3A_1047 = arith.constant 0 : i32
        %swap3A_1048 = tpu.memref_slice %arg6[%scan3A_536, %swap3A_1046, %swap3A_1047] : memref<8x128x64xf32, #tpu.memory_space<vmem>> -> memref<1x128x64xf32, #tpu.memory_space<vmem>>
        %swap3A_1049 = tpu.memref_squeeze %swap3A_1048 : memref<1x128x64xf32, #tpu.memory_space<vmem>> -> memref<128x64xf32, #tpu.memory_space<vmem>>
        %swap3A_1050 = arith.index_cast %add3A_994 : i32 to index
        %swap3A_1051 = arith.constant 32 : index
        %swap3A_1052 = tpu.vector_load %swap3A_1049[%swap3A_1050, %swap3A_1051] {strides = array<i32>} : memref<128x64xf32, #tpu.memory_space<vmem>>, vector<1x16xf32>,
        %swap3A_1053 = vector.shape_cast %swap3A_1052 : vector<1x16xf32> to vector<16xf32>
        %swap3A_1054 = vector.shape_cast %mul3A_1045 : vector<16xf32> to vector<1x16xf32>
        tpu.vector_store %swap3A_1049[%swap3A_1050, %swap3A_1051], %swap3A_1054 {strides = array<i32>} : memref<128x64xf32, #tpu.memory_space<vmem>>, vector<1x16xf32>,
        %get3A_1055 = arith.constant 0 : i32
        %get3A_1056 = arith.constant 0 : i32
        %get3A_1057 = tpu.memref_slice %arg6[%scan3A_536, %get3A_1055, %get3A_1056] : memref<8x128x64xf32, #tpu.memory_space<vmem>> -> memref<1x128x64xf32, #tpu.memory_space<vmem>>
        %get3A_1058 = tpu.memref_squeeze %get3A_1057 : memref<1x128x64xf32, #tpu.memory_space<vmem>> -> memref<128x64xf32, #tpu.memory_space<vmem>>
        %get3A_1059 = arith.index_cast %add3A_994 : i32 to index
        %get3A_1060 = arith.constant 48 : index
        %get3A_1061 = tpu.vector_load %get3A_1058[%get3A_1059, %get3A_1060] {strides = array<i32>} : memref<128x64xf32, #tpu.memory_space<vmem>>, vector<1x16xf32>,
        %get3A_1062 = vector.shape_cast %get3A_1061 : vector<1x16xf32> to vector<16xf32>
        %mul3A_1063 = arith.constant 8.000000e+00 : f32
        %mul3A_1064 = vector.broadcast %mul3A_1063 : f32 to vector<16xf32>
        %mul3A_1065 = arith.mulf %get3A_1062, %mul3A_1064 : vector<16xf32>
        %swap3A_1066 = arith.constant 0 : i32
        %swap3A_1067 = arith.constant 0 : i32
        %swap3A_1068 = tpu.memref_slice %arg6[%scan3A_536, %swap3A_1066, %swap3A_1067] : memref<8x128x64xf32, #tpu.memory_space<vmem>> -> memref<1x128x64xf32, #tpu.memory_space<vmem>>
        %swap3A_1069 = tpu.memref_squeeze %swap3A_1068 : memref<1x128x64xf32, #tpu.memory_space<vmem>> -> memref<128x64xf32, #tpu.memory_space<vmem>>
        %swap3A_1070 = arith.index_cast %add3A_994 : i32 to index
        %swap3A_1071 = arith.constant 48 : index
        %swap3A_1072 = tpu.vector_load %swap3A_1069[%swap3A_1070, %swap3A_1071] {strides = array<i32>} : memref<128x64xf32, #tpu.memory_space<vmem>>, vector<1x16xf32>,
        %swap3A_1073 = vector.shape_cast %swap3A_1072 : vector<1x16xf32> to vector<16xf32>
        %swap3A_1074 = vector.shape_cast %mul3A_1065 : vector<16xf32> to vector<1x16xf32>
        tpu.vector_store %swap3A_1069[%swap3A_1070, %swap3A_1071], %swap3A_1074 {strides = array<i32>} : memref<128x64xf32, #tpu.memory_space<vmem>>, vector<1x16xf32>,
        %scan3A_1075 = arith.constant 0 : i32
        scf.yield %scan3A_1075 : i32
      }
      %scan3A_543 = arith.constant 64 : i32
      %add3A_544 = arith.addi %mul3A_2, %scan3A_273 : i32
      %rem3A_545 = arith.constant 32 : i32
      %rem3A_546 = arith.remsi %add3A_544, %rem3A_545 : i32
      %div3A_547 = arith.constant 32 : i32
      %div3A_548 = arith.divsi %add3A_544, %div3A_547 : i32
      %mul3A_549 = arith.constant 4 : i32
      %mul3A_550 = arith.muli %div3A_548, %mul3A_549 : i32
      %add3A_551 = arith.constant 2 : i32
      %add3A_552 = arith.addi %mul3A_550, %add3A_551 : i32
      %mul3A_553 = arith.constant 128 : i32
      %mul3A_554 = arith.muli %rem3A_546, %mul3A_553 : i32
      %dma_start3A_555 = arith.constant 4 : i32
      %dma_start3A_556 = arith.constant 0 : i32
      %dma_start3A_557 = arith.constant 0 : i32
      %dma_start3A_558 = tpu.memref_slice %arg6[%dma_start3A_555, %dma_start3A_556, %dma_start3A_557] : memref<8x128x64xf32, #tpu.memory_space<vmem>> -> memref<1x128x64xf32, #tpu.memory_space<vmem>>
      %dma_start3A_559 = tpu.memref_squeeze %dma_start3A_558 : memref<1x128x64xf32, #tpu.memory_space<vmem>> -> memref<128x64xf32, #tpu.memory_space<vmem>>
      %dma_start3A_560 = arith.constant 0 : i32
      %dma_start3A_561 = tpu.memref_slice %arg4[%add3A_552, %mul3A_554, %dma_start3A_560] : memref<100x4096x128xf32, #tpu.memory_space<hbm>> -> memref<1x128x64xf32, #tpu.memory_space<hbm>>
      %dma_start3A_562 = tpu.memref_squeeze %dma_start3A_561 : memref<1x128x64xf32, #tpu.memory_space<hbm>> -> memref<128x64xf32, #tpu.memory_space<hbm>>
      %dma_start3A_563 = arith.constant 0 : i32
      %dma_start3A_564 = tpu.memref_slice %arg4[%add3A_552, %mul3A_554, %dma_start3A_563] : memref<100x4096x128xf32, #tpu.memory_space<hbm>> -> memref<1x128x64xf32, #tpu.memory_space<hbm>>
      %dma_start3A_565 = tpu.memref_squeeze %dma_start3A_564 : memref<1x128x64xf32, #tpu.memory_space<hbm>> -> memref<128x64xf32, #tpu.memory_space<hbm>>
      %dma_start3A_566 = arith.constant 0 : i32
      %dma_start3A_567 = arith.constant 0 : i32
      %dma_start3A_568 = tpu.memref_slice %arg6[%dma_start3A_555, %dma_start3A_566, %dma_start3A_567] : memref<8x128x64xf32, #tpu.memory_space<vmem>> -> memref<1x128x64xf32, #tpu.memory_space<vmem>>
      %dma_start3A_569 = tpu.memref_squeeze %dma_start3A_568 : memref<1x128x64xf32, #tpu.memory_space<vmem>> -> memref<128x64xf32, #tpu.memory_space<vmem>>
      tpu.enqueue_dma source(%dma_start3A_569 : memref<128x64xf32, #tpu.memory_space<vmem>>) target(%dma_start3A_565 : memref<128x64xf32, #tpu.memory_space<hbm>>) target_semaphore(%arg19 : memref<!tpu.dma_semaphore, #tpu.memory_space<semaphore_mem>>)
      %add3A_570 = arith.constant 1 : i32
      %add3A_571 = arith.addi %scan3A_273, %add3A_570 : i32
      %lt3A = arith.constant 25 : i32
      %lt3A_572 = arith.cmpi slt, %add3A_571, %lt3A : i32
      %convert_element_type3A_573 = arith.extui %lt3A_572 : i1 to i32
      %cond3A_574 = arith.constant 0 : i32
      %cond3A_575 = arith.cmpi ne, %convert_element_type3A_573, %cond3A_574 : i32
      scf.if %cond3A_575 {
        %add3A_736 = arith.addi %mul3A_2, %scan3A_273 : i32
        %rem3A_737 = arith.constant 32 : i32
        %rem3A_738 = arith.remsi %add3A_736, %rem3A_737 : i32
        %div3A_739 = arith.constant 32 : i32
        %div3A_740 = arith.divsi %add3A_736, %div3A_739 : i32
        %mul3A_741 = arith.constant 4 : i32
        %mul3A_742 = arith.muli %div3A_740, %mul3A_741 : i32
        %add3A_743 = arith.constant 0 : i32
        %add3A_744 = arith.addi %mul3A_742, %add3A_743 : i32
        %mul3A_745 = arith.constant 128 : i32
        %mul3A_746 = arith.muli %rem3A_738, %mul3A_745 : i32
        %dma_wait3A_747 = arith.constant 0 : i32
        %dma_wait3A_748 = arith.constant 0 : i32
        %dma_wait3A_749 = arith.constant 0 : i32
        %dma_wait3A_750 = tpu.memref_slice %arg6[%dma_wait3A_747, %dma_wait3A_748, %dma_wait3A_749] : memref<8x128x64xf32, #tpu.memory_space<vmem>> -> memref<1x128x64xf32, #tpu.memory_space<vmem>>
        %dma_wait3A_751 = tpu.memref_squeeze %dma_wait3A_750 : memref<1x128x64xf32, #tpu.memory_space<vmem>> -> memref<128x64xf32, #tpu.memory_space<vmem>>
        %dma_wait3A_752 = arith.constant 0 : i32
        %dma_wait3A_753 = tpu.memref_slice %arg4[%add3A_744, %mul3A_746, %dma_wait3A_752] : memref<100x4096x128xf32, #tpu.memory_space<hbm>> -> memref<1x128x64xf32, #tpu.memory_space<hbm>>
        %dma_wait3A_754 = tpu.memref_squeeze %dma_wait3A_753 : memref<1x128x64xf32, #tpu.memory_space<hbm>> -> memref<128x64xf32, #tpu.memory_space<hbm>>
        %dma_wait3A_755 = arith.constant 0 : i32
        %dma_wait3A_756 = tpu.memref_slice %arg4[%add3A_744, %mul3A_746, %dma_wait3A_755] : memref<100x4096x128xf32, #tpu.memory_space<hbm>> -> memref<1x128x64xf32, #tpu.memory_space<hbm>>
        %dma_wait3A_757 = tpu.memref_squeeze %dma_wait3A_756 : memref<1x128x64xf32, #tpu.memory_space<hbm>> -> memref<128x64xf32, #tpu.memory_space<hbm>>
        %dma_wait3A_758 = arith.constant 0 : i32
        %dma_wait3A_759 = arith.constant 0 : i32
        %dma_wait3A_760 = tpu.memref_slice %arg6[%dma_wait3A_747, %dma_wait3A_758, %dma_wait3A_759] : memref<8x128x64xf32, #tpu.memory_space<vmem>> -> memref<1x128x64xf32, #tpu.memory_space<vmem>>
        %dma_wait3A_761 = tpu.memref_squeeze %dma_wait3A_760 : memref<1x128x64xf32, #tpu.memory_space<vmem>> -> memref<128x64xf32, #tpu.memory_space<vmem>>
        tpu.wait_dma2 semaphore(%arg15 : memref<!tpu.dma_semaphore, #tpu.memory_space<semaphore_mem>>) src(%dma_wait3A_761 : memref<128x64xf32, #tpu.memory_space<vmem>>) dst(%dma_wait3A_757 : memref<128x64xf32, #tpu.memory_space<hbm>>)
        %add3A_762 = arith.constant 1 : i32
        %add3A_763 = arith.addi %scan3A_273, %add3A_762 : i32
        %dma_start3A_764 = arith.constant 0 : i32
        %dma_start3A_765 = arith.constant 0 : i32
        %dma_start3A_766 = arith.constant 0 : i32
        %dma_start3A_767 = arith.constant 0 : i32
        %dma_start3A_768 = tpu.memref_slice %arg6[%dma_start3A_765, %dma_start3A_766, %dma_start3A_767] : memref<8x128x64xf32, #tpu.memory_space<vmem>> -> memref<1x128x64xf32, #tpu.memory_space<vmem>>
        %dma_start3A_769 = tpu.memref_squeeze %dma_start3A_768 : memref<1x128x64xf32, #tpu.memory_space<vmem>> -> memref<128x64xf32, #tpu.memory_space<vmem>>
        %dma_start3A_770 = arith.constant 0 : i32
        %dma_start3A_771 = tpu.memref_slice %arg5[%add3A_763, %dma_start3A_764, %dma_start3A_770] : memref<25x8x128xi32, #tpu.memory_space<vmem>> -> memref<1x1x128xi32, #tpu.memory_space<vmem>>
        %dma_start3A_772 = tpu.memref_squeeze %dma_start3A_771 : memref<1x1x128xi32, #tpu.memory_space<vmem>> -> memref<128xi32, #tpu.memory_space<vmem>>
        %dma_start3A_773 = arith.constant 0 : i32
        %dma_start3A_774 = arith.constant 0 : i32
        %dma_start3A_775 = tpu.memref_slice %arg3[%dma_start3A_773, %dma_start3A_774] : memref<1000000x64xf32, #tpu.memory_space<hbm>> -> memref<1000000x64xf32, #tpu.memory_space<hbm>>
        tpu.enqueue_indirect_dma source(%dma_start3A_775 : memref<1000000x64xf32, #tpu.memory_space<hbm>>) target(%dma_start3A_769 : memref<128x64xf32, #tpu.memory_space<vmem>>) offsets(%dma_start3A_772 : memref<128xi32, #tpu.memory_space<vmem>>) semaphore(%arg7 : memref<!tpu.dma_semaphore, #tpu.memory_space<semaphore_mem>>)
      } else {
      }
      %dma_wait3A_576 = arith.constant 5 : i32
      %dma_wait3A_577 = arith.constant 5 : i32
      %dma_wait3A_578 = arith.constant 0 : i32
      %dma_wait3A_579 = arith.constant 0 : i32
      %dma_wait3A_580 = tpu.memref_slice %arg6[%dma_wait3A_577, %dma_wait3A_578, %dma_wait3A_579] : memref<8x128x64xf32, #tpu.memory_space<vmem>> -> memref<1x128x64xf32, #tpu.memory_space<vmem>>
      %dma_wait3A_581 = tpu.memref_squeeze %dma_wait3A_580 : memref<1x128x64xf32, #tpu.memory_space<vmem>> -> memref<128x64xf32, #tpu.memory_space<vmem>>
      %dma_wait3A_582 = arith.constant 0 : i32
      %dma_wait3A_583 = tpu.memref_slice %arg5[%scan3A_273, %dma_wait3A_576, %dma_wait3A_582] : memref<25x8x128xi32, #tpu.memory_space<vmem>> -> memref<1x1x128xi32, #tpu.memory_space<vmem>>
      %dma_wait3A_584 = tpu.memref_squeeze %dma_wait3A_583 : memref<1x1x128xi32, #tpu.memory_space<vmem>> -> memref<128xi32, #tpu.memory_space<vmem>>
      %dma_wait3A_585 = arith.constant 0 : i32
      %dma_wait3A_586 = arith.constant 0 : i32
      %dma_wait3A_587 = tpu.memref_slice %arg3[%dma_wait3A_585, %dma_wait3A_586] : memref<1000000x64xf32, #tpu.memory_space<hbm>> -> memref<1000000x64xf32, #tpu.memory_space<hbm>>
      tpu.wait_indirect_dma semaphore(%arg12 : memref<!tpu.dma_semaphore, #tpu.memory_space<semaphore_mem>>) src(%dma_wait3A_587 : memref<1000000x64xf32, #tpu.memory_space<hbm>>) dst(%dma_wait3A_581 : memref<128x64xf32, #tpu.memory_space<vmem>>)
      %scan3A_588 = arith.constant 5 : i32
      %scan3A_589 = arith.constant 0 : i32
      %scan3A_590 = arith.constant 0 : i32
      %scan3A_591 = arith.constant 64 : i32
      %scan3A_592 = arith.addi %scan3A_590, %scan3A_591 : i32
      %scan3A_593 = arith.constant 2 : i32
      %scan3A_594 = scf.for %scan3A_736 = %scan3A_590 to %scan3A_592 step %scan3A_593 iter_args(%scan3A_737 = %scan3A_589) -> (i32)  : i32 {
        %mul3A_738 = arith.constant 2 : i32
        %mul3A_739 = arith.muli %scan3A_736, %mul3A_738 : i32
        %add3A_740 = arith.constant 0 : i32
        %add3A_741 = arith.addi %mul3A_739, %add3A_740 : i32
        %get3A = arith.constant 0 : i32
        %get3A_742 = arith.constant 0 : i32
        %get3A_743 = tpu.memref_slice %arg6[%scan3A_588, %get3A, %get3A_742] : memref<8x128x64xf32, #tpu.memory_space<vmem>> -> memref<1x128x64xf32, #tpu.memory_space<vmem>>
        %get3A_744 = tpu.memref_squeeze %get3A_743 : memref<1x128x64xf32, #tpu.memory_space<vmem>> -> memref<128x64xf32, #tpu.memory_space<vmem>>
        %get3A_745 = arith.index_cast %add3A_741 : i32 to index
        %get3A_746 = arith.constant 0 : index
        %get3A_747 = tpu.vector_load %get3A_744[%get3A_745, %get3A_746] {strides = array<i32>} : memref<128x64xf32, #tpu.memory_space<vmem>>, vector<1x16xf32>,
        %get3A_748 = vector.shape_cast %get3A_747 : vector<1x16xf32> to vector<16xf32>
        %mul3A_749 = arith.constant 8.000000e+00 : f32
        %mul3A_750 = vector.broadcast %mul3A_749 : f32 to vector<16xf32>
        %mul3A_751 = arith.mulf %get3A_748, %mul3A_750 : vector<16xf32>
        %swap3A = arith.constant 0 : i32
        %swap3A_752 = arith.constant 0 : i32
        %swap3A_753 = tpu.memref_slice %arg6[%scan3A_588, %swap3A, %swap3A_752] : memref<8x128x64xf32, #tpu.memory_space<vmem>> -> memref<1x128x64xf32, #tpu.memory_space<vmem>>
        %swap3A_754 = tpu.memref_squeeze %swap3A_753 : memref<1x128x64xf32, #tpu.memory_space<vmem>> -> memref<128x64xf32, #tpu.memory_space<vmem>>
        %swap3A_755 = arith.index_cast %add3A_741 : i32 to index
        %swap3A_756 = arith.constant 0 : index
        %swap3A_757 = tpu.vector_load %swap3A_754[%swap3A_755, %swap3A_756] {strides = array<i32>} : memref<128x64xf32, #tpu.memory_space<vmem>>, vector<1x16xf32>,
        %swap3A_758 = vector.shape_cast %swap3A_757 : vector<1x16xf32> to vector<16xf32>
        %swap3A_759 = vector.shape_cast %mul3A_751 : vector<16xf32> to vector<1x16xf32>
        tpu.vector_store %swap3A_754[%swap3A_755, %swap3A_756], %swap3A_759 {strides = array<i32>} : memref<128x64xf32, #tpu.memory_space<vmem>>, vector<1x16xf32>,
        %get3A_760 = arith.constant 0 : i32
        %get3A_761 = arith.constant 0 : i32
        %get3A_762 = tpu.memref_slice %arg6[%scan3A_588, %get3A_760, %get3A_761] : memref<8x128x64xf32, #tpu.memory_space<vmem>> -> memref<1x128x64xf32, #tpu.memory_space<vmem>>
        %get3A_763 = tpu.memref_squeeze %get3A_762 : memref<1x128x64xf32, #tpu.memory_space<vmem>> -> memref<128x64xf32, #tpu.memory_space<vmem>>
        %get3A_764 = arith.index_cast %add3A_741 : i32 to index
        %get3A_765 = arith.constant 16 : index
        %get3A_766 = tpu.vector_load %get3A_763[%get3A_764, %get3A_765] {strides = array<i32>} : memref<128x64xf32, #tpu.memory_space<vmem>>, vector<1x16xf32>,
        %get3A_767 = vector.shape_cast %get3A_766 : vector<1x16xf32> to vector<16xf32>
        %mul3A_768 = arith.constant 8.000000e+00 : f32
        %mul3A_769 = vector.broadcast %mul3A_768 : f32 to vector<16xf32>
        %mul3A_770 = arith.mulf %get3A_767, %mul3A_769 : vector<16xf32>
        %swap3A_771 = arith.constant 0 : i32
        %swap3A_772 = arith.constant 0 : i32
        %swap3A_773 = tpu.memref_slice %arg6[%scan3A_588, %swap3A_771, %swap3A_772] : memref<8x128x64xf32, #tpu.memory_space<vmem>> -> memref<1x128x64xf32, #tpu.memory_space<vmem>>
        %swap3A_774 = tpu.memref_squeeze %swap3A_773 : memref<1x128x64xf32, #tpu.memory_space<vmem>> -> memref<128x64xf32, #tpu.memory_space<vmem>>
        %swap3A_775 = arith.index_cast %add3A_741 : i32 to index
        %swap3A_776 = arith.constant 16 : index
        %swap3A_777 = tpu.vector_load %swap3A_774[%swap3A_775, %swap3A_776] {strides = array<i32>} : memref<128x64xf32, #tpu.memory_space<vmem>>, vector<1x16xf32>,
        %swap3A_778 = vector.shape_cast %swap3A_777 : vector<1x16xf32> to vector<16xf32>
        %swap3A_779 = vector.shape_cast %mul3A_770 : vector<16xf32> to vector<1x16xf32>
        tpu.vector_store %swap3A_774[%swap3A_775, %swap3A_776], %swap3A_779 {strides = array<i32>} : memref<128x64xf32, #tpu.memory_space<vmem>>, vector<1x16xf32>,
        %get3A_780 = arith.constant 0 : i32
        %get3A_781 = arith.constant 0 : i32
        %get3A_782 = tpu.memref_slice %arg6[%scan3A_588, %get3A_780, %get3A_781] : memref<8x128x64xf32, #tpu.memory_space<vmem>> -> memref<1x128x64xf32, #tpu.memory_space<vmem>>
        %get3A_783 = tpu.memref_squeeze %get3A_782 : memref<1x128x64xf32, #tpu.memory_space<vmem>> -> memref<128x64xf32, #tpu.memory_space<vmem>>
        %get3A_784 = arith.index_cast %add3A_741 : i32 to index
        %get3A_785 = arith.constant 32 : index
        %get3A_786 = tpu.vector_load %get3A_783[%get3A_784, %get3A_785] {strides = array<i32>} : memref<128x64xf32, #tpu.memory_space<vmem>>, vector<1x16xf32>,
        %get3A_787 = vector.shape_cast %get3A_786 : vector<1x16xf32> to vector<16xf32>
        %mul3A_788 = arith.constant 8.000000e+00 : f32
        %mul3A_789 = vector.broadcast %mul3A_788 : f32 to vector<16xf32>
        %mul3A_790 = arith.mulf %get3A_787, %mul3A_789 : vector<16xf32>
        %swap3A_791 = arith.constant 0 : i32
        %swap3A_792 = arith.constant 0 : i32
        %swap3A_793 = tpu.memref_slice %arg6[%scan3A_588, %swap3A_791, %swap3A_792] : memref<8x128x64xf32, #tpu.memory_space<vmem>> -> memref<1x128x64xf32, #tpu.memory_space<vmem>>
        %swap3A_794 = tpu.memref_squeeze %swap3A_793 : memref<1x128x64xf32, #tpu.memory_space<vmem>> -> memref<128x64xf32, #tpu.memory_space<vmem>>
        %swap3A_795 = arith.index_cast %add3A_741 : i32 to index
        %swap3A_796 = arith.constant 32 : index
        %swap3A_797 = tpu.vector_load %swap3A_794[%swap3A_795, %swap3A_796] {strides = array<i32>} : memref<128x64xf32, #tpu.memory_space<vmem>>, vector<1x16xf32>,
        %swap3A_798 = vector.shape_cast %swap3A_797 : vector<1x16xf32> to vector<16xf32>
        %swap3A_799 = vector.shape_cast %mul3A_790 : vector<16xf32> to vector<1x16xf32>
        tpu.vector_store %swap3A_794[%swap3A_795, %swap3A_796], %swap3A_799 {strides = array<i32>} : memref<128x64xf32, #tpu.memory_space<vmem>>, vector<1x16xf32>,
        %get3A_800 = arith.constant 0 : i32
        %get3A_801 = arith.constant 0 : i32
        %get3A_802 = tpu.memref_slice %arg6[%scan3A_588, %get3A_800, %get3A_801] : memref<8x128x64xf32, #tpu.memory_space<vmem>> -> memref<1x128x64xf32, #tpu.memory_space<vmem>>
        %get3A_803 = tpu.memref_squeeze %get3A_802 : memref<1x128x64xf32, #tpu.memory_space<vmem>> -> memref<128x64xf32, #tpu.memory_space<vmem>>
        %get3A_804 = arith.index_cast %add3A_741 : i32 to index
        %get3A_805 = arith.constant 48 : index
        %get3A_806 = tpu.vector_load %get3A_803[%get3A_804, %get3A_805] {strides = array<i32>} : memref<128x64xf32, #tpu.memory_space<vmem>>, vector<1x16xf32>,
        %get3A_807 = vector.shape_cast %get3A_806 : vector<1x16xf32> to vector<16xf32>
        %mul3A_808 = arith.constant 8.000000e+00 : f32
        %mul3A_809 = vector.broadcast %mul3A_808 : f32 to vector<16xf32>
        %mul3A_810 = arith.mulf %get3A_807, %mul3A_809 : vector<16xf32>
        %swap3A_811 = arith.constant 0 : i32
        %swap3A_812 = arith.constant 0 : i32
        %swap3A_813 = tpu.memref_slice %arg6[%scan3A_588, %swap3A_811, %swap3A_812] : memref<8x128x64xf32, #tpu.memory_space<vmem>> -> memref<1x128x64xf32, #tpu.memory_space<vmem>>
        %swap3A_814 = tpu.memref_squeeze %swap3A_813 : memref<1x128x64xf32, #tpu.memory_space<vmem>> -> memref<128x64xf32, #tpu.memory_space<vmem>>
        %swap3A_815 = arith.index_cast %add3A_741 : i32 to index
        %swap3A_816 = arith.constant 48 : index
        %swap3A_817 = tpu.vector_load %swap3A_814[%swap3A_815, %swap3A_816] {strides = array<i32>} : memref<128x64xf32, #tpu.memory_space<vmem>>, vector<1x16xf32>,
        %swap3A_818 = vector.shape_cast %swap3A_817 : vector<1x16xf32> to vector<16xf32>
        %swap3A_819 = vector.shape_cast %mul3A_810 : vector<16xf32> to vector<1x16xf32>
        tpu.vector_store %swap3A_814[%swap3A_815, %swap3A_816], %swap3A_819 {strides = array<i32>} : memref<128x64xf32, #tpu.memory_space<vmem>>, vector<1x16xf32>,
        %mul3A_820 = arith.constant 2 : i32
        %mul3A_821 = arith.muli %scan3A_736, %mul3A_820 : i32
        %add3A_822 = arith.constant 1 : i32
        %add3A_823 = arith.addi %mul3A_821, %add3A_822 : i32
        %get3A_824 = arith.constant 0 : i32
        %get3A_825 = arith.constant 0 : i32
        %get3A_826 = tpu.memref_slice %arg6[%scan3A_588, %get3A_824, %get3A_825] : memref<8x128x64xf32, #tpu.memory_space<vmem>> -> memref<1x128x64xf32, #tpu.memory_space<vmem>>
        %get3A_827 = tpu.memref_squeeze %get3A_826 : memref<1x128x64xf32, #tpu.memory_space<vmem>> -> memref<128x64xf32, #tpu.memory_space<vmem>>
        %get3A_828 = arith.index_cast %add3A_823 : i32 to index
        %get3A_829 = arith.constant 0 : index
        %get3A_830 = tpu.vector_load %get3A_827[%get3A_828, %get3A_829] {strides = array<i32>} : memref<128x64xf32, #tpu.memory_space<vmem>>, vector<1x16xf32>,
        %get3A_831 = vector.shape_cast %get3A_830 : vector<1x16xf32> to vector<16xf32>
        %mul3A_832 = arith.constant 8.000000e+00 : f32
        %mul3A_833 = vector.broadcast %mul3A_832 : f32 to vector<16xf32>
        %mul3A_834 = arith.mulf %get3A_831, %mul3A_833 : vector<16xf32>
        %swap3A_835 = arith.constant 0 : i32
        %swap3A_836 = arith.constant 0 : i32
        %swap3A_837 = tpu.memref_slice %arg6[%scan3A_588, %swap3A_835, %swap3A_836] : memref<8x128x64xf32, #tpu.memory_space<vmem>> -> memref<1x128x64xf32, #tpu.memory_space<vmem>>
        %swap3A_838 = tpu.memref_squeeze %swap3A_837 : memref<1x128x64xf32, #tpu.memory_space<vmem>> -> memref<128x64xf32, #tpu.memory_space<vmem>>
        %swap3A_839 = arith.index_cast %add3A_823 : i32 to index
        %swap3A_840 = arith.constant 0 : index
        %swap3A_841 = tpu.vector_load %swap3A_838[%swap3A_839, %swap3A_840] {strides = array<i32>} : memref<128x64xf32, #tpu.memory_space<vmem>>, vector<1x16xf32>,
        %swap3A_842 = vector.shape_cast %swap3A_841 : vector<1x16xf32> to vector<16xf32>
        %swap3A_843 = vector.shape_cast %mul3A_834 : vector<16xf32> to vector<1x16xf32>
        tpu.vector_store %swap3A_838[%swap3A_839, %swap3A_840], %swap3A_843 {strides = array<i32>} : memref<128x64xf32, #tpu.memory_space<vmem>>, vector<1x16xf32>,
        %get3A_844 = arith.constant 0 : i32
        %get3A_845 = arith.constant 0 : i32
        %get3A_846 = tpu.memref_slice %arg6[%scan3A_588, %get3A_844, %get3A_845] : memref<8x128x64xf32, #tpu.memory_space<vmem>> -> memref<1x128x64xf32, #tpu.memory_space<vmem>>
        %get3A_847 = tpu.memref_squeeze %get3A_846 : memref<1x128x64xf32, #tpu.memory_space<vmem>> -> memref<128x64xf32, #tpu.memory_space<vmem>>
        %get3A_848 = arith.index_cast %add3A_823 : i32 to index
        %get3A_849 = arith.constant 16 : index
        %get3A_850 = tpu.vector_load %get3A_847[%get3A_848, %get3A_849] {strides = array<i32>} : memref<128x64xf32, #tpu.memory_space<vmem>>, vector<1x16xf32>,
        %get3A_851 = vector.shape_cast %get3A_850 : vector<1x16xf32> to vector<16xf32>
        %mul3A_852 = arith.constant 8.000000e+00 : f32
        %mul3A_853 = vector.broadcast %mul3A_852 : f32 to vector<16xf32>
        %mul3A_854 = arith.mulf %get3A_851, %mul3A_853 : vector<16xf32>
        %swap3A_855 = arith.constant 0 : i32
        %swap3A_856 = arith.constant 0 : i32
        %swap3A_857 = tpu.memref_slice %arg6[%scan3A_588, %swap3A_855, %swap3A_856] : memref<8x128x64xf32, #tpu.memory_space<vmem>> -> memref<1x128x64xf32, #tpu.memory_space<vmem>>
        %swap3A_858 = tpu.memref_squeeze %swap3A_857 : memref<1x128x64xf32, #tpu.memory_space<vmem>> -> memref<128x64xf32, #tpu.memory_space<vmem>>
        %swap3A_859 = arith.index_cast %add3A_823 : i32 to index
        %swap3A_860 = arith.constant 16 : index
        %swap3A_861 = tpu.vector_load %swap3A_858[%swap3A_859, %swap3A_860] {strides = array<i32>} : memref<128x64xf32, #tpu.memory_space<vmem>>, vector<1x16xf32>,
        %swap3A_862 = vector.shape_cast %swap3A_861 : vector<1x16xf32> to vector<16xf32>
        %swap3A_863 = vector.shape_cast %mul3A_854 : vector<16xf32> to vector<1x16xf32>
        tpu.vector_store %swap3A_858[%swap3A_859, %swap3A_860], %swap3A_863 {strides = array<i32>} : memref<128x64xf32, #tpu.memory_space<vmem>>, vector<1x16xf32>,
        %get3A_864 = arith.constant 0 : i32
        %get3A_865 = arith.constant 0 : i32
        %get3A_866 = tpu.memref_slice %arg6[%scan3A_588, %get3A_864, %get3A_865] : memref<8x128x64xf32, #tpu.memory_space<vmem>> -> memref<1x128x64xf32, #tpu.memory_space<vmem>>
        %get3A_867 = tpu.memref_squeeze %get3A_866 : memref<1x128x64xf32, #tpu.memory_space<vmem>> -> memref<128x64xf32, #tpu.memory_space<vmem>>
        %get3A_868 = arith.index_cast %add3A_823 : i32 to index
        %get3A_869 = arith.constant 32 : index
        %get3A_870 = tpu.vector_load %get3A_867[%get3A_868, %get3A_869] {strides = array<i32>} : memref<128x64xf32, #tpu.memory_space<vmem>>, vector<1x16xf32>,
        %get3A_871 = vector.shape_cast %get3A_870 : vector<1x16xf32> to vector<16xf32>
        %mul3A_872 = arith.constant 8.000000e+00 : f32
        %mul3A_873 = vector.broadcast %mul3A_872 : f32 to vector<16xf32>
        %mul3A_874 = arith.mulf %get3A_871, %mul3A_873 : vector<16xf32>
        %swap3A_875 = arith.constant 0 : i32
        %swap3A_876 = arith.constant 0 : i32
        %swap3A_877 = tpu.memref_slice %arg6[%scan3A_588, %swap3A_875, %swap3A_876] : memref<8x128x64xf32, #tpu.memory_space<vmem>> -> memref<1x128x64xf32, #tpu.memory_space<vmem>>
        %swap3A_878 = tpu.memref_squeeze %swap3A_877 : memref<1x128x64xf32, #tpu.memory_space<vmem>> -> memref<128x64xf32, #tpu.memory_space<vmem>>
        %swap3A_879 = arith.index_cast %add3A_823 : i32 to index
        %swap3A_880 = arith.constant 32 : index
        %swap3A_881 = tpu.vector_load %swap3A_878[%swap3A_879, %swap3A_880] {strides = array<i32>} : memref<128x64xf32, #tpu.memory_space<vmem>>, vector<1x16xf32>,
        %swap3A_882 = vector.shape_cast %swap3A_881 : vector<1x16xf32> to vector<16xf32>
        %swap3A_883 = vector.shape_cast %mul3A_874 : vector<16xf32> to vector<1x16xf32>
        tpu.vector_store %swap3A_878[%swap3A_879, %swap3A_880], %swap3A_883 {strides = array<i32>} : memref<128x64xf32, #tpu.memory_space<vmem>>, vector<1x16xf32>,
        %get3A_884 = arith.constant 0 : i32
        %get3A_885 = arith.constant 0 : i32
        %get3A_886 = tpu.memref_slice %arg6[%scan3A_588, %get3A_884, %get3A_885] : memref<8x128x64xf32, #tpu.memory_space<vmem>> -> memref<1x128x64xf32, #tpu.memory_space<vmem>>
        %get3A_887 = tpu.memref_squeeze %get3A_886 : memref<1x128x64xf32, #tpu.memory_space<vmem>> -> memref<128x64xf32, #tpu.memory_space<vmem>>
        %get3A_888 = arith.index_cast %add3A_823 : i32 to index
        %get3A_889 = arith.constant 48 : index
        %get3A_890 = tpu.vector_load %get3A_887[%get3A_888, %get3A_889] {strides = array<i32>} : memref<128x64xf32, #tpu.memory_space<vmem>>, vector<1x16xf32>,
        %get3A_891 = vector.shape_cast %get3A_890 : vector<1x16xf32> to vector<16xf32>
        %mul3A_892 = arith.constant 8.000000e+00 : f32
        %mul3A_893 = vector.broadcast %mul3A_892 : f32 to vector<16xf32>
        %mul3A_894 = arith.mulf %get3A_891, %mul3A_893 : vector<16xf32>
        %swap3A_895 = arith.constant 0 : i32
        %swap3A_896 = arith.constant 0 : i32
        %swap3A_897 = tpu.memref_slice %arg6[%scan3A_588, %swap3A_895, %swap3A_896] : memref<8x128x64xf32, #tpu.memory_space<vmem>> -> memref<1x128x64xf32, #tpu.memory_space<vmem>>
        %swap3A_898 = tpu.memref_squeeze %swap3A_897 : memref<1x128x64xf32, #tpu.memory_space<vmem>> -> memref<128x64xf32, #tpu.memory_space<vmem>>
        %swap3A_899 = arith.index_cast %add3A_823 : i32 to index
        %swap3A_900 = arith.constant 48 : index
        %swap3A_901 = tpu.vector_load %swap3A_898[%swap3A_899, %swap3A_900] {strides = array<i32>} : memref<128x64xf32, #tpu.memory_space<vmem>>, vector<1x16xf32>,
        %swap3A_902 = vector.shape_cast %swap3A_901 : vector<1x16xf32> to vector<16xf32>
        %swap3A_903 = vector.shape_cast %mul3A_894 : vector<16xf32> to vector<1x16xf32>
        tpu.vector_store %swap3A_898[%swap3A_899, %swap3A_900], %swap3A_903 {strides = array<i32>} : memref<128x64xf32, #tpu.memory_space<vmem>>, vector<1x16xf32>,
        %scan3A_904 = arith.constant 0 : i32
        %scan3A_905 = arith.constant 1 : i32
        %scan3A_906 = arith.addi %scan3A_736, %scan3A_905 : i32
        %mul3A_907 = arith.constant 2 : i32
        %mul3A_908 = arith.muli %scan3A_906, %mul3A_907 : i32
        %add3A_909 = arith.constant 0 : i32
        %add3A_910 = arith.addi %mul3A_908, %add3A_909 : i32
        %get3A_911 = arith.constant 0 : i32
        %get3A_912 = arith.constant 0 : i32
        %get3A_913 = tpu.memref_slice %arg6[%scan3A_588, %get3A_911, %get3A_912] : memref<8x128x64xf32, #tpu.memory_space<vmem>> -> memref<1x128x64xf32, #tpu.memory_space<vmem>>
        %get3A_914 = tpu.memref_squeeze %get3A_913 : memref<1x128x64xf32, #tpu.memory_space<vmem>> -> memref<128x64xf32, #tpu.memory_space<vmem>>
        %get3A_915 = arith.index_cast %add3A_910 : i32 to index
        %get3A_916 = arith.constant 0 : index
        %get3A_917 = tpu.vector_load %get3A_914[%get3A_915, %get3A_916] {strides = array<i32>} : memref<128x64xf32, #tpu.memory_space<vmem>>, vector<1x16xf32>,
        %get3A_918 = vector.shape_cast %get3A_917 : vector<1x16xf32> to vector<16xf32>
        %mul3A_919 = arith.constant 8.000000e+00 : f32
        %mul3A_920 = vector.broadcast %mul3A_919 : f32 to vector<16xf32>
        %mul3A_921 = arith.mulf %get3A_918, %mul3A_920 : vector<16xf32>
        %swap3A_922 = arith.constant 0 : i32
        %swap3A_923 = arith.constant 0 : i32
        %swap3A_924 = tpu.memref_slice %arg6[%scan3A_588, %swap3A_922, %swap3A_923] : memref<8x128x64xf32, #tpu.memory_space<vmem>> -> memref<1x128x64xf32, #tpu.memory_space<vmem>>
        %swap3A_925 = tpu.memref_squeeze %swap3A_924 : memref<1x128x64xf32, #tpu.memory_space<vmem>> -> memref<128x64xf32, #tpu.memory_space<vmem>>
        %swap3A_926 = arith.index_cast %add3A_910 : i32 to index
        %swap3A_927 = arith.constant 0 : index
        %swap3A_928 = tpu.vector_load %swap3A_925[%swap3A_926, %swap3A_927] {strides = array<i32>} : memref<128x64xf32, #tpu.memory_space<vmem>>, vector<1x16xf32>,
        %swap3A_929 = vector.shape_cast %swap3A_928 : vector<1x16xf32> to vector<16xf32>
        %swap3A_930 = vector.shape_cast %mul3A_921 : vector<16xf32> to vector<1x16xf32>
        tpu.vector_store %swap3A_925[%swap3A_926, %swap3A_927], %swap3A_930 {strides = array<i32>} : memref<128x64xf32, #tpu.memory_space<vmem>>, vector<1x16xf32>,
        %get3A_931 = arith.constant 0 : i32
        %get3A_932 = arith.constant 0 : i32
        %get3A_933 = tpu.memref_slice %arg6[%scan3A_588, %get3A_931, %get3A_932] : memref<8x128x64xf32, #tpu.memory_space<vmem>> -> memref<1x128x64xf32, #tpu.memory_space<vmem>>
        %get3A_934 = tpu.memref_squeeze %get3A_933 : memref<1x128x64xf32, #tpu.memory_space<vmem>> -> memref<128x64xf32, #tpu.memory_space<vmem>>
        %get3A_935 = arith.index_cast %add3A_910 : i32 to index
        %get3A_936 = arith.constant 16 : index
        %get3A_937 = tpu.vector_load %get3A_934[%get3A_935, %get3A_936] {strides = array<i32>} : memref<128x64xf32, #tpu.memory_space<vmem>>, vector<1x16xf32>,
        %get3A_938 = vector.shape_cast %get3A_937 : vector<1x16xf32> to vector<16xf32>
        %mul3A_939 = arith.constant 8.000000e+00 : f32
        %mul3A_940 = vector.broadcast %mul3A_939 : f32 to vector<16xf32>
        %mul3A_941 = arith.mulf %get3A_938, %mul3A_940 : vector<16xf32>
        %swap3A_942 = arith.constant 0 : i32
        %swap3A_943 = arith.constant 0 : i32
        %swap3A_944 = tpu.memref_slice %arg6[%scan3A_588, %swap3A_942, %swap3A_943] : memref<8x128x64xf32, #tpu.memory_space<vmem>> -> memref<1x128x64xf32, #tpu.memory_space<vmem>>
        %swap3A_945 = tpu.memref_squeeze %swap3A_944 : memref<1x128x64xf32, #tpu.memory_space<vmem>> -> memref<128x64xf32, #tpu.memory_space<vmem>>
        %swap3A_946 = arith.index_cast %add3A_910 : i32 to index
        %swap3A_947 = arith.constant 16 : index
        %swap3A_948 = tpu.vector_load %swap3A_945[%swap3A_946, %swap3A_947] {strides = array<i32>} : memref<128x64xf32, #tpu.memory_space<vmem>>, vector<1x16xf32>,
        %swap3A_949 = vector.shape_cast %swap3A_948 : vector<1x16xf32> to vector<16xf32>
        %swap3A_950 = vector.shape_cast %mul3A_941 : vector<16xf32> to vector<1x16xf32>
        tpu.vector_store %swap3A_945[%swap3A_946, %swap3A_947], %swap3A_950 {strides = array<i32>} : memref<128x64xf32, #tpu.memory_space<vmem>>, vector<1x16xf32>,
        %get3A_951 = arith.constant 0 : i32
        %get3A_952 = arith.constant 0 : i32
        %get3A_953 = tpu.memref_slice %arg6[%scan3A_588, %get3A_951, %get3A_952] : memref<8x128x64xf32, #tpu.memory_space<vmem>> -> memref<1x128x64xf32, #tpu.memory_space<vmem>>
        %get3A_954 = tpu.memref_squeeze %get3A_953 : memref<1x128x64xf32, #tpu.memory_space<vmem>> -> memref<128x64xf32, #tpu.memory_space<vmem>>
        %get3A_955 = arith.index_cast %add3A_910 : i32 to index
        %get3A_956 = arith.constant 32 : index
        %get3A_957 = tpu.vector_load %get3A_954[%get3A_955, %get3A_956] {strides = array<i32>} : memref<128x64xf32, #tpu.memory_space<vmem>>, vector<1x16xf32>,
        %get3A_958 = vector.shape_cast %get3A_957 : vector<1x16xf32> to vector<16xf32>
        %mul3A_959 = arith.constant 8.000000e+00 : f32
        %mul3A_960 = vector.broadcast %mul3A_959 : f32 to vector<16xf32>
        %mul3A_961 = arith.mulf %get3A_958, %mul3A_960 : vector<16xf32>
        %swap3A_962 = arith.constant 0 : i32
        %swap3A_963 = arith.constant 0 : i32
        %swap3A_964 = tpu.memref_slice %arg6[%scan3A_588, %swap3A_962, %swap3A_963] : memref<8x128x64xf32, #tpu.memory_space<vmem>> -> memref<1x128x64xf32, #tpu.memory_space<vmem>>
        %swap3A_965 = tpu.memref_squeeze %swap3A_964 : memref<1x128x64xf32, #tpu.memory_space<vmem>> -> memref<128x64xf32, #tpu.memory_space<vmem>>
        %swap3A_966 = arith.index_cast %add3A_910 : i32 to index
        %swap3A_967 = arith.constant 32 : index
        %swap3A_968 = tpu.vector_load %swap3A_965[%swap3A_966, %swap3A_967] {strides = array<i32>} : memref<128x64xf32, #tpu.memory_space<vmem>>, vector<1x16xf32>,
        %swap3A_969 = vector.shape_cast %swap3A_968 : vector<1x16xf32> to vector<16xf32>
        %swap3A_970 = vector.shape_cast %mul3A_961 : vector<16xf32> to vector<1x16xf32>
        tpu.vector_store %swap3A_965[%swap3A_966, %swap3A_967], %swap3A_970 {strides = array<i32>} : memref<128x64xf32, #tpu.memory_space<vmem>>, vector<1x16xf32>,
        %get3A_971 = arith.constant 0 : i32
        %get3A_972 = arith.constant 0 : i32
        %get3A_973 = tpu.memref_slice %arg6[%scan3A_588, %get3A_971, %get3A_972] : memref<8x128x64xf32, #tpu.memory_space<vmem>> -> memref<1x128x64xf32, #tpu.memory_space<vmem>>
        %get3A_974 = tpu.memref_squeeze %get3A_973 : memref<1x128x64xf32, #tpu.memory_space<vmem>> -> memref<128x64xf32, #tpu.memory_space<vmem>>
        %get3A_975 = arith.index_cast %add3A_910 : i32 to index
        %get3A_976 = arith.constant 48 : index
        %get3A_977 = tpu.vector_load %get3A_974[%get3A_975, %get3A_976] {strides = array<i32>} : memref<128x64xf32, #tpu.memory_space<vmem>>, vector<1x16xf32>,
        %get3A_978 = vector.shape_cast %get3A_977 : vector<1x16xf32> to vector<16xf32>
        %mul3A_979 = arith.constant 8.000000e+00 : f32
        %mul3A_980 = vector.broadcast %mul3A_979 : f32 to vector<16xf32>
        %mul3A_981 = arith.mulf %get3A_978, %mul3A_980 : vector<16xf32>
        %swap3A_982 = arith.constant 0 : i32
        %swap3A_983 = arith.constant 0 : i32
        %swap3A_984 = tpu.memref_slice %arg6[%scan3A_588, %swap3A_982, %swap3A_983] : memref<8x128x64xf32, #tpu.memory_space<vmem>> -> memref<1x128x64xf32, #tpu.memory_space<vmem>>
        %swap3A_985 = tpu.memref_squeeze %swap3A_984 : memref<1x128x64xf32, #tpu.memory_space<vmem>> -> memref<128x64xf32, #tpu.memory_space<vmem>>
        %swap3A_986 = arith.index_cast %add3A_910 : i32 to index
        %swap3A_987 = arith.constant 48 : index
        %swap3A_988 = tpu.vector_load %swap3A_985[%swap3A_986, %swap3A_987] {strides = array<i32>} : memref<128x64xf32, #tpu.memory_space<vmem>>, vector<1x16xf32>,
        %swap3A_989 = vector.shape_cast %swap3A_988 : vector<1x16xf32> to vector<16xf32>
        %swap3A_990 = vector.shape_cast %mul3A_981 : vector<16xf32> to vector<1x16xf32>
        tpu.vector_store %swap3A_985[%swap3A_986, %swap3A_987], %swap3A_990 {strides = array<i32>} : memref<128x64xf32, #tpu.memory_space<vmem>>, vector<1x16xf32>,
        %mul3A_991 = arith.constant 2 : i32
        %mul3A_992 = arith.muli %scan3A_906, %mul3A_991 : i32
        %add3A_993 = arith.constant 1 : i32
        %add3A_994 = arith.addi %mul3A_992, %add3A_993 : i32
        %get3A_995 = arith.constant 0 : i32
        %get3A_996 = arith.constant 0 : i32
        %get3A_997 = tpu.memref_slice %arg6[%scan3A_588, %get3A_995, %get3A_996] : memref<8x128x64xf32, #tpu.memory_space<vmem>> -> memref<1x128x64xf32, #tpu.memory_space<vmem>>
        %get3A_998 = tpu.memref_squeeze %get3A_997 : memref<1x128x64xf32, #tpu.memory_space<vmem>> -> memref<128x64xf32, #tpu.memory_space<vmem>>
        %get3A_999 = arith.index_cast %add3A_994 : i32 to index
        %get3A_1000 = arith.constant 0 : index
        %get3A_1001 = tpu.vector_load %get3A_998[%get3A_999, %get3A_1000] {strides = array<i32>} : memref<128x64xf32, #tpu.memory_space<vmem>>, vector<1x16xf32>,
        %get3A_1002 = vector.shape_cast %get3A_1001 : vector<1x16xf32> to vector<16xf32>
        %mul3A_1003 = arith.constant 8.000000e+00 : f32
        %mul3A_1004 = vector.broadcast %mul3A_1003 : f32 to vector<16xf32>
        %mul3A_1005 = arith.mulf %get3A_1002, %mul3A_1004 : vector<16xf32>
        %swap3A_1006 = arith.constant 0 : i32
        %swap3A_1007 = arith.constant 0 : i32
        %swap3A_1008 = tpu.memref_slice %arg6[%scan3A_588, %swap3A_1006, %swap3A_1007] : memref<8x128x64xf32, #tpu.memory_space<vmem>> -> memref<1x128x64xf32, #tpu.memory_space<vmem>>
        %swap3A_1009 = tpu.memref_squeeze %swap3A_1008 : memref<1x128x64xf32, #tpu.memory_space<vmem>> -> memref<128x64xf32, #tpu.memory_space<vmem>>
        %swap3A_1010 = arith.index_cast %add3A_994 : i32 to index
        %swap3A_1011 = arith.constant 0 : index
        %swap3A_1012 = tpu.vector_load %swap3A_1009[%swap3A_1010, %swap3A_1011] {strides = array<i32>} : memref<128x64xf32, #tpu.memory_space<vmem>>, vector<1x16xf32>,
        %swap3A_1013 = vector.shape_cast %swap3A_1012 : vector<1x16xf32> to vector<16xf32>
        %swap3A_1014 = vector.shape_cast %mul3A_1005 : vector<16xf32> to vector<1x16xf32>
        tpu.vector_store %swap3A_1009[%swap3A_1010, %swap3A_1011], %swap3A_1014 {strides = array<i32>} : memref<128x64xf32, #tpu.memory_space<vmem>>, vector<1x16xf32>,
        %get3A_1015 = arith.constant 0 : i32
        %get3A_1016 = arith.constant 0 : i32
        %get3A_1017 = tpu.memref_slice %arg6[%scan3A_588, %get3A_1015, %get3A_1016] : memref<8x128x64xf32, #tpu.memory_space<vmem>> -> memref<1x128x64xf32, #tpu.memory_space<vmem>>
        %get3A_1018 = tpu.memref_squeeze %get3A_1017 : memref<1x128x64xf32, #tpu.memory_space<vmem>> -> memref<128x64xf32, #tpu.memory_space<vmem>>
        %get3A_1019 = arith.index_cast %add3A_994 : i32 to index
        %get3A_1020 = arith.constant 16 : index
        %get3A_1021 = tpu.vector_load %get3A_1018[%get3A_1019, %get3A_1020] {strides = array<i32>} : memref<128x64xf32, #tpu.memory_space<vmem>>, vector<1x16xf32>,
        %get3A_1022 = vector.shape_cast %get3A_1021 : vector<1x16xf32> to vector<16xf32>
        %mul3A_1023 = arith.constant 8.000000e+00 : f32
        %mul3A_1024 = vector.broadcast %mul3A_1023 : f32 to vector<16xf32>
        %mul3A_1025 = arith.mulf %get3A_1022, %mul3A_1024 : vector<16xf32>
        %swap3A_1026 = arith.constant 0 : i32
        %swap3A_1027 = arith.constant 0 : i32
        %swap3A_1028 = tpu.memref_slice %arg6[%scan3A_588, %swap3A_1026, %swap3A_1027] : memref<8x128x64xf32, #tpu.memory_space<vmem>> -> memref<1x128x64xf32, #tpu.memory_space<vmem>>
        %swap3A_1029 = tpu.memref_squeeze %swap3A_1028 : memref<1x128x64xf32, #tpu.memory_space<vmem>> -> memref<128x64xf32, #tpu.memory_space<vmem>>
        %swap3A_1030 = arith.index_cast %add3A_994 : i32 to index
        %swap3A_1031 = arith.constant 16 : index
        %swap3A_1032 = tpu.vector_load %swap3A_1029[%swap3A_1030, %swap3A_1031] {strides = array<i32>} : memref<128x64xf32, #tpu.memory_space<vmem>>, vector<1x16xf32>,
        %swap3A_1033 = vector.shape_cast %swap3A_1032 : vector<1x16xf32> to vector<16xf32>
        %swap3A_1034 = vector.shape_cast %mul3A_1025 : vector<16xf32> to vector<1x16xf32>
        tpu.vector_store %swap3A_1029[%swap3A_1030, %swap3A_1031], %swap3A_1034 {strides = array<i32>} : memref<128x64xf32, #tpu.memory_space<vmem>>, vector<1x16xf32>,
        %get3A_1035 = arith.constant 0 : i32
        %get3A_1036 = arith.constant 0 : i32
        %get3A_1037 = tpu.memref_slice %arg6[%scan3A_588, %get3A_1035, %get3A_1036] : memref<8x128x64xf32, #tpu.memory_space<vmem>> -> memref<1x128x64xf32, #tpu.memory_space<vmem>>
        %get3A_1038 = tpu.memref_squeeze %get3A_1037 : memref<1x128x64xf32, #tpu.memory_space<vmem>> -> memref<128x64xf32, #tpu.memory_space<vmem>>
        %get3A_1039 = arith.index_cast %add3A_994 : i32 to index
        %get3A_1040 = arith.constant 32 : index
        %get3A_1041 = tpu.vector_load %get3A_1038[%get3A_1039, %get3A_1040] {strides = array<i32>} : memref<128x64xf32, #tpu.memory_space<vmem>>, vector<1x16xf32>,
        %get3A_1042 = vector.shape_cast %get3A_1041 : vector<1x16xf32> to vector<16xf32>
        %mul3A_1043 = arith.constant 8.000000e+00 : f32
        %mul3A_1044 = vector.broadcast %mul3A_1043 : f32 to vector<16xf32>
        %mul3A_1045 = arith.mulf %get3A_1042, %mul3A_1044 : vector<16xf32>
        %swap3A_1046 = arith.constant 0 : i32
        %swap3A_1047 = arith.constant 0 : i32
        %swap3A_1048 = tpu.memref_slice %arg6[%scan3A_588, %swap3A_1046, %swap3A_1047] : memref<8x128x64xf32, #tpu.memory_space<vmem>> -> memref<1x128x64xf32, #tpu.memory_space<vmem>>
        %swap3A_1049 = tpu.memref_squeeze %swap3A_1048 : memref<1x128x64xf32, #tpu.memory_space<vmem>> -> memref<128x64xf32, #tpu.memory_space<vmem>>
        %swap3A_1050 = arith.index_cast %add3A_994 : i32 to index
        %swap3A_1051 = arith.constant 32 : index
        %swap3A_1052 = tpu.vector_load %swap3A_1049[%swap3A_1050, %swap3A_1051] {strides = array<i32>} : memref<128x64xf32, #tpu.memory_space<vmem>>, vector<1x16xf32>,
        %swap3A_1053 = vector.shape_cast %swap3A_1052 : vector<1x16xf32> to vector<16xf32>
        %swap3A_1054 = vector.shape_cast %mul3A_1045 : vector<16xf32> to vector<1x16xf32>
        tpu.vector_store %swap3A_1049[%swap3A_1050, %swap3A_1051], %swap3A_1054 {strides = array<i32>} : memref<128x64xf32, #tpu.memory_space<vmem>>, vector<1x16xf32>,
        %get3A_1055 = arith.constant 0 : i32
        %get3A_1056 = arith.constant 0 : i32
        %get3A_1057 = tpu.memref_slice %arg6[%scan3A_588, %get3A_1055, %get3A_1056] : memref<8x128x64xf32, #tpu.memory_space<vmem>> -> memref<1x128x64xf32, #tpu.memory_space<vmem>>
        %get3A_1058 = tpu.memref_squeeze %get3A_1057 : memref<1x128x64xf32, #tpu.memory_space<vmem>> -> memref<128x64xf32, #tpu.memory_space<vmem>>
        %get3A_1059 = arith.index_cast %add3A_994 : i32 to index
        %get3A_1060 = arith.constant 48 : index
        %get3A_1061 = tpu.vector_load %get3A_1058[%get3A_1059, %get3A_1060] {strides = array<i32>} : memref<128x64xf32, #tpu.memory_space<vmem>>, vector<1x16xf32>,
        %get3A_1062 = vector.shape_cast %get3A_1061 : vector<1x16xf32> to vector<16xf32>
        %mul3A_1063 = arith.constant 8.000000e+00 : f32
        %mul3A_1064 = vector.broadcast %mul3A_1063 : f32 to vector<16xf32>
        %mul3A_1065 = arith.mulf %get3A_1062, %mul3A_1064 : vector<16xf32>
        %swap3A_1066 = arith.constant 0 : i32
        %swap3A_1067 = arith.constant 0 : i32
        %swap3A_1068 = tpu.memref_slice %arg6[%scan3A_588, %swap3A_1066, %swap3A_1067] : memref<8x128x64xf32, #tpu.memory_space<vmem>> -> memref<1x128x64xf32, #tpu.memory_space<vmem>>
        %swap3A_1069 = tpu.memref_squeeze %swap3A_1068 : memref<1x128x64xf32, #tpu.memory_space<vmem>> -> memref<128x64xf32, #tpu.memory_space<vmem>>
        %swap3A_1070 = arith.index_cast %add3A_994 : i32 to index
        %swap3A_1071 = arith.constant 48 : index
        %swap3A_1072 = tpu.vector_load %swap3A_1069[%swap3A_1070, %swap3A_1071] {strides = array<i32>} : memref<128x64xf32, #tpu.memory_space<vmem>>, vector<1x16xf32>,
        %swap3A_1073 = vector.shape_cast %swap3A_1072 : vector<1x16xf32> to vector<16xf32>
        %swap3A_1074 = vector.shape_cast %mul3A_1065 : vector<16xf32> to vector<1x16xf32>
        tpu.vector_store %swap3A_1069[%swap3A_1070, %swap3A_1071], %swap3A_1074 {strides = array<i32>} : memref<128x64xf32, #tpu.memory_space<vmem>>, vector<1x16xf32>,
        %scan3A_1075 = arith.constant 0 : i32
        scf.yield %scan3A_1075 : i32
      }
      %scan3A_595 = arith.constant 64 : i32
      %add3A_596 = arith.addi %mul3A_2, %scan3A_273 : i32
      %rem3A_597 = arith.constant 32 : i32
      %rem3A_598 = arith.remsi %add3A_596, %rem3A_597 : i32
      %div3A_599 = arith.constant 32 : i32
      %div3A_600 = arith.divsi %add3A_596, %div3A_599 : i32
      %mul3A_601 = arith.constant 4 : i32
      %mul3A_602 = arith.muli %div3A_600, %mul3A_601 : i32
      %add3A_603 = arith.constant 2 : i32
      %add3A_604 = arith.addi %mul3A_602, %add3A_603 : i32
      %mul3A_605 = arith.constant 128 : i32
      %mul3A_606 = arith.muli %rem3A_598, %mul3A_605 : i32
      %dma_start3A_607 = arith.constant 5 : i32
      %dma_start3A_608 = arith.constant 0 : i32
      %dma_start3A_609 = arith.constant 0 : i32
      %dma_start3A_610 = tpu.memref_slice %arg6[%dma_start3A_607, %dma_start3A_608, %dma_start3A_609] : memref<8x128x64xf32, #tpu.memory_space<vmem>> -> memref<1x128x64xf32, #tpu.memory_space<vmem>>
      %dma_start3A_611 = tpu.memref_squeeze %dma_start3A_610 : memref<1x128x64xf32, #tpu.memory_space<vmem>> -> memref<128x64xf32, #tpu.memory_space<vmem>>
      %dma_start3A_612 = arith.constant 64 : i32
      %dma_start3A_613 = tpu.memref_slice %arg4[%add3A_604, %mul3A_606, %dma_start3A_612] : memref<100x4096x128xf32, #tpu.memory_space<hbm>> -> memref<1x128x64xf32, #tpu.memory_space<hbm>>
      %dma_start3A_614 = tpu.memref_squeeze %dma_start3A_613 : memref<1x128x64xf32, #tpu.memory_space<hbm>> -> memref<128x64xf32, #tpu.memory_space<hbm>>
      %dma_start3A_615 = arith.constant 64 : i32
      %dma_start3A_616 = tpu.memref_slice %arg4[%add3A_604, %mul3A_606, %dma_start3A_615] : memref<100x4096x128xf32, #tpu.memory_space<hbm>> -> memref<1x128x64xf32, #tpu.memory_space<hbm>>
      %dma_start3A_617 = tpu.memref_squeeze %dma_start3A_616 : memref<1x128x64xf32, #tpu.memory_space<hbm>> -> memref<128x64xf32, #tpu.memory_space<hbm>>
      %dma_start3A_618 = arith.constant 0 : i32
      %dma_start3A_619 = arith.constant 0 : i32
      %dma_start3A_620 = tpu.memref_slice %arg6[%dma_start3A_607, %dma_start3A_618, %dma_start3A_619] : memref<8x128x64xf32, #tpu.memory_space<vmem>> -> memref<1x128x64xf32, #tpu.memory_space<vmem>>
      %dma_start3A_621 = tpu.memref_squeeze %dma_start3A_620 : memref<1x128x64xf32, #tpu.memory_space<vmem>> -> memref<128x64xf32, #tpu.memory_space<vmem>>
      tpu.enqueue_dma source(%dma_start3A_621 : memref<128x64xf32, #tpu.memory_space<vmem>>) target(%dma_start3A_617 : memref<128x64xf32, #tpu.memory_space<hbm>>) target_semaphore(%arg20 : memref<!tpu.dma_semaphore, #tpu.memory_space<semaphore_mem>>)
      %add3A_622 = arith.constant 1 : i32
      %add3A_623 = arith.addi %scan3A_273, %add3A_622 : i32
      %lt3A_624 = arith.constant 25 : i32
      %lt3A_625 = arith.cmpi slt, %add3A_623, %lt3A_624 : i32
      %convert_element_type3A_626 = arith.extui %lt3A_625 : i1 to i32
      %cond3A_627 = arith.constant 0 : i32
      %cond3A_628 = arith.cmpi ne, %convert_element_type3A_626, %cond3A_627 : i32
      scf.if %cond3A_628 {
        %add3A_736 = arith.addi %mul3A_2, %scan3A_273 : i32
        %rem3A_737 = arith.constant 32 : i32
        %rem3A_738 = arith.remsi %add3A_736, %rem3A_737 : i32
        %div3A_739 = arith.constant 32 : i32
        %div3A_740 = arith.divsi %add3A_736, %div3A_739 : i32
        %mul3A_741 = arith.constant 4 : i32
        %mul3A_742 = arith.muli %div3A_740, %mul3A_741 : i32
        %add3A_743 = arith.constant 0 : i32
        %add3A_744 = arith.addi %mul3A_742, %add3A_743 : i32
        %mul3A_745 = arith.constant 128 : i32
        %mul3A_746 = arith.muli %rem3A_738, %mul3A_745 : i32
        %dma_wait3A_747 = arith.constant 1 : i32
        %dma_wait3A_748 = arith.constant 0 : i32
        %dma_wait3A_749 = arith.constant 0 : i32
        %dma_wait3A_750 = tpu.memref_slice %arg6[%dma_wait3A_747, %dma_wait3A_748, %dma_wait3A_749] : memref<8x128x64xf32, #tpu.memory_space<vmem>> -> memref<1x128x64xf32, #tpu.memory_space<vmem>>
        %dma_wait3A_751 = tpu.memref_squeeze %dma_wait3A_750 : memref<1x128x64xf32, #tpu.memory_space<vmem>> -> memref<128x64xf32, #tpu.memory_space<vmem>>
        %dma_wait3A_752 = arith.constant 64 : i32
        %dma_wait3A_753 = tpu.memref_slice %arg4[%add3A_744, %mul3A_746, %dma_wait3A_752] : memref<100x4096x128xf32, #tpu.memory_space<hbm>> -> memref<1x128x64xf32, #tpu.memory_space<hbm>>
        %dma_wait3A_754 = tpu.memref_squeeze %dma_wait3A_753 : memref<1x128x64xf32, #tpu.memory_space<hbm>> -> memref<128x64xf32, #tpu.memory_space<hbm>>
        %dma_wait3A_755 = arith.constant 64 : i32
        %dma_wait3A_756 = tpu.memref_slice %arg4[%add3A_744, %mul3A_746, %dma_wait3A_755] : memref<100x4096x128xf32, #tpu.memory_space<hbm>> -> memref<1x128x64xf32, #tpu.memory_space<hbm>>
        %dma_wait3A_757 = tpu.memref_squeeze %dma_wait3A_756 : memref<1x128x64xf32, #tpu.memory_space<hbm>> -> memref<128x64xf32, #tpu.memory_space<hbm>>
        %dma_wait3A_758 = arith.constant 0 : i32
        %dma_wait3A_759 = arith.constant 0 : i32
        %dma_wait3A_760 = tpu.memref_slice %arg6[%dma_wait3A_747, %dma_wait3A_758, %dma_wait3A_759] : memref<8x128x64xf32, #tpu.memory_space<vmem>> -> memref<1x128x64xf32, #tpu.memory_space<vmem>>
        %dma_wait3A_761 = tpu.memref_squeeze %dma_wait3A_760 : memref<1x128x64xf32, #tpu.memory_space<vmem>> -> memref<128x64xf32, #tpu.memory_space<vmem>>
        tpu.wait_dma2 semaphore(%arg16 : memref<!tpu.dma_semaphore, #tpu.memory_space<semaphore_mem>>) src(%dma_wait3A_761 : memref<128x64xf32, #tpu.memory_space<vmem>>) dst(%dma_wait3A_757 : memref<128x64xf32, #tpu.memory_space<hbm>>)
        %add3A_762 = arith.constant 1 : i32
        %add3A_763 = arith.addi %scan3A_273, %add3A_762 : i32
        %dma_start3A_764 = arith.constant 1 : i32
        %dma_start3A_765 = arith.constant 1 : i32
        %dma_start3A_766 = arith.constant 0 : i32
        %dma_start3A_767 = arith.constant 0 : i32
        %dma_start3A_768 = tpu.memref_slice %arg6[%dma_start3A_765, %dma_start3A_766, %dma_start3A_767] : memref<8x128x64xf32, #tpu.memory_space<vmem>> -> memref<1x128x64xf32, #tpu.memory_space<vmem>>
        %dma_start3A_769 = tpu.memref_squeeze %dma_start3A_768 : memref<1x128x64xf32, #tpu.memory_space<vmem>> -> memref<128x64xf32, #tpu.memory_space<vmem>>
        %dma_start3A_770 = arith.constant 0 : i32
        %dma_start3A_771 = tpu.memref_slice %arg5[%add3A_763, %dma_start3A_764, %dma_start3A_770] : memref<25x8x128xi32, #tpu.memory_space<vmem>> -> memref<1x1x128xi32, #tpu.memory_space<vmem>>
        %dma_start3A_772 = tpu.memref_squeeze %dma_start3A_771 : memref<1x1x128xi32, #tpu.memory_space<vmem>> -> memref<128xi32, #tpu.memory_space<vmem>>
        %dma_start3A_773 = arith.constant 0 : i32
        %dma_start3A_774 = arith.constant 0 : i32
        %dma_start3A_775 = tpu.memref_slice %arg3[%dma_start3A_773, %dma_start3A_774] : memref<1000000x64xf32, #tpu.memory_space<hbm>> -> memref<1000000x64xf32, #tpu.memory_space<hbm>>
        tpu.enqueue_indirect_dma source(%dma_start3A_775 : memref<1000000x64xf32, #tpu.memory_space<hbm>>) target(%dma_start3A_769 : memref<128x64xf32, #tpu.memory_space<vmem>>) offsets(%dma_start3A_772 : memref<128xi32, #tpu.memory_space<vmem>>) semaphore(%arg8 : memref<!tpu.dma_semaphore, #tpu.memory_space<semaphore_mem>>)
      } else {
      }
      %dma_wait3A_629 = arith.constant 6 : i32
      %dma_wait3A_630 = arith.constant 6 : i32
      %dma_wait3A_631 = arith.constant 0 : i32
      %dma_wait3A_632 = arith.constant 0 : i32
      %dma_wait3A_633 = tpu.memref_slice %arg6[%dma_wait3A_630, %dma_wait3A_631, %dma_wait3A_632] : memref<8x128x64xf32, #tpu.memory_space<vmem>> -> memref<1x128x64xf32, #tpu.memory_space<vmem>>
      %dma_wait3A_634 = tpu.memref_squeeze %dma_wait3A_633 : memref<1x128x64xf32, #tpu.memory_space<vmem>> -> memref<128x64xf32, #tpu.memory_space<vmem>>
      %dma_wait3A_635 = arith.constant 0 : i32
      %dma_wait3A_636 = tpu.memref_slice %arg5[%scan3A_273, %dma_wait3A_629, %dma_wait3A_635] : memref<25x8x128xi32, #tpu.memory_space<vmem>> -> memref<1x1x128xi32, #tpu.memory_space<vmem>>
      %dma_wait3A_637 = tpu.memref_squeeze %dma_wait3A_636 : memref<1x1x128xi32, #tpu.memory_space<vmem>> -> memref<128xi32, #tpu.memory_space<vmem>>
      %dma_wait3A_638 = arith.constant 0 : i32
      %dma_wait3A_639 = arith.constant 0 : i32
      %dma_wait3A_640 = tpu.memref_slice %arg3[%dma_wait3A_638, %dma_wait3A_639] : memref<1000000x64xf32, #tpu.memory_space<hbm>> -> memref<1000000x64xf32, #tpu.memory_space<hbm>>
      tpu.wait_indirect_dma semaphore(%arg13 : memref<!tpu.dma_semaphore, #tpu.memory_space<semaphore_mem>>) src(%dma_wait3A_640 : memref<1000000x64xf32, #tpu.memory_space<hbm>>) dst(%dma_wait3A_634 : memref<128x64xf32, #tpu.memory_space<vmem>>)
      %scan3A_641 = arith.constant 6 : i32
      %scan3A_642 = arith.constant 0 : i32
      %scan3A_643 = arith.constant 0 : i32
      %scan3A_644 = arith.constant 64 : i32
      %scan3A_645 = arith.addi %scan3A_643, %scan3A_644 : i32
      %scan3A_646 = arith.constant 2 : i32
      %scan3A_647 = scf.for %scan3A_736 = %scan3A_643 to %scan3A_645 step %scan3A_646 iter_args(%scan3A_737 = %scan3A_642) -> (i32)  : i32 {
        %mul3A_738 = arith.constant 2 : i32
        %mul3A_739 = arith.muli %scan3A_736, %mul3A_738 : i32
        %add3A_740 = arith.constant 0 : i32
        %add3A_741 = arith.addi %mul3A_739, %add3A_740 : i32
        %get3A = arith.constant 0 : i32
        %get3A_742 = arith.constant 0 : i32
        %get3A_743 = tpu.memref_slice %arg6[%scan3A_641, %get3A, %get3A_742] : memref<8x128x64xf32, #tpu.memory_space<vmem>> -> memref<1x128x64xf32, #tpu.memory_space<vmem>>
        %get3A_744 = tpu.memref_squeeze %get3A_743 : memref<1x128x64xf32, #tpu.memory_space<vmem>> -> memref<128x64xf32, #tpu.memory_space<vmem>>
        %get3A_745 = arith.index_cast %add3A_741 : i32 to index
        %get3A_746 = arith.constant 0 : index
        %get3A_747 = tpu.vector_load %get3A_744[%get3A_745, %get3A_746] {strides = array<i32>} : memref<128x64xf32, #tpu.memory_space<vmem>>, vector<1x16xf32>,
        %get3A_748 = vector.shape_cast %get3A_747 : vector<1x16xf32> to vector<16xf32>
        %mul3A_749 = arith.constant 8.000000e+00 : f32
        %mul3A_750 = vector.broadcast %mul3A_749 : f32 to vector<16xf32>
        %mul3A_751 = arith.mulf %get3A_748, %mul3A_750 : vector<16xf32>
        %swap3A = arith.constant 0 : i32
        %swap3A_752 = arith.constant 0 : i32
        %swap3A_753 = tpu.memref_slice %arg6[%scan3A_641, %swap3A, %swap3A_752] : memref<8x128x64xf32, #tpu.memory_space<vmem>> -> memref<1x128x64xf32, #tpu.memory_space<vmem>>
        %swap3A_754 = tpu.memref_squeeze %swap3A_753 : memref<1x128x64xf32, #tpu.memory_space<vmem>> -> memref<128x64xf32, #tpu.memory_space<vmem>>
        %swap3A_755 = arith.index_cast %add3A_741 : i32 to index
        %swap3A_756 = arith.constant 0 : index
        %swap3A_757 = tpu.vector_load %swap3A_754[%swap3A_755, %swap3A_756] {strides = array<i32>} : memref<128x64xf32, #tpu.memory_space<vmem>>, vector<1x16xf32>,
        %swap3A_758 = vector.shape_cast %swap3A_757 : vector<1x16xf32> to vector<16xf32>
        %swap3A_759 = vector.shape_cast %mul3A_751 : vector<16xf32> to vector<1x16xf32>
        tpu.vector_store %swap3A_754[%swap3A_755, %swap3A_756], %swap3A_759 {strides = array<i32>} : memref<128x64xf32, #tpu.memory_space<vmem>>, vector<1x16xf32>,
        %get3A_760 = arith.constant 0 : i32
        %get3A_761 = arith.constant 0 : i32
        %get3A_762 = tpu.memref_slice %arg6[%scan3A_641, %get3A_760, %get3A_761] : memref<8x128x64xf32, #tpu.memory_space<vmem>> -> memref<1x128x64xf32, #tpu.memory_space<vmem>>
        %get3A_763 = tpu.memref_squeeze %get3A_762 : memref<1x128x64xf32, #tpu.memory_space<vmem>> -> memref<128x64xf32, #tpu.memory_space<vmem>>
        %get3A_764 = arith.index_cast %add3A_741 : i32 to index
        %get3A_765 = arith.constant 16 : index
        %get3A_766 = tpu.vector_load %get3A_763[%get3A_764, %get3A_765] {strides = array<i32>} : memref<128x64xf32, #tpu.memory_space<vmem>>, vector<1x16xf32>,
        %get3A_767 = vector.shape_cast %get3A_766 : vector<1x16xf32> to vector<16xf32>
        %mul3A_768 = arith.constant 8.000000e+00 : f32
        %mul3A_769 = vector.broadcast %mul3A_768 : f32 to vector<16xf32>
        %mul3A_770 = arith.mulf %get3A_767, %mul3A_769 : vector<16xf32>
        %swap3A_771 = arith.constant 0 : i32
        %swap3A_772 = arith.constant 0 : i32
        %swap3A_773 = tpu.memref_slice %arg6[%scan3A_641, %swap3A_771, %swap3A_772] : memref<8x128x64xf32, #tpu.memory_space<vmem>> -> memref<1x128x64xf32, #tpu.memory_space<vmem>>
        %swap3A_774 = tpu.memref_squeeze %swap3A_773 : memref<1x128x64xf32, #tpu.memory_space<vmem>> -> memref<128x64xf32, #tpu.memory_space<vmem>>
        %swap3A_775 = arith.index_cast %add3A_741 : i32 to index
        %swap3A_776 = arith.constant 16 : index
        %swap3A_777 = tpu.vector_load %swap3A_774[%swap3A_775, %swap3A_776] {strides = array<i32>} : memref<128x64xf32, #tpu.memory_space<vmem>>, vector<1x16xf32>,
        %swap3A_778 = vector.shape_cast %swap3A_777 : vector<1x16xf32> to vector<16xf32>
        %swap3A_779 = vector.shape_cast %mul3A_770 : vector<16xf32> to vector<1x16xf32>
        tpu.vector_store %swap3A_774[%swap3A_775, %swap3A_776], %swap3A_779 {strides = array<i32>} : memref<128x64xf32, #tpu.memory_space<vmem>>, vector<1x16xf32>,
        %get3A_780 = arith.constant 0 : i32
        %get3A_781 = arith.constant 0 : i32
        %get3A_782 = tpu.memref_slice %arg6[%scan3A_641, %get3A_780, %get3A_781] : memref<8x128x64xf32, #tpu.memory_space<vmem>> -> memref<1x128x64xf32, #tpu.memory_space<vmem>>
        %get3A_783 = tpu.memref_squeeze %get3A_782 : memref<1x128x64xf32, #tpu.memory_space<vmem>> -> memref<128x64xf32, #tpu.memory_space<vmem>>
        %get3A_784 = arith.index_cast %add3A_741 : i32 to index
        %get3A_785 = arith.constant 32 : index
        %get3A_786 = tpu.vector_load %get3A_783[%get3A_784, %get3A_785] {strides = array<i32>} : memref<128x64xf32, #tpu.memory_space<vmem>>, vector<1x16xf32>,
        %get3A_787 = vector.shape_cast %get3A_786 : vector<1x16xf32> to vector<16xf32>
        %mul3A_788 = arith.constant 8.000000e+00 : f32
        %mul3A_789 = vector.broadcast %mul3A_788 : f32 to vector<16xf32>
        %mul3A_790 = arith.mulf %get3A_787, %mul3A_789 : vector<16xf32>
        %swap3A_791 = arith.constant 0 : i32
        %swap3A_792 = arith.constant 0 : i32
        %swap3A_793 = tpu.memref_slice %arg6[%scan3A_641, %swap3A_791, %swap3A_792] : memref<8x128x64xf32, #tpu.memory_space<vmem>> -> memref<1x128x64xf32, #tpu.memory_space<vmem>>
        %swap3A_794 = tpu.memref_squeeze %swap3A_793 : memref<1x128x64xf32, #tpu.memory_space<vmem>> -> memref<128x64xf32, #tpu.memory_space<vmem>>
        %swap3A_795 = arith.index_cast %add3A_741 : i32 to index
        %swap3A_796 = arith.constant 32 : index
        %swap3A_797 = tpu.vector_load %swap3A_794[%swap3A_795, %swap3A_796] {strides = array<i32>} : memref<128x64xf32, #tpu.memory_space<vmem>>, vector<1x16xf32>,
        %swap3A_798 = vector.shape_cast %swap3A_797 : vector<1x16xf32> to vector<16xf32>
        %swap3A_799 = vector.shape_cast %mul3A_790 : vector<16xf32> to vector<1x16xf32>
        tpu.vector_store %swap3A_794[%swap3A_795, %swap3A_796], %swap3A_799 {strides = array<i32>} : memref<128x64xf32, #tpu.memory_space<vmem>>, vector<1x16xf32>,
        %get3A_800 = arith.constant 0 : i32
        %get3A_801 = arith.constant 0 : i32
        %get3A_802 = tpu.memref_slice %arg6[%scan3A_641, %get3A_800, %get3A_801] : memref<8x128x64xf32, #tpu.memory_space<vmem>> -> memref<1x128x64xf32, #tpu.memory_space<vmem>>
        %get3A_803 = tpu.memref_squeeze %get3A_802 : memref<1x128x64xf32, #tpu.memory_space<vmem>> -> memref<128x64xf32, #tpu.memory_space<vmem>>
        %get3A_804 = arith.index_cast %add3A_741 : i32 to index
        %get3A_805 = arith.constant 48 : index
        %get3A_806 = tpu.vector_load %get3A_803[%get3A_804, %get3A_805] {strides = array<i32>} : memref<128x64xf32, #tpu.memory_space<vmem>>, vector<1x16xf32>,
        %get3A_807 = vector.shape_cast %get3A_806 : vector<1x16xf32> to vector<16xf32>
        %mul3A_808 = arith.constant 8.000000e+00 : f32
        %mul3A_809 = vector.broadcast %mul3A_808 : f32 to vector<16xf32>
        %mul3A_810 = arith.mulf %get3A_807, %mul3A_809 : vector<16xf32>
        %swap3A_811 = arith.constant 0 : i32
        %swap3A_812 = arith.constant 0 : i32
        %swap3A_813 = tpu.memref_slice %arg6[%scan3A_641, %swap3A_811, %swap3A_812] : memref<8x128x64xf32, #tpu.memory_space<vmem>> -> memref<1x128x64xf32, #tpu.memory_space<vmem>>
        %swap3A_814 = tpu.memref_squeeze %swap3A_813 : memref<1x128x64xf32, #tpu.memory_space<vmem>> -> memref<128x64xf32, #tpu.memory_space<vmem>>
        %swap3A_815 = arith.index_cast %add3A_741 : i32 to index
        %swap3A_816 = arith.constant 48 : index
        %swap3A_817 = tpu.vector_load %swap3A_814[%swap3A_815, %swap3A_816] {strides = array<i32>} : memref<128x64xf32, #tpu.memory_space<vmem>>, vector<1x16xf32>,
        %swap3A_818 = vector.shape_cast %swap3A_817 : vector<1x16xf32> to vector<16xf32>
        %swap3A_819 = vector.shape_cast %mul3A_810 : vector<16xf32> to vector<1x16xf32>
        tpu.vector_store %swap3A_814[%swap3A_815, %swap3A_816], %swap3A_819 {strides = array<i32>} : memref<128x64xf32, #tpu.memory_space<vmem>>, vector<1x16xf32>,
        %mul3A_820 = arith.constant 2 : i32
        %mul3A_821 = arith.muli %scan3A_736, %mul3A_820 : i32
        %add3A_822 = arith.constant 1 : i32
        %add3A_823 = arith.addi %mul3A_821, %add3A_822 : i32
        %get3A_824 = arith.constant 0 : i32
        %get3A_825 = arith.constant 0 : i32
        %get3A_826 = tpu.memref_slice %arg6[%scan3A_641, %get3A_824, %get3A_825] : memref<8x128x64xf32, #tpu.memory_space<vmem>> -> memref<1x128x64xf32, #tpu.memory_space<vmem>>
        %get3A_827 = tpu.memref_squeeze %get3A_826 : memref<1x128x64xf32, #tpu.memory_space<vmem>> -> memref<128x64xf32, #tpu.memory_space<vmem>>
        %get3A_828 = arith.index_cast %add3A_823 : i32 to index
        %get3A_829 = arith.constant 0 : index
        %get3A_830 = tpu.vector_load %get3A_827[%get3A_828, %get3A_829] {strides = array<i32>} : memref<128x64xf32, #tpu.memory_space<vmem>>, vector<1x16xf32>,
        %get3A_831 = vector.shape_cast %get3A_830 : vector<1x16xf32> to vector<16xf32>
        %mul3A_832 = arith.constant 8.000000e+00 : f32
        %mul3A_833 = vector.broadcast %mul3A_832 : f32 to vector<16xf32>
        %mul3A_834 = arith.mulf %get3A_831, %mul3A_833 : vector<16xf32>
        %swap3A_835 = arith.constant 0 : i32
        %swap3A_836 = arith.constant 0 : i32
        %swap3A_837 = tpu.memref_slice %arg6[%scan3A_641, %swap3A_835, %swap3A_836] : memref<8x128x64xf32, #tpu.memory_space<vmem>> -> memref<1x128x64xf32, #tpu.memory_space<vmem>>
        %swap3A_838 = tpu.memref_squeeze %swap3A_837 : memref<1x128x64xf32, #tpu.memory_space<vmem>> -> memref<128x64xf32, #tpu.memory_space<vmem>>
        %swap3A_839 = arith.index_cast %add3A_823 : i32 to index
        %swap3A_840 = arith.constant 0 : index
        %swap3A_841 = tpu.vector_load %swap3A_838[%swap3A_839, %swap3A_840] {strides = array<i32>} : memref<128x64xf32, #tpu.memory_space<vmem>>, vector<1x16xf32>,
        %swap3A_842 = vector.shape_cast %swap3A_841 : vector<1x16xf32> to vector<16xf32>
        %swap3A_843 = vector.shape_cast %mul3A_834 : vector<16xf32> to vector<1x16xf32>
        tpu.vector_store %swap3A_838[%swap3A_839, %swap3A_840], %swap3A_843 {strides = array<i32>} : memref<128x64xf32, #tpu.memory_space<vmem>>, vector<1x16xf32>,
        %get3A_844 = arith.constant 0 : i32
        %get3A_845 = arith.constant 0 : i32
        %get3A_846 = tpu.memref_slice %arg6[%scan3A_641, %get3A_844, %get3A_845] : memref<8x128x64xf32, #tpu.memory_space<vmem>> -> memref<1x128x64xf32, #tpu.memory_space<vmem>>
        %get3A_847 = tpu.memref_squeeze %get3A_846 : memref<1x128x64xf32, #tpu.memory_space<vmem>> -> memref<128x64xf32, #tpu.memory_space<vmem>>
        %get3A_848 = arith.index_cast %add3A_823 : i32 to index
        %get3A_849 = arith.constant 16 : index
        %get3A_850 = tpu.vector_load %get3A_847[%get3A_848, %get3A_849] {strides = array<i32>} : memref<128x64xf32, #tpu.memory_space<vmem>>, vector<1x16xf32>,
        %get3A_851 = vector.shape_cast %get3A_850 : vector<1x16xf32> to vector<16xf32>
        %mul3A_852 = arith.constant 8.000000e+00 : f32
        %mul3A_853 = vector.broadcast %mul3A_852 : f32 to vector<16xf32>
        %mul3A_854 = arith.mulf %get3A_851, %mul3A_853 : vector<16xf32>
        %swap3A_855 = arith.constant 0 : i32
        %swap3A_856 = arith.constant 0 : i32
        %swap3A_857 = tpu.memref_slice %arg6[%scan3A_641, %swap3A_855, %swap3A_856] : memref<8x128x64xf32, #tpu.memory_space<vmem>> -> memref<1x128x64xf32, #tpu.memory_space<vmem>>
        %swap3A_858 = tpu.memref_squeeze %swap3A_857 : memref<1x128x64xf32, #tpu.memory_space<vmem>> -> memref<128x64xf32, #tpu.memory_space<vmem>>
        %swap3A_859 = arith.index_cast %add3A_823 : i32 to index
        %swap3A_860 = arith.constant 16 : index
        %swap3A_861 = tpu.vector_load %swap3A_858[%swap3A_859, %swap3A_860] {strides = array<i32>} : memref<128x64xf32, #tpu.memory_space<vmem>>, vector<1x16xf32>,
        %swap3A_862 = vector.shape_cast %swap3A_861 : vector<1x16xf32> to vector<16xf32>
        %swap3A_863 = vector.shape_cast %mul3A_854 : vector<16xf32> to vector<1x16xf32>
        tpu.vector_store %swap3A_858[%swap3A_859, %swap3A_860], %swap3A_863 {strides = array<i32>} : memref<128x64xf32, #tpu.memory_space<vmem>>, vector<1x16xf32>,
        %get3A_864 = arith.constant 0 : i32
        %get3A_865 = arith.constant 0 : i32
        %get3A_866 = tpu.memref_slice %arg6[%scan3A_641, %get3A_864, %get3A_865] : memref<8x128x64xf32, #tpu.memory_space<vmem>> -> memref<1x128x64xf32, #tpu.memory_space<vmem>>
        %get3A_867 = tpu.memref_squeeze %get3A_866 : memref<1x128x64xf32, #tpu.memory_space<vmem>> -> memref<128x64xf32, #tpu.memory_space<vmem>>
        %get3A_868 = arith.index_cast %add3A_823 : i32 to index
        %get3A_869 = arith.constant 32 : index
        %get3A_870 = tpu.vector_load %get3A_867[%get3A_868, %get3A_869] {strides = array<i32>} : memref<128x64xf32, #tpu.memory_space<vmem>>, vector<1x16xf32>,
        %get3A_871 = vector.shape_cast %get3A_870 : vector<1x16xf32> to vector<16xf32>
        %mul3A_872 = arith.constant 8.000000e+00 : f32
        %mul3A_873 = vector.broadcast %mul3A_872 : f32 to vector<16xf32>
        %mul3A_874 = arith.mulf %get3A_871, %mul3A_873 : vector<16xf32>
        %swap3A_875 = arith.constant 0 : i32
        %swap3A_876 = arith.constant 0 : i32
        %swap3A_877 = tpu.memref_slice %arg6[%scan3A_641, %swap3A_875, %swap3A_876] : memref<8x128x64xf32, #tpu.memory_space<vmem>> -> memref<1x128x64xf32, #tpu.memory_space<vmem>>
        %swap3A_878 = tpu.memref_squeeze %swap3A_877 : memref<1x128x64xf32, #tpu.memory_space<vmem>> -> memref<128x64xf32, #tpu.memory_space<vmem>>
        %swap3A_879 = arith.index_cast %add3A_823 : i32 to index
        %swap3A_880 = arith.constant 32 : index
        %swap3A_881 = tpu.vector_load %swap3A_878[%swap3A_879, %swap3A_880] {strides = array<i32>} : memref<128x64xf32, #tpu.memory_space<vmem>>, vector<1x16xf32>,
        %swap3A_882 = vector.shape_cast %swap3A_881 : vector<1x16xf32> to vector<16xf32>
        %swap3A_883 = vector.shape_cast %mul3A_874 : vector<16xf32> to vector<1x16xf32>
        tpu.vector_store %swap3A_878[%swap3A_879, %swap3A_880], %swap3A_883 {strides = array<i32>} : memref<128x64xf32, #tpu.memory_space<vmem>>, vector<1x16xf32>,
        %get3A_884 = arith.constant 0 : i32
        %get3A_885 = arith.constant 0 : i32
        %get3A_886 = tpu.memref_slice %arg6[%scan3A_641, %get3A_884, %get3A_885] : memref<8x128x64xf32, #tpu.memory_space<vmem>> -> memref<1x128x64xf32, #tpu.memory_space<vmem>>
        %get3A_887 = tpu.memref_squeeze %get3A_886 : memref<1x128x64xf32, #tpu.memory_space<vmem>> -> memref<128x64xf32, #tpu.memory_space<vmem>>
        %get3A_888 = arith.index_cast %add3A_823 : i32 to index
        %get3A_889 = arith.constant 48 : index
        %get3A_890 = tpu.vector_load %get3A_887[%get3A_888, %get3A_889] {strides = array<i32>} : memref<128x64xf32, #tpu.memory_space<vmem>>, vector<1x16xf32>,
        %get3A_891 = vector.shape_cast %get3A_890 : vector<1x16xf32> to vector<16xf32>
        %mul3A_892 = arith.constant 8.000000e+00 : f32
        %mul3A_893 = vector.broadcast %mul3A_892 : f32 to vector<16xf32>
        %mul3A_894 = arith.mulf %get3A_891, %mul3A_893 : vector<16xf32>
        %swap3A_895 = arith.constant 0 : i32
        %swap3A_896 = arith.constant 0 : i32
        %swap3A_897 = tpu.memref_slice %arg6[%scan3A_641, %swap3A_895, %swap3A_896] : memref<8x128x64xf32, #tpu.memory_space<vmem>> -> memref<1x128x64xf32, #tpu.memory_space<vmem>>
        %swap3A_898 = tpu.memref_squeeze %swap3A_897 : memref<1x128x64xf32, #tpu.memory_space<vmem>> -> memref<128x64xf32, #tpu.memory_space<vmem>>
        %swap3A_899 = arith.index_cast %add3A_823 : i32 to index
        %swap3A_900 = arith.constant 48 : index
        %swap3A_901 = tpu.vector_load %swap3A_898[%swap3A_899, %swap3A_900] {strides = array<i32>} : memref<128x64xf32, #tpu.memory_space<vmem>>, vector<1x16xf32>,
        %swap3A_902 = vector.shape_cast %swap3A_901 : vector<1x16xf32> to vector<16xf32>
        %swap3A_903 = vector.shape_cast %mul3A_894 : vector<16xf32> to vector<1x16xf32>
        tpu.vector_store %swap3A_898[%swap3A_899, %swap3A_900], %swap3A_903 {strides = array<i32>} : memref<128x64xf32, #tpu.memory_space<vmem>>, vector<1x16xf32>,
        %scan3A_904 = arith.constant 0 : i32
        %scan3A_905 = arith.constant 1 : i32
        %scan3A_906 = arith.addi %scan3A_736, %scan3A_905 : i32
        %mul3A_907 = arith.constant 2 : i32
        %mul3A_908 = arith.muli %scan3A_906, %mul3A_907 : i32
        %add3A_909 = arith.constant 0 : i32
        %add3A_910 = arith.addi %mul3A_908, %add3A_909 : i32
        %get3A_911 = arith.constant 0 : i32
        %get3A_912 = arith.constant 0 : i32
        %get3A_913 = tpu.memref_slice %arg6[%scan3A_641, %get3A_911, %get3A_912] : memref<8x128x64xf32, #tpu.memory_space<vmem>> -> memref<1x128x64xf32, #tpu.memory_space<vmem>>
        %get3A_914 = tpu.memref_squeeze %get3A_913 : memref<1x128x64xf32, #tpu.memory_space<vmem>> -> memref<128x64xf32, #tpu.memory_space<vmem>>
        %get3A_915 = arith.index_cast %add3A_910 : i32 to index
        %get3A_916 = arith.constant 0 : index
        %get3A_917 = tpu.vector_load %get3A_914[%get3A_915, %get3A_916] {strides = array<i32>} : memref<128x64xf32, #tpu.memory_space<vmem>>, vector<1x16xf32>,
        %get3A_918 = vector.shape_cast %get3A_917 : vector<1x16xf32> to vector<16xf32>
        %mul3A_919 = arith.constant 8.000000e+00 : f32
        %mul3A_920 = vector.broadcast %mul3A_919 : f32 to vector<16xf32>
        %mul3A_921 = arith.mulf %get3A_918, %mul3A_920 : vector<16xf32>
        %swap3A_922 = arith.constant 0 : i32
        %swap3A_923 = arith.constant 0 : i32
        %swap3A_924 = tpu.memref_slice %arg6[%scan3A_641, %swap3A_922, %swap3A_923] : memref<8x128x64xf32, #tpu.memory_space<vmem>> -> memref<1x128x64xf32, #tpu.memory_space<vmem>>
        %swap3A_925 = tpu.memref_squeeze %swap3A_924 : memref<1x128x64xf32, #tpu.memory_space<vmem>> -> memref<128x64xf32, #tpu.memory_space<vmem>>
        %swap3A_926 = arith.index_cast %add3A_910 : i32 to index
        %swap3A_927 = arith.constant 0 : index
        %swap3A_928 = tpu.vector_load %swap3A_925[%swap3A_926, %swap3A_927] {strides = array<i32>} : memref<128x64xf32, #tpu.memory_space<vmem>>, vector<1x16xf32>,
        %swap3A_929 = vector.shape_cast %swap3A_928 : vector<1x16xf32> to vector<16xf32>
        %swap3A_930 = vector.shape_cast %mul3A_921 : vector<16xf32> to vector<1x16xf32>
        tpu.vector_store %swap3A_925[%swap3A_926, %swap3A_927], %swap3A_930 {strides = array<i32>} : memref<128x64xf32, #tpu.memory_space<vmem>>, vector<1x16xf32>,
        %get3A_931 = arith.constant 0 : i32
        %get3A_932 = arith.constant 0 : i32
        %get3A_933 = tpu.memref_slice %arg6[%scan3A_641, %get3A_931, %get3A_932] : memref<8x128x64xf32, #tpu.memory_space<vmem>> -> memref<1x128x64xf32, #tpu.memory_space<vmem>>
        %get3A_934 = tpu.memref_squeeze %get3A_933 : memref<1x128x64xf32, #tpu.memory_space<vmem>> -> memref<128x64xf32, #tpu.memory_space<vmem>>
        %get3A_935 = arith.index_cast %add3A_910 : i32 to index
        %get3A_936 = arith.constant 16 : index
        %get3A_937 = tpu.vector_load %get3A_934[%get3A_935, %get3A_936] {strides = array<i32>} : memref<128x64xf32, #tpu.memory_space<vmem>>, vector<1x16xf32>,
        %get3A_938 = vector.shape_cast %get3A_937 : vector<1x16xf32> to vector<16xf32>
        %mul3A_939 = arith.constant 8.000000e+00 : f32
        %mul3A_940 = vector.broadcast %mul3A_939 : f32 to vector<16xf32>
        %mul3A_941 = arith.mulf %get3A_938, %mul3A_940 : vector<16xf32>
        %swap3A_942 = arith.constant 0 : i32
        %swap3A_943 = arith.constant 0 : i32
        %swap3A_944 = tpu.memref_slice %arg6[%scan3A_641, %swap3A_942, %swap3A_943] : memref<8x128x64xf32, #tpu.memory_space<vmem>> -> memref<1x128x64xf32, #tpu.memory_space<vmem>>
        %swap3A_945 = tpu.memref_squeeze %swap3A_944 : memref<1x128x64xf32, #tpu.memory_space<vmem>> -> memref<128x64xf32, #tpu.memory_space<vmem>>
        %swap3A_946 = arith.index_cast %add3A_910 : i32 to index
        %swap3A_947 = arith.constant 16 : index
        %swap3A_948 = tpu.vector_load %swap3A_945[%swap3A_946, %swap3A_947] {strides = array<i32>} : memref<128x64xf32, #tpu.memory_space<vmem>>, vector<1x16xf32>,
        %swap3A_949 = vector.shape_cast %swap3A_948 : vector<1x16xf32> to vector<16xf32>
        %swap3A_950 = vector.shape_cast %mul3A_941 : vector<16xf32> to vector<1x16xf32>
        tpu.vector_store %swap3A_945[%swap3A_946, %swap3A_947], %swap3A_950 {strides = array<i32>} : memref<128x64xf32, #tpu.memory_space<vmem>>, vector<1x16xf32>,
        %get3A_951 = arith.constant 0 : i32
        %get3A_952 = arith.constant 0 : i32
        %get3A_953 = tpu.memref_slice %arg6[%scan3A_641, %get3A_951, %get3A_952] : memref<8x128x64xf32, #tpu.memory_space<vmem>> -> memref<1x128x64xf32, #tpu.memory_space<vmem>>
        %get3A_954 = tpu.memref_squeeze %get3A_953 : memref<1x128x64xf32, #tpu.memory_space<vmem>> -> memref<128x64xf32, #tpu.memory_space<vmem>>
        %get3A_955 = arith.index_cast %add3A_910 : i32 to index
        %get3A_956 = arith.constant 32 : index
        %get3A_957 = tpu.vector_load %get3A_954[%get3A_955, %get3A_956] {strides = array<i32>} : memref<128x64xf32, #tpu.memory_space<vmem>>, vector<1x16xf32>,
        %get3A_958 = vector.shape_cast %get3A_957 : vector<1x16xf32> to vector<16xf32>
        %mul3A_959 = arith.constant 8.000000e+00 : f32
        %mul3A_960 = vector.broadcast %mul3A_959 : f32 to vector<16xf32>
        %mul3A_961 = arith.mulf %get3A_958, %mul3A_960 : vector<16xf32>
        %swap3A_962 = arith.constant 0 : i32
        %swap3A_963 = arith.constant 0 : i32
        %swap3A_964 = tpu.memref_slice %arg6[%scan3A_641, %swap3A_962, %swap3A_963] : memref<8x128x64xf32, #tpu.memory_space<vmem>> -> memref<1x128x64xf32, #tpu.memory_space<vmem>>
        %swap3A_965 = tpu.memref_squeeze %swap3A_964 : memref<1x128x64xf32, #tpu.memory_space<vmem>> -> memref<128x64xf32, #tpu.memory_space<vmem>>
        %swap3A_966 = arith.index_cast %add3A_910 : i32 to index
        %swap3A_967 = arith.constant 32 : index
        %swap3A_968 = tpu.vector_load %swap3A_965[%swap3A_966, %swap3A_967] {strides = array<i32>} : memref<128x64xf32, #tpu.memory_space<vmem>>, vector<1x16xf32>,
        %swap3A_969 = vector.shape_cast %swap3A_968 : vector<1x16xf32> to vector<16xf32>
        %swap3A_970 = vector.shape_cast %mul3A_961 : vector<16xf32> to vector<1x16xf32>
        tpu.vector_store %swap3A_965[%swap3A_966, %swap3A_967], %swap3A_970 {strides = array<i32>} : memref<128x64xf32, #tpu.memory_space<vmem>>, vector<1x16xf32>,
        %get3A_971 = arith.constant 0 : i32
        %get3A_972 = arith.constant 0 : i32
        %get3A_973 = tpu.memref_slice %arg6[%scan3A_641, %get3A_971, %get3A_972] : memref<8x128x64xf32, #tpu.memory_space<vmem>> -> memref<1x128x64xf32, #tpu.memory_space<vmem>>
        %get3A_974 = tpu.memref_squeeze %get3A_973 : memref<1x128x64xf32, #tpu.memory_space<vmem>> -> memref<128x64xf32, #tpu.memory_space<vmem>>
        %get3A_975 = arith.index_cast %add3A_910 : i32 to index
        %get3A_976 = arith.constant 48 : index
        %get3A_977 = tpu.vector_load %get3A_974[%get3A_975, %get3A_976] {strides = array<i32>} : memref<128x64xf32, #tpu.memory_space<vmem>>, vector<1x16xf32>,
        %get3A_978 = vector.shape_cast %get3A_977 : vector<1x16xf32> to vector<16xf32>
        %mul3A_979 = arith.constant 8.000000e+00 : f32
        %mul3A_980 = vector.broadcast %mul3A_979 : f32 to vector<16xf32>
        %mul3A_981 = arith.mulf %get3A_978, %mul3A_980 : vector<16xf32>
        %swap3A_982 = arith.constant 0 : i32
        %swap3A_983 = arith.constant 0 : i32
        %swap3A_984 = tpu.memref_slice %arg6[%scan3A_641, %swap3A_982, %swap3A_983] : memref<8x128x64xf32, #tpu.memory_space<vmem>> -> memref<1x128x64xf32, #tpu.memory_space<vmem>>
        %swap3A_985 = tpu.memref_squeeze %swap3A_984 : memref<1x128x64xf32, #tpu.memory_space<vmem>> -> memref<128x64xf32, #tpu.memory_space<vmem>>
        %swap3A_986 = arith.index_cast %add3A_910 : i32 to index
        %swap3A_987 = arith.constant 48 : index
        %swap3A_988 = tpu.vector_load %swap3A_985[%swap3A_986, %swap3A_987] {strides = array<i32>} : memref<128x64xf32, #tpu.memory_space<vmem>>, vector<1x16xf32>,
        %swap3A_989 = vector.shape_cast %swap3A_988 : vector<1x16xf32> to vector<16xf32>
        %swap3A_990 = vector.shape_cast %mul3A_981 : vector<16xf32> to vector<1x16xf32>
        tpu.vector_store %swap3A_985[%swap3A_986, %swap3A_987], %swap3A_990 {strides = array<i32>} : memref<128x64xf32, #tpu.memory_space<vmem>>, vector<1x16xf32>,
        %mul3A_991 = arith.constant 2 : i32
        %mul3A_992 = arith.muli %scan3A_906, %mul3A_991 : i32
        %add3A_993 = arith.constant 1 : i32
        %add3A_994 = arith.addi %mul3A_992, %add3A_993 : i32
        %get3A_995 = arith.constant 0 : i32
        %get3A_996 = arith.constant 0 : i32
        %get3A_997 = tpu.memref_slice %arg6[%scan3A_641, %get3A_995, %get3A_996] : memref<8x128x64xf32, #tpu.memory_space<vmem>> -> memref<1x128x64xf32, #tpu.memory_space<vmem>>
        %get3A_998 = tpu.memref_squeeze %get3A_997 : memref<1x128x64xf32, #tpu.memory_space<vmem>> -> memref<128x64xf32, #tpu.memory_space<vmem>>
        %get3A_999 = arith.index_cast %add3A_994 : i32 to index
        %get3A_1000 = arith.constant 0 : index
        %get3A_1001 = tpu.vector_load %get3A_998[%get3A_999, %get3A_1000] {strides = array<i32>} : memref<128x64xf32, #tpu.memory_space<vmem>>, vector<1x16xf32>,
        %get3A_1002 = vector.shape_cast %get3A_1001 : vector<1x16xf32> to vector<16xf32>
        %mul3A_1003 = arith.constant 8.000000e+00 : f32
        %mul3A_1004 = vector.broadcast %mul3A_1003 : f32 to vector<16xf32>
        %mul3A_1005 = arith.mulf %get3A_1002, %mul3A_1004 : vector<16xf32>
        %swap3A_1006 = arith.constant 0 : i32
        %swap3A_1007 = arith.constant 0 : i32
        %swap3A_1008 = tpu.memref_slice %arg6[%scan3A_641, %swap3A_1006, %swap3A_1007] : memref<8x128x64xf32, #tpu.memory_space<vmem>> -> memref<1x128x64xf32, #tpu.memory_space<vmem>>
        %swap3A_1009 = tpu.memref_squeeze %swap3A_1008 : memref<1x128x64xf32, #tpu.memory_space<vmem>> -> memref<128x64xf32, #tpu.memory_space<vmem>>
        %swap3A_1010 = arith.index_cast %add3A_994 : i32 to index
        %swap3A_1011 = arith.constant 0 : index
        %swap3A_1012 = tpu.vector_load %swap3A_1009[%swap3A_1010, %swap3A_1011] {strides = array<i32>} : memref<128x64xf32, #tpu.memory_space<vmem>>, vector<1x16xf32>,
        %swap3A_1013 = vector.shape_cast %swap3A_1012 : vector<1x16xf32> to vector<16xf32>
        %swap3A_1014 = vector.shape_cast %mul3A_1005 : vector<16xf32> to vector<1x16xf32>
        tpu.vector_store %swap3A_1009[%swap3A_1010, %swap3A_1011], %swap3A_1014 {strides = array<i32>} : memref<128x64xf32, #tpu.memory_space<vmem>>, vector<1x16xf32>,
        %get3A_1015 = arith.constant 0 : i32
        %get3A_1016 = arith.constant 0 : i32
        %get3A_1017 = tpu.memref_slice %arg6[%scan3A_641, %get3A_1015, %get3A_1016] : memref<8x128x64xf32, #tpu.memory_space<vmem>> -> memref<1x128x64xf32, #tpu.memory_space<vmem>>
        %get3A_1018 = tpu.memref_squeeze %get3A_1017 : memref<1x128x64xf32, #tpu.memory_space<vmem>> -> memref<128x64xf32, #tpu.memory_space<vmem>>
        %get3A_1019 = arith.index_cast %add3A_994 : i32 to index
        %get3A_1020 = arith.constant 16 : index
        %get3A_1021 = tpu.vector_load %get3A_1018[%get3A_1019, %get3A_1020] {strides = array<i32>} : memref<128x64xf32, #tpu.memory_space<vmem>>, vector<1x16xf32>,
        %get3A_1022 = vector.shape_cast %get3A_1021 : vector<1x16xf32> to vector<16xf32>
        %mul3A_1023 = arith.constant 8.000000e+00 : f32
        %mul3A_1024 = vector.broadcast %mul3A_1023 : f32 to vector<16xf32>
        %mul3A_1025 = arith.mulf %get3A_1022, %mul3A_1024 : vector<16xf32>
        %swap3A_1026 = arith.constant 0 : i32
        %swap3A_1027 = arith.constant 0 : i32
        %swap3A_1028 = tpu.memref_slice %arg6[%scan3A_641, %swap3A_1026, %swap3A_1027] : memref<8x128x64xf32, #tpu.memory_space<vmem>> -> memref<1x128x64xf32, #tpu.memory_space<vmem>>
        %swap3A_1029 = tpu.memref_squeeze %swap3A_1028 : memref<1x128x64xf32, #tpu.memory_space<vmem>> -> memref<128x64xf32, #tpu.memory_space<vmem>>
        %swap3A_1030 = arith.index_cast %add3A_994 : i32 to index
        %swap3A_1031 = arith.constant 16 : index
        %swap3A_1032 = tpu.vector_load %swap3A_1029[%swap3A_1030, %swap3A_1031] {strides = array<i32>} : memref<128x64xf32, #tpu.memory_space<vmem>>, vector<1x16xf32>,
        %swap3A_1033 = vector.shape_cast %swap3A_1032 : vector<1x16xf32> to vector<16xf32>
        %swap3A_1034 = vector.shape_cast %mul3A_1025 : vector<16xf32> to vector<1x16xf32>
        tpu.vector_store %swap3A_1029[%swap3A_1030, %swap3A_1031], %swap3A_1034 {strides = array<i32>} : memref<128x64xf32, #tpu.memory_space<vmem>>, vector<1x16xf32>,
        %get3A_1035 = arith.constant 0 : i32
        %get3A_1036 = arith.constant 0 : i32
        %get3A_1037 = tpu.memref_slice %arg6[%scan3A_641, %get3A_1035, %get3A_1036] : memref<8x128x64xf32, #tpu.memory_space<vmem>> -> memref<1x128x64xf32, #tpu.memory_space<vmem>>
        %get3A_1038 = tpu.memref_squeeze %get3A_1037 : memref<1x128x64xf32, #tpu.memory_space<vmem>> -> memref<128x64xf32, #tpu.memory_space<vmem>>
        %get3A_1039 = arith.index_cast %add3A_994 : i32 to index
        %get3A_1040 = arith.constant 32 : index
        %get3A_1041 = tpu.vector_load %get3A_1038[%get3A_1039, %get3A_1040] {strides = array<i32>} : memref<128x64xf32, #tpu.memory_space<vmem>>, vector<1x16xf32>,
        %get3A_1042 = vector.shape_cast %get3A_1041 : vector<1x16xf32> to vector<16xf32>
        %mul3A_1043 = arith.constant 8.000000e+00 : f32
        %mul3A_1044 = vector.broadcast %mul3A_1043 : f32 to vector<16xf32>
        %mul3A_1045 = arith.mulf %get3A_1042, %mul3A_1044 : vector<16xf32>
        %swap3A_1046 = arith.constant 0 : i32
        %swap3A_1047 = arith.constant 0 : i32
        %swap3A_1048 = tpu.memref_slice %arg6[%scan3A_641, %swap3A_1046, %swap3A_1047] : memref<8x128x64xf32, #tpu.memory_space<vmem>> -> memref<1x128x64xf32, #tpu.memory_space<vmem>>
        %swap3A_1049 = tpu.memref_squeeze %swap3A_1048 : memref<1x128x64xf32, #tpu.memory_space<vmem>> -> memref<128x64xf32, #tpu.memory_space<vmem>>
        %swap3A_1050 = arith.index_cast %add3A_994 : i32 to index
        %swap3A_1051 = arith.constant 32 : index
        %swap3A_1052 = tpu.vector_load %swap3A_1049[%swap3A_1050, %swap3A_1051] {strides = array<i32>} : memref<128x64xf32, #tpu.memory_space<vmem>>, vector<1x16xf32>,
        %swap3A_1053 = vector.shape_cast %swap3A_1052 : vector<1x16xf32> to vector<16xf32>
        %swap3A_1054 = vector.shape_cast %mul3A_1045 : vector<16xf32> to vector<1x16xf32>
        tpu.vector_store %swap3A_1049[%swap3A_1050, %swap3A_1051], %swap3A_1054 {strides = array<i32>} : memref<128x64xf32, #tpu.memory_space<vmem>>, vector<1x16xf32>,
        %get3A_1055 = arith.constant 0 : i32
        %get3A_1056 = arith.constant 0 : i32
        %get3A_1057 = tpu.memref_slice %arg6[%scan3A_641, %get3A_1055, %get3A_1056] : memref<8x128x64xf32, #tpu.memory_space<vmem>> -> memref<1x128x64xf32, #tpu.memory_space<vmem>>
        %get3A_1058 = tpu.memref_squeeze %get3A_1057 : memref<1x128x64xf32, #tpu.memory_space<vmem>> -> memref<128x64xf32, #tpu.memory_space<vmem>>
        %get3A_1059 = arith.index_cast %add3A_994 : i32 to index
        %get3A_1060 = arith.constant 48 : index
        %get3A_1061 = tpu.vector_load %get3A_1058[%get3A_1059, %get3A_1060] {strides = array<i32>} : memref<128x64xf32, #tpu.memory_space<vmem>>, vector<1x16xf32>,
        %get3A_1062 = vector.shape_cast %get3A_1061 : vector<1x16xf32> to vector<16xf32>
        %mul3A_1063 = arith.constant 8.000000e+00 : f32
        %mul3A_1064 = vector.broadcast %mul3A_1063 : f32 to vector<16xf32>
        %mul3A_1065 = arith.mulf %get3A_1062, %mul3A_1064 : vector<16xf32>
        %swap3A_1066 = arith.constant 0 : i32
        %swap3A_1067 = arith.constant 0 : i32
        %swap3A_1068 = tpu.memref_slice %arg6[%scan3A_641, %swap3A_1066, %swap3A_1067] : memref<8x128x64xf32, #tpu.memory_space<vmem>> -> memref<1x128x64xf32, #tpu.memory_space<vmem>>
        %swap3A_1069 = tpu.memref_squeeze %swap3A_1068 : memref<1x128x64xf32, #tpu.memory_space<vmem>> -> memref<128x64xf32, #tpu.memory_space<vmem>>
        %swap3A_1070 = arith.index_cast %add3A_994 : i32 to index
        %swap3A_1071 = arith.constant 48 : index
        %swap3A_1072 = tpu.vector_load %swap3A_1069[%swap3A_1070, %swap3A_1071] {strides = array<i32>} : memref<128x64xf32, #tpu.memory_space<vmem>>, vector<1x16xf32>,
        %swap3A_1073 = vector.shape_cast %swap3A_1072 : vector<1x16xf32> to vector<16xf32>
        %swap3A_1074 = vector.shape_cast %mul3A_1065 : vector<16xf32> to vector<1x16xf32>
        tpu.vector_store %swap3A_1069[%swap3A_1070, %swap3A_1071], %swap3A_1074 {strides = array<i32>} : memref<128x64xf32, #tpu.memory_space<vmem>>, vector<1x16xf32>,
        %scan3A_1075 = arith.constant 0 : i32
        scf.yield %scan3A_1075 : i32
      }
      %scan3A_648 = arith.constant 64 : i32
      %add3A_649 = arith.addi %mul3A_2, %scan3A_273 : i32
      %rem3A_650 = arith.constant 32 : i32
      %rem3A_651 = arith.remsi %add3A_649, %rem3A_650 : i32
      %div3A_652 = arith.constant 32 : i32
      %div3A_653 = arith.divsi %add3A_649, %div3A_652 : i32
      %mul3A_654 = arith.constant 4 : i32
      %mul3A_655 = arith.muli %div3A_653, %mul3A_654 : i32
      %add3A_656 = arith.constant 3 : i32
      %add3A_657 = arith.addi %mul3A_655, %add3A_656 : i32
      %mul3A_658 = arith.constant 128 : i32
      %mul3A_659 = arith.muli %rem3A_651, %mul3A_658 : i32
      %dma_start3A_660 = arith.constant 6 : i32
      %dma_start3A_661 = arith.constant 0 : i32
      %dma_start3A_662 = arith.constant 0 : i32
      %dma_start3A_663 = tpu.memref_slice %arg6[%dma_start3A_660, %dma_start3A_661, %dma_start3A_662] : memref<8x128x64xf32, #tpu.memory_space<vmem>> -> memref<1x128x64xf32, #tpu.memory_space<vmem>>
      %dma_start3A_664 = tpu.memref_squeeze %dma_start3A_663 : memref<1x128x64xf32, #tpu.memory_space<vmem>> -> memref<128x64xf32, #tpu.memory_space<vmem>>
      %dma_start3A_665 = arith.constant 0 : i32
      %dma_start3A_666 = tpu.memref_slice %arg4[%add3A_657, %mul3A_659, %dma_start3A_665] : memref<100x4096x128xf32, #tpu.memory_space<hbm>> -> memref<1x128x64xf32, #tpu.memory_space<hbm>>
      %dma_start3A_667 = tpu.memref_squeeze %dma_start3A_666 : memref<1x128x64xf32, #tpu.memory_space<hbm>> -> memref<128x64xf32, #tpu.memory_space<hbm>>
      %dma_start3A_668 = arith.constant 0 : i32
      %dma_start3A_669 = tpu.memref_slice %arg4[%add3A_657, %mul3A_659, %dma_start3A_668] : memref<100x4096x128xf32, #tpu.memory_space<hbm>> -> memref<1x128x64xf32, #tpu.memory_space<hbm>>
      %dma_start3A_670 = tpu.memref_squeeze %dma_start3A_669 : memref<1x128x64xf32, #tpu.memory_space<hbm>> -> memref<128x64xf32, #tpu.memory_space<hbm>>
      %dma_start3A_671 = arith.constant 0 : i32
      %dma_start3A_672 = arith.constant 0 : i32
      %dma_start3A_673 = tpu.memref_slice %arg6[%dma_start3A_660, %dma_start3A_671, %dma_start3A_672] : memref<8x128x64xf32, #tpu.memory_space<vmem>> -> memref<1x128x64xf32, #tpu.memory_space<vmem>>
      %dma_start3A_674 = tpu.memref_squeeze %dma_start3A_673 : memref<1x128x64xf32, #tpu.memory_space<vmem>> -> memref<128x64xf32, #tpu.memory_space<vmem>>
      tpu.enqueue_dma source(%dma_start3A_674 : memref<128x64xf32, #tpu.memory_space<vmem>>) target(%dma_start3A_670 : memref<128x64xf32, #tpu.memory_space<hbm>>) target_semaphore(%arg21 : memref<!tpu.dma_semaphore, #tpu.memory_space<semaphore_mem>>)
      %add3A_675 = arith.constant 1 : i32
      %add3A_676 = arith.addi %scan3A_273, %add3A_675 : i32
      %lt3A_677 = arith.constant 25 : i32
      %lt3A_678 = arith.cmpi slt, %add3A_676, %lt3A_677 : i32
      %convert_element_type3A_679 = arith.extui %lt3A_678 : i1 to i32
      %cond3A_680 = arith.constant 0 : i32
      %cond3A_681 = arith.cmpi ne, %convert_element_type3A_679, %cond3A_680 : i32
      scf.if %cond3A_681 {
        %add3A_736 = arith.addi %mul3A_2, %scan3A_273 : i32
        %rem3A_737 = arith.constant 32 : i32
        %rem3A_738 = arith.remsi %add3A_736, %rem3A_737 : i32
        %div3A_739 = arith.constant 32 : i32
        %div3A_740 = arith.divsi %add3A_736, %div3A_739 : i32
        %mul3A_741 = arith.constant 4 : i32
        %mul3A_742 = arith.muli %div3A_740, %mul3A_741 : i32
        %add3A_743 = arith.constant 1 : i32
        %add3A_744 = arith.addi %mul3A_742, %add3A_743 : i32
        %mul3A_745 = arith.constant 128 : i32
        %mul3A_746 = arith.muli %rem3A_738, %mul3A_745 : i32
        %dma_wait3A_747 = arith.constant 2 : i32
        %dma_wait3A_748 = arith.constant 0 : i32
        %dma_wait3A_749 = arith.constant 0 : i32
        %dma_wait3A_750 = tpu.memref_slice %arg6[%dma_wait3A_747, %dma_wait3A_748, %dma_wait3A_749] : memref<8x128x64xf32, #tpu.memory_space<vmem>> -> memref<1x128x64xf32, #tpu.memory_space<vmem>>
        %dma_wait3A_751 = tpu.memref_squeeze %dma_wait3A_750 : memref<1x128x64xf32, #tpu.memory_space<vmem>> -> memref<128x64xf32, #tpu.memory_space<vmem>>
        %dma_wait3A_752 = arith.constant 0 : i32
        %dma_wait3A_753 = tpu.memref_slice %arg4[%add3A_744, %mul3A_746, %dma_wait3A_752] : memref<100x4096x128xf32, #tpu.memory_space<hbm>> -> memref<1x128x64xf32, #tpu.memory_space<hbm>>
        %dma_wait3A_754 = tpu.memref_squeeze %dma_wait3A_753 : memref<1x128x64xf32, #tpu.memory_space<hbm>> -> memref<128x64xf32, #tpu.memory_space<hbm>>
        %dma_wait3A_755 = arith.constant 0 : i32
        %dma_wait3A_756 = tpu.memref_slice %arg4[%add3A_744, %mul3A_746, %dma_wait3A_755] : memref<100x4096x128xf32, #tpu.memory_space<hbm>> -> memref<1x128x64xf32, #tpu.memory_space<hbm>>
        %dma_wait3A_757 = tpu.memref_squeeze %dma_wait3A_756 : memref<1x128x64xf32, #tpu.memory_space<hbm>> -> memref<128x64xf32, #tpu.memory_space<hbm>>
        %dma_wait3A_758 = arith.constant 0 : i32
        %dma_wait3A_759 = arith.constant 0 : i32
        %dma_wait3A_760 = tpu.memref_slice %arg6[%dma_wait3A_747, %dma_wait3A_758, %dma_wait3A_759] : memref<8x128x64xf32, #tpu.memory_space<vmem>> -> memref<1x128x64xf32, #tpu.memory_space<vmem>>
        %dma_wait3A_761 = tpu.memref_squeeze %dma_wait3A_760 : memref<1x128x64xf32, #tpu.memory_space<vmem>> -> memref<128x64xf32, #tpu.memory_space<vmem>>
        tpu.wait_dma2 semaphore(%arg17 : memref<!tpu.dma_semaphore, #tpu.memory_space<semaphore_mem>>) src(%dma_wait3A_761 : memref<128x64xf32, #tpu.memory_space<vmem>>) dst(%dma_wait3A_757 : memref<128x64xf32, #tpu.memory_space<hbm>>)
        %add3A_762 = arith.constant 1 : i32
        %add3A_763 = arith.addi %scan3A_273, %add3A_762 : i32
        %dma_start3A_764 = arith.constant 2 : i32
        %dma_start3A_765 = arith.constant 2 : i32
        %dma_start3A_766 = arith.constant 0 : i32
        %dma_start3A_767 = arith.constant 0 : i32
        %dma_start3A_768 = tpu.memref_slice %arg6[%dma_start3A_765, %dma_start3A_766, %dma_start3A_767] : memref<8x128x64xf32, #tpu.memory_space<vmem>> -> memref<1x128x64xf32, #tpu.memory_space<vmem>>
        %dma_start3A_769 = tpu.memref_squeeze %dma_start3A_768 : memref<1x128x64xf32, #tpu.memory_space<vmem>> -> memref<128x64xf32, #tpu.memory_space<vmem>>
        %dma_start3A_770 = arith.constant 0 : i32
        %dma_start3A_771 = tpu.memref_slice %arg5[%add3A_763, %dma_start3A_764, %dma_start3A_770] : memref<25x8x128xi32, #tpu.memory_space<vmem>> -> memref<1x1x128xi32, #tpu.memory_space<vmem>>
        %dma_start3A_772 = tpu.memref_squeeze %dma_start3A_771 : memref<1x1x128xi32, #tpu.memory_space<vmem>> -> memref<128xi32, #tpu.memory_space<vmem>>
        %dma_start3A_773 = arith.constant 0 : i32
        %dma_start3A_774 = arith.constant 0 : i32
        %dma_start3A_775 = tpu.memref_slice %arg3[%dma_start3A_773, %dma_start3A_774] : memref<1000000x64xf32, #tpu.memory_space<hbm>> -> memref<1000000x64xf32, #tpu.memory_space<hbm>>
        tpu.enqueue_indirect_dma source(%dma_start3A_775 : memref<1000000x64xf32, #tpu.memory_space<hbm>>) target(%dma_start3A_769 : memref<128x64xf32, #tpu.memory_space<vmem>>) offsets(%dma_start3A_772 : memref<128xi32, #tpu.memory_space<vmem>>) semaphore(%arg9 : memref<!tpu.dma_semaphore, #tpu.memory_space<semaphore_mem>>)
      } else {
      }
      %dma_wait3A_682 = arith.constant 7 : i32
      %dma_wait3A_683 = arith.constant 7 : i32
      %dma_wait3A_684 = arith.constant 0 : i32
      %dma_wait3A_685 = arith.constant 0 : i32
      %dma_wait3A_686 = tpu.memref_slice %arg6[%dma_wait3A_683, %dma_wait3A_684, %dma_wait3A_685] : memref<8x128x64xf32, #tpu.memory_space<vmem>> -> memref<1x128x64xf32, #tpu.memory_space<vmem>>
      %dma_wait3A_687 = tpu.memref_squeeze %dma_wait3A_686 : memref<1x128x64xf32, #tpu.memory_space<vmem>> -> memref<128x64xf32, #tpu.memory_space<vmem>>
      %dma_wait3A_688 = arith.constant 0 : i32
      %dma_wait3A_689 = tpu.memref_slice %arg5[%scan3A_273, %dma_wait3A_682, %dma_wait3A_688] : memref<25x8x128xi32, #tpu.memory_space<vmem>> -> memref<1x1x128xi32, #tpu.memory_space<vmem>>
      %dma_wait3A_690 = tpu.memref_squeeze %dma_wait3A_689 : memref<1x1x128xi32, #tpu.memory_space<vmem>> -> memref<128xi32, #tpu.memory_space<vmem>>
      %dma_wait3A_691 = arith.constant 0 : i32
      %dma_wait3A_692 = arith.constant 0 : i32
      %dma_wait3A_693 = tpu.memref_slice %arg3[%dma_wait3A_691, %dma_wait3A_692] : memref<1000000x64xf32, #tpu.memory_space<hbm>> -> memref<1000000x64xf32, #tpu.memory_space<hbm>>
      tpu.wait_indirect_dma semaphore(%arg14 : memref<!tpu.dma_semaphore, #tpu.memory_space<semaphore_mem>>) src(%dma_wait3A_693 : memref<1000000x64xf32, #tpu.memory_space<hbm>>) dst(%dma_wait3A_687 : memref<128x64xf32, #tpu.memory_space<vmem>>)
      %scan3A_694 = arith.constant 7 : i32
      %scan3A_695 = arith.constant 0 : i32
      %scan3A_696 = arith.constant 0 : i32
      %scan3A_697 = arith.constant 64 : i32
      %scan3A_698 = arith.addi %scan3A_696, %scan3A_697 : i32
      %scan3A_699 = arith.constant 2 : i32
      %scan3A_700 = scf.for %scan3A_736 = %scan3A_696 to %scan3A_698 step %scan3A_699 iter_args(%scan3A_737 = %scan3A_695) -> (i32)  : i32 {
        %mul3A_738 = arith.constant 2 : i32
        %mul3A_739 = arith.muli %scan3A_736, %mul3A_738 : i32
        %add3A_740 = arith.constant 0 : i32
        %add3A_741 = arith.addi %mul3A_739, %add3A_740 : i32
        %get3A = arith.constant 0 : i32
        %get3A_742 = arith.constant 0 : i32
        %get3A_743 = tpu.memref_slice %arg6[%scan3A_694, %get3A, %get3A_742] : memref<8x128x64xf32, #tpu.memory_space<vmem>> -> memref<1x128x64xf32, #tpu.memory_space<vmem>>
        %get3A_744 = tpu.memref_squeeze %get3A_743 : memref<1x128x64xf32, #tpu.memory_space<vmem>> -> memref<128x64xf32, #tpu.memory_space<vmem>>
        %get3A_745 = arith.index_cast %add3A_741 : i32 to index
        %get3A_746 = arith.constant 0 : index
        %get3A_747 = tpu.vector_load %get3A_744[%get3A_745, %get3A_746] {strides = array<i32>} : memref<128x64xf32, #tpu.memory_space<vmem>>, vector<1x16xf32>,
        %get3A_748 = vector.shape_cast %get3A_747 : vector<1x16xf32> to vector<16xf32>
        %mul3A_749 = arith.constant 8.000000e+00 : f32
        %mul3A_750 = vector.broadcast %mul3A_749 : f32 to vector<16xf32>
        %mul3A_751 = arith.mulf %get3A_748, %mul3A_750 : vector<16xf32>
        %swap3A = arith.constant 0 : i32
        %swap3A_752 = arith.constant 0 : i32
        %swap3A_753 = tpu.memref_slice %arg6[%scan3A_694, %swap3A, %swap3A_752] : memref<8x128x64xf32, #tpu.memory_space<vmem>> -> memref<1x128x64xf32, #tpu.memory_space<vmem>>
        %swap3A_754 = tpu.memref_squeeze %swap3A_753 : memref<1x128x64xf32, #tpu.memory_space<vmem>> -> memref<128x64xf32, #tpu.memory_space<vmem>>
        %swap3A_755 = arith.index_cast %add3A_741 : i32 to index
        %swap3A_756 = arith.constant 0 : index
        %swap3A_757 = tpu.vector_load %swap3A_754[%swap3A_755, %swap3A_756] {strides = array<i32>} : memref<128x64xf32, #tpu.memory_space<vmem>>, vector<1x16xf32>,
        %swap3A_758 = vector.shape_cast %swap3A_757 : vector<1x16xf32> to vector<16xf32>
        %swap3A_759 = vector.shape_cast %mul3A_751 : vector<16xf32> to vector<1x16xf32>
        tpu.vector_store %swap3A_754[%swap3A_755, %swap3A_756], %swap3A_759 {strides = array<i32>} : memref<128x64xf32, #tpu.memory_space<vmem>>, vector<1x16xf32>,
        %get3A_760 = arith.constant 0 : i32
        %get3A_761 = arith.constant 0 : i32
        %get3A_762 = tpu.memref_slice %arg6[%scan3A_694, %get3A_760, %get3A_761] : memref<8x128x64xf32, #tpu.memory_space<vmem>> -> memref<1x128x64xf32, #tpu.memory_space<vmem>>
        %get3A_763 = tpu.memref_squeeze %get3A_762 : memref<1x128x64xf32, #tpu.memory_space<vmem>> -> memref<128x64xf32, #tpu.memory_space<vmem>>
        %get3A_764 = arith.index_cast %add3A_741 : i32 to index
        %get3A_765 = arith.constant 16 : index
        %get3A_766 = tpu.vector_load %get3A_763[%get3A_764, %get3A_765] {strides = array<i32>} : memref<128x64xf32, #tpu.memory_space<vmem>>, vector<1x16xf32>,
        %get3A_767 = vector.shape_cast %get3A_766 : vector<1x16xf32> to vector<16xf32>
        %mul3A_768 = arith.constant 8.000000e+00 : f32
        %mul3A_769 = vector.broadcast %mul3A_768 : f32 to vector<16xf32>
        %mul3A_770 = arith.mulf %get3A_767, %mul3A_769 : vector<16xf32>
        %swap3A_771 = arith.constant 0 : i32
        %swap3A_772 = arith.constant 0 : i32
        %swap3A_773 = tpu.memref_slice %arg6[%scan3A_694, %swap3A_771, %swap3A_772] : memref<8x128x64xf32, #tpu.memory_space<vmem>> -> memref<1x128x64xf32, #tpu.memory_space<vmem>>
        %swap3A_774 = tpu.memref_squeeze %swap3A_773 : memref<1x128x64xf32, #tpu.memory_space<vmem>> -> memref<128x64xf32, #tpu.memory_space<vmem>>
        %swap3A_775 = arith.index_cast %add3A_741 : i32 to index
        %swap3A_776 = arith.constant 16 : index
        %swap3A_777 = tpu.vector_load %swap3A_774[%swap3A_775, %swap3A_776] {strides = array<i32>} : memref<128x64xf32, #tpu.memory_space<vmem>>, vector<1x16xf32>,
        %swap3A_778 = vector.shape_cast %swap3A_777 : vector<1x16xf32> to vector<16xf32>
        %swap3A_779 = vector.shape_cast %mul3A_770 : vector<16xf32> to vector<1x16xf32>
        tpu.vector_store %swap3A_774[%swap3A_775, %swap3A_776], %swap3A_779 {strides = array<i32>} : memref<128x64xf32, #tpu.memory_space<vmem>>, vector<1x16xf32>,
        %get3A_780 = arith.constant 0 : i32
        %get3A_781 = arith.constant 0 : i32
        %get3A_782 = tpu.memref_slice %arg6[%scan3A_694, %get3A_780, %get3A_781] : memref<8x128x64xf32, #tpu.memory_space<vmem>> -> memref<1x128x64xf32, #tpu.memory_space<vmem>>
        %get3A_783 = tpu.memref_squeeze %get3A_782 : memref<1x128x64xf32, #tpu.memory_space<vmem>> -> memref<128x64xf32, #tpu.memory_space<vmem>>
        %get3A_784 = arith.index_cast %add3A_741 : i32 to index
        %get3A_785 = arith.constant 32 : index
        %get3A_786 = tpu.vector_load %get3A_783[%get3A_784, %get3A_785] {strides = array<i32>} : memref<128x64xf32, #tpu.memory_space<vmem>>, vector<1x16xf32>,
        %get3A_787 = vector.shape_cast %get3A_786 : vector<1x16xf32> to vector<16xf32>
        %mul3A_788 = arith.constant 8.000000e+00 : f32
        %mul3A_789 = vector.broadcast %mul3A_788 : f32 to vector<16xf32>
        %mul3A_790 = arith.mulf %get3A_787, %mul3A_789 : vector<16xf32>
        %swap3A_791 = arith.constant 0 : i32
        %swap3A_792 = arith.constant 0 : i32
        %swap3A_793 = tpu.memref_slice %arg6[%scan3A_694, %swap3A_791, %swap3A_792] : memref<8x128x64xf32, #tpu.memory_space<vmem>> -> memref<1x128x64xf32, #tpu.memory_space<vmem>>
        %swap3A_794 = tpu.memref_squeeze %swap3A_793 : memref<1x128x64xf32, #tpu.memory_space<vmem>> -> memref<128x64xf32, #tpu.memory_space<vmem>>
        %swap3A_795 = arith.index_cast %add3A_741 : i32 to index
        %swap3A_796 = arith.constant 32 : index
        %swap3A_797 = tpu.vector_load %swap3A_794[%swap3A_795, %swap3A_796] {strides = array<i32>} : memref<128x64xf32, #tpu.memory_space<vmem>>, vector<1x16xf32>,
        %swap3A_798 = vector.shape_cast %swap3A_797 : vector<1x16xf32> to vector<16xf32>
        %swap3A_799 = vector.shape_cast %mul3A_790 : vector<16xf32> to vector<1x16xf32>
        tpu.vector_store %swap3A_794[%swap3A_795, %swap3A_796], %swap3A_799 {strides = array<i32>} : memref<128x64xf32, #tpu.memory_space<vmem>>, vector<1x16xf32>,
        %get3A_800 = arith.constant 0 : i32
        %get3A_801 = arith.constant 0 : i32
        %get3A_802 = tpu.memref_slice %arg6[%scan3A_694, %get3A_800, %get3A_801] : memref<8x128x64xf32, #tpu.memory_space<vmem>> -> memref<1x128x64xf32, #tpu.memory_space<vmem>>
        %get3A_803 = tpu.memref_squeeze %get3A_802 : memref<1x128x64xf32, #tpu.memory_space<vmem>> -> memref<128x64xf32, #tpu.memory_space<vmem>>
        %get3A_804 = arith.index_cast %add3A_741 : i32 to index
        %get3A_805 = arith.constant 48 : index
        %get3A_806 = tpu.vector_load %get3A_803[%get3A_804, %get3A_805] {strides = array<i32>} : memref<128x64xf32, #tpu.memory_space<vmem>>, vector<1x16xf32>,
        %get3A_807 = vector.shape_cast %get3A_806 : vector<1x16xf32> to vector<16xf32>
        %mul3A_808 = arith.constant 8.000000e+00 : f32
        %mul3A_809 = vector.broadcast %mul3A_808 : f32 to vector<16xf32>
        %mul3A_810 = arith.mulf %get3A_807, %mul3A_809 : vector<16xf32>
        %swap3A_811 = arith.constant 0 : i32
        %swap3A_812 = arith.constant 0 : i32
        %swap3A_813 = tpu.memref_slice %arg6[%scan3A_694, %swap3A_811, %swap3A_812] : memref<8x128x64xf32, #tpu.memory_space<vmem>> -> memref<1x128x64xf32, #tpu.memory_space<vmem>>
        %swap3A_814 = tpu.memref_squeeze %swap3A_813 : memref<1x128x64xf32, #tpu.memory_space<vmem>> -> memref<128x64xf32, #tpu.memory_space<vmem>>
        %swap3A_815 = arith.index_cast %add3A_741 : i32 to index
        %swap3A_816 = arith.constant 48 : index
        %swap3A_817 = tpu.vector_load %swap3A_814[%swap3A_815, %swap3A_816] {strides = array<i32>} : memref<128x64xf32, #tpu.memory_space<vmem>>, vector<1x16xf32>,
        %swap3A_818 = vector.shape_cast %swap3A_817 : vector<1x16xf32> to vector<16xf32>
        %swap3A_819 = vector.shape_cast %mul3A_810 : vector<16xf32> to vector<1x16xf32>
        tpu.vector_store %swap3A_814[%swap3A_815, %swap3A_816], %swap3A_819 {strides = array<i32>} : memref<128x64xf32, #tpu.memory_space<vmem>>, vector<1x16xf32>,
        %mul3A_820 = arith.constant 2 : i32
        %mul3A_821 = arith.muli %scan3A_736, %mul3A_820 : i32
        %add3A_822 = arith.constant 1 : i32
        %add3A_823 = arith.addi %mul3A_821, %add3A_822 : i32
        %get3A_824 = arith.constant 0 : i32
        %get3A_825 = arith.constant 0 : i32
        %get3A_826 = tpu.memref_slice %arg6[%scan3A_694, %get3A_824, %get3A_825] : memref<8x128x64xf32, #tpu.memory_space<vmem>> -> memref<1x128x64xf32, #tpu.memory_space<vmem>>
        %get3A_827 = tpu.memref_squeeze %get3A_826 : memref<1x128x64xf32, #tpu.memory_space<vmem>> -> memref<128x64xf32, #tpu.memory_space<vmem>>
        %get3A_828 = arith.index_cast %add3A_823 : i32 to index
        %get3A_829 = arith.constant 0 : index
        %get3A_830 = tpu.vector_load %get3A_827[%get3A_828, %get3A_829] {strides = array<i32>} : memref<128x64xf32, #tpu.memory_space<vmem>>, vector<1x16xf32>,
        %get3A_831 = vector.shape_cast %get3A_830 : vector<1x16xf32> to vector<16xf32>
        %mul3A_832 = arith.constant 8.000000e+00 : f32
        %mul3A_833 = vector.broadcast %mul3A_832 : f32 to vector<16xf32>
        %mul3A_834 = arith.mulf %get3A_831, %mul3A_833 : vector<16xf32>
        %swap3A_835 = arith.constant 0 : i32
        %swap3A_836 = arith.constant 0 : i32
        %swap3A_837 = tpu.memref_slice %arg6[%scan3A_694, %swap3A_835, %swap3A_836] : memref<8x128x64xf32, #tpu.memory_space<vmem>> -> memref<1x128x64xf32, #tpu.memory_space<vmem>>
        %swap3A_838 = tpu.memref_squeeze %swap3A_837 : memref<1x128x64xf32, #tpu.memory_space<vmem>> -> memref<128x64xf32, #tpu.memory_space<vmem>>
        %swap3A_839 = arith.index_cast %add3A_823 : i32 to index
        %swap3A_840 = arith.constant 0 : index
        %swap3A_841 = tpu.vector_load %swap3A_838[%swap3A_839, %swap3A_840] {strides = array<i32>} : memref<128x64xf32, #tpu.memory_space<vmem>>, vector<1x16xf32>,
        %swap3A_842 = vector.shape_cast %swap3A_841 : vector<1x16xf32> to vector<16xf32>
        %swap3A_843 = vector.shape_cast %mul3A_834 : vector<16xf32> to vector<1x16xf32>
        tpu.vector_store %swap3A_838[%swap3A_839, %swap3A_840], %swap3A_843 {strides = array<i32>} : memref<128x64xf32, #tpu.memory_space<vmem>>, vector<1x16xf32>,
        %get3A_844 = arith.constant 0 : i32
        %get3A_845 = arith.constant 0 : i32
        %get3A_846 = tpu.memref_slice %arg6[%scan3A_694, %get3A_844, %get3A_845] : memref<8x128x64xf32, #tpu.memory_space<vmem>> -> memref<1x128x64xf32, #tpu.memory_space<vmem>>
        %get3A_847 = tpu.memref_squeeze %get3A_846 : memref<1x128x64xf32, #tpu.memory_space<vmem>> -> memref<128x64xf32, #tpu.memory_space<vmem>>
        %get3A_848 = arith.index_cast %add3A_823 : i32 to index
        %get3A_849 = arith.constant 16 : index
        %get3A_850 = tpu.vector_load %get3A_847[%get3A_848, %get3A_849] {strides = array<i32>} : memref<128x64xf32, #tpu.memory_space<vmem>>, vector<1x16xf32>,
        %get3A_851 = vector.shape_cast %get3A_850 : vector<1x16xf32> to vector<16xf32>
        %mul3A_852 = arith.constant 8.000000e+00 : f32
        %mul3A_853 = vector.broadcast %mul3A_852 : f32 to vector<16xf32>
        %mul3A_854 = arith.mulf %get3A_851, %mul3A_853 : vector<16xf32>
        %swap3A_855 = arith.constant 0 : i32
        %swap3A_856 = arith.constant 0 : i32
        %swap3A_857 = tpu.memref_slice %arg6[%scan3A_694, %swap3A_855, %swap3A_856] : memref<8x128x64xf32, #tpu.memory_space<vmem>> -> memref<1x128x64xf32, #tpu.memory_space<vmem>>
        %swap3A_858 = tpu.memref_squeeze %swap3A_857 : memref<1x128x64xf32, #tpu.memory_space<vmem>> -> memref<128x64xf32, #tpu.memory_space<vmem>>
        %swap3A_859 = arith.index_cast %add3A_823 : i32 to index
        %swap3A_860 = arith.constant 16 : index
        %swap3A_861 = tpu.vector_load %swap3A_858[%swap3A_859, %swap3A_860] {strides = array<i32>} : memref<128x64xf32, #tpu.memory_space<vmem>>, vector<1x16xf32>,
        %swap3A_862 = vector.shape_cast %swap3A_861 : vector<1x16xf32> to vector<16xf32>
        %swap3A_863 = vector.shape_cast %mul3A_854 : vector<16xf32> to vector<1x16xf32>
        tpu.vector_store %swap3A_858[%swap3A_859, %swap3A_860], %swap3A_863 {strides = array<i32>} : memref<128x64xf32, #tpu.memory_space<vmem>>, vector<1x16xf32>,
        %get3A_864 = arith.constant 0 : i32
        %get3A_865 = arith.constant 0 : i32
        %get3A_866 = tpu.memref_slice %arg6[%scan3A_694, %get3A_864, %get3A_865] : memref<8x128x64xf32, #tpu.memory_space<vmem>> -> memref<1x128x64xf32, #tpu.memory_space<vmem>>
        %get3A_867 = tpu.memref_squeeze %get3A_866 : memref<1x128x64xf32, #tpu.memory_space<vmem>> -> memref<128x64xf32, #tpu.memory_space<vmem>>
        %get3A_868 = arith.index_cast %add3A_823 : i32 to index
        %get3A_869 = arith.constant 32 : index
        %get3A_870 = tpu.vector_load %get3A_867[%get3A_868, %get3A_869] {strides = array<i32>} : memref<128x64xf32, #tpu.memory_space<vmem>>, vector<1x16xf32>,
        %get3A_871 = vector.shape_cast %get3A_870 : vector<1x16xf32> to vector<16xf32>
        %mul3A_872 = arith.constant 8.000000e+00 : f32
        %mul3A_873 = vector.broadcast %mul3A_872 : f32 to vector<16xf32>
        %mul3A_874 = arith.mulf %get3A_871, %mul3A_873 : vector<16xf32>
        %swap3A_875 = arith.constant 0 : i32
        %swap3A_876 = arith.constant 0 : i32
        %swap3A_877 = tpu.memref_slice %arg6[%scan3A_694, %swap3A_875, %swap3A_876] : memref<8x128x64xf32, #tpu.memory_space<vmem>> -> memref<1x128x64xf32, #tpu.memory_space<vmem>>
        %swap3A_878 = tpu.memref_squeeze %swap3A_877 : memref<1x128x64xf32, #tpu.memory_space<vmem>> -> memref<128x64xf32, #tpu.memory_space<vmem>>
        %swap3A_879 = arith.index_cast %add3A_823 : i32 to index
        %swap3A_880 = arith.constant 32 : index
        %swap3A_881 = tpu.vector_load %swap3A_878[%swap3A_879, %swap3A_880] {strides = array<i32>} : memref<128x64xf32, #tpu.memory_space<vmem>>, vector<1x16xf32>,
        %swap3A_882 = vector.shape_cast %swap3A_881 : vector<1x16xf32> to vector<16xf32>
        %swap3A_883 = vector.shape_cast %mul3A_874 : vector<16xf32> to vector<1x16xf32>
        tpu.vector_store %swap3A_878[%swap3A_879, %swap3A_880], %swap3A_883 {strides = array<i32>} : memref<128x64xf32, #tpu.memory_space<vmem>>, vector<1x16xf32>,
        %get3A_884 = arith.constant 0 : i32
        %get3A_885 = arith.constant 0 : i32
        %get3A_886 = tpu.memref_slice %arg6[%scan3A_694, %get3A_884, %get3A_885] : memref<8x128x64xf32, #tpu.memory_space<vmem>> -> memref<1x128x64xf32, #tpu.memory_space<vmem>>
        %get3A_887 = tpu.memref_squeeze %get3A_886 : memref<1x128x64xf32, #tpu.memory_space<vmem>> -> memref<128x64xf32, #tpu.memory_space<vmem>>
        %get3A_888 = arith.index_cast %add3A_823 : i32 to index
        %get3A_889 = arith.constant 48 : index
        %get3A_890 = tpu.vector_load %get3A_887[%get3A_888, %get3A_889] {strides = array<i32>} : memref<128x64xf32, #tpu.memory_space<vmem>>, vector<1x16xf32>,
        %get3A_891 = vector.shape_cast %get3A_890 : vector<1x16xf32> to vector<16xf32>
        %mul3A_892 = arith.constant 8.000000e+00 : f32
        %mul3A_893 = vector.broadcast %mul3A_892 : f32 to vector<16xf32>
        %mul3A_894 = arith.mulf %get3A_891, %mul3A_893 : vector<16xf32>
        %swap3A_895 = arith.constant 0 : i32
        %swap3A_896 = arith.constant 0 : i32
        %swap3A_897 = tpu.memref_slice %arg6[%scan3A_694, %swap3A_895, %swap3A_896] : memref<8x128x64xf32, #tpu.memory_space<vmem>> -> memref<1x128x64xf32, #tpu.memory_space<vmem>>
        %swap3A_898 = tpu.memref_squeeze %swap3A_897 : memref<1x128x64xf32, #tpu.memory_space<vmem>> -> memref<128x64xf32, #tpu.memory_space<vmem>>
        %swap3A_899 = arith.index_cast %add3A_823 : i32 to index
        %swap3A_900 = arith.constant 48 : index
        %swap3A_901 = tpu.vector_load %swap3A_898[%swap3A_899, %swap3A_900] {strides = array<i32>} : memref<128x64xf32, #tpu.memory_space<vmem>>, vector<1x16xf32>,
        %swap3A_902 = vector.shape_cast %swap3A_901 : vector<1x16xf32> to vector<16xf32>
        %swap3A_903 = vector.shape_cast %mul3A_894 : vector<16xf32> to vector<1x16xf32>
        tpu.vector_store %swap3A_898[%swap3A_899, %swap3A_900], %swap3A_903 {strides = array<i32>} : memref<128x64xf32, #tpu.memory_space<vmem>>, vector<1x16xf32>,
        %scan3A_904 = arith.constant 0 : i32
        %scan3A_905 = arith.constant 1 : i32
        %scan3A_906 = arith.addi %scan3A_736, %scan3A_905 : i32
        %mul3A_907 = arith.constant 2 : i32
        %mul3A_908 = arith.muli %scan3A_906, %mul3A_907 : i32
        %add3A_909 = arith.constant 0 : i32
        %add3A_910 = arith.addi %mul3A_908, %add3A_909 : i32
        %get3A_911 = arith.constant 0 : i32
        %get3A_912 = arith.constant 0 : i32
        %get3A_913 = tpu.memref_slice %arg6[%scan3A_694, %get3A_911, %get3A_912] : memref<8x128x64xf32, #tpu.memory_space<vmem>> -> memref<1x128x64xf32, #tpu.memory_space<vmem>>
        %get3A_914 = tpu.memref_squeeze %get3A_913 : memref<1x128x64xf32, #tpu.memory_space<vmem>> -> memref<128x64xf32, #tpu.memory_space<vmem>>
        %get3A_915 = arith.index_cast %add3A_910 : i32 to index
        %get3A_916 = arith.constant 0 : index
        %get3A_917 = tpu.vector_load %get3A_914[%get3A_915, %get3A_916] {strides = array<i32>} : memref<128x64xf32, #tpu.memory_space<vmem>>, vector<1x16xf32>,
        %get3A_918 = vector.shape_cast %get3A_917 : vector<1x16xf32> to vector<16xf32>
        %mul3A_919 = arith.constant 8.000000e+00 : f32
        %mul3A_920 = vector.broadcast %mul3A_919 : f32 to vector<16xf32>
        %mul3A_921 = arith.mulf %get3A_918, %mul3A_920 : vector<16xf32>
        %swap3A_922 = arith.constant 0 : i32
        %swap3A_923 = arith.constant 0 : i32
        %swap3A_924 = tpu.memref_slice %arg6[%scan3A_694, %swap3A_922, %swap3A_923] : memref<8x128x64xf32, #tpu.memory_space<vmem>> -> memref<1x128x64xf32, #tpu.memory_space<vmem>>
        %swap3A_925 = tpu.memref_squeeze %swap3A_924 : memref<1x128x64xf32, #tpu.memory_space<vmem>> -> memref<128x64xf32, #tpu.memory_space<vmem>>
        %swap3A_926 = arith.index_cast %add3A_910 : i32 to index
        %swap3A_927 = arith.constant 0 : index
        %swap3A_928 = tpu.vector_load %swap3A_925[%swap3A_926, %swap3A_927] {strides = array<i32>} : memref<128x64xf32, #tpu.memory_space<vmem>>, vector<1x16xf32>,
        %swap3A_929 = vector.shape_cast %swap3A_928 : vector<1x16xf32> to vector<16xf32>
        %swap3A_930 = vector.shape_cast %mul3A_921 : vector<16xf32> to vector<1x16xf32>
        tpu.vector_store %swap3A_925[%swap3A_926, %swap3A_927], %swap3A_930 {strides = array<i32>} : memref<128x64xf32, #tpu.memory_space<vmem>>, vector<1x16xf32>,
        %get3A_931 = arith.constant 0 : i32
        %get3A_932 = arith.constant 0 : i32
        %get3A_933 = tpu.memref_slice %arg6[%scan3A_694, %get3A_931, %get3A_932] : memref<8x128x64xf32, #tpu.memory_space<vmem>> -> memref<1x128x64xf32, #tpu.memory_space<vmem>>
        %get3A_934 = tpu.memref_squeeze %get3A_933 : memref<1x128x64xf32, #tpu.memory_space<vmem>> -> memref<128x64xf32, #tpu.memory_space<vmem>>
        %get3A_935 = arith.index_cast %add3A_910 : i32 to index
        %get3A_936 = arith.constant 16 : index
        %get3A_937 = tpu.vector_load %get3A_934[%get3A_935, %get3A_936] {strides = array<i32>} : memref<128x64xf32, #tpu.memory_space<vmem>>, vector<1x16xf32>,
        %get3A_938 = vector.shape_cast %get3A_937 : vector<1x16xf32> to vector<16xf32>
        %mul3A_939 = arith.constant 8.000000e+00 : f32
        %mul3A_940 = vector.broadcast %mul3A_939 : f32 to vector<16xf32>
        %mul3A_941 = arith.mulf %get3A_938, %mul3A_940 : vector<16xf32>
        %swap3A_942 = arith.constant 0 : i32
        %swap3A_943 = arith.constant 0 : i32
        %swap3A_944 = tpu.memref_slice %arg6[%scan3A_694, %swap3A_942, %swap3A_943] : memref<8x128x64xf32, #tpu.memory_space<vmem>> -> memref<1x128x64xf32, #tpu.memory_space<vmem>>
        %swap3A_945 = tpu.memref_squeeze %swap3A_944 : memref<1x128x64xf32, #tpu.memory_space<vmem>> -> memref<128x64xf32, #tpu.memory_space<vmem>>
        %swap3A_946 = arith.index_cast %add3A_910 : i32 to index
        %swap3A_947 = arith.constant 16 : index
        %swap3A_948 = tpu.vector_load %swap3A_945[%swap3A_946, %swap3A_947] {strides = array<i32>} : memref<128x64xf32, #tpu.memory_space<vmem>>, vector<1x16xf32>,
        %swap3A_949 = vector.shape_cast %swap3A_948 : vector<1x16xf32> to vector<16xf32>
        %swap3A_950 = vector.shape_cast %mul3A_941 : vector<16xf32> to vector<1x16xf32>
        tpu.vector_store %swap3A_945[%swap3A_946, %swap3A_947], %swap3A_950 {strides = array<i32>} : memref<128x64xf32, #tpu.memory_space<vmem>>, vector<1x16xf32>,
        %get3A_951 = arith.constant 0 : i32
        %get3A_952 = arith.constant 0 : i32
        %get3A_953 = tpu.memref_slice %arg6[%scan3A_694, %get3A_951, %get3A_952] : memref<8x128x64xf32, #tpu.memory_space<vmem>> -> memref<1x128x64xf32, #tpu.memory_space<vmem>>
        %get3A_954 = tpu.memref_squeeze %get3A_953 : memref<1x128x64xf32, #tpu.memory_space<vmem>> -> memref<128x64xf32, #tpu.memory_space<vmem>>
        %get3A_955 = arith.index_cast %add3A_910 : i32 to index
        %get3A_956 = arith.constant 32 : index
        %get3A_957 = tpu.vector_load %get3A_954[%get3A_955, %get3A_956] {strides = array<i32>} : memref<128x64xf32, #tpu.memory_space<vmem>>, vector<1x16xf32>,
        %get3A_958 = vector.shape_cast %get3A_957 : vector<1x16xf32> to vector<16xf32>
        %mul3A_959 = arith.constant 8.000000e+00 : f32
        %mul3A_960 = vector.broadcast %mul3A_959 : f32 to vector<16xf32>
        %mul3A_961 = arith.mulf %get3A_958, %mul3A_960 : vector<16xf32>
        %swap3A_962 = arith.constant 0 : i32
        %swap3A_963 = arith.constant 0 : i32
        %swap3A_964 = tpu.memref_slice %arg6[%scan3A_694, %swap3A_962, %swap3A_963] : memref<8x128x64xf32, #tpu.memory_space<vmem>> -> memref<1x128x64xf32, #tpu.memory_space<vmem>>
        %swap3A_965 = tpu.memref_squeeze %swap3A_964 : memref<1x128x64xf32, #tpu.memory_space<vmem>> -> memref<128x64xf32, #tpu.memory_space<vmem>>
        %swap3A_966 = arith.index_cast %add3A_910 : i32 to index
        %swap3A_967 = arith.constant 32 : index
        %swap3A_968 = tpu.vector_load %swap3A_965[%swap3A_966, %swap3A_967] {strides = array<i32>} : memref<128x64xf32, #tpu.memory_space<vmem>>, vector<1x16xf32>,
        %swap3A_969 = vector.shape_cast %swap3A_968 : vector<1x16xf32> to vector<16xf32>
        %swap3A_970 = vector.shape_cast %mul3A_961 : vector<16xf32> to vector<1x16xf32>
        tpu.vector_store %swap3A_965[%swap3A_966, %swap3A_967], %swap3A_970 {strides = array<i32>} : memref<128x64xf32, #tpu.memory_space<vmem>>, vector<1x16xf32>,
        %get3A_971 = arith.constant 0 : i32
        %get3A_972 = arith.constant 0 : i32
        %get3A_973 = tpu.memref_slice %arg6[%scan3A_694, %get3A_971, %get3A_972] : memref<8x128x64xf32, #tpu.memory_space<vmem>> -> memref<1x128x64xf32, #tpu.memory_space<vmem>>
        %get3A_974 = tpu.memref_squeeze %get3A_973 : memref<1x128x64xf32, #tpu.memory_space<vmem>> -> memref<128x64xf32, #tpu.memory_space<vmem>>
        %get3A_975 = arith.index_cast %add3A_910 : i32 to index
        %get3A_976 = arith.constant 48 : index
        %get3A_977 = tpu.vector_load %get3A_974[%get3A_975, %get3A_976] {strides = array<i32>} : memref<128x64xf32, #tpu.memory_space<vmem>>, vector<1x16xf32>,
        %get3A_978 = vector.shape_cast %get3A_977 : vector<1x16xf32> to vector<16xf32>
        %mul3A_979 = arith.constant 8.000000e+00 : f32
        %mul3A_980 = vector.broadcast %mul3A_979 : f32 to vector<16xf32>
        %mul3A_981 = arith.mulf %get3A_978, %mul3A_980 : vector<16xf32>
        %swap3A_982 = arith.constant 0 : i32
        %swap3A_983 = arith.constant 0 : i32
        %swap3A_984 = tpu.memref_slice %arg6[%scan3A_694, %swap3A_982, %swap3A_983] : memref<8x128x64xf32, #tpu.memory_space<vmem>> -> memref<1x128x64xf32, #tpu.memory_space<vmem>>
        %swap3A_985 = tpu.memref_squeeze %swap3A_984 : memref<1x128x64xf32, #tpu.memory_space<vmem>> -> memref<128x64xf32, #tpu.memory_space<vmem>>
        %swap3A_986 = arith.index_cast %add3A_910 : i32 to index
        %swap3A_987 = arith.constant 48 : index
        %swap3A_988 = tpu.vector_load %swap3A_985[%swap3A_986, %swap3A_987] {strides = array<i32>} : memref<128x64xf32, #tpu.memory_space<vmem>>, vector<1x16xf32>,
        %swap3A_989 = vector.shape_cast %swap3A_988 : vector<1x16xf32> to vector<16xf32>
        %swap3A_990 = vector.shape_cast %mul3A_981 : vector<16xf32> to vector<1x16xf32>
        tpu.vector_store %swap3A_985[%swap3A_986, %swap3A_987], %swap3A_990 {strides = array<i32>} : memref<128x64xf32, #tpu.memory_space<vmem>>, vector<1x16xf32>,
        %mul3A_991 = arith.constant 2 : i32
        %mul3A_992 = arith.muli %scan3A_906, %mul3A_991 : i32
        %add3A_993 = arith.constant 1 : i32
        %add3A_994 = arith.addi %mul3A_992, %add3A_993 : i32
        %get3A_995 = arith.constant 0 : i32
        %get3A_996 = arith.constant 0 : i32
        %get3A_997 = tpu.memref_slice %arg6[%scan3A_694, %get3A_995, %get3A_996] : memref<8x128x64xf32, #tpu.memory_space<vmem>> -> memref<1x128x64xf32, #tpu.memory_space<vmem>>
        %get3A_998 = tpu.memref_squeeze %get3A_997 : memref<1x128x64xf32, #tpu.memory_space<vmem>> -> memref<128x64xf32, #tpu.memory_space<vmem>>
        %get3A_999 = arith.index_cast %add3A_994 : i32 to index
        %get3A_1000 = arith.constant 0 : index
        %get3A_1001 = tpu.vector_load %get3A_998[%get3A_999, %get3A_1000] {strides = array<i32>} : memref<128x64xf32, #tpu.memory_space<vmem>>, vector<1x16xf32>,
        %get3A_1002 = vector.shape_cast %get3A_1001 : vector<1x16xf32> to vector<16xf32>
        %mul3A_1003 = arith.constant 8.000000e+00 : f32
        %mul3A_1004 = vector.broadcast %mul3A_1003 : f32 to vector<16xf32>
        %mul3A_1005 = arith.mulf %get3A_1002, %mul3A_1004 : vector<16xf32>
        %swap3A_1006 = arith.constant 0 : i32
        %swap3A_1007 = arith.constant 0 : i32
        %swap3A_1008 = tpu.memref_slice %arg6[%scan3A_694, %swap3A_1006, %swap3A_1007] : memref<8x128x64xf32, #tpu.memory_space<vmem>> -> memref<1x128x64xf32, #tpu.memory_space<vmem>>
        %swap3A_1009 = tpu.memref_squeeze %swap3A_1008 : memref<1x128x64xf32, #tpu.memory_space<vmem>> -> memref<128x64xf32, #tpu.memory_space<vmem>>
        %swap3A_1010 = arith.index_cast %add3A_994 : i32 to index
        %swap3A_1011 = arith.constant 0 : index
        %swap3A_1012 = tpu.vector_load %swap3A_1009[%swap3A_1010, %swap3A_1011] {strides = array<i32>} : memref<128x64xf32, #tpu.memory_space<vmem>>, vector<1x16xf32>,
        %swap3A_1013 = vector.shape_cast %swap3A_1012 : vector<1x16xf32> to vector<16xf32>
        %swap3A_1014 = vector.shape_cast %mul3A_1005 : vector<16xf32> to vector<1x16xf32>
        tpu.vector_store %swap3A_1009[%swap3A_1010, %swap3A_1011], %swap3A_1014 {strides = array<i32>} : memref<128x64xf32, #tpu.memory_space<vmem>>, vector<1x16xf32>,
        %get3A_1015 = arith.constant 0 : i32
        %get3A_1016 = arith.constant 0 : i32
        %get3A_1017 = tpu.memref_slice %arg6[%scan3A_694, %get3A_1015, %get3A_1016] : memref<8x128x64xf32, #tpu.memory_space<vmem>> -> memref<1x128x64xf32, #tpu.memory_space<vmem>>
        %get3A_1018 = tpu.memref_squeeze %get3A_1017 : memref<1x128x64xf32, #tpu.memory_space<vmem>> -> memref<128x64xf32, #tpu.memory_space<vmem>>
        %get3A_1019 = arith.index_cast %add3A_994 : i32 to index
        %get3A_1020 = arith.constant 16 : index
        %get3A_1021 = tpu.vector_load %get3A_1018[%get3A_1019, %get3A_1020] {strides = array<i32>} : memref<128x64xf32, #tpu.memory_space<vmem>>, vector<1x16xf32>,
        %get3A_1022 = vector.shape_cast %get3A_1021 : vector<1x16xf32> to vector<16xf32>
        %mul3A_1023 = arith.constant 8.000000e+00 : f32
        %mul3A_1024 = vector.broadcast %mul3A_1023 : f32 to vector<16xf32>
        %mul3A_1025 = arith.mulf %get3A_1022, %mul3A_1024 : vector<16xf32>
        %swap3A_1026 = arith.constant 0 : i32
        %swap3A_1027 = arith.constant 0 : i32
        %swap3A_1028 = tpu.memref_slice %arg6[%scan3A_694, %swap3A_1026, %swap3A_1027] : memref<8x128x64xf32, #tpu.memory_space<vmem>> -> memref<1x128x64xf32, #tpu.memory_space<vmem>>
        %swap3A_1029 = tpu.memref_squeeze %swap3A_1028 : memref<1x128x64xf32, #tpu.memory_space<vmem>> -> memref<128x64xf32, #tpu.memory_space<vmem>>
        %swap3A_1030 = arith.index_cast %add3A_994 : i32 to index
        %swap3A_1031 = arith.constant 16 : index
        %swap3A_1032 = tpu.vector_load %swap3A_1029[%swap3A_1030, %swap3A_1031] {strides = array<i32>} : memref<128x64xf32, #tpu.memory_space<vmem>>, vector<1x16xf32>,
        %swap3A_1033 = vector.shape_cast %swap3A_1032 : vector<1x16xf32> to vector<16xf32>
        %swap3A_1034 = vector.shape_cast %mul3A_1025 : vector<16xf32> to vector<1x16xf32>
        tpu.vector_store %swap3A_1029[%swap3A_1030, %swap3A_1031], %swap3A_1034 {strides = array<i32>} : memref<128x64xf32, #tpu.memory_space<vmem>>, vector<1x16xf32>,
        %get3A_1035 = arith.constant 0 : i32
        %get3A_1036 = arith.constant 0 : i32
        %get3A_1037 = tpu.memref_slice %arg6[%scan3A_694, %get3A_1035, %get3A_1036] : memref<8x128x64xf32, #tpu.memory_space<vmem>> -> memref<1x128x64xf32, #tpu.memory_space<vmem>>
        %get3A_1038 = tpu.memref_squeeze %get3A_1037 : memref<1x128x64xf32, #tpu.memory_space<vmem>> -> memref<128x64xf32, #tpu.memory_space<vmem>>
        %get3A_1039 = arith.index_cast %add3A_994 : i32 to index
        %get3A_1040 = arith.constant 32 : index
        %get3A_1041 = tpu.vector_load %get3A_1038[%get3A_1039, %get3A_1040] {strides = array<i32>} : memref<128x64xf32, #tpu.memory_space<vmem>>, vector<1x16xf32>,
        %get3A_1042 = vector.shape_cast %get3A_1041 : vector<1x16xf32> to vector<16xf32>
        %mul3A_1043 = arith.constant 8.000000e+00 : f32
        %mul3A_1044 = vector.broadcast %mul3A_1043 : f32 to vector<16xf32>
        %mul3A_1045 = arith.mulf %get3A_1042, %mul3A_1044 : vector<16xf32>
        %swap3A_1046 = arith.constant 0 : i32
        %swap3A_1047 = arith.constant 0 : i32
        %swap3A_1048 = tpu.memref_slice %arg6[%scan3A_694, %swap3A_1046, %swap3A_1047] : memref<8x128x64xf32, #tpu.memory_space<vmem>> -> memref<1x128x64xf32, #tpu.memory_space<vmem>>
        %swap3A_1049 = tpu.memref_squeeze %swap3A_1048 : memref<1x128x64xf32, #tpu.memory_space<vmem>> -> memref<128x64xf32, #tpu.memory_space<vmem>>
        %swap3A_1050 = arith.index_cast %add3A_994 : i32 to index
        %swap3A_1051 = arith.constant 32 : index
        %swap3A_1052 = tpu.vector_load %swap3A_1049[%swap3A_1050, %swap3A_1051] {strides = array<i32>} : memref<128x64xf32, #tpu.memory_space<vmem>>, vector<1x16xf32>,
        %swap3A_1053 = vector.shape_cast %swap3A_1052 : vector<1x16xf32> to vector<16xf32>
        %swap3A_1054 = vector.shape_cast %mul3A_1045 : vector<16xf32> to vector<1x16xf32>
        tpu.vector_store %swap3A_1049[%swap3A_1050, %swap3A_1051], %swap3A_1054 {strides = array<i32>} : memref<128x64xf32, #tpu.memory_space<vmem>>, vector<1x16xf32>,
        %get3A_1055 = arith.constant 0 : i32
        %get3A_1056 = arith.constant 0 : i32
        %get3A_1057 = tpu.memref_slice %arg6[%scan3A_694, %get3A_1055, %get3A_1056] : memref<8x128x64xf32, #tpu.memory_space<vmem>> -> memref<1x128x64xf32, #tpu.memory_space<vmem>>
        %get3A_1058 = tpu.memref_squeeze %get3A_1057 : memref<1x128x64xf32, #tpu.memory_space<vmem>> -> memref<128x64xf32, #tpu.memory_space<vmem>>
        %get3A_1059 = arith.index_cast %add3A_994 : i32 to index
        %get3A_1060 = arith.constant 48 : index
        %get3A_1061 = tpu.vector_load %get3A_1058[%get3A_1059, %get3A_1060] {strides = array<i32>} : memref<128x64xf32, #tpu.memory_space<vmem>>, vector<1x16xf32>,
        %get3A_1062 = vector.shape_cast %get3A_1061 : vector<1x16xf32> to vector<16xf32>
        %mul3A_1063 = arith.constant 8.000000e+00 : f32
        %mul3A_1064 = vector.broadcast %mul3A_1063 : f32 to vector<16xf32>
        %mul3A_1065 = arith.mulf %get3A_1062, %mul3A_1064 : vector<16xf32>
        %swap3A_1066 = arith.constant 0 : i32
        %swap3A_1067 = arith.constant 0 : i32
        %swap3A_1068 = tpu.memref_slice %arg6[%scan3A_694, %swap3A_1066, %swap3A_1067] : memref<8x128x64xf32, #tpu.memory_space<vmem>> -> memref<1x128x64xf32, #tpu.memory_space<vmem>>
        %swap3A_1069 = tpu.memref_squeeze %swap3A_1068 : memref<1x128x64xf32, #tpu.memory_space<vmem>> -> memref<128x64xf32, #tpu.memory_space<vmem>>
        %swap3A_1070 = arith.index_cast %add3A_994 : i32 to index
        %swap3A_1071 = arith.constant 48 : index
        %swap3A_1072 = tpu.vector_load %swap3A_1069[%swap3A_1070, %swap3A_1071] {strides = array<i32>} : memref<128x64xf32, #tpu.memory_space<vmem>>, vector<1x16xf32>,
        %swap3A_1073 = vector.shape_cast %swap3A_1072 : vector<1x16xf32> to vector<16xf32>
        %swap3A_1074 = vector.shape_cast %mul3A_1065 : vector<16xf32> to vector<1x16xf32>
        tpu.vector_store %swap3A_1069[%swap3A_1070, %swap3A_1071], %swap3A_1074 {strides = array<i32>} : memref<128x64xf32, #tpu.memory_space<vmem>>, vector<1x16xf32>,
        %scan3A_1075 = arith.constant 0 : i32
        scf.yield %scan3A_1075 : i32
      }
      %scan3A_701 = arith.constant 64 : i32
      %add3A_702 = arith.addi %mul3A_2, %scan3A_273 : i32
      %rem3A_703 = arith.constant 32 : i32
      %rem3A_704 = arith.remsi %add3A_702, %rem3A_703 : i32
      %div3A_705 = arith.constant 32 : i32
      %div3A_706 = arith.divsi %add3A_702, %div3A_705 : i32
      %mul3A_707 = arith.constant 4 : i32
      %mul3A_708 = arith.muli %div3A_706, %mul3A_707 : i32
      %add3A_709 = arith.constant 3 : i32
      %add3A_710 = arith.addi %mul3A_708, %add3A_709 : i32
      %mul3A_711 = arith.constant 128 : i32
      %mul3A_712 = arith.muli %rem3A_704, %mul3A_711 : i32
      %dma_start3A_713 = arith.constant 7 : i32
      %dma_start3A_714 = arith.constant 0 : i32
      %dma_start3A_715 = arith.constant 0 : i32
      %dma_start3A_716 = tpu.memref_slice %arg6[%dma_start3A_713, %dma_start3A_714, %dma_start3A_715] : memref<8x128x64xf32, #tpu.memory_space<vmem>> -> memref<1x128x64xf32, #tpu.memory_space<vmem>>
      %dma_start3A_717 = tpu.memref_squeeze %dma_start3A_716 : memref<1x128x64xf32, #tpu.memory_space<vmem>> -> memref<128x64xf32, #tpu.memory_space<vmem>>
      %dma_start3A_718 = arith.constant 64 : i32
      %dma_start3A_719 = tpu.memref_slice %arg4[%add3A_710, %mul3A_712, %dma_start3A_718] : memref<100x4096x128xf32, #tpu.memory_space<hbm>> -> memref<1x128x64xf32, #tpu.memory_space<hbm>>
      %dma_start3A_720 = tpu.memref_squeeze %dma_start3A_719 : memref<1x128x64xf32, #tpu.memory_space<hbm>> -> memref<128x64xf32, #tpu.memory_space<hbm>>
      %dma_start3A_721 = arith.constant 64 : i32
      %dma_start3A_722 = tpu.memref_slice %arg4[%add3A_710, %mul3A_712, %dma_start3A_721] : memref<100x4096x128xf32, #tpu.memory_space<hbm>> -> memref<1x128x64xf32, #tpu.memory_space<hbm>>
      %dma_start3A_723 = tpu.memref_squeeze %dma_start3A_722 : memref<1x128x64xf32, #tpu.memory_space<hbm>> -> memref<128x64xf32, #tpu.memory_space<hbm>>
      %dma_start3A_724 = arith.constant 0 : i32
      %dma_start3A_725 = arith.constant 0 : i32
      %dma_start3A_726 = tpu.memref_slice %arg6[%dma_start3A_713, %dma_start3A_724, %dma_start3A_725] : memref<8x128x64xf32, #tpu.memory_space<vmem>> -> memref<1x128x64xf32, #tpu.memory_space<vmem>>
      %dma_start3A_727 = tpu.memref_squeeze %dma_start3A_726 : memref<1x128x64xf32, #tpu.memory_space<vmem>> -> memref<128x64xf32, #tpu.memory_space<vmem>>
      tpu.enqueue_dma source(%dma_start3A_727 : memref<128x64xf32, #tpu.memory_space<vmem>>) target(%dma_start3A_723 : memref<128x64xf32, #tpu.memory_space<hbm>>) target_semaphore(%arg22 : memref<!tpu.dma_semaphore, #tpu.memory_space<semaphore_mem>>)
      %add3A_728 = arith.constant 1 : i32
      %add3A_729 = arith.addi %scan3A_273, %add3A_728 : i32
      %lt3A_730 = arith.constant 25 : i32
      %lt3A_731 = arith.cmpi slt, %add3A_729, %lt3A_730 : i32
      %convert_element_type3A_732 = arith.extui %lt3A_731 : i1 to i32
      %cond3A_733 = arith.constant 0 : i32
      %cond3A_734 = arith.cmpi ne, %convert_element_type3A_732, %cond3A_733 : i32
      scf.if %cond3A_734 {
        %add3A_736 = arith.addi %mul3A_2, %scan3A_273 : i32
        %rem3A_737 = arith.constant 32 : i32
        %rem3A_738 = arith.remsi %add3A_736, %rem3A_737 : i32
        %div3A_739 = arith.constant 32 : i32
        %div3A_740 = arith.divsi %add3A_736, %div3A_739 : i32
        %mul3A_741 = arith.constant 4 : i32
        %mul3A_742 = arith.muli %div3A_740, %mul3A_741 : i32
        %add3A_743 = arith.constant 1 : i32
        %add3A_744 = arith.addi %mul3A_742, %add3A_743 : i32
        %mul3A_745 = arith.constant 128 : i32
        %mul3A_746 = arith.muli %rem3A_738, %mul3A_745 : i32
        %dma_wait3A_747 = arith.constant 3 : i32
        %dma_wait3A_748 = arith.constant 0 : i32
        %dma_wait3A_749 = arith.constant 0 : i32
        %dma_wait3A_750 = tpu.memref_slice %arg6[%dma_wait3A_747, %dma_wait3A_748, %dma_wait3A_749] : memref<8x128x64xf32, #tpu.memory_space<vmem>> -> memref<1x128x64xf32, #tpu.memory_space<vmem>>
        %dma_wait3A_751 = tpu.memref_squeeze %dma_wait3A_750 : memref<1x128x64xf32, #tpu.memory_space<vmem>> -> memref<128x64xf32, #tpu.memory_space<vmem>>
        %dma_wait3A_752 = arith.constant 64 : i32
        %dma_wait3A_753 = tpu.memref_slice %arg4[%add3A_744, %mul3A_746, %dma_wait3A_752] : memref<100x4096x128xf32, #tpu.memory_space<hbm>> -> memref<1x128x64xf32, #tpu.memory_space<hbm>>
        %dma_wait3A_754 = tpu.memref_squeeze %dma_wait3A_753 : memref<1x128x64xf32, #tpu.memory_space<hbm>> -> memref<128x64xf32, #tpu.memory_space<hbm>>
        %dma_wait3A_755 = arith.constant 64 : i32
        %dma_wait3A_756 = tpu.memref_slice %arg4[%add3A_744, %mul3A_746, %dma_wait3A_755] : memref<100x4096x128xf32, #tpu.memory_space<hbm>> -> memref<1x128x64xf32, #tpu.memory_space<hbm>>
        %dma_wait3A_757 = tpu.memref_squeeze %dma_wait3A_756 : memref<1x128x64xf32, #tpu.memory_space<hbm>> -> memref<128x64xf32, #tpu.memory_space<hbm>>
        %dma_wait3A_758 = arith.constant 0 : i32
        %dma_wait3A_759 = arith.constant 0 : i32
        %dma_wait3A_760 = tpu.memref_slice %arg6[%dma_wait3A_747, %dma_wait3A_758, %dma_wait3A_759] : memref<8x128x64xf32, #tpu.memory_space<vmem>> -> memref<1x128x64xf32, #tpu.memory_space<vmem>>
        %dma_wait3A_761 = tpu.memref_squeeze %dma_wait3A_760 : memref<1x128x64xf32, #tpu.memory_space<vmem>> -> memref<128x64xf32, #tpu.memory_space<vmem>>
        tpu.wait_dma2 semaphore(%arg18 : memref<!tpu.dma_semaphore, #tpu.memory_space<semaphore_mem>>) src(%dma_wait3A_761 : memref<128x64xf32, #tpu.memory_space<vmem>>) dst(%dma_wait3A_757 : memref<128x64xf32, #tpu.memory_space<hbm>>)
        %add3A_762 = arith.constant 1 : i32
        %add3A_763 = arith.addi %scan3A_273, %add3A_762 : i32
        %dma_start3A_764 = arith.constant 3 : i32
        %dma_start3A_765 = arith.constant 3 : i32
        %dma_start3A_766 = arith.constant 0 : i32
        %dma_start3A_767 = arith.constant 0 : i32
        %dma_start3A_768 = tpu.memref_slice %arg6[%dma_start3A_765, %dma_start3A_766, %dma_start3A_767] : memref<8x128x64xf32, #tpu.memory_space<vmem>> -> memref<1x128x64xf32, #tpu.memory_space<vmem>>
        %dma_start3A_769 = tpu.memref_squeeze %dma_start3A_768 : memref<1x128x64xf32, #tpu.memory_space<vmem>> -> memref<128x64xf32, #tpu.memory_space<vmem>>
        %dma_start3A_770 = arith.constant 0 : i32
        %dma_start3A_771 = tpu.memref_slice %arg5[%add3A_763, %dma_start3A_764, %dma_start3A_770] : memref<25x8x128xi32, #tpu.memory_space<vmem>> -> memref<1x1x128xi32, #tpu.memory_space<vmem>>
        %dma_start3A_772 = tpu.memref_squeeze %dma_start3A_771 : memref<1x1x128xi32, #tpu.memory_space<vmem>> -> memref<128xi32, #tpu.memory_space<vmem>>
        %dma_start3A_773 = arith.constant 0 : i32
        %dma_start3A_774 = arith.constant 0 : i32
        %dma_start3A_775 = tpu.memref_slice %arg3[%dma_start3A_773, %dma_start3A_774] : memref<1000000x64xf32, #tpu.memory_space<hbm>> -> memref<1000000x64xf32, #tpu.memory_space<hbm>>
        tpu.enqueue_indirect_dma source(%dma_start3A_775 : memref<1000000x64xf32, #tpu.memory_space<hbm>>) target(%dma_start3A_769 : memref<128x64xf32, #tpu.memory_space<vmem>>) offsets(%dma_start3A_772 : memref<128xi32, #tpu.memory_space<vmem>>) semaphore(%arg10 : memref<!tpu.dma_semaphore, #tpu.memory_space<semaphore_mem>>)
      } else {
      }
      %scan3A_735 = arith.constant 0 : i32
      scf.yield %scan3A_735 : i32
    }
    %scan3A_59 = arith.constant 25 : i32
    %add3A_60 = arith.constant 24 : i32
    %add3A_61 = arith.addi %mul3A_2, %add3A_60 : i32
    %rem3A = arith.constant 32 : i32
    %rem3A_62 = arith.remsi %add3A_61, %rem3A : i32
    %div3A = arith.constant 32 : i32
    %div3A_63 = arith.divsi %add3A_61, %div3A : i32
    %mul3A_64 = arith.constant 4 : i32
    %mul3A_65 = arith.muli %div3A_63, %mul3A_64 : i32
    %add3A_66 = arith.constant 0 : i32
    %add3A_67 = arith.addi %mul3A_65, %add3A_66 : i32
    %mul3A_68 = arith.constant 128 : i32
    %mul3A_69 = arith.muli %rem3A_62, %mul3A_68 : i32
    %dma_wait3A = arith.constant 0 : i32
    %dma_wait3A_70 = arith.constant 0 : i32
    %dma_wait3A_71 = arith.constant 0 : i32
    %dma_wait3A_72 = tpu.memref_slice %arg6[%dma_wait3A, %dma_wait3A_70, %dma_wait3A_71] : memref<8x128x64xf32, #tpu.memory_space<vmem>> -> memref<1x128x64xf32, #tpu.memory_space<vmem>>
    %dma_wait3A_73 = tpu.memref_squeeze %dma_wait3A_72 : memref<1x128x64xf32, #tpu.memory_space<vmem>> -> memref<128x64xf32, #tpu.memory_space<vmem>>
    %dma_wait3A_74 = arith.constant 0 : i32
    %dma_wait3A_75 = tpu.memref_slice %arg4[%add3A_67, %mul3A_69, %dma_wait3A_74] : memref<100x4096x128xf32, #tpu.memory_space<hbm>> -> memref<1x128x64xf32, #tpu.memory_space<hbm>>
    %dma_wait3A_76 = tpu.memref_squeeze %dma_wait3A_75 : memref<1x128x64xf32, #tpu.memory_space<hbm>> -> memref<128x64xf32, #tpu.memory_space<hbm>>
    %dma_wait3A_77 = arith.constant 0 : i32
    %dma_wait3A_78 = tpu.memref_slice %arg4[%add3A_67, %mul3A_69, %dma_wait3A_77] : memref<100x4096x128xf32, #tpu.memory_space<hbm>> -> memref<1x128x64xf32, #tpu.memory_space<hbm>>
    %dma_wait3A_79 = tpu.memref_squeeze %dma_wait3A_78 : memref<1x128x64xf32, #tpu.memory_space<hbm>> -> memref<128x64xf32, #tpu.memory_space<hbm>>
    %dma_wait3A_80 = arith.constant 0 : i32
    %dma_wait3A_81 = arith.constant 0 : i32
    %dma_wait3A_82 = tpu.memref_slice %arg6[%dma_wait3A, %dma_wait3A_80, %dma_wait3A_81] : memref<8x128x64xf32, #tpu.memory_space<vmem>> -> memref<1x128x64xf32, #tpu.memory_space<vmem>>
    %dma_wait3A_83 = tpu.memref_squeeze %dma_wait3A_82 : memref<1x128x64xf32, #tpu.memory_space<vmem>> -> memref<128x64xf32, #tpu.memory_space<vmem>>
    tpu.wait_dma2 semaphore(%arg15 : memref<!tpu.dma_semaphore, #tpu.memory_space<semaphore_mem>>) src(%dma_wait3A_83 : memref<128x64xf32, #tpu.memory_space<vmem>>) dst(%dma_wait3A_79 : memref<128x64xf32, #tpu.memory_space<hbm>>)
    %add3A_84 = arith.constant 24 : i32
    %add3A_85 = arith.addi %mul3A_2, %add3A_84 : i32
    %rem3A_86 = arith.constant 32 : i32
    %rem3A_87 = arith.remsi %add3A_85, %rem3A_86 : i32
    %div3A_88 = arith.constant 32 : i32
    %div3A_89 = arith.divsi %add3A_85, %div3A_88 : i32
    %mul3A_90 = arith.constant 4 : i32
    %mul3A_91 = arith.muli %div3A_89, %mul3A_90 : i32
    %add3A_92 = arith.constant 0 : i32
    %add3A_93 = arith.addi %mul3A_91, %add3A_92 : i32
    %mul3A_94 = arith.constant 128 : i32
    %mul3A_95 = arith.muli %rem3A_87, %mul3A_94 : i32
    %dma_wait3A_96 = arith.constant 1 : i32
    %dma_wait3A_97 = arith.constant 0 : i32
    %dma_wait3A_98 = arith.constant 0 : i32
    %dma_wait3A_99 = tpu.memref_slice %arg6[%dma_wait3A_96, %dma_wait3A_97, %dma_wait3A_98] : memref<8x128x64xf32, #tpu.memory_space<vmem>> -> memref<1x128x64xf32, #tpu.memory_space<vmem>>
    %dma_wait3A_100 = tpu.memref_squeeze %dma_wait3A_99 : memref<1x128x64xf32, #tpu.memory_space<vmem>> -> memref<128x64xf32, #tpu.memory_space<vmem>>
    %dma_wait3A_101 = arith.constant 64 : i32
    %dma_wait3A_102 = tpu.memref_slice %arg4[%add3A_93, %mul3A_95, %dma_wait3A_101] : memref<100x4096x128xf32, #tpu.memory_space<hbm>> -> memref<1x128x64xf32, #tpu.memory_space<hbm>>
    %dma_wait3A_103 = tpu.memref_squeeze %dma_wait3A_102 : memref<1x128x64xf32, #tpu.memory_space<hbm>> -> memref<128x64xf32, #tpu.memory_space<hbm>>
    %dma_wait3A_104 = arith.constant 64 : i32
    %dma_wait3A_105 = tpu.memref_slice %arg4[%add3A_93, %mul3A_95, %dma_wait3A_104] : memref<100x4096x128xf32, #tpu.memory_space<hbm>> -> memref<1x128x64xf32, #tpu.memory_space<hbm>>
    %dma_wait3A_106 = tpu.memref_squeeze %dma_wait3A_105 : memref<1x128x64xf32, #tpu.memory_space<hbm>> -> memref<128x64xf32, #tpu.memory_space<hbm>>
    %dma_wait3A_107 = arith.constant 0 : i32
    %dma_wait3A_108 = arith.constant 0 : i32
    %dma_wait3A_109 = tpu.memref_slice %arg6[%dma_wait3A_96, %dma_wait3A_107, %dma_wait3A_108] : memref<8x128x64xf32, #tpu.memory_space<vmem>> -> memref<1x128x64xf32, #tpu.memory_space<vmem>>
    %dma_wait3A_110 = tpu.memref_squeeze %dma_wait3A_109 : memref<1x128x64xf32, #tpu.memory_space<vmem>> -> memref<128x64xf32, #tpu.memory_space<vmem>>
    tpu.wait_dma2 semaphore(%arg16 : memref<!tpu.dma_semaphore, #tpu.memory_space<semaphore_mem>>) src(%dma_wait3A_110 : memref<128x64xf32, #tpu.memory_space<vmem>>) dst(%dma_wait3A_106 : memref<128x64xf32, #tpu.memory_space<hbm>>)
    %add3A_111 = arith.constant 24 : i32
    %add3A_112 = arith.addi %mul3A_2, %add3A_111 : i32
    %rem3A_113 = arith.constant 32 : i32
    %rem3A_114 = arith.remsi %add3A_112, %rem3A_113 : i32
    %div3A_115 = arith.constant 32 : i32
    %div3A_116 = arith.divsi %add3A_112, %div3A_115 : i32
    %mul3A_117 = arith.constant 4 : i32
    %mul3A_118 = arith.muli %div3A_116, %mul3A_117 : i32
    %add3A_119 = arith.constant 1 : i32
    %add3A_120 = arith.addi %mul3A_118, %add3A_119 : i32
    %mul3A_121 = arith.constant 128 : i32
    %mul3A_122 = arith.muli %rem3A_114, %mul3A_121 : i32
    %dma_wait3A_123 = arith.constant 2 : i32
    %dma_wait3A_124 = arith.constant 0 : i32
    %dma_wait3A_125 = arith.constant 0 : i32
    %dma_wait3A_126 = tpu.memref_slice %arg6[%dma_wait3A_123, %dma_wait3A_124, %dma_wait3A_125] : memref<8x128x64xf32, #tpu.memory_space<vmem>> -> memref<1x128x64xf32, #tpu.memory_space<vmem>>
    %dma_wait3A_127 = tpu.memref_squeeze %dma_wait3A_126 : memref<1x128x64xf32, #tpu.memory_space<vmem>> -> memref<128x64xf32, #tpu.memory_space<vmem>>
    %dma_wait3A_128 = arith.constant 0 : i32
    %dma_wait3A_129 = tpu.memref_slice %arg4[%add3A_120, %mul3A_122, %dma_wait3A_128] : memref<100x4096x128xf32, #tpu.memory_space<hbm>> -> memref<1x128x64xf32, #tpu.memory_space<hbm>>
    %dma_wait3A_130 = tpu.memref_squeeze %dma_wait3A_129 : memref<1x128x64xf32, #tpu.memory_space<hbm>> -> memref<128x64xf32, #tpu.memory_space<hbm>>
    %dma_wait3A_131 = arith.constant 0 : i32
    %dma_wait3A_132 = tpu.memref_slice %arg4[%add3A_120, %mul3A_122, %dma_wait3A_131] : memref<100x4096x128xf32, #tpu.memory_space<hbm>> -> memref<1x128x64xf32, #tpu.memory_space<hbm>>
    %dma_wait3A_133 = tpu.memref_squeeze %dma_wait3A_132 : memref<1x128x64xf32, #tpu.memory_space<hbm>> -> memref<128x64xf32, #tpu.memory_space<hbm>>
    %dma_wait3A_134 = arith.constant 0 : i32
    %dma_wait3A_135 = arith.constant 0 : i32
    %dma_wait3A_136 = tpu.memref_slice %arg6[%dma_wait3A_123, %dma_wait3A_134, %dma_wait3A_135] : memref<8x128x64xf32, #tpu.memory_space<vmem>> -> memref<1x128x64xf32, #tpu.memory_space<vmem>>
    %dma_wait3A_137 = tpu.memref_squeeze %dma_wait3A_136 : memref<1x128x64xf32, #tpu.memory_space<vmem>> -> memref<128x64xf32, #tpu.memory_space<vmem>>
    tpu.wait_dma2 semaphore(%arg17 : memref<!tpu.dma_semaphore, #tpu.memory_space<semaphore_mem>>) src(%dma_wait3A_137 : memref<128x64xf32, #tpu.memory_space<vmem>>) dst(%dma_wait3A_133 : memref<128x64xf32, #tpu.memory_space<hbm>>)
    %add3A_138 = arith.constant 24 : i32
    %add3A_139 = arith.addi %mul3A_2, %add3A_138 : i32
    %rem3A_140 = arith.constant 32 : i32
    %rem3A_141 = arith.remsi %add3A_139, %rem3A_140 : i32
    %div3A_142 = arith.constant 32 : i32
    %div3A_143 = arith.divsi %add3A_139, %div3A_142 : i32
    %mul3A_144 = arith.constant 4 : i32
    %mul3A_145 = arith.muli %div3A_143, %mul3A_144 : i32
    %add3A_146 = arith.constant 1 : i32
    %add3A_147 = arith.addi %mul3A_145, %add3A_146 : i32
    %mul3A_148 = arith.constant 128 : i32
    %mul3A_149 = arith.muli %rem3A_141, %mul3A_148 : i32
    %dma_wait3A_150 = arith.constant 3 : i32
    %dma_wait3A_151 = arith.constant 0 : i32
    %dma_wait3A_152 = arith.constant 0 : i32
    %dma_wait3A_153 = tpu.memref_slice %arg6[%dma_wait3A_150, %dma_wait3A_151, %dma_wait3A_152] : memref<8x128x64xf32, #tpu.memory_space<vmem>> -> memref<1x128x64xf32, #tpu.memory_space<vmem>>
    %dma_wait3A_154 = tpu.memref_squeeze %dma_wait3A_153 : memref<1x128x64xf32, #tpu.memory_space<vmem>> -> memref<128x64xf32, #tpu.memory_space<vmem>>
    %dma_wait3A_155 = arith.constant 64 : i32
    %dma_wait3A_156 = tpu.memref_slice %arg4[%add3A_147, %mul3A_149, %dma_wait3A_155] : memref<100x4096x128xf32, #tpu.memory_space<hbm>> -> memref<1x128x64xf32, #tpu.memory_space<hbm>>
    %dma_wait3A_157 = tpu.memref_squeeze %dma_wait3A_156 : memref<1x128x64xf32, #tpu.memory_space<hbm>> -> memref<128x64xf32, #tpu.memory_space<hbm>>
    %dma_wait3A_158 = arith.constant 64 : i32
    %dma_wait3A_159 = tpu.memref_slice %arg4[%add3A_147, %mul3A_149, %dma_wait3A_158] : memref<100x4096x128xf32, #tpu.memory_space<hbm>> -> memref<1x128x64xf32, #tpu.memory_space<hbm>>
    %dma_wait3A_160 = tpu.memref_squeeze %dma_wait3A_159 : memref<1x128x64xf32, #tpu.memory_space<hbm>> -> memref<128x64xf32, #tpu.memory_space<hbm>>
    %dma_wait3A_161 = arith.constant 0 : i32
    %dma_wait3A_162 = arith.constant 0 : i32
    %dma_wait3A_163 = tpu.memref_slice %arg6[%dma_wait3A_150, %dma_wait3A_161, %dma_wait3A_162] : memref<8x128x64xf32, #tpu.memory_space<vmem>> -> memref<1x128x64xf32, #tpu.memory_space<vmem>>
    %dma_wait3A_164 = tpu.memref_squeeze %dma_wait3A_163 : memref<1x128x64xf32, #tpu.memory_space<vmem>> -> memref<128x64xf32, #tpu.memory_space<vmem>>
    tpu.wait_dma2 semaphore(%arg18 : memref<!tpu.dma_semaphore, #tpu.memory_space<semaphore_mem>>) src(%dma_wait3A_164 : memref<128x64xf32, #tpu.memory_space<vmem>>) dst(%dma_wait3A_160 : memref<128x64xf32, #tpu.memory_space<hbm>>)
    %add3A_165 = arith.constant 24 : i32
    %add3A_166 = arith.addi %mul3A_2, %add3A_165 : i32
    %rem3A_167 = arith.constant 32 : i32
    %rem3A_168 = arith.remsi %add3A_166, %rem3A_167 : i32
    %div3A_169 = arith.constant 32 : i32
    %div3A_170 = arith.divsi %add3A_166, %div3A_169 : i32
    %mul3A_171 = arith.constant 4 : i32
    %mul3A_172 = arith.muli %div3A_170, %mul3A_171 : i32
    %add3A_173 = arith.constant 2 : i32
    %add3A_174 = arith.addi %mul3A_172, %add3A_173 : i32
    %mul3A_175 = arith.constant 128 : i32
    %mul3A_176 = arith.muli %rem3A_168, %mul3A_175 : i32
    %dma_wait3A_177 = arith.constant 4 : i32
    %dma_wait3A_178 = arith.constant 0 : i32
    %dma_wait3A_179 = arith.constant 0 : i32
    %dma_wait3A_180 = tpu.memref_slice %arg6[%dma_wait3A_177, %dma_wait3A_178, %dma_wait3A_179] : memref<8x128x64xf32, #tpu.memory_space<vmem>> -> memref<1x128x64xf32, #tpu.memory_space<vmem>>
    %dma_wait3A_181 = tpu.memref_squeeze %dma_wait3A_180 : memref<1x128x64xf32, #tpu.memory_space<vmem>> -> memref<128x64xf32, #tpu.memory_space<vmem>>
    %dma_wait3A_182 = arith.constant 0 : i32
    %dma_wait3A_183 = tpu.memref_slice %arg4[%add3A_174, %mul3A_176, %dma_wait3A_182] : memref<100x4096x128xf32, #tpu.memory_space<hbm>> -> memref<1x128x64xf32, #tpu.memory_space<hbm>>
    %dma_wait3A_184 = tpu.memref_squeeze %dma_wait3A_183 : memref<1x128x64xf32, #tpu.memory_space<hbm>> -> memref<128x64xf32, #tpu.memory_space<hbm>>
    %dma_wait3A_185 = arith.constant 0 : i32
    %dma_wait3A_186 = tpu.memref_slice %arg4[%add3A_174, %mul3A_176, %dma_wait3A_185] : memref<100x4096x128xf32, #tpu.memory_space<hbm>> -> memref<1x128x64xf32, #tpu.memory_space<hbm>>
    %dma_wait3A_187 = tpu.memref_squeeze %dma_wait3A_186 : memref<1x128x64xf32, #tpu.memory_space<hbm>> -> memref<128x64xf32, #tpu.memory_space<hbm>>
    %dma_wait3A_188 = arith.constant 0 : i32
    %dma_wait3A_189 = arith.constant 0 : i32
    %dma_wait3A_190 = tpu.memref_slice %arg6[%dma_wait3A_177, %dma_wait3A_188, %dma_wait3A_189] : memref<8x128x64xf32, #tpu.memory_space<vmem>> -> memref<1x128x64xf32, #tpu.memory_space<vmem>>
    %dma_wait3A_191 = tpu.memref_squeeze %dma_wait3A_190 : memref<1x128x64xf32, #tpu.memory_space<vmem>> -> memref<128x64xf32, #tpu.memory_space<vmem>>
    tpu.wait_dma2 semaphore(%arg19 : memref<!tpu.dma_semaphore, #tpu.memory_space<semaphore_mem>>) src(%dma_wait3A_191 : memref<128x64xf32, #tpu.memory_space<vmem>>) dst(%dma_wait3A_187 : memref<128x64xf32, #tpu.memory_space<hbm>>)
    %add3A_192 = arith.constant 24 : i32
    %add3A_193 = arith.addi %mul3A_2, %add3A_192 : i32
    %rem3A_194 = arith.constant 32 : i32
    %rem3A_195 = arith.remsi %add3A_193, %rem3A_194 : i32
    %div3A_196 = arith.constant 32 : i32
    %div3A_197 = arith.divsi %add3A_193, %div3A_196 : i32
    %mul3A_198 = arith.constant 4 : i32
    %mul3A_199 = arith.muli %div3A_197, %mul3A_198 : i32
    %add3A_200 = arith.constant 2 : i32
    %add3A_201 = arith.addi %mul3A_199, %add3A_200 : i32
    %mul3A_202 = arith.constant 128 : i32
    %mul3A_203 = arith.muli %rem3A_195, %mul3A_202 : i32
    %dma_wait3A_204 = arith.constant 5 : i32
    %dma_wait3A_205 = arith.constant 0 : i32
    %dma_wait3A_206 = arith.constant 0 : i32
    %dma_wait3A_207 = tpu.memref_slice %arg6[%dma_wait3A_204, %dma_wait3A_205, %dma_wait3A_206] : memref<8x128x64xf32, #tpu.memory_space<vmem>> -> memref<1x128x64xf32, #tpu.memory_space<vmem>>
    %dma_wait3A_208 = tpu.memref_squeeze %dma_wait3A_207 : memref<1x128x64xf32, #tpu.memory_space<vmem>> -> memref<128x64xf32, #tpu.memory_space<vmem>>
    %dma_wait3A_209 = arith.constant 64 : i32
    %dma_wait3A_210 = tpu.memref_slice %arg4[%add3A_201, %mul3A_203, %dma_wait3A_209] : memref<100x4096x128xf32, #tpu.memory_space<hbm>> -> memref<1x128x64xf32, #tpu.memory_space<hbm>>
    %dma_wait3A_211 = tpu.memref_squeeze %dma_wait3A_210 : memref<1x128x64xf32, #tpu.memory_space<hbm>> -> memref<128x64xf32, #tpu.memory_space<hbm>>
    %dma_wait3A_212 = arith.constant 64 : i32
    %dma_wait3A_213 = tpu.memref_slice %arg4[%add3A_201, %mul3A_203, %dma_wait3A_212] : memref<100x4096x128xf32, #tpu.memory_space<hbm>> -> memref<1x128x64xf32, #tpu.memory_space<hbm>>
    %dma_wait3A_214 = tpu.memref_squeeze %dma_wait3A_213 : memref<1x128x64xf32, #tpu.memory_space<hbm>> -> memref<128x64xf32, #tpu.memory_space<hbm>>
    %dma_wait3A_215 = arith.constant 0 : i32
    %dma_wait3A_216 = arith.constant 0 : i32
    %dma_wait3A_217 = tpu.memref_slice %arg6[%dma_wait3A_204, %dma_wait3A_215, %dma_wait3A_216] : memref<8x128x64xf32, #tpu.memory_space<vmem>> -> memref<1x128x64xf32, #tpu.memory_space<vmem>>
    %dma_wait3A_218 = tpu.memref_squeeze %dma_wait3A_217 : memref<1x128x64xf32, #tpu.memory_space<vmem>> -> memref<128x64xf32, #tpu.memory_space<vmem>>
    tpu.wait_dma2 semaphore(%arg20 : memref<!tpu.dma_semaphore, #tpu.memory_space<semaphore_mem>>) src(%dma_wait3A_218 : memref<128x64xf32, #tpu.memory_space<vmem>>) dst(%dma_wait3A_214 : memref<128x64xf32, #tpu.memory_space<hbm>>)
    %add3A_219 = arith.constant 24 : i32
    %add3A_220 = arith.addi %mul3A_2, %add3A_219 : i32
    %rem3A_221 = arith.constant 32 : i32
    %rem3A_222 = arith.remsi %add3A_220, %rem3A_221 : i32
    %div3A_223 = arith.constant 32 : i32
    %div3A_224 = arith.divsi %add3A_220, %div3A_223 : i32
    %mul3A_225 = arith.constant 4 : i32
    %mul3A_226 = arith.muli %div3A_224, %mul3A_225 : i32
    %add3A_227 = arith.constant 3 : i32
    %add3A_228 = arith.addi %mul3A_226, %add3A_227 : i32
    %mul3A_229 = arith.constant 128 : i32
    %mul3A_230 = arith.muli %rem3A_222, %mul3A_229 : i32
    %dma_wait3A_231 = arith.constant 6 : i32
    %dma_wait3A_232 = arith.constant 0 : i32
    %dma_wait3A_233 = arith.constant 0 : i32
    %dma_wait3A_234 = tpu.memref_slice %arg6[%dma_wait3A_231, %dma_wait3A_232, %dma_wait3A_233] : memref<8x128x64xf32, #tpu.memory_space<vmem>> -> memref<1x128x64xf32, #tpu.memory_space<vmem>>
    %dma_wait3A_235 = tpu.memref_squeeze %dma_wait3A_234 : memref<1x128x64xf32, #tpu.memory_space<vmem>> -> memref<128x64xf32, #tpu.memory_space<vmem>>
    %dma_wait3A_236 = arith.constant 0 : i32
    %dma_wait3A_237 = tpu.memref_slice %arg4[%add3A_228, %mul3A_230, %dma_wait3A_236] : memref<100x4096x128xf32, #tpu.memory_space<hbm>> -> memref<1x128x64xf32, #tpu.memory_space<hbm>>
    %dma_wait3A_238 = tpu.memref_squeeze %dma_wait3A_237 : memref<1x128x64xf32, #tpu.memory_space<hbm>> -> memref<128x64xf32, #tpu.memory_space<hbm>>
    %dma_wait3A_239 = arith.constant 0 : i32
    %dma_wait3A_240 = tpu.memref_slice %arg4[%add3A_228, %mul3A_230, %dma_wait3A_239] : memref<100x4096x128xf32, #tpu.memory_space<hbm>> -> memref<1x128x64xf32, #tpu.memory_space<hbm>>
    %dma_wait3A_241 = tpu.memref_squeeze %dma_wait3A_240 : memref<1x128x64xf32, #tpu.memory_space<hbm>> -> memref<128x64xf32, #tpu.memory_space<hbm>>
    %dma_wait3A_242 = arith.constant 0 : i32
    %dma_wait3A_243 = arith.constant 0 : i32
    %dma_wait3A_244 = tpu.memref_slice %arg6[%dma_wait3A_231, %dma_wait3A_242, %dma_wait3A_243] : memref<8x128x64xf32, #tpu.memory_space<vmem>> -> memref<1x128x64xf32, #tpu.memory_space<vmem>>
    %dma_wait3A_245 = tpu.memref_squeeze %dma_wait3A_244 : memref<1x128x64xf32, #tpu.memory_space<vmem>> -> memref<128x64xf32, #tpu.memory_space<vmem>>
    tpu.wait_dma2 semaphore(%arg21 : memref<!tpu.dma_semaphore, #tpu.memory_space<semaphore_mem>>) src(%dma_wait3A_245 : memref<128x64xf32, #tpu.memory_space<vmem>>) dst(%dma_wait3A_241 : memref<128x64xf32, #tpu.memory_space<hbm>>)
    %add3A_246 = arith.constant 24 : i32
    %add3A_247 = arith.addi %mul3A_2, %add3A_246 : i32
    %rem3A_248 = arith.constant 32 : i32
    %rem3A_249 = arith.remsi %add3A_247, %rem3A_248 : i32
    %div3A_250 = arith.constant 32 : i32
    %div3A_251 = arith.divsi %add3A_247, %div3A_250 : i32
    %mul3A_252 = arith.constant 4 : i32
    %mul3A_253 = arith.muli %div3A_251, %mul3A_252 : i32
    %add3A_254 = arith.constant 3 : i32
    %add3A_255 = arith.addi %mul3A_253, %add3A_254 : i32
    %mul3A_256 = arith.constant 128 : i32
    %mul3A_257 = arith.muli %rem3A_249, %mul3A_256 : i32
    %dma_wait3A_258 = arith.constant 7 : i32
    %dma_wait3A_259 = arith.constant 0 : i32
    %dma_wait3A_260 = arith.constant 0 : i32
    %dma_wait3A_261 = tpu.memref_slice %arg6[%dma_wait3A_258, %dma_wait3A_259, %dma_wait3A_260] : memref<8x128x64xf32, #tpu.memory_space<vmem>> -> memref<1x128x64xf32, #tpu.memory_space<vmem>>
    %dma_wait3A_262 = tpu.memref_squeeze %dma_wait3A_261 : memref<1x128x64xf32, #tpu.memory_space<vmem>> -> memref<128x64xf32, #tpu.memory_space<vmem>>
    %dma_wait3A_263 = arith.constant 64 : i32
    %dma_wait3A_264 = tpu.memref_slice %arg4[%add3A_255, %mul3A_257, %dma_wait3A_263] : memref<100x4096x128xf32, #tpu.memory_space<hbm>> -> memref<1x128x64xf32, #tpu.memory_space<hbm>>
    %dma_wait3A_265 = tpu.memref_squeeze %dma_wait3A_264 : memref<1x128x64xf32, #tpu.memory_space<hbm>> -> memref<128x64xf32, #tpu.memory_space<hbm>>
    %dma_wait3A_266 = arith.constant 64 : i32
    %dma_wait3A_267 = tpu.memref_slice %arg4[%add3A_255, %mul3A_257, %dma_wait3A_266] : memref<100x4096x128xf32, #tpu.memory_space<hbm>> -> memref<1x128x64xf32, #tpu.memory_space<hbm>>
    %dma_wait3A_268 = tpu.memref_squeeze %dma_wait3A_267 : memref<1x128x64xf32, #tpu.memory_space<hbm>> -> memref<128x64xf32, #tpu.memory_space<hbm>>
    %dma_wait3A_269 = arith.constant 0 : i32
    %dma_wait3A_270 = arith.constant 0 : i32
    %dma_wait3A_271 = tpu.memref_slice %arg6[%dma_wait3A_258, %dma_wait3A_269, %dma_wait3A_270] : memref<8x128x64xf32, #tpu.memory_space<vmem>> -> memref<1x128x64xf32, #tpu.memory_space<vmem>>
    %dma_wait3A_272 = tpu.memref_squeeze %dma_wait3A_271 : memref<1x128x64xf32, #tpu.memory_space<vmem>> -> memref<128x64xf32, #tpu.memory_space<vmem>>
    tpu.wait_dma2 semaphore(%arg22 : memref<!tpu.dma_semaphore, #tpu.memory_space<semaphore_mem>>) src(%dma_wait3A_272 : memref<128x64xf32, #tpu.memory_space<vmem>>) dst(%dma_wait3A_268 : memref<128x64xf32, #tpu.memory_space<hbm>>)
    return
  }
}

module attributes {stable_mosaic.version = 14 : i64} {
  func.func @_out_relayout_body(%arg0: i32, %arg1: memref<4096x128xf32, #tpu.memory_space<vmem>>, %arg2: memref<2x64x4096xf32, #tpu.memory_space<vmem>>) attributes {dimension_semantics = [#tpu.dimension_semantics<arbitrary>], iteration_bounds = array<i64: 100>, scalar_prefetch = 0 : i64, scratch_operands = 0 : i64, tpu.core_type = #tpu.core_type<tc>, window_params = [{transform_indices = @transform_0, window_bounds = array<i64: 4096, 128>}, {transform_indices = @transform_1, window_bounds = array<i64: 2, 64, 4096>}]} {
    %get3A = arith.constant 0 : index
    %get3A_0 = arith.constant 0 : index
    %get3A_1 = vector.load %arg1[%get3A, %get3A_0] : memref<4096x128xf32, #tpu.memory_space<vmem>>, vector<4096x128xf32>
    %transpose3A = tpu.transpose %get3A_1, [1, 0] : vector<4096x128xf32> -> vector<128x4096xf32>
    %reshape3A = vector.shape_cast %transpose3A : vector<128x4096xf32> to vector<2x64x4096xf32>
    %swap3A = arith.constant 0 : index
    %swap3A_2 = arith.constant 0 : index
    %swap3A_3 = arith.constant 0 : index
    %swap3A_4 = vector.load %arg2[%swap3A, %swap3A_2, %swap3A_3] : memref<2x64x4096xf32, #tpu.memory_space<vmem>>, vector<2x64x4096xf32>
    tpu.vector_store %arg2[%swap3A, %swap3A_2, %swap3A_3], %reshape3A {strides = array<i32>} : memref<2x64x4096xf32, #tpu.memory_space<vmem>>, vector<2x64x4096xf32>,
    return
  }
  func.func @transform_0(%arg0: i32) -> (i32, i32) {
    %c0_i32 = arith.constant 0 : i32
    %c0_i32_0 = arith.constant 0 : i32
    return %arg0, %c0_i32 : i32, i32
  }
  func.func @transform_1(%arg0: i32) -> (i32, i32, i32) {
    %c0_i32 = arith.constant 0 : i32
    %c0_i32_0 = arith.constant 0 : i32
    %c0_i32_1 = arith.constant 0 : i32
    return %arg0, %c0_i32, %c0_i32_0 : i32, i32, i32
  }
}

module attributes {stable_mosaic.version = 14 : i64} {
  func.func @_w_relayout_body(%arg0: i32, %arg1: memref<64x4096xf32, #tpu.memory_space<vmem>>, %arg2: memref<2048x128xf32, #tpu.memory_space<vmem>>) attributes {dimension_semantics = [#tpu.dimension_semantics<arbitrary>], iteration_bounds = array<i64: 245>, scalar_prefetch = 0 : i64, scratch_operands = 0 : i64, tpu.core_type = #tpu.core_type<tc>, window_params = [{transform_indices = @transform_0, window_bounds = array<i64: 64, 4096>}, {transform_indices = @transform_1, window_bounds = array<i64: 2048, 128>}]} {
    %get3A = arith.constant 0 : index
    %get3A_0 = arith.constant 0 : index
    %get3A_1 = vector.load %arg1[%get3A, %get3A_0] : memref<64x4096xf32, #tpu.memory_space<vmem>>, vector<64x4096xf32>
    %transpose3A = tpu.transpose %get3A_1, [1, 0] : vector<64x4096xf32> -> vector<4096x64xf32>
    %reshape3A = vector.shape_cast %transpose3A : vector<4096x64xf32> to vector<2048x2x64xf32>
    %slice3A = vector.extract_strided_slice %reshape3A {offsets = [0, 0, 0], sizes = [2048, 1, 64], strides = [1, 1, 1]} : vector<2048x2x64xf32> to vector<2048x1x64xf32>
    %squeeze3A = vector.shape_cast %slice3A : vector<2048x1x64xf32> to vector<2048x64xf32>
    %slice3A_2 = vector.extract_strided_slice %reshape3A {offsets = [0, 1, 0], sizes = [2048, 1, 64], strides = [1, 1, 1]} : vector<2048x2x64xf32> to vector<2048x1x64xf32>
    %squeeze3A_3 = vector.shape_cast %slice3A_2 : vector<2048x1x64xf32> to vector<2048x64xf32>
    %concatenate3A = tpu.concatenate %squeeze3A, %squeeze3A_3 in 1 : vector<2048x64xf32>, vector<2048x64xf32> -> vector<2048x128xf32>
    %swap3A = arith.constant 0 : index
    %swap3A_4 = arith.constant 0 : index
    %swap3A_5 = vector.load %arg2[%swap3A, %swap3A_4] : memref<2048x128xf32, #tpu.memory_space<vmem>>, vector<2048x128xf32>
    tpu.vector_store %arg2[%swap3A, %swap3A_4], %concatenate3A {strides = array<i32>} : memref<2048x128xf32, #tpu.memory_space<vmem>>, vector<2048x128xf32>,
    return
  }
  func.func @transform_0(%arg0: i32) -> (i32, i32) {
    %c0_i32 = arith.constant 0 : i32
    %c0_i32_0 = arith.constant 0 : i32
    return %c0_i32, %arg0 : i32, i32
  }
  func.func @transform_1(%arg0: i32) -> (i32, i32) {
    %c0_i32 = arith.constant 0 : i32
    %c0_i32_0 = arith.constant 0 : i32
    return %arg0, %c0_i32 : i32, i32
  }
}

</mosaic_0001>

<sc_bundles>
// kernel: kernel.5.cloned.1.call-start
scs
__scs_entry_jumppad:
0x0: {  	(pc) =	sbr.rel $0x88, $3  }
0x1: {  	(tag) =	ssettag $0x0;
	lr =	simm.s32 $0x1  }
0x2: {  	[smem:$0x3F9F] =	sst lr;
	_ =	strace $0xD0000000  }
0x3: {  	_ = 	snop  }
0x4: {  	_ = 	snop  }
0x5: {  	_ = 	snop  }
0x6: {  	_ = 	snop  }
0x7: {  	_ = 	snop  }
__scs_overlays_trampoline_lowered:
0x8: {  	[smem:$0x3FAE] =	sst s0  }
0x9: {  	[smem:$0x3FAF] =	sst s1  }
0xa: {  	[smem:$0x3FB0] =	sst s2  }
0xb: {  	[smem:$0x3FB1] =	sst s3  }
0xc: {  	[smem:$0x3FB2] =	sst s4  }
0xd: {  	[smem:$0x3FB3] =	sst s5  }
0xe: {  	[smem:$0x3FB4] =	sst s6  }
0xf: {  	[smem:$0x3FB5] =	sst s7  }
0x10: {  	[smem:$0x3FB6] =	sst s8  }
0x11: {  	[smem:$0x3FB7] =	sst s9;
	s0 =	simm.s32 @!p0 $0x0  }
0x12: {  	s1 =	sld [smem:$0x3F9D];
	s0 =	simm.s32 @p0 $0x1  }
0x13: {  	[smem:$0x3FB8] =	sst s0;
	s0 =	simm.s32 @!p1 $0x0  }
0x14: {  	s2 =	sld [smem:$0x3F9C];
	s0 =	simm.s32 @p1 $0x1  }
0x15: {  	[smem:$0x3FB9] =	sst s0;
	s0 =	simm.s32 @!p2 $0x0  }
0x16: {  	s3 =	sld [smem:$0x3FDB];
	s0 =	simm.s32 @p2 $0x1  }
0x17: {  	s4 =	simm.s32 $0x1BF5;
	[smem:$0x3FBB] =	sst s0  }
0x18: {  	s0 =	sld [smem:$0x3F9E];
	_ =	swait.ge [sflag:s4], $0x0  }
0x19: {  	s7 =	sld [smem:$0x3F9F]  }
0x1a: {  	s8 =	sadd.s32 $0xFFFFE003, lr  }
0x1b: {  	s9 =	sadd.s32 $0xFFFFFEF7, lr;
	s5 =	simm.s32 $0xFFFFFFFF;
	p2 =	slt.u32 s8, $0xFFFFF086  }
0x1c: {  	p1 =	slt.u32 s9, $0xF7A;
	s5 =	simm.s32 @!p2 $0x0  }
0x1d: {  	s5 =	simm.s32 @p1 $0x1;
	p0 =	seq.s32 s7, s2  }
0x1e: {  	s7 =	smul.u32 @!p0 $0xF7A, s2;
	p2 =	seq.s32 @!p0 s5, $0x0  }
0x1f: {  	s9 =	smul.u32 $0xF7A, s1;
	s8 =	simm.s32 @!p0 $0x1BF5;
	p2 =	por !p2, p0  }
0x20: {  	[sflag:s8] =	ssyncset.s32 @!p0 $0xFFFFF086;
	s6 =	sadd.s32 @!p0 s3, s7;
	s7 =	simm.s32 @!p0 $0x108  }
0x21: {  	s3 =	sadd.s32 s3, s9;
	s6 =	sadd.s32 @!p0 $0x88, s6;
	s7 =	simm.s32 @p2 $0x1082  }
0x22: {  	[simem:s7], [sflag:s8] =	dma.local @!p0 [hbm:s6], $0xF7A  }
0x23: {  	s9 =	sor.u32 $0xD0000000, s2;
	s6 =	simm.s32 $0x108;
	_ =	swait.ge @!p0 [sflag:s8], $0x0  }
0x24: {  	s3 =	sadd.s32 $0x88, s3;
	s6 =	simm.s32 @!p1 $0x1082;
	[sflag:s4] =	ssyncset.s32 $0xFFFFF086  }
0x25: {  	[simem:s6], [sflag:s4] =	dma.local [hbm:s3], $0xF7A  }
0x26: {  	[smem:$0x3F9F] =	sst s1;
	(tag) =	ssettag s2;
	_ =	strace s9  }
0x27: {  	s1 =	sld [smem:$0x3FAF]  }
0x28: {  	s2 =	sld [smem:$0x3FB0]  }
0x29: {  	s4 =	sld [smem:$0x3FB2]  }
0x2a: {  	p0 =	seq.s32 s5, $0x0;
	s5 =	sld [smem:$0x3FB3]  }
0x2b: {  	s6 =	sld [smem:$0x3FB4]  }
0x2c: {  	s7 =	sld [smem:$0x3FB5]  }
0x2d: {  	s3 =	simm.s32 $0x108;
	s8 =	sld [smem:$0x3FB6]  }
0x2e: {  	s3 =	simm.s32 @!p0 $0x1082;
	s9 =	sld [smem:$0x3FB7]  }
0x2f: {  	lr =	sadd.s32 s0, s3;
	s0 =	sld [smem:$0x3FAE]  }
0x30: {  	s3 =	sld [smem:$0x3FB1]  }
0x31: {  	[smem:$0x3FBA] =	sst s10  }
0x32: {  	s10 =	sld [smem:$0x3FB8];
	_ =	sdelay $0x3  }
0x33: {  	p0 =	seq.s32 s10, $0x1;
	s10 =	sld [smem:$0x3FBA];
	_ =	sdelay $0x3  }
0x34: {  	[smem:$0x3FBA] =	sst s10  }
0x35: {  	s10 =	sld [smem:$0x3FB9];
	_ =	sdelay $0x3  }
0x36: {  	p1 =	seq.s32 s10, $0x1;
	s10 =	sld [smem:$0x3FBA];
	_ =	sdelay $0x3  }
0x37: {  	[smem:$0x3FBA] =	sst s10  }
0x38: {  	s10 =	sld [smem:$0x3FBB]  }
0x39: {  	_ = 	snop;
	(pc) =	sbr.ind lr, $3  }
0x3a: {  	_ = 	snop  }
0x3b: {  	_ = 	snop  }
0x3c: {  	p2 =	seq.s32 s10, $0x1;
	s10 =	sld [smem:$0x3FBA]  }
0x3d: {  	_ =	shalt  }
0x3e: {  	_ =	shalt  }
0x3f: {  	_ =	shalt  }
0x40: {  	_ =	shalt  }
0x41: {  	_ =	shalt  }
0x42: {  	_ =	shalt  }
0x43: {  	_ =	shalt  }
0x44: {  	_ =	shalt  }
0x45: {  	_ =	shalt  }
0x46: {  	_ =	shalt  }
0x47: {  	_ =	shalt  }
0x48: {  	_ =	shalt  }
0x49: {  	_ =	shalt  }
0x4a: {  	_ =	shalt  }
0x4b: {  	_ =	shalt  }
0x4c: {  	_ =	shalt  }
0x4d: {  	_ =	shalt  }
0x4e: {  	_ =	shalt  }
0x4f: {  	_ =	shalt  }
0x50: {  	_ =	shalt  }
0x51: {  	_ =	shalt  }
0x52: {  	_ =	shalt  }
0x53: {  	_ =	shalt  }
0x54: {  	_ =	shalt  }
0x55: {  	_ =	shalt  }
0x56: {  	_ =	shalt  }
0x57: {  	_ =	shalt  }
0x58: {  	_ =	shalt  }
0x59: {  	_ =	shalt  }
0x5a: {  	_ =	shalt  }
0x5b: {  	_ =	shalt  }
0x5c: {  	_ =	shalt  }
0x5d: {  	_ =	shalt  }
0x5e: {  	_ =	shalt  }
0x5f: {  	_ =	shalt  }
0x60: {  	_ =	shalt  }
0x61: {  	_ =	shalt  }
0x62: {  	_ =	shalt  }
0x63: {  	_ =	shalt  }
0x64: {  	_ =	shalt  }
0x65: {  	_ =	shalt  }
0x66: {  	_ =	shalt  }
0x67: {  	_ =	shalt  }
0x68: {  	_ =	shalt  }
0x69: {  	_ =	shalt  }
0x6a: {  	_ =	shalt  }
0x6b: {  	_ =	shalt  }
0x6c: {  	_ =	shalt  }
0x6d: {  	_ =	shalt  }
0x6e: {  	_ =	shalt  }
0x6f: {  	_ =	shalt  }
0x70: {  	_ =	shalt  }
0x71: {  	_ =	shalt  }
0x72: {  	_ =	shalt  }
0x73: {  	_ =	shalt  }
0x74: {  	_ =	shalt  }
0x75: {  	_ =	shalt  }
0x76: {  	_ =	shalt  }
0x77: {  	_ =	shalt  }
0x78: {  	_ =	shalt  }
0x79: {  	_ =	shalt  }
0x7a: {  	_ =	shalt  }
0x7b: {  	_ =	shalt  }
0x7c: {  	_ =	shalt  }
0x7d: {  	_ =	shalt  }
0x7e: {  	_ =	shalt  }
0x7f: {  	_ =	shalt  }
0x80: {  	_ =	shalt  }
0x81: {  	_ =	shalt  }
0x82: {  	_ =	shalt  }
0x83: {  	_ =	shalt  }
0x84: {  	_ =	shalt  }
0x85: {  	_ =	shalt  }
0x86: {  	_ =	shalt  }
0x87: {  	_ =	shalt  }
.Lfunc_end0:
.L_simem_size_0:
called_computation_lowered:
.L_overlay_start_0:
0x88: {  	s2 =	sld [smem:$0x3FD9]  }
0x89: {  	s3 =	sld [smem:$0x3FFE];
	_ =	sdelay $0x1  }
0x8a: {  	s1 =	srdreg.scid  }
0x8b: {  	s0 =	sand.u32 $0x1, s1  }
0x8c: {  	s17 =	sshll.u32 s0, $0xA;
	s2 =	sadd.s32 s3, s2  }
0x8d: {  	s2 =	sadd.s32 s2, s17  }
0x8e: {  	[smem:$0x3FC6] =	sst s2  }
0x8f: {  	_ = 	snop  }
0x90: {  	s2 =	sld [smem:$0x3FC9];
	(tm) =	ssettm $0x1  }
0x91: {  	s18 =	sld [smem:$0x3FFB];
	_ =	sdelay $0x3  }
0x92: {  	_ =	strace s18  }
0x93: {  	s3 =	sld [smem:$0x3FFC];
	_ =	sdelay $0x3  }
0x94: {  	_ =	strace s3  }
0x95: {  	s3 =	sld [smem:$0x3FFD];
	_ =	sdelay $0x3  }
0x96: {  	_ =	strace s3  }
0x97: {  	_ =	strace $0x8FFFFFFF  }
0x98: {  	s19 =	sld [smem:$0x3FDB];
	_ =	sdelay $0x1  }
0x99: {  	s4 =	simm.s32 $_scs_section_size  }
0x9a: {  	s5 =	simm.s32 $_size__tile_overlayer_lowered;
	s6 =	simm.s32 $_tile_overlayer_lowered  }
0x9b: {  	s22 =	simm.s32 $0x1BFF;
	s21 =	sshll.u32 s6, $0x1;
	s3 =	sadd.s32 s4, s19  }
0x9c: {  	s7 =	simm.s32 $0x0;
	s20 =	sshll.u32 s5, $0x1;
	s5 =	sadd.s32 s21, s3  }
0x9d: {  	[timem:s7], [sflag:s22] =	dma.local [hbm:s5], s20  }
0x9e: {  	_ =	swait.ge [sflag:s22], s20  }
0x9f: {  	s4 =	ssub.s32 $0x0, s20;
	[sflag:s22] =	ssyncset.done $0x0  }
0xa0: {  	[sflag:s22] =	ssyncadd.s32 s4;
	_ =	sdelay $0x1  }
0xa1: {  	s23 =	simm.s32 $0x1B8B  }
0xa2: {  	_ =	swait.ge [sflag:s23], $0x1  }
0xa3: {  	[sflag:s23] =	ssyncset.done $0x0  }
0xa4: {  	s25 =	simm.s32 $0x1B8E;
	s24 =	sld [smem:$0x3FFE];
	[sflag:s23] =	ssyncadd.s32 $0xFFFFFFFF  }
0xa5: {  	s26 =	simm.s32 $execute0_lowered;
	[smem:$0x3FD2] =	sst s25  }
0xa6: {  	s5 =	sshll.u32 s26, $0x1;
	_ =	strace $0x80000046;
	[dreg:$0x1] =	wrdreg $0xFFFFFFFF  }
0xa7: {  	s28 =	simm.s32 $_size_execute0_lowered;
	s3 =	sadd.s32 s3, s5;
	[dreg:$0x0] =	wrdreg $0x0  }
0xa8: {  	s5 =	sshll.u32 s28, $0x1;
	[dreg:$0x2] =	wrdreg s3  }
0xa9: {  	[dreg:$0x3] =	wrdreg s5  }
0xaa: {  	[dreg:$0x4] =	wrdreg $0xC0  }
0xab: {  	_ =	task [dreg:s7], $0x5FFFF  }
0xac: {  	[dreg:$0x1] =	wrdreg $0xFFFFFFFF  }
0xad: {  	[dreg:$0x0] =	wrdreg $0x60  }
0xae: {  	[dreg:$0x2] =	wrdreg s2  }
0xaf: {  	[dreg:$0x3] =	wrdreg s24  }
0xb0: {  	[dreg:$0x4] =	wrdreg $0x9  }
0xb1: {  	_ =	task.clear_ibuf [dreg:s7], $0x5FFFF;
	_ =	strace $0x90000046  }
0xb2: {  	s29 =	simm.s32 $0x9;
	_ =	strace $0x80000048  }
0xb3: {  	_ =	swait.ge [sflag:s29], $0x1  }
0xb4: {  	[sflag:s29] =	ssyncadd.s32 $0xFFFFFFFF  }
0xb5: {  	_ =	strace $0x90000048  }
0xb6: {  	_ =	sfence  }
0xb7: {  	s30 =	sld [smem:$0x0];
	_ =	sdelay $0x2  }
0xb8: {  	s31 =	sshll.u32 s1, $0xD;
	s1 =	sshrl.u32 s1, $0x2  }
0xb9: {  	s3 =	sand.u32 $0x4000, s31;
	s1 =	sadd.s32 s1, s30  }
0xba: {  	s0 =	sor.u32 s3, s0;
	s1 =	sshll.u32 s1, $0x11  }
0xbb: {  	s0 =	sor.u32 s1, s0  }
0xbc: {  	s0 =	sadd.s32 $0x8F2B, s0  }
0xbd: {  	[sflag:s0] =	ssyncadd.remote.s32 $0x1  }
0xbe: {  	_ =	sfence.sel $0xFFFF  }
0xbf: {  	[dreg:$0x0] =	wrdreg $0xFFFFFFFF;
	(pc) =	sbr.abs _section_cstart, $3  }
0xc0: {  	[dreg:$0x1] =	wrdreg $0xFFFFFFFF  }
0xc1: {  	_ =	task.clear_ibuf [dreg:s7], $0x2FFFF;
	_ =	strace $0x9FFFFFFF  }
0xc2: {  	(tm) =	ssettm $0x7FFFFFFF  }
0xc3: {  	_ =	shalt  }
tec
execute0_lowered:
.L_overlay_start_1:
0x0: {  	(tag) =	ssettag $0x1  }
0x1: {  	s0 =	rddreg [dreg:$0x0]  }
0x2: {  	s1 =	rddreg [dreg:$0x1]  }
0x3: {  	s4 =	simm.s32 $0x0;
	s2 =	srdreg.scid;
	s3 =	stileid.u32  }
0x4: {  	s16 =	simm.s32 $0x80;
	s22 =	simm.s32 $0xC400;
	s23 =	simm.s32 $0x1  }
0x5: {  	s24 =	simm.s32 $0x40;
	s28 =	simm.s32 $0x10400;
	s29 =	simm.s32 $0x3  }
0x6: {  	s30 =	simm.s32 $0x12400;
	s31 =	simm.s32 $0x4;
	s19 =	simm.s32 $0x6  }
0x7: {  	[smem:$0x7FF] =	sst s4;
	s25 =	sshll.u32 s3, $0x1;
	s3 =	sadd.s32 $0x400, s1  }
0x8: {  	s21 =	simm.s32 $0x7;
	s4 =	sadd.s32 $0x7A1600, s1;
	s8 =	sadd.s32 $0x7B1608, s1  }
0x9: {  	s15 =	simm.s32 $0x0;
	s10 =	sadd.s32 $0x7C1600, s1;
	s11 =	sadd.s32 $0x7C1608, s1  }
0xa: {  	s2 =	sand.u32 $0x1, s2;
	s12 =	sadd.s32 $0x7D1600, s1;
	s13 =	sadd.s32 $0x7D1608, s1  }
0xb: {  	_ =	strace $0x80000047;
	s6 =	sor.u32 s2, s25;
	s2 =	ssub.s32 $0x2, s2  }
0xc: {  	s25 =	simm.s32 $0xE400;
	s7 =	sshrl.u32 s2, $0x1;
	s9 =	smul.u32 $0xC80, s6  }
0xd: {  	s5 =	smul.u32 $0x19, s6;
	s6 =	sadd.s32 $0x7A1608, s1;
	s2 =	ssub.s32 s2, s7  }
0xe: {  	s7 =	sadd.s32 $0x7B1600, s1;
	s1 =	simm.s32 $0x5;
	s0 =	sadd.s32 s0, s9  }
0xf: {  	s26 =	smax.u32 s2, $0x1;
	s2 =	simm.s32 $0x8;
	[dreg:$0x3] =	wrdreg s0  }
0x10: {  	[dreg:$0x4] =	wrdreg s26;
	s26 =	simm.s32 $0x2;
	s0 =	simm.s32 $0x14400  }
.LBB2_1:
0x11: {  	[dreg:$0x5] =	wrdreg s15  }
0x12: {  	s9 =	simm.s32 $0x0;
	s14 =	rddreg [dreg:$0x3];
	s18 =	simm.s32 $0x11  }
0x13: {  	[tilespmem:s9], [sflag:$0x11] =	stream.linear.gather [hbm4b:s14+s9], $0x6400, $0x38;
	[tilespmem:$0x16400] =	vst v63  }
0x14: {  	_ =	swait.ge [sflag:s18], $0x6400  }
0x15: {  	[sflag:s18] =	ssyncset.done $0x0  }
0x16: {  	s20 =	simm.s32 $0x6400;
	[sflag:s18] =	ssyncadd.s32 $0xFFFF9C00  }
0x17: {  	[tilespmem:s20], [sflag:$0x1] =	stream.indirect.gather [hbm4b:s3+s16], $0x40, s9, s16, $0xb8;
	[tilespmem:$0x16400] =	vst v63  }
0x18: {  	s15 =	simm.s32 $0x8400  }
0x19: {  	[tilespmem:s15], [sflag:$0x2] =	stream.indirect.gather [hbm4b:s3+s16], $0x40, s16, s16, $0xb8;
	[tilespmem:$0x16400] =	vst v63  }
0x1a: {  	s17 =	simm.s32 $0x100;
	s18 =	simm.s32 $0xA400  }
0x1b: {  	[tilespmem:s18], [sflag:$0x3] =	stream.indirect.gather [hbm4b:s3+s16], $0x40, s17, s16, $0xb8;
	[tilespmem:$0x16400] =	vst v63  }
0x1c: {  	s14 =	simm.s32 $0x0;
	s20 =	simm.s32 $0x180  }
0x1d: {  	[tilespmem:s22], [sflag:$0x4] =	stream.indirect.gather [hbm4b:s3+s16], $0x40, s20, s16, $0xb8;
	[tilespmem:$0x16400] =	vst v63  }
.LBB2_2:
0x1e: {  	_ =	swait.ge [sflag:s23], $0x2000  }
0x1f: {  	[sflag:s23] =	ssyncset.done $0x0  }
0x20: {  	s15 =	simm.s32 $0x6480;
	[sflag:s23] =	ssyncadd.s32 $0xFFFFE000  }
0x21: {  	v0 =	vld [tilespmem:s15+$0xFFFFFF80]  }
0x22: {  	v1 =	vld [tilespmem:s15+$0xFFFFFF90]  }
0x23: {  	v2 =	vld [tilespmem:s15+$0xFFFFFFA0]  }
0x24: {  	v3 =	vld [tilespmem:s15+$0xFFFFFFB0]  }
0x25: {  	v4 =	vld [tilespmem:s15+$0xFFFFFFC0]  }
0x26: {  	v5 =	vld [tilespmem:s15+$0xFFFFFFD0];
	v0 =	vmul.f32 $8.000000000e+00, v0  }
0x27: {  	v6 =	vld [tilespmem:s15+$0xFFFFFFE0];
	v1 =	vmul.f32 $8.000000000e+00, v1  }
0x28: {  	[tilespmem:s15+$0xFFFFFF80] =	vst v0;
	v0 =	vmul.f32 $8.000000000e+00, v2;
	v2 =	vld [tilespmem:s15+$0x0]  }
0x29: {  	[tilespmem:s15+$0xFFFFFF90] =	vst v1;
	v1 =	vmul.f32 $8.000000000e+00, v3;
	v3 =	vld [tilespmem:s15+$0x10]  }
0x2a: {  	[tilespmem:s15+$0xFFFFFFA0] =	vst v0;
	v0 =	vmul.f32 $8.000000000e+00, v4;
	v4 =	vld [tilespmem:s15+$0x20]  }
0x2b: {  	v7 =	vld [tilespmem:s15+$0x30];
	v5 =	vmul.f32 $8.000000000e+00, v5;
	[tilespmem:s15+$0xFFFFFFB0] =	vst v1  }
0x2c: {  	v1 =	vld [tilespmem:s15+$0x40];
	[tilespmem:s15+$0xFFFFFFC0] =	vst v0;
	v0 =	vmul.f32 $8.000000000e+00, v6  }
0x2d: {  	[tilespmem:s15+$0xFFFFFFD0] =	vst v5;
	v5 =	vmul.f32 $8.000000000e+00, v2;
	v2 =	vld [tilespmem:s15+$0x50]  }
0x2e: {  	v6 =	vmul.f32 $8.000000000e+00, v3;
	v3 =	vld [tilespmem:s15+$0x60];
	[tilespmem:s15+$0xFFFFFFE0] =	vst v0  }
0x2f: {  	[tilespmem:s15+$0x0] =	vst v5;
	v5 =	vmul.f32 $8.000000000e+00, v4;
	v4 =	vld [tilespmem:s15+$0x70]  }
0x30: {  	s9 =	simm.s32 $0x0;
	s17 =	simm.s32 $0x6580;
	v0 =	vld [tilespmem:s15+$0xFFFFFFF0];
	[tilespmem:s15+$0x10] =	vst v6;
	v6 =	vmul.f32 $8.000000000e+00, v7  }
.LBB2_3:
0x31: {  	v7 =	vld [tilespmem:s17+$0xFFFFFF80];
	[tilespmem:s15+$0x20] =	vst v5;
	v1 =	vmul.f32 $8.000000000e+00, v1  }
0x32: {  	v5 =	vld [tilespmem:s17+$0xFFFFFF90];
	[tilespmem:s15+$0x30] =	vst v6;
	v2 =	vmul.f32 $8.000000000e+00, v2  }
0x33: {  	v6 =	vld [tilespmem:s17+$0xFFFFFFA0];
	[tilespmem:s15+$0x40] =	vst v1;
	v1 =	vmul.f32 $8.000000000e+00, v3  }
0x34: {  	v3 =	vld [tilespmem:s17+$0xFFFFFFB0];
	[tilespmem:s15+$0x50] =	vst v2;
	v2 =	vmul.f32 $8.000000000e+00, v4  }
0x35: {  	v4 =	vld [tilespmem:s17+$0xFFFFFFC0];
	v0 =	vmul.f32 $8.000000000e+00, v0;
	[tilespmem:s15+$0x60] =	vst v1  }
0x36: {  	v1 =	vmul.f32 $8.000000000e+00, v7;
	v7 =	vld [tilespmem:s17+$0xFFFFFFD0];
	[tilespmem:s15+$0x70] =	vst v2  }
0x37: {  	v2 =	vmul.f32 $8.000000000e+00, v5;
	v5 =	vld [tilespmem:s17+$0xFFFFFFE0];
	[tilespmem:s15+$0xFFFFFFF0] =	vst v0;
	s15 =	smov.u32 s17  }
0x38: {  	[tilespmem:s17+$0xFFFFFF80] =	vst v1;
	v0 =	vmul.f32 $8.000000000e+00, v6;
	v6 =	vld [tilespmem:s17+$0x0]  }
0x39: {  	[tilespmem:s17+$0xFFFFFF90] =	vst v2;
	v1 =	vmul.f32 $8.000000000e+00, v3;
	v3 =	vld [tilespmem:s17+$0x10]  }
0x3a: {  	s9 =	sadd.s32 $0x2, s9;
	[tilespmem:s17+$0xFFFFFFA0] =	vst v0;
	v0 =	vmul.f32 $8.000000000e+00, v4;
	v4 =	vld [tilespmem:s17+$0x20]  }
0x3b: {  	p0 =	slt.u32 s9, $0x3E;
	[tilespmem:s17+$0xFFFFFFB0] =	vst v1;
	v2 =	vmul.f32 $8.000000000e+00, v7;
	v7 =	vld [tilespmem:s17+$0x30]  }
.Ltmp0:
0x3c: {  	[tilespmem:s17+$0xFFFFFFC0] =	vst v0;
	v0 =	vmul.f32 $8.000000000e+00, v5;
	v1 =	vld [tilespmem:s17+$0x40];
	(pc) =	sbr.rel @p0 .LBB2_3-.Ltmp0, $4  }
0x3d: {  	[tilespmem:s17+$0xFFFFFFD0] =	vst v2;
	v5 =	vmul.f32 $8.000000000e+00, v6;
	v2 =	vld [tilespmem:s17+$0x50]  }
0x3e: {  	[tilespmem:s17+$0xFFFFFFE0] =	vst v0;
	v6 =	vmul.f32 $8.000000000e+00, v3;
	v3 =	vld [tilespmem:s17+$0x60]  }
0x3f: {  	[tilespmem:s17+$0x0] =	vst v5;
	v5 =	vmul.f32 $8.000000000e+00, v4;
	v4 =	vld [tilespmem:s17+$0x70]  }
0x40: {  	s17 =	sadd.s32 $0x100, s17;
	v0 =	vld [tilespmem:s15+$0xFFFFFFF0];
	[tilespmem:s15+$0x10] =	vst v6;
	v6 =	vmul.f32 $8.000000000e+00, v7  }
0x41: {  	[tilespmem:s15+$0x20] =	vst v5;
	v1 =	vmul.f32 $8.000000000e+00, v1  }
0x42: {  	s9 =	sadd.s32 s5, s14;
	[tilespmem:s15+$0x30] =	vst v6;
	v2 =	vmul.f32 $8.000000000e+00, v2  }
0x43: {  	s17 =	sshll.u32 s9, $0x10;
	s9 =	sshll.u32 s9, $0xE;
	[tilespmem:s15+$0x40] =	vst v1;
	v1 =	vmul.f32 $8.000000000e+00, v3  }
0x44: {  	s17 =	sand.u32 $0x7FE00000, s17;
	s9 =	sand.u32 $0x7C000, s9;
	[tilespmem:s15+$0x50] =	vst v2;
	v2 =	vmul.f32 $8.000000000e+00, v4  }
0x45: {  	s9 =	sor.u32 s9, s17;
	v0 =	vmul.f32 $8.000000000e+00, v0;
	[tilespmem:s15+$0x60] =	vst v1  }
0x46: {  	p0 =	seq.s32 s14, $0x0;
	s9 =	sshrl.u32 s9, $0x3;
	[tilespmem:s15+$0x70] =	vst v2  }
0x47: {  	s20 =	simm.s32 $0x6400;
	s17 =	simm.s32 @!p0 $0xD;
	s18 =	sadd.s32 s4, s9;
	[tilespmem:s15+$0xFFFFFFF0] =	vst v0  }
0x48: {  	[hbm4b:s18+s24] =	stream.strided.scatter [tilespmem:s20], [sflag:$0x9], $0x2000, s16, s24, $0x38;
	[tilespmem:$0x16400] =	vst v63  }
0x49: {  	s18 =	sshll.u32 s14, $0xA;
	_ =	swait.ge @!p0 [sflag:s17], $0x2000  }
0x4a: {  	s15 =	sand.u32 $0x3FFFFC00, s18;
	[sflag:s17] =	ssyncset.done @!p0 $0x0  }
0x4b: {  	s20 =	sor.u32 $0x200, s15;
	[sflag:s17] =	ssyncadd.s32 @!p0 $0xFFFFE000  }
0x4c: {  	[tilespmem:s25], [sflag:$0x5] =	stream.indirect.gather [hbm4b:s3+s16], $0x40, s20, s16, $0xb8;
	[tilespmem:$0x16400] =	vst v63  }
0x4d: {  	_ =	swait.ge [sflag:s26], $0x2000  }
0x4e: {  	[sflag:s26] =	ssyncset.done $0x0  }
0x4f: {  	s17 =	simm.s32 $0x84F0;
	[sflag:s26] =	ssyncadd.s32 $0xFFFFE000  }
0x50: {  	v0 =	vld [tilespmem:s17+$0xFFFFFF10]  }
0x51: {  	v1 =	vld [tilespmem:s17+$0xFFFFFF20]  }
0x52: {  	v2 =	vld [tilespmem:s17+$0xFFFFFF30]  }
0x53: {  	v3 =	vld [tilespmem:s17+$0xFFFFFF40]  }
0x54: {  	v4 =	vld [tilespmem:s17+$0xFFFFFF50]  }
0x55: {  	v5 =	vld [tilespmem:s17+$0xFFFFFF60];
	v0 =	vmul.f32 $8.000000000e+00, v0  }
0x56: {  	v6 =	vld [tilespmem:s17+$0xFFFFFF70];
	v1 =	vmul.f32 $8.000000000e+00, v1  }
0x57: {  	[tilespmem:s17+$0xFFFFFF10] =	vst v0;
	v0 =	vmul.f32 $8.000000000e+00, v2;
	v2 =	vld [tilespmem:s17+$0xFFFFFF80]  }
0x58: {  	[tilespmem:s17+$0xFFFFFF20] =	vst v1;
	v1 =	vmul.f32 $8.000000000e+00, v3;
	v3 =	vld [tilespmem:s17+$0xFFFFFF90]  }
0x59: {  	[tilespmem:s17+$0xFFFFFF30] =	vst v0;
	v0 =	vmul.f32 $8.000000000e+00, v4;
	v4 =	vld [tilespmem:s17+$0xFFFFFFA0]  }
0x5a: {  	v7 =	vld [tilespmem:s17+$0xFFFFFFB0];
	[tilespmem:s17+$0xFFFFFF40] =	vst v1;
	v1 =	vmul.f32 $8.000000000e+00, v5  }
0x5b: {  	v5 =	vmul.f32 $8.000000000e+00, v6;
	[tilespmem:s17+$0xFFFFFF50] =	vst v0;
	v0 =	vld [tilespmem:s17+$0xFFFFFFC0]  }
0x5c: {  	[tilespmem:s17+$0xFFFFFF60] =	vst v1;
	v1 =	vld [tilespmem:s17+$0xFFFFFFD0];
	v6 =	vmul.f32 $8.000000000e+00, v2  }
0x5d: {  	[tilespmem:s17+$0xFFFFFF70] =	vst v5;
	v8 =	vmul.f32 $8.000000000e+00, v3;
	v2 =	vld [tilespmem:s17+$0xFFFFFFE0]  }
0x5e: {  	v3 =	vld [tilespmem:s17+$0x0];
	[tilespmem:s17+$0xFFFFFF80] =	vst v6;
	v5 =	vmul.f32 $8.000000000e+00, v4  }
0x5f: {  	s18 =	simm.s32 $0x0;
	s20 =	simm.s32 $0x85F0;
	[tilespmem:s17+$0xFFFFFF90] =	vst v8;
	v6 =	vmul.f32 $8.000000000e+00, v7;
	v4 =	vld [tilespmem:s17+$0xFFFFFFF0]  }
.LBB2_5:
0x60: {  	v7 =	vld [tilespmem:s20+$0xFFFFFF10];
	[tilespmem:s17+$0xFFFFFFA0] =	vst v5;
	v0 =	vmul.f32 $8.000000000e+00, v0  }
0x61: {  	v5 =	vld [tilespmem:s20+$0xFFFFFF20];
	[tilespmem:s17+$0xFFFFFFB0] =	vst v6;
	v1 =	vmul.f32 $8.000000000e+00, v1  }
0x62: {  	v6 =	vld [tilespmem:s20+$0xFFFFFF30];
	[tilespmem:s17+$0xFFFFFFC0] =	vst v0;
	v0 =	vmul.f32 $8.000000000e+00, v2  }
0x63: {  	v2 =	vld [tilespmem:s20+$0xFFFFFF40];
	[tilespmem:s17+$0xFFFFFFD0] =	vst v1;
	v1 =	vmul.f32 $8.000000000e+00, v3  }
0x64: {  	v3 =	vld [tilespmem:s20+$0xFFFFFF50];
	[tilespmem:s17+$0xFFFFFFE0] =	vst v0;
	v0 =	vmul.f32 $8.000000000e+00, v4  }
0x65: {  	v4 =	vmul.f32 $8.000000000e+00, v7;
	v7 =	vld [tilespmem:s20+$0xFFFFFF60];
	[tilespmem:s17+$0x0] =	vst v1  }
0x66: {  	v1 =	vmul.f32 $8.000000000e+00, v5;
	v5 =	vld [tilespmem:s20+$0xFFFFFF70];
	[tilespmem:s17+$0xFFFFFFF0] =	vst v0;
	s17 =	smov.u32 s20  }
0x67: {  	[tilespmem:s20+$0xFFFFFF10] =	vst v4;
	v0 =	vmul.f32 $8.000000000e+00, v6;
	v4 =	vld [tilespmem:s20+$0xFFFFFF80]  }
0x68: {  	[tilespmem:s20+$0xFFFFFF20] =	vst v1;
	v1 =	vmul.f32 $8.000000000e+00, v2;
	v2 =	vld [tilespmem:s20+$0xFFFFFF90]  }
0x69: {  	s18 =	sadd.s32 $0x2, s18;
	[tilespmem:s20+$0xFFFFFF30] =	vst v0;
	v0 =	vmul.f32 $8.000000000e+00, v3;
	v3 =	vld [tilespmem:s20+$0xFFFFFFA0]  }
0x6a: {  	p1 =	slt.u32 s18, $0x3E;
	[tilespmem:s20+$0xFFFFFF40] =	vst v1;
	v1 =	vmul.f32 $8.000000000e+00, v7;
	v6 =	vld [tilespmem:s20+$0xFFFFFFB0]  }
.Ltmp1:
0x6b: {  	[tilespmem:s20+$0xFFFFFF50] =	vst v0;
	v5 =	vmul.f32 $8.000000000e+00, v5;
	v0 =	vld [tilespmem:s20+$0xFFFFFFC0];
	(pc) =	sbr.rel @p1 .LBB2_5-.Ltmp1, $4  }
0x6c: {  	[tilespmem:s20+$0xFFFFFF60] =	vst v1;
	v4 =	vmul.f32 $8.000000000e+00, v4;
	v1 =	vld [tilespmem:s20+$0xFFFFFFD0]  }
0x6d: {  	[tilespmem:s20+$0xFFFFFF70] =	vst v5;
	v7 =	vmul.f32 $8.000000000e+00, v2;
	v2 =	vld [tilespmem:s20+$0xFFFFFFE0]  }
0x6e: {  	[tilespmem:s20+$0xFFFFFF80] =	vst v4;
	v5 =	vmul.f32 $8.000000000e+00, v3;
	v3 =	vld [tilespmem:s20+$0x0]  }
0x6f: {  	s20 =	sadd.s32 $0x100, s20;
	[tilespmem:s17+$0xFFFFFF90] =	vst v7;
	v6 =	vmul.f32 $8.000000000e+00, v6;
	v4 =	vld [tilespmem:s17+$0xFFFFFFF0]  }
0x70: {  	[tilespmem:s17+$0xFFFFFFA0] =	vst v5;
	v0 =	vmul.f32 $8.000000000e+00, v0  }
0x71: {  	[tilespmem:s17+$0xFFFFFFB0] =	vst v6;
	v1 =	vmul.f32 $8.000000000e+00, v1  }
0x72: {  	[tilespmem:s17+$0xFFFFFFC0] =	vst v0;
	v0 =	vmul.f32 $8.000000000e+00, v2  }
0x73: {  	[tilespmem:s17+$0xFFFFFFD0] =	vst v1;
	v1 =	vmul.f32 $8.000000000e+00, v3  }
0x74: {  	[tilespmem:s17+$0xFFFFFFE0] =	vst v0;
	v0 =	vmul.f32 $8.000000000e+00, v4  }
0x75: {  	[tilespmem:s17+$0x0] =	vst v1  }
0x76: {  	s20 =	sadd.s32 s9, s6;
	s18 =	simm.s32 $0x8400;
	[tilespmem:s17+$0xFFFFFFF0] =	vst v0;
	s17 =	simm.s32 @!p0 $0xE  }
0x77: {  	[hbm4b:s20+s24] =	stream.strided.scatter [tilespmem:s18], [sflag:$0xA], $0x2000, s16, s24, $0x38;
	[tilespmem:$0x16400] =	vst v63  }
0x78: {  	_ =	swait.ge @!p0 [sflag:s17], $0x2000  }
0x79: {  	[sflag:s17] =	ssyncset.done @!p0 $0x0  }
0x7a: {  	s20 =	sadd.s32 $0x280, s15;
	[sflag:s17] =	ssyncadd.s32 @!p0 $0xFFFFE000  }
0x7b: {  	[tilespmem:s28], [sflag:$0x6] =	stream.indirect.gather [hbm4b:s3+s16], $0x40, s20, s16, $0xb8;
	[tilespmem:$0x16400] =	vst v63  }
0x7c: {  	_ =	swait.ge [sflag:s29], $0x2000  }
0x7d: {  	[sflag:s29] =	ssyncset.done $0x0  }
0x7e: {  	s17 =	simm.s32 $0xA400;
	[sflag:s29] =	ssyncadd.s32 $0xFFFFE000  }
0x7f: {  	v1 =	vld [tilespmem:s17+$0xA0]  }
0x80: {  	v2 =	vld [tilespmem:s17+$0x40]  }
0x81: {  	v3 =	vld [tilespmem:s17+$0xE0]  }
0x82: {  	v4 =	vld [tilespmem:s17+$0xD0]  }
0x83: {  	v5 =	vld [tilespmem:s17+$0x20]  }
0x84: {  	v0 =	vld [tilespmem:s17+$0x90]  }
0x85: {  	v8 =	vld [tilespmem:s17+$0xC0]  }
0x86: {  	v7 =	vld [tilespmem:s17+$0x10]  }
0x87: {  	v9 =	vld [tilespmem:s17+$0x0];
	v1 =	vmul.f32 $8.000000000e+00, v1  }
0x88: {  	v11 =	vld [tilespmem:s17+$0x50];
	v4 =	vmul.f32 $8.000000000e+00, v4  }
0x89: {  	v10 =	vld [tilespmem:s17+$0xB0];
	v12 =	vmul.f32 $8.000000000e+00, v5;
	[tilespmem:s17+$0xA0] =	vst v1  }
0x8a: {  	v6 =	vld [tilespmem:s17+$0xF0];
	v13 =	vmul.f32 $8.000000000e+00, v8;
	[tilespmem:s17+$0xD0] =	vst v4  }
0x8b: {  	v1 =	vmul.f32 $8.000000000e+00, v2;
	v2 =	vmul.f32 $8.000000000e+00, v3;
	v3 =	vld [tilespmem:s17+$0x80];
	[tilespmem:s17+$0x20] =	vst v12  }
0x8c: {  	v4 =	vld [tilespmem:s17+$0x70];
	[tilespmem:s17+$0xC0] =	vst v13  }
0x8d: {  	v8 =	vmul.f32 $8.000000000e+00, v9;
	v5 =	vld [tilespmem:s17+$0x60];
	v9 =	vmul.f32 $8.000000000e+00, v11;
	[tilespmem:s17+$0x40] =	vst v1  }
0x8e: {  	s18 =	simm.s32 $0x0;
	s20 =	simm.s32 $0xA500;
	[tilespmem:s17+$0xE0] =	vst v2;
	v1 =	vmul.f32 $8.000000000e+00, v7;
	v7 =	vld [tilespmem:s17+$0x30];
	v2 =	vmul.f32 $8.000000000e+00, v10  }
.LBB2_7:
0x8f: {  	v10 =	vld [tilespmem:s20+$0xA0];
	s18 =	sadd.s32 $0x2, s18;
	[tilespmem:s17+$0x0] =	vst v8;
	v0 =	vmul.f32 $8.000000000e+00, v0;
	v6 =	vmul.f32 $8.000000000e+00, v6  }
0x90: {  	v8 =	vld [tilespmem:s20+$0x40];
	p1 =	slt.u32 s18, $0x3E;
	[tilespmem:s17+$0x50] =	vst v9;
	v3 =	vmul.f32 $8.000000000e+00, v3  }
0x91: {  	v9 =	vld [tilespmem:s20+$0xE0];
	v4 =	vmul.f32 $8.000000000e+00, v4;
	[tilespmem:s17+$0xF0] =	vst v6  }
0x92: {  	v11 =	vld [tilespmem:s20+$0x20];
	v5 =	vmul.f32 $8.000000000e+00, v5;
	[tilespmem:s17+$0x80] =	vst v3  }
0x93: {  	v3 =	vld [tilespmem:s20+$0xD0];
	v6 =	vmul.f32 $8.000000000e+00, v7;
	[tilespmem:s17+$0x90] =	vst v0  }
0x94: {  	v0 =	vld [tilespmem:s20+$0x90];
	v7 =	vmul.f32 $8.000000000e+00, v10;
	[tilespmem:s17+$0x10] =	vst v1  }
0x95: {  	v1 =	vld [tilespmem:s20+$0x10];
	[tilespmem:s17+$0x30] =	vst v6  }
0x96: {  	v10 =	vld [tilespmem:s20+$0xC0];
	v9 =	vmul.f32 $8.000000000e+00, v9;
	[tilespmem:s17+$0xB0] =	vst v2  }
0x97: {  	v2 =	vld [tilespmem:s20+$0x0];
	[tilespmem:s17+$0x70] =	vst v4  }
0x98: {  	v12 =	vld [tilespmem:s20+$0xB0];
	v3 =	vmul.f32 $8.000000000e+00, v3;
	[tilespmem:s17+$0x60] =	vst v5;
	s17 =	smov.u32 s20  }
0x99: {  	v13 =	vld [tilespmem:s20+$0x50];
	[tilespmem:s20+$0xA0] =	vst v7  }
.Ltmp2:
0x9a: {  	v4 =	vmul.f32 $8.000000000e+00, v8;
	[tilespmem:s20+$0xD0] =	vst v3;
	v6 =	vld [tilespmem:s20+$0xF0];
	(pc) =	sbr.rel @p1 .LBB2_7-.Ltmp2, $4  }
0x9b: {  	v3 =	vld [tilespmem:s20+$0x80];
	v7 =	vmul.f32 $8.000000000e+00, v10;
	[tilespmem:s20+$0xE0] =	vst v9  }
0x9c: {  	v9 =	vmul.f32 $8.000000000e+00, v11;
	[tilespmem:s20+$0x40] =	vst v4;
	v4 =	vld [tilespmem:s20+$0x70]  }
0x9d: {  	v1 =	vmul.f32 $8.000000000e+00, v1;
	v8 =	vmul.f32 $8.000000000e+00, v2;
	v5 =	vld [tilespmem:s20+$0x60];
	[tilespmem:s20+$0xC0] =	vst v7  }
0x9e: {  	v2 =	vmul.f32 $8.000000000e+00, v12;
	s20 =	sadd.s32 $0x100, s20;
	[tilespmem:s17+$0x20] =	vst v9;
	v7 =	vld [tilespmem:s17+$0x30];
	v9 =	vmul.f32 $8.000000000e+00, v13  }
0x9f: {  	[tilespmem:s17+$0x0] =	vst v8  }
0xa0: {  	[tilespmem:s17+$0x10] =	vst v1  }
0xa1: {  	v6 =	vmul.f32 $8.000000000e+00, v6;
	[tilespmem:s17+$0x50] =	vst v9  }
0xa2: {  	v0 =	vmul.f32 $8.000000000e+00, v0;
	[tilespmem:s17+$0xB0] =	vst v2  }
0xa3: {  	v3 =	vmul.f32 $8.000000000e+00, v3;
	[tilespmem:s17+$0xF0] =	vst v6  }
0xa4: {  	[tilespmem:s17+$0x90] =	vst v0;
	v0 =	vmul.f32 $8.000000000e+00, v4  }
0xa5: {  	[tilespmem:s17+$0x80] =	vst v3;
	v1 =	vmul.f32 $8.000000000e+00, v5  }
0xa6: {  	v3 =	vmul.f32 $8.000000000e+00, v7;
	[tilespmem:s17+$0x70] =	vst v0  }
0xa7: {  	[tilespmem:s17+$0x60] =	vst v1  }
0xa8: {  	s20 =	sadd.s32 s9, s7;
	s18 =	simm.s32 $0xA400;
	[tilespmem:s17+$0x30] =	vst v3;
	s17 =	simm.s32 @!p0 $0xF  }
0xa9: {  	[hbm4b:s20+s24] =	stream.strided.scatter [tilespmem:s18], [sflag:$0xB], $0x2000, s16, s24, $0x38;
	[tilespmem:$0x16400] =	vst v63  }
0xaa: {  	_ =	swait.ge @!p0 [sflag:s17], $0x2000  }
0xab: {  	[sflag:s17] =	ssyncset.done @!p0 $0x0  }
0xac: {  	s20 =	sadd.s32 $0x300, s15;
	[sflag:s17] =	ssyncadd.s32 @!p0 $0xFFFFE000  }
0xad: {  	[tilespmem:s30], [sflag:$0x7] =	stream.indirect.gather [hbm4b:s3+s16], $0x40, s20, s16, $0xb8;
	[tilespmem:$0x16400] =	vst v63  }
0xae: {  	_ =	swait.ge [sflag:s31], $0x2000  }
0xaf: {  	[sflag:s31] =	ssyncset.done $0x0  }
0xb0: {  	s17 =	simm.s32 $0xC400;
	[sflag:s31] =	ssyncadd.s32 $0xFFFFE000  }
0xb1: {  	v1 =	vld [tilespmem:s17+$0xA0]  }
0xb2: {  	v2 =	vld [tilespmem:s17+$0x40]  }
0xb3: {  	v3 =	vld [tilespmem:s17+$0xE0]  }
0xb4: {  	v4 =	vld [tilespmem:s17+$0xD0]  }
0xb5: {  	v5 =	vld [tilespmem:s17+$0x20]  }
0xb6: {  	v0 =	vld [tilespmem:s17+$0x90]  }
0xb7: {  	v8 =	vld [tilespmem:s17+$0xC0]  }
0xb8: {  	v7 =	vld [tilespmem:s17+$0x10]  }
0xb9: {  	v9 =	vld [tilespmem:s17+$0x0];
	v1 =	vmul.f32 $8.000000000e+00, v1  }
0xba: {  	v11 =	vld [tilespmem:s17+$0x50];
	v4 =	vmul.f32 $8.000000000e+00, v4  }
0xbb: {  	v10 =	vld [tilespmem:s17+$0xB0];
	v12 =	vmul.f32 $8.000000000e+00, v5;
	[tilespmem:s17+$0xA0] =	vst v1  }
0xbc: {  	v6 =	vld [tilespmem:s17+$0xF0];
	v13 =	vmul.f32 $8.000000000e+00, v8;
	[tilespmem:s17+$0xD0] =	vst v4  }
0xbd: {  	v1 =	vmul.f32 $8.000000000e+00, v2;
	v2 =	vmul.f32 $8.000000000e+00, v3;
	v3 =	vld [tilespmem:s17+$0x80];
	[tilespmem:s17+$0x20] =	vst v12  }
0xbe: {  	v4 =	vld [tilespmem:s17+$0x70];
	[tilespmem:s17+$0xC0] =	vst v13  }
0xbf: {  	v8 =	vmul.f32 $8.000000000e+00, v9;
	v5 =	vld [tilespmem:s17+$0x60];
	v9 =	vmul.f32 $8.000000000e+00, v11;
	[tilespmem:s17+$0x40] =	vst v1  }
0xc0: {  	s18 =	simm.s32 $0x0;
	s20 =	simm.s32 $0xC500;
	[tilespmem:s17+$0xE0] =	vst v2;
	v1 =	vmul.f32 $8.000000000e+00, v7;
	v7 =	vld [tilespmem:s17+$0x30];
	v2 =	vmul.f32 $8.000000000e+00, v10  }
.LBB2_9:
0xc1: {  	v10 =	vld [tilespmem:s20+$0xA0];
	s18 =	sadd.s32 $0x2, s18;
	[tilespmem:s17+$0x0] =	vst v8;
	v0 =	vmul.f32 $8.000000000e+00, v0;
	v6 =	vmul.f32 $8.000000000e+00, v6  }
0xc2: {  	v8 =	vld [tilespmem:s20+$0x40];
	p1 =	slt.u32 s18, $0x3E;
	[tilespmem:s17+$0x50] =	vst v9;
	v3 =	vmul.f32 $8.000000000e+00, v3  }
0xc3: {  	v9 =	vld [tilespmem:s20+$0xE0];
	v4 =	vmul.f32 $8.000000000e+00, v4;
	[tilespmem:s17+$0xF0] =	vst v6  }
0xc4: {  	v11 =	vld [tilespmem:s20+$0x20];
	v5 =	vmul.f32 $8.000000000e+00, v5;
	[tilespmem:s17+$0x80] =	vst v3  }
0xc5: {  	v3 =	vld [tilespmem:s20+$0xD0];
	v6 =	vmul.f32 $8.000000000e+00, v7;
	[tilespmem:s17+$0x90] =	vst v0  }
0xc6: {  	v0 =	vld [tilespmem:s20+$0x90];
	v7 =	vmul.f32 $8.000000000e+00, v10;
	[tilespmem:s17+$0x10] =	vst v1  }
0xc7: {  	v1 =	vld [tilespmem:s20+$0x10];
	[tilespmem:s17+$0x30] =	vst v6  }
0xc8: {  	v10 =	vld [tilespmem:s20+$0xC0];
	v9 =	vmul.f32 $8.000000000e+00, v9;
	[tilespmem:s17+$0xB0] =	vst v2  }
0xc9: {  	v2 =	vld [tilespmem:s20+$0x0];
	[tilespmem:s17+$0x70] =	vst v4  }
0xca: {  	v12 =	vld [tilespmem:s20+$0xB0];
	v3 =	vmul.f32 $8.000000000e+00, v3;
	[tilespmem:s17+$0x60] =	vst v5;
	s17 =	smov.u32 s20  }
0xcb: {  	v13 =	vld [tilespmem:s20+$0x50];
	[tilespmem:s20+$0xA0] =	vst v7  }
.Ltmp3:
0xcc: {  	v4 =	vmul.f32 $8.000000000e+00, v8;
	[tilespmem:s20+$0xD0] =	vst v3;
	v6 =	vld [tilespmem:s20+$0xF0];
	(pc) =	sbr.rel @p1 .LBB2_9-.Ltmp3, $4  }
0xcd: {  	v3 =	vld [tilespmem:s20+$0x80];
	v7 =	vmul.f32 $8.000000000e+00, v10;
	[tilespmem:s20+$0xE0] =	vst v9  }
0xce: {  	v9 =	vmul.f32 $8.000000000e+00, v11;
	[tilespmem:s20+$0x40] =	vst v4;
	v4 =	vld [tilespmem:s20+$0x70]  }
0xcf: {  	v1 =	vmul.f32 $8.000000000e+00, v1;
	v8 =	vmul.f32 $8.000000000e+00, v2;
	v5 =	vld [tilespmem:s20+$0x60];
	[tilespmem:s20+$0xC0] =	vst v7  }
0xd0: {  	v2 =	vmul.f32 $8.000000000e+00, v12;
	s20 =	sadd.s32 $0x100, s20;
	[tilespmem:s17+$0x20] =	vst v9;
	v7 =	vld [tilespmem:s17+$0x30];
	v9 =	vmul.f32 $8.000000000e+00, v13  }
0xd1: {  	[tilespmem:s17+$0x0] =	vst v8  }
0xd2: {  	[tilespmem:s17+$0x10] =	vst v1  }
0xd3: {  	v6 =	vmul.f32 $8.000000000e+00, v6;
	[tilespmem:s17+$0x50] =	vst v9  }
0xd4: {  	v0 =	vmul.f32 $8.000000000e+00, v0;
	[tilespmem:s17+$0xB0] =	vst v2  }
0xd5: {  	v3 =	vmul.f32 $8.000000000e+00, v3;
	[tilespmem:s17+$0xF0] =	vst v6  }
0xd6: {  	[tilespmem:s17+$0x90] =	vst v0;
	v0 =	vmul.f32 $8.000000000e+00, v4  }
0xd7: {  	[tilespmem:s17+$0x80] =	vst v3;
	v1 =	vmul.f32 $8.000000000e+00, v5  }
0xd8: {  	v3 =	vmul.f32 $8.000000000e+00, v7;
	[tilespmem:s17+$0x70] =	vst v0  }
0xd9: {  	[tilespmem:s17+$0x60] =	vst v1  }
0xda: {  	s20 =	sadd.s32 s9, s8;
	[tilespmem:s17+$0x30] =	vst v3;
	s17 =	simm.s32 @!p0 $0x10  }
0xdb: {  	[hbm4b:s20+s24] =	stream.strided.scatter [tilespmem:s22], [sflag:$0xC], $0x2000, s16, s24, $0x38;
	[tilespmem:$0x16400] =	vst v63  }
0xdc: {  	_ =	swait.ge @!p0 [sflag:s17], $0x2000  }
0xdd: {  	[sflag:s17] =	ssyncset.done @!p0 $0x0  }
0xde: {  	s15 =	sadd.s32 $0x380, s15;
	[sflag:s17] =	ssyncadd.s32 @!p0 $0xFFFFE000  }
0xdf: {  	[tilespmem:s0], [sflag:$0x8] =	stream.indirect.gather [hbm4b:s3+s16], $0x40, s15, s16, $0xb8;
	[tilespmem:$0x16400] =	vst v63  }
0xe0: {  	_ =	swait.ge [sflag:s1], $0x2000  }
0xe1: {  	[sflag:s1] =	ssyncset.done $0x0  }
0xe2: {  	s15 =	simm.s32 $0xE400;
	[sflag:s1] =	ssyncadd.s32 $0xFFFFE000  }
0xe3: {  	v1 =	vld [tilespmem:s15+$0xA0]  }
0xe4: {  	v2 =	vld [tilespmem:s15+$0x40]  }
0xe5: {  	v3 =	vld [tilespmem:s15+$0xE0]  }
0xe6: {  	v4 =	vld [tilespmem:s15+$0xD0]  }
0xe7: {  	v5 =	vld [tilespmem:s15+$0x20]  }
0xe8: {  	v0 =	vld [tilespmem:s15+$0x90]  }
0xe9: {  	v8 =	vld [tilespmem:s15+$0xC0]  }
0xea: {  	v7 =	vld [tilespmem:s15+$0x10]  }
0xeb: {  	v9 =	vld [tilespmem:s15+$0x0];
	v1 =	vmul.f32 $8.000000000e+00, v1  }
0xec: {  	v11 =	vld [tilespmem:s15+$0x50];
	v4 =	vmul.f32 $8.000000000e+00, v4  }
0xed: {  	v10 =	vld [tilespmem:s15+$0xB0];
	v12 =	vmul.f32 $8.000000000e+00, v5;
	[tilespmem:s15+$0xA0] =	vst v1  }
0xee: {  	v6 =	vld [tilespmem:s15+$0xF0];
	v13 =	vmul.f32 $8.000000000e+00, v8;
	[tilespmem:s15+$0xD0] =	vst v4  }
0xef: {  	v1 =	vmul.f32 $8.000000000e+00, v2;
	v2 =	vmul.f32 $8.000000000e+00, v3;
	v3 =	vld [tilespmem:s15+$0x80];
	[tilespmem:s15+$0x20] =	vst v12  }
0xf0: {  	v4 =	vld [tilespmem:s15+$0x70];
	[tilespmem:s15+$0xC0] =	vst v13  }
0xf1: {  	v8 =	vmul.f32 $8.000000000e+00, v9;
	v5 =	vld [tilespmem:s15+$0x60];
	v9 =	vmul.f32 $8.000000000e+00, v11;
	[tilespmem:s15+$0x40] =	vst v1  }
0xf2: {  	s18 =	simm.s32 $0xE500;
	s17 =	simm.s32 $0x0;
	[tilespmem:s15+$0xE0] =	vst v2;
	v1 =	vmul.f32 $8.000000000e+00, v7;
	v7 =	vld [tilespmem:s15+$0x30];
	v2 =	vmul.f32 $8.000000000e+00, v10  }
.LBB2_11:
0xf3: {  	v10 =	vld [tilespmem:s18+$0xA0];
	s17 =	sadd.s32 $0x2, s17;
	[tilespmem:s15+$0x0] =	vst v8;
	v0 =	vmul.f32 $8.000000000e+00, v0;
	v6 =	vmul.f32 $8.000000000e+00, v6  }
0xf4: {  	v8 =	vld [tilespmem:s18+$0x40];
	p0 =	slt.u32 s17, $0x3E;
	[tilespmem:s15+$0x50] =	vst v9;
	v3 =	vmul.f32 $8.000000000e+00, v3  }
0xf5: {  	v9 =	vld [tilespmem:s18+$0xE0];
	v4 =	vmul.f32 $8.000000000e+00, v4;
	[tilespmem:s15+$0xF0] =	vst v6  }
0xf6: {  	v11 =	vld [tilespmem:s18+$0x20];
	v5 =	vmul.f32 $8.000000000e+00, v5;
	[tilespmem:s15+$0x80] =	vst v3  }
0xf7: {  	v3 =	vld [tilespmem:s18+$0xD0];
	v6 =	vmul.f32 $8.000000000e+00, v7;
	[tilespmem:s15+$0x90] =	vst v0  }
0xf8: {  	v0 =	vld [tilespmem:s18+$0x90];
	v7 =	vmul.f32 $8.000000000e+00, v10;
	[tilespmem:s15+$0x10] =	vst v1  }
0xf9: {  	v1 =	vld [tilespmem:s18+$0x10];
	[tilespmem:s15+$0x30] =	vst v6  }
0xfa: {  	v10 =	vld [tilespmem:s18+$0xC0];
	v9 =	vmul.f32 $8.000000000e+00, v9;
	[tilespmem:s15+$0xB0] =	vst v2  }
0xfb: {  	v2 =	vld [tilespmem:s18+$0x0];
	[tilespmem:s15+$0x70] =	vst v4  }
0xfc: {  	v12 =	vld [tilespmem:s18+$0xB0];
	v3 =	vmul.f32 $8.000000000e+00, v3;
	[tilespmem:s15+$0x60] =	vst v5;
	s15 =	smov.u32 s18  }
0xfd: {  	v13 =	vld [tilespmem:s18+$0x50];
	[tilespmem:s18+$0xA0] =	vst v7  }
.Ltmp4:
0xfe: {  	v4 =	vmul.f32 $8.000000000e+00, v8;
	[tilespmem:s18+$0xD0] =	vst v3;
	v6 =	vld [tilespmem:s18+$0xF0];
	(pc) =	sbr.rel @p0 .LBB2_11-.Ltmp4, $4  }
0xff: {  	v3 =	vld [tilespmem:s18+$0x80];
	v7 =	vmul.f32 $8.000000000e+00, v10;
	[tilespmem:s18+$0xE0] =	vst v9  }
0x100: {  	v9 =	vmul.f32 $8.000000000e+00, v11;
	[tilespmem:s18+$0x40] =	vst v4;
	v4 =	vld [tilespmem:s18+$0x70]  }
0x101: {  	v1 =	vmul.f32 $8.000000000e+00, v1;
	v8 =	vmul.f32 $8.000000000e+00, v2;
	v5 =	vld [tilespmem:s18+$0x60];
	[tilespmem:s18+$0xC0] =	vst v7  }
0x102: {  	v2 =	vmul.f32 $8.000000000e+00, v12;
	s18 =	sadd.s32 $0x100, s18;
	[tilespmem:s15+$0x20] =	vst v9;
	v7 =	vld [tilespmem:s15+$0x30];
	v9 =	vmul.f32 $8.000000000e+00, v13  }
0x103: {  	[tilespmem:s15+$0x0] =	vst v8  }
0x104: {  	[tilespmem:s15+$0x10] =	vst v1  }
0x105: {  	v6 =	vmul.f32 $8.000000000e+00, v6;
	[tilespmem:s15+$0x50] =	vst v9  }
0x106: {  	v0 =	vmul.f32 $8.000000000e+00, v0;
	[tilespmem:s15+$0xB0] =	vst v2  }
0x107: {  	v3 =	vmul.f32 $8.000000000e+00, v3;
	[tilespmem:s15+$0xF0] =	vst v6  }
0x108: {  	[tilespmem:s15+$0x90] =	vst v0;
	v0 =	vmul.f32 $8.000000000e+00, v4  }
0x109: {  	[tilespmem:s15+$0x80] =	vst v3;
	v1 =	vmul.f32 $8.000000000e+00, v5  }
0x10a: {  	v3 =	vmul.f32 $8.000000000e+00, v7;
	[tilespmem:s15+$0x70] =	vst v0  }
0x10b: {  	p0 =	seq.s32 s14, $0x18;
	[tilespmem:s15+$0x60] =	vst v1  }
0x10c: {  	s20 =	sadd.s32 s9, s10;
	[tilespmem:s15+$0x30] =	vst v3;
	s15 =	simm.s32 @!p0 $0x9  }
0x10d: {  	[hbm4b:s20+s24] =	stream.strided.scatter [tilespmem:s25], [sflag:$0xD], $0x2000, s16, s24, $0x38;
	[tilespmem:$0x16400] =	vst v63  }
0x10e: {  	_ =	swait.ge @!p0 [sflag:s15], $0x2000  }
0x10f: {  	s14 =	sadd.s32 $0x1, s14;
	[sflag:s15] =	ssyncset.done @!p0 $0x0  }
0x110: {  	[sflag:s15] =	ssyncadd.s32 @!p0 $0xFFFFE000;
	s15 =	sshll.u32 @!p0 s14, $0xA  }
0x111: {  	s17 =	simm.s32 @!p0 $0x80;
	s18 =	simm.s32 @!p0 $0x6400;
	s15 =	sand.u32 @!p0 $0x3FFFFC00, s15  }
0x112: {  	[tilespmem:s18], [sflag:$0x1] =	stream.indirect.gather @!p0 [hbm4b:s3+s17], $0x40, s15, s17, $0xb8;
	[tilespmem:$0x16400] =	vst v63  }
0x113: {  	_ =	swait.ge [sflag:s19], $0x2000  }
0x114: {  	[sflag:s19] =	ssyncset.done $0x0  }
0x115: {  	s17 =	simm.s32 $0x10400;
	[sflag:s19] =	ssyncadd.s32 $0xFFFFE000  }
0x116: {  	v1 =	vld [tilespmem:s17+$0xA0]  }
0x117: {  	v2 =	vld [tilespmem:s17+$0x40]  }
0x118: {  	v3 =	vld [tilespmem:s17+$0xE0]  }
0x119: {  	v4 =	vld [tilespmem:s17+$0xD0]  }
0x11a: {  	v5 =	vld [tilespmem:s17+$0x20]  }
0x11b: {  	v0 =	vld [tilespmem:s17+$0x90]  }
0x11c: {  	v8 =	vld [tilespmem:s17+$0xC0]  }
0x11d: {  	v7 =	vld [tilespmem:s17+$0x10]  }
0x11e: {  	v9 =	vld [tilespmem:s17+$0x0];
	v1 =	vmul.f32 $8.000000000e+00, v1  }
0x11f: {  	v11 =	vld [tilespmem:s17+$0x50];
	v4 =	vmul.f32 $8.000000000e+00, v4  }
0x120: {  	v10 =	vld [tilespmem:s17+$0xB0];
	v12 =	vmul.f32 $8.000000000e+00, v5;
	[tilespmem:s17+$0xA0] =	vst v1  }
0x121: {  	v6 =	vld [tilespmem:s17+$0xF0];
	v13 =	vmul.f32 $8.000000000e+00, v8;
	[tilespmem:s17+$0xD0] =	vst v4  }
0x122: {  	v1 =	vmul.f32 $8.000000000e+00, v2;
	v2 =	vmul.f32 $8.000000000e+00, v3;
	v3 =	vld [tilespmem:s17+$0x80];
	[tilespmem:s17+$0x20] =	vst v12  }
0x123: {  	v4 =	vld [tilespmem:s17+$0x70];
	[tilespmem:s17+$0xC0] =	vst v13  }
0x124: {  	v8 =	vmul.f32 $8.000000000e+00, v9;
	v5 =	vld [tilespmem:s17+$0x60];
	v9 =	vmul.f32 $8.000000000e+00, v11;
	[tilespmem:s17+$0x40] =	vst v1  }
0x125: {  	s20 =	simm.s32 $0x10500;
	s18 =	simm.s32 $0x0;
	[tilespmem:s17+$0xE0] =	vst v2;
	v1 =	vmul.f32 $8.000000000e+00, v7;
	v7 =	vld [tilespmem:s17+$0x30];
	v2 =	vmul.f32 $8.000000000e+00, v10  }
.LBB2_13:
0x126: {  	v10 =	vld [tilespmem:s20+$0xA0];
	s18 =	sadd.s32 $0x2, s18;
	[tilespmem:s17+$0x0] =	vst v8;
	v0 =	vmul.f32 $8.000000000e+00, v0;
	v6 =	vmul.f32 $8.000000000e+00, v6  }
0x127: {  	v8 =	vld [tilespmem:s20+$0x40];
	p1 =	slt.u32 s18, $0x3E;
	[tilespmem:s17+$0x50] =	vst v9;
	v3 =	vmul.f32 $8.000000000e+00, v3  }
0x128: {  	v9 =	vld [tilespmem:s20+$0xE0];
	v4 =	vmul.f32 $8.000000000e+00, v4;
	[tilespmem:s17+$0xF0] =	vst v6  }
0x129: {  	v11 =	vld [tilespmem:s20+$0x20];
	v5 =	vmul.f32 $8.000000000e+00, v5;
	[tilespmem:s17+$0x80] =	vst v3  }
0x12a: {  	v3 =	vld [tilespmem:s20+$0xD0];
	v6 =	vmul.f32 $8.000000000e+00, v7;
	[tilespmem:s17+$0x90] =	vst v0  }
0x12b: {  	v0 =	vld [tilespmem:s20+$0x90];
	v7 =	vmul.f32 $8.000000000e+00, v10;
	[tilespmem:s17+$0x10] =	vst v1  }
0x12c: {  	v1 =	vld [tilespmem:s20+$0x10];
	[tilespmem:s17+$0x30] =	vst v6  }
0x12d: {  	v10 =	vld [tilespmem:s20+$0xC0];
	v9 =	vmul.f32 $8.000000000e+00, v9;
	[tilespmem:s17+$0xB0] =	vst v2  }
0x12e: {  	v2 =	vld [tilespmem:s20+$0x0];
	[tilespmem:s17+$0x70] =	vst v4  }
0x12f: {  	v12 =	vld [tilespmem:s20+$0xB0];
	v3 =	vmul.f32 $8.000000000e+00, v3;
	[tilespmem:s17+$0x60] =	vst v5;
	s17 =	smov.u32 s20  }
0x130: {  	v13 =	vld [tilespmem:s20+$0x50];
	[tilespmem:s20+$0xA0] =	vst v7  }
.Ltmp5:
0x131: {  	v4 =	vmul.f32 $8.000000000e+00, v8;
	[tilespmem:s20+$0xD0] =	vst v3;
	v6 =	vld [tilespmem:s20+$0xF0];
	(pc) =	sbr.rel @p1 .LBB2_13-.Ltmp5, $4  }
0x132: {  	v3 =	vld [tilespmem:s20+$0x80];
	v7 =	vmul.f32 $8.000000000e+00, v10;
	[tilespmem:s20+$0xE0] =	vst v9  }
0x133: {  	v9 =	vmul.f32 $8.000000000e+00, v11;
	[tilespmem:s20+$0x40] =	vst v4;
	v4 =	vld [tilespmem:s20+$0x70]  }
0x134: {  	v1 =	vmul.f32 $8.000000000e+00, v1;
	v8 =	vmul.f32 $8.000000000e+00, v2;
	v5 =	vld [tilespmem:s20+$0x60];
	[tilespmem:s20+$0xC0] =	vst v7  }
0x135: {  	v2 =	vmul.f32 $8.000000000e+00, v12;
	s20 =	sadd.s32 $0x100, s20;
	[tilespmem:s17+$0x20] =	vst v9;
	v7 =	vld [tilespmem:s17+$0x30];
	v9 =	vmul.f32 $8.000000000e+00, v13  }
0x136: {  	[tilespmem:s17+$0x0] =	vst v8  }
0x137: {  	[tilespmem:s17+$0x10] =	vst v1  }
0x138: {  	v6 =	vmul.f32 $8.000000000e+00, v6;
	[tilespmem:s17+$0x50] =	vst v9  }
0x139: {  	v0 =	vmul.f32 $8.000000000e+00, v0;
	[tilespmem:s17+$0xB0] =	vst v2  }
0x13a: {  	v3 =	vmul.f32 $8.000000000e+00, v3;
	[tilespmem:s17+$0xF0] =	vst v6  }
0x13b: {  	[tilespmem:s17+$0x90] =	vst v0;
	v0 =	vmul.f32 $8.000000000e+00, v4  }
0x13c: {  	[tilespmem:s17+$0x80] =	vst v3;
	v1 =	vmul.f32 $8.000000000e+00, v5  }
0x13d: {  	v3 =	vmul.f32 $8.000000000e+00, v7;
	[tilespmem:s17+$0x70] =	vst v0  }
0x13e: {  	[tilespmem:s17+$0x60] =	vst v1  }
0x13f: {  	s20 =	sadd.s32 s9, s11;
	[tilespmem:s17+$0x30] =	vst v3;
	s17 =	simm.s32 @!p0 $0xA  }
0x140: {  	[hbm4b:s20+s24] =	stream.strided.scatter [tilespmem:s28], [sflag:$0xE], $0x2000, s16, s24, $0x38;
	[tilespmem:$0x16400] =	vst v63  }
0x141: {  	_ =	swait.ge @!p0 [sflag:s17], $0x2000  }
0x142: {  	s18 =	simm.s32 @!p0 $0x80;
	[sflag:s17] =	ssyncset.done @!p0 $0x0  }
0x143: {  	s20 =	simm.s32 @!p0 $0x8400;
	[sflag:s17] =	ssyncadd.s32 @!p0 $0xFFFFE000;
	s17 =	sor.u32 @!p0 $0x80, s15  }
0x144: {  	[tilespmem:s20], [sflag:$0x2] =	stream.indirect.gather @!p0 [hbm4b:s3+s18], $0x40, s17, s18, $0xb8;
	[tilespmem:$0x16400] =	vst v63  }
0x145: {  	_ =	swait.ge [sflag:s21], $0x2000  }
0x146: {  	[sflag:s21] =	ssyncset.done $0x0  }
0x147: {  	s17 =	simm.s32 $0x12400;
	[sflag:s21] =	ssyncadd.s32 $0xFFFFE000  }
0x148: {  	v1 =	vld [tilespmem:s17+$0xA0]  }
0x149: {  	v2 =	vld [tilespmem:s17+$0x40]  }
0x14a: {  	v3 =	vld [tilespmem:s17+$0xE0]  }
0x14b: {  	v4 =	vld [tilespmem:s17+$0xD0]  }
0x14c: {  	v5 =	vld [tilespmem:s17+$0x20]  }
0x14d: {  	v0 =	vld [tilespmem:s17+$0x90]  }
0x14e: {  	v8 =	vld [tilespmem:s17+$0xC0]  }
0x14f: {  	v7 =	vld [tilespmem:s17+$0x10]  }
0x150: {  	v9 =	vld [tilespmem:s17+$0x0];
	v1 =	vmul.f32 $8.000000000e+00, v1  }
0x151: {  	v11 =	vld [tilespmem:s17+$0x50];
	v4 =	vmul.f32 $8.000000000e+00, v4  }
0x152: {  	v10 =	vld [tilespmem:s17+$0xB0];
	v12 =	vmul.f32 $8.000000000e+00, v5;
	[tilespmem:s17+$0xA0] =	vst v1  }
0x153: {  	v6 =	vld [tilespmem:s17+$0xF0];
	v13 =	vmul.f32 $8.000000000e+00, v8;
	[tilespmem:s17+$0xD0] =	vst v4  }
0x154: {  	v1 =	vmul.f32 $8.000000000e+00, v2;
	v2 =	vmul.f32 $8.000000000e+00, v3;
	v3 =	vld [tilespmem:s17+$0x80];
	[tilespmem:s17+$0x20] =	vst v12  }
0x155: {  	v4 =	vld [tilespmem:s17+$0x70];
	[tilespmem:s17+$0xC0] =	vst v13  }
0x156: {  	v8 =	vmul.f32 $8.000000000e+00, v9;
	v5 =	vld [tilespmem:s17+$0x60];
	v9 =	vmul.f32 $8.000000000e+00, v11;
	[tilespmem:s17+$0x40] =	vst v1  }
0x157: {  	s18 =	simm.s32 $0x0;
	s20 =	simm.s32 $0x12500;
	[tilespmem:s17+$0xE0] =	vst v2;
	v1 =	vmul.f32 $8.000000000e+00, v7;
	v7 =	vld [tilespmem:s17+$0x30];
	v2 =	vmul.f32 $8.000000000e+00, v10  }
.LBB2_15:
0x158: {  	v10 =	vld [tilespmem:s20+$0xA0];
	s18 =	sadd.s32 $0x2, s18;
	[tilespmem:s17+$0x0] =	vst v8;
	v0 =	vmul.f32 $8.000000000e+00, v0;
	v6 =	vmul.f32 $8.000000000e+00, v6  }
0x159: {  	v8 =	vld [tilespmem:s20+$0x40];
	p1 =	slt.u32 s18, $0x3E;
	[tilespmem:s17+$0x50] =	vst v9;
	v3 =	vmul.f32 $8.000000000e+00, v3  }
0x15a: {  	v9 =	vld [tilespmem:s20+$0xE0];
	v4 =	vmul.f32 $8.000000000e+00, v4;
	[tilespmem:s17+$0xF0] =	vst v6  }
0x15b: {  	v11 =	vld [tilespmem:s20+$0x20];
	v5 =	vmul.f32 $8.000000000e+00, v5;
	[tilespmem:s17+$0x80] =	vst v3  }
0x15c: {  	v3 =	vld [tilespmem:s20+$0xD0];
	v6 =	vmul.f32 $8.000000000e+00, v7;
	[tilespmem:s17+$0x90] =	vst v0  }
0x15d: {  	v0 =	vld [tilespmem:s20+$0x90];
	v7 =	vmul.f32 $8.000000000e+00, v10;
	[tilespmem:s17+$0x10] =	vst v1  }
0x15e: {  	v1 =	vld [tilespmem:s20+$0x10];
	[tilespmem:s17+$0x30] =	vst v6  }
0x15f: {  	v10 =	vld [tilespmem:s20+$0xC0];
	v9 =	vmul.f32 $8.000000000e+00, v9;
	[tilespmem:s17+$0xB0] =	vst v2  }
0x160: {  	v2 =	vld [tilespmem:s20+$0x0];
	[tilespmem:s17+$0x70] =	vst v4  }
0x161: {  	v12 =	vld [tilespmem:s20+$0xB0];
	v3 =	vmul.f32 $8.000000000e+00, v3;
	[tilespmem:s17+$0x60] =	vst v5;
	s17 =	smov.u32 s20  }
0x162: {  	v13 =	vld [tilespmem:s20+$0x50];
	[tilespmem:s20+$0xA0] =	vst v7  }
.Ltmp6:
0x163: {  	v4 =	vmul.f32 $8.000000000e+00, v8;
	[tilespmem:s20+$0xD0] =	vst v3;
	v6 =	vld [tilespmem:s20+$0xF0];
	(pc) =	sbr.rel @p1 .LBB2_15-.Ltmp6, $4  }
0x164: {  	v3 =	vld [tilespmem:s20+$0x80];
	v7 =	vmul.f32 $8.000000000e+00, v10;
	[tilespmem:s20+$0xE0] =	vst v9  }
0x165: {  	v9 =	vmul.f32 $8.000000000e+00, v11;
	[tilespmem:s20+$0x40] =	vst v4;
	v4 =	vld [tilespmem:s20+$0x70]  }
0x166: {  	v1 =	vmul.f32 $8.000000000e+00, v1;
	v8 =	vmul.f32 $8.000000000e+00, v2;
	v5 =	vld [tilespmem:s20+$0x60];
	[tilespmem:s20+$0xC0] =	vst v7  }
0x167: {  	v2 =	vmul.f32 $8.000000000e+00, v12;
	s20 =	sadd.s32 $0x100, s20;
	[tilespmem:s17+$0x20] =	vst v9;
	v7 =	vld [tilespmem:s17+$0x30];
	v9 =	vmul.f32 $8.000000000e+00, v13  }
0x168: {  	[tilespmem:s17+$0x0] =	vst v8  }
0x169: {  	[tilespmem:s17+$0x10] =	vst v1  }
0x16a: {  	v6 =	vmul.f32 $8.000000000e+00, v6;
	[tilespmem:s17+$0x50] =	vst v9  }
0x16b: {  	v0 =	vmul.f32 $8.000000000e+00, v0;
	[tilespmem:s17+$0xB0] =	vst v2  }
0x16c: {  	v3 =	vmul.f32 $8.000000000e+00, v3;
	[tilespmem:s17+$0xF0] =	vst v6  }
0x16d: {  	[tilespmem:s17+$0x90] =	vst v0;
	v0 =	vmul.f32 $8.000000000e+00, v4  }
0x16e: {  	[tilespmem:s17+$0x80] =	vst v3;
	v1 =	vmul.f32 $8.000000000e+00, v5  }
0x16f: {  	v3 =	vmul.f32 $8.000000000e+00, v7;
	[tilespmem:s17+$0x70] =	vst v0  }
0x170: {  	[tilespmem:s17+$0x60] =	vst v1  }
0x171: {  	s20 =	sadd.s32 s9, s12;
	[tilespmem:s17+$0x30] =	vst v3;
	s17 =	simm.s32 @!p0 $0xB  }
0x172: {  	[hbm4b:s20+s24] =	stream.strided.scatter [tilespmem:s30], [sflag:$0xF], $0x2000, s16, s24, $0x38;
	[tilespmem:$0x16400] =	vst v63  }
0x173: {  	_ =	swait.ge @!p0 [sflag:s17], $0x2000  }
0x174: {  	s18 =	simm.s32 @!p0 $0x80;
	[sflag:s17] =	ssyncset.done @!p0 $0x0  }
0x175: {  	s20 =	simm.s32 @!p0 $0xA400;
	[sflag:s17] =	ssyncadd.s32 @!p0 $0xFFFFE000;
	s17 =	sor.u32 @!p0 $0x100, s15  }
0x176: {  	[tilespmem:s20], [sflag:$0x3] =	stream.indirect.gather @!p0 [hbm4b:s3+s18], $0x40, s17, s18, $0xb8;
	[tilespmem:$0x16400] =	vst v63  }
0x177: {  	_ =	swait.ge [sflag:s2], $0x2000  }
0x178: {  	[sflag:s2] =	ssyncset.done $0x0  }
0x179: {  	s17 =	simm.s32 $0x14400;
	[sflag:s2] =	ssyncadd.s32 $0xFFFFE000  }
0x17a: {  	v1 =	vld [tilespmem:s17+$0xA0]  }
0x17b: {  	v2 =	vld [tilespmem:s17+$0x40]  }
0x17c: {  	v3 =	vld [tilespmem:s17+$0xE0]  }
0x17d: {  	v4 =	vld [tilespmem:s17+$0xD0]  }
0x17e: {  	v5 =	vld [tilespmem:s17+$0x20]  }
0x17f: {  	v0 =	vld [tilespmem:s17+$0x90]  }
0x180: {  	v8 =	vld [tilespmem:s17+$0xC0]  }
0x181: {  	v7 =	vld [tilespmem:s17+$0x10]  }
0x182: {  	v9 =	vld [tilespmem:s17+$0x0];
	v1 =	vmul.f32 $8.000000000e+00, v1  }
0x183: {  	v11 =	vld [tilespmem:s17+$0x50];
	v4 =	vmul.f32 $8.000000000e+00, v4  }
0x184: {  	v10 =	vld [tilespmem:s17+$0xB0];
	v12 =	vmul.f32 $8.000000000e+00, v5;
	[tilespmem:s17+$0xA0] =	vst v1  }
0x185: {  	v6 =	vld [tilespmem:s17+$0xF0];
	v13 =	vmul.f32 $8.000000000e+00, v8;
	[tilespmem:s17+$0xD0] =	vst v4  }
0x186: {  	v1 =	vmul.f32 $8.000000000e+00, v2;
	v2 =	vmul.f32 $8.000000000e+00, v3;
	v3 =	vld [tilespmem:s17+$0x80];
	[tilespmem:s17+$0x20] =	vst v12  }
0x187: {  	v4 =	vld [tilespmem:s17+$0x70];
	[tilespmem:s17+$0xC0] =	vst v13  }
0x188: {  	v8 =	vmul.f32 $8.000000000e+00, v9;
	v5 =	vld [tilespmem:s17+$0x60];
	v9 =	vmul.f32 $8.000000000e+00, v11;
	[tilespmem:s17+$0x40] =	vst v1  }
0x189: {  	s18 =	simm.s32 $0x0;
	s20 =	simm.s32 $0x14500;
	[tilespmem:s17+$0xE0] =	vst v2;
	v1 =	vmul.f32 $8.000000000e+00, v7;
	v7 =	vld [tilespmem:s17+$0x30];
	v2 =	vmul.f32 $8.000000000e+00, v10  }
.LBB2_17:
0x18a: {  	v10 =	vld [tilespmem:s20+$0xA0];
	s18 =	sadd.s32 $0x2, s18;
	[tilespmem:s17+$0x0] =	vst v8;
	v0 =	vmul.f32 $8.000000000e+00, v0;
	v6 =	vmul.f32 $8.000000000e+00, v6  }
0x18b: {  	v8 =	vld [tilespmem:s20+$0x40];
	p1 =	slt.u32 s18, $0x3E;
	[tilespmem:s17+$0x50] =	vst v9;
	v3 =	vmul.f32 $8.000000000e+00, v3  }
0x18c: {  	v9 =	vld [tilespmem:s20+$0xE0];
	v4 =	vmul.f32 $8.000000000e+00, v4;
	[tilespmem:s17+$0xF0] =	vst v6  }
0x18d: {  	v11 =	vld [tilespmem:s20+$0x20];
	v5 =	vmul.f32 $8.000000000e+00, v5;
	[tilespmem:s17+$0x80] =	vst v3  }
0x18e: {  	v3 =	vld [tilespmem:s20+$0xD0];
	v6 =	vmul.f32 $8.000000000e+00, v7;
	[tilespmem:s17+$0x90] =	vst v0  }
0x18f: {  	v0 =	vld [tilespmem:s20+$0x90];
	v7 =	vmul.f32 $8.000000000e+00, v10;
	[tilespmem:s17+$0x10] =	vst v1  }
0x190: {  	v1 =	vld [tilespmem:s20+$0x10];
	[tilespmem:s17+$0x30] =	vst v6  }
0x191: {  	v10 =	vld [tilespmem:s20+$0xC0];
	v9 =	vmul.f32 $8.000000000e+00, v9;
	[tilespmem:s17+$0xB0] =	vst v2  }
0x192: {  	v2 =	vld [tilespmem:s20+$0x0];
	[tilespmem:s17+$0x70] =	vst v4  }
0x193: {  	v12 =	vld [tilespmem:s20+$0xB0];
	v3 =	vmul.f32 $8.000000000e+00, v3;
	[tilespmem:s17+$0x60] =	vst v5;
	s17 =	smov.u32 s20  }
0x194: {  	v13 =	vld [tilespmem:s20+$0x50];
	[tilespmem:s20+$0xA0] =	vst v7  }
.Ltmp7:
0x195: {  	v4 =	vmul.f32 $8.000000000e+00, v8;
	[tilespmem:s20+$0xD0] =	vst v3;
	v6 =	vld [tilespmem:s20+$0xF0];
	(pc) =	sbr.rel @p1 .LBB2_17-.Ltmp7, $4  }
0x196: {  	v3 =	vld [tilespmem:s20+$0x80];
	v7 =	vmul.f32 $8.000000000e+00, v10;
	[tilespmem:s20+$0xE0] =	vst v9  }
0x197: {  	v9 =	vmul.f32 $8.000000000e+00, v11;
	[tilespmem:s20+$0x40] =	vst v4;
	v4 =	vld [tilespmem:s20+$0x70]  }
0x198: {  	v1 =	vmul.f32 $8.000000000e+00, v1;
	v8 =	vmul.f32 $8.000000000e+00, v2;
	v5 =	vld [tilespmem:s20+$0x60];
	[tilespmem:s20+$0xC0] =	vst v7  }
0x199: {  	v2 =	vmul.f32 $8.000000000e+00, v12;
	s20 =	sadd.s32 $0x100, s20;
	[tilespmem:s17+$0x20] =	vst v9;
	v7 =	vld [tilespmem:s17+$0x30];
	v9 =	vmul.f32 $8.000000000e+00, v13  }
0x19a: {  	[tilespmem:s17+$0x0] =	vst v8  }
0x19b: {  	[tilespmem:s17+$0x10] =	vst v1  }
0x19c: {  	v6 =	vmul.f32 $8.000000000e+00, v6;
	[tilespmem:s17+$0x50] =	vst v9  }
0x19d: {  	v0 =	vmul.f32 $8.000000000e+00, v0;
	[tilespmem:s17+$0xB0] =	vst v2  }
0x19e: {  	v3 =	vmul.f32 $8.000000000e+00, v3;
	[tilespmem:s17+$0xF0] =	vst v6  }
0x19f: {  	[tilespmem:s17+$0x90] =	vst v0;
	v62 =	vmul.f32 $8.000000000e+00, v4  }
0x1a0: {  	[tilespmem:s17+$0x80] =	vst v3;
	v63 =	vmul.f32 $8.000000000e+00, v5  }
0x1a1: {  	v61 =	vmul.f32 $8.000000000e+00, v7;
	[tilespmem:s17+$0x70] =	vst v62  }
0x1a2: {  	[tilespmem:s17+$0x60] =	vst v63  }
0x1a3: {  	s9 =	sadd.s32 s9, s13;
	[tilespmem:s17+$0x30] =	vst v61  }
0x1a4: {  	[hbm4b:s9+s24] =	stream.strided.scatter [tilespmem:s0], [sflag:$0x10], $0x2000, s16, s24, $0x38;
	[tilespmem:$0x16400] =	vst v63  }
0x1a5: {  	s9 =	simm.s32 @!p0 $0xC  }
0x1a6: {  	_ =	swait.ge @!p0 [sflag:s9], $0x2000  }
0x1a7: {  	p1 =	sne.s32 @!p0 s14, $0x19;
	s17 =	simm.s32 @!p0 $0xC400;
	[sflag:s9] =	ssyncset.done @!p0 $0x0  }
0x1a8: {  	[sflag:s9] =	ssyncadd.s32 @!p0 $0xFFFFE000;
	s9 =	sor.u32 @!p0 $0x180, s15;
	s15 =	simm.s32 @!p0 $0x80  }
0x1a9: {  	[tilespmem:s17], [sflag:$0x4] =	stream.indirect.gather @!p0 [hbm4b:s3+s15], $0x40, s9, s15, $0xb8;
	[tilespmem:$0x16400] =	vst v63  }
0x1aa: {  	p0 =	por p0, !p1  }
.Ltmp8:
0x1ab: {  	_ = 	snop;
	(pc) =	sbr.rel @!p0 .LBB2_2-.Ltmp8, $1  }
0x1ac: {  	_ =	sdelay $0x3  }
0x1ad: {  	s9 =	simm.s32 $0x9  }
0x1ae: {  	_ =	swait.ge [sflag:s9], $0x2000  }
0x1af: {  	[sflag:s9] =	ssyncset.done $0x0  }
0x1b0: {  	s18 =	simm.s32 $0xA;
	[sflag:s9] =	ssyncadd.s32 $0xFFFFE000  }
0x1b1: {  	_ =	swait.ge [sflag:s18], $0x2000  }
0x1b2: {  	[sflag:s18] =	ssyncset.done $0x0  }
0x1b3: {  	s20 =	simm.s32 $0xB;
	[sflag:s18] =	ssyncadd.s32 $0xFFFFE000  }
0x1b4: {  	_ =	swait.ge [sflag:s20], $0x2000  }
0x1b5: {  	[sflag:s20] =	ssyncset.done $0x0  }
0x1b6: {  	s14 =	simm.s32 $0xC;
	[sflag:s20] =	ssyncadd.s32 $0xFFFFE000  }
0x1b7: {  	_ =	swait.ge [sflag:s14], $0x2000  }
0x1b8: {  	[sflag:s14] =	ssyncset.done $0x0  }
0x1b9: {  	s15 =	simm.s32 $0xD;
	[sflag:s14] =	ssyncadd.s32 $0xFFFFE000  }
0x1ba: {  	_ =	swait.ge [sflag:s15], $0x2000  }
0x1bb: {  	[sflag:s15] =	ssyncset.done $0x0  }
0x1bc: {  	s17 =	simm.s32 $0xE;
	[sflag:s15] =	ssyncadd.s32 $0xFFFFE000  }
0x1bd: {  	_ =	swait.ge [sflag:s17], $0x2000  }
0x1be: {  	[sflag:s17] =	ssyncset.done $0x0  }
0x1bf: {  	s18 =	simm.s32 $0xF;
	[sflag:s17] =	ssyncadd.s32 $0xFFFFE000  }
0x1c0: {  	_ =	swait.ge [sflag:s18], $0x2000  }
0x1c1: {  	[sflag:s18] =	ssyncset.done $0x0  }
0x1c2: {  	s14 =	simm.s32 $0x10;
	[sflag:s18] =	ssyncadd.s32 $0xFFFFE000  }
0x1c3: {  	_ =	swait.ge [sflag:s14], $0x2000  }
0x1c4: {  	s15 =	rddreg [dreg:$0x5]  }
0x1c5: {  	s20 =	rddreg [dreg:$0x4];
	s15 =	sadd.s32 $0x1, s15  }
0x1c6: {  	p0 =	sne.s32 s15, s20  }
.Ltmp9:
0x1c7: {  	_ = 	snop;
	(pc) =	sbr.rel @p0 .LBB2_1-.Ltmp9, $3  }
0x1c8: {  	_ =	sdelay $0x1  }
0x1c9: {  	[sflag:s14] =	ssyncset.done $0x0  }
0x1ca: {  	[sflag:s14] =	ssyncadd.s32 $0xFFFFE000  }
0x1cb: {  	_ =	sfence.sel $0x180000  }
0x1cc: {  	[bflag:$0x0] =	sbarrier.arrive $0xFFFF  }
0x1cd: {  	_ =	strace $0x90000047  }
0x1ce: {  	s0 =	stileid.u32;
	[bflag:$0x2] =	sbarrier.arrive $0xFFFF  }
0x1cf: {  	p0 =	sne.s32 s0, $0x0;
	s0 =	rddreg [dreg:$0x2]  }
0x1d0: {  	s0 =	sadd.s32 @!p0 $0x100000, s0  }
0x1d1: {  	[sflag:s0] =	ssyncadd.tile.s32 @!p0 $0x1;
	_ =	shalt  }
.Lfunc_end2:
_tile_overlayer_lowered:
.L_overlay_start_2:
0x1d2: {  	(tag) =	ssettag $0x2  }
0x1d3: {  	s0 =	rddreg [dreg:$0x0];
	s2 =	stileid.u32  }
0x1d4: {  	s1 =	rddreg [dreg:$0x1];
	p0 =	sne.s32 s2, $0x0  }
0x1d5: {  	s3 =	rddreg [dreg:$0x2];
	[bflag:$0x3] =	sbarrier.arrive $0xFFFF;
	s2 =	simm.s32 @!p0 $0x1C11  }
0x1d6: {  	[timem:s3], [sflag:s2] =	dma.local @!p0 [hbm:s0], s1  }
0x1d7: {  	s0 =	simm.s32 @!p0 $0x11  }
0x1d8: {  	_ =	swait.ge @!p0 [sflag:s0], s1  }
0x1d9: {  	s1 =	ssub.s32 @!p0 $0x0, s1;
	[sflag:s0] =	ssyncset.done @!p0 $0x0  }
0x1da: {  	[sflag:s0] =	ssyncadd.s32 @!p0 s1  }
0x1db: {  	[bflag:$0x3] =	sbarrier.arrive $0xFFFF  }
0x1dc: {  	_ =	shalt  }

</sc_bundles>
